<compile_context>
chip_gen: v7x
topology: tpu7x:2x2x1
jax: 0.10.2.dev20260603
libtpu: 0.0.44.dev20260713+nightly
codegen_flags: <defaults>
</compile_context>

<pallas_src>
import functools

import jax
import jax.numpy as jnp
from jax import lax
from jax.experimental import pallas as pl
from jax.experimental.pallas import tpu as pltpu
from jax.experimental.pallas import tpu_sc as plsc

_N = 10000
_E = 320000
_R = 4
_NUM_NEIGHBORS = 32

_NC = 2
_NS = 16
_NW = _NC * _NS

_G = 128
_E_PAD = 327680
_GW = 80
_PPG = 40
_N_ACC = 10240
_SLAB = _N_ACC // _NS


def _sc_aggregate(d: int, stride: int):
    mesh = plsc.VectorSubcoreMesh(core_axis_name="c", subcore_axis_name="s")

    @functools.partial(
        pl.kernel,
        out_type=jax.ShapeDtypeStruct((_NC, _N_ACC, d), jnp.float32),
        mesh=mesh,
        scratch_types=[
            pltpu.VMEM((_PPG, _G), jnp.int32),
            pltpu.VMEM((_PPG, _G), jnp.int32),
            pltpu.VMEM((_PPG, _G), jnp.int32),
            pltpu.VMEM((_G, d), jnp.float32),
            pltpu.VMEM((_G, d), jnp.float32),
            pltpu.VMEM_SHARED((_N_ACC, d), jnp.float32),
            pltpu.SemaphoreType.DMA,
            pltpu.SemaphoreType.DMA,
            pltpu.SemaphoreType.DMA,
            pltpu.SemaphoreType.DMA,
            pltpu.SemaphoreType.DMA,
            pltpu.SemaphoreType.DMA,
            pltpu.SemaphoreType.DMA,
        ],
    )
    def k(table_hbm, src_hbm, et_hbm, dst_hbm, out_hbm,
          gidx_v, et_v, dst_v, rows0, rows1, acc,
          sg0a, sg0b, sg1a, sg1b, ss0, ss1, so):
        c = lax.axis_index("c")
        s = lax.axis_index("s")

        def zrow(i, carry):
            for j in range(d // 16):
                rows0[i, pl.ds(j * 16, 16)] = jnp.zeros((16,), jnp.float32)
            return carry
        lax.fori_loop(0, _G, zrow, 0)
        zd = [pltpu.async_copy(rows0, acc.at[pl.ds(s * _SLAB + i * _G, _G)], so)
              for i in range(_SLAB // _G)]
        for dsc in zd:
            dsc.wait()
        plsc.subcore_barrier()

        def process(base_g, ngroups):
            pltpu.sync_copy(src_hbm.at[pl.ds(base_g, ngroups)],
                            gidx_v.at[pl.ds(0, ngroups)])
            pltpu.sync_copy(et_hbm.at[pl.ds(base_g, ngroups)],
                            et_v.at[pl.ds(0, ngroups)])
            pltpu.sync_copy(dst_hbm.at[pl.ds(base_g, ngroups)],
                            dst_v.at[pl.ds(0, ngroups)])

            def gi(g, carry):
                for j in range(_G // 16):
                    sv = gidx_v[g, pl.ds(j * 16, 16)]
                    tv = et_v[g, pl.ds(j * 16, 16)]
                    gidx_v[g, pl.ds(j * 16, 16)] = tv * stride + sv
                return carry
            lax.fori_loop(0, ngroups, gi, 0)

            h = _G // 2

            def gather(g, rv, sa, sb):
                pltpu.async_copy(table_hbm.at[gidx_v.at[g, pl.ds(0, h)]],
                                 rv.at[pl.ds(0, h)], sa)
                pltpu.async_copy(table_hbm.at[gidx_v.at[g, pl.ds(h, h)]],
                                 rv.at[pl.ds(h, h)], sb)

            def gather_wait(g, rv, sa, sb):
                pltpu.make_async_copy(table_hbm.at[gidx_v.at[g, pl.ds(0, h)]],
                                      rv.at[pl.ds(0, h)], sa).wait()
                pltpu.make_async_copy(table_hbm.at[gidx_v.at[g, pl.ds(h, h)]],
                                      rv.at[pl.ds(h, h)], sb).wait()

            gather(0, rows0, sg0a, sg0b)
            gather(1, rows1, sg1a, sg1b)

            def body(g2, carry):
                g = 2 * g2
                gather_wait(g, rows0, sg0a, sg0b)
                s0 = pltpu.async_copy(rows0, acc.at[dst_v.at[g]], ss0,
                                      add=True)
                gather_wait(g + 1, rows1, sg1a, sg1b)
                s1 = pltpu.async_copy(rows1, acc.at[dst_v.at[g + 1]], ss1,
                                      add=True)
                s0.wait()
                gather(g + 2, rows0, sg0a, sg0b)
                s1.wait()
                gather(g + 3, rows1, sg1a, sg1b)
                return carry
            lax.fori_loop(0, ngroups // 2 - 1, body, 0)

            g = ngroups - 2
            gather_wait(g, rows0, sg0a, sg0b)
            pltpu.sync_copy(rows0, acc.at[dst_v.at[g]], add=True)
            gather_wait(g + 1, rows1, sg1a, sg1b)
            pltpu.sync_copy(rows1, acc.at[dst_v.at[g + 1]], add=True)

        wid = s * _NC + c
        for ph in range(_GW // _PPG):
            process(wid * _GW + ph * _PPG, _PPG)

        plsc.subcore_barrier()

        od = [pltpu.async_copy(acc.at[pl.ds(s * _SLAB + i * _G, _G)],
                               out_hbm.at[c, pl.ds(s * _SLAB + i * _G, _G)], so)
              for i in range(_SLAB // _G)]
        for dsc in od:
            dsc.wait()

    return k


def _mm1_kernel(x_ref, w_ref, o_ref):
    o_ref[...] = jnp.dot(x_ref[...], w_ref[0],
                         preferred_element_type=jnp.float32)


def _layer2_kernel(inv_n, nclass, p_ref, b_ref, w_ref, o_ref):
    h = jnp.maximum((p_ref[0] + p_ref[1]) * inv_n + b_ref[...], 0.0)
    o_ref[:, :nclass] = jnp.dot(h, w_ref[0],
                                preferred_element_type=jnp.float32)
    o_ref[:, nclass:] = jnp.zeros((h.shape[0], 128 - nclass), jnp.float32)


def _final_kernel(inv_n, nclass, q_ref, b_ref, o_ref):
    o = (q_ref[0, :, :nclass] + q_ref[1, :, :nclass]) * inv_n + b_ref[...]
    m = jnp.max(o, axis=1, keepdims=True)
    lse = jnp.log(jnp.sum(jnp.exp(o - m), axis=1, keepdims=True)) + m
    o_ref[...] = o - lse


def kernel(x, edge_index, edge_type, W1, b1, W2, b2):
    nfeat = x.shape[1]
    nhid = W1.shape[2]
    nclass = W2.shape[2]
    inv_n = 1.0 / float(_NUM_NEIGHBORS)

    ppw = _E // _NW
    padw = _E_PAD // _NW - ppw

    def tile_pad(arr, padvals):
        return jnp.concatenate(
            [arr.astype(jnp.int32).reshape(_NW, ppw),
             jnp.broadcast_to(padvals, (_NW, padw))],
            axis=1).reshape(_E_PAD // _G, _G)

    src = tile_pad(edge_index[0], jnp.arange(padw, dtype=jnp.int32))
    dst = tile_pad(edge_index[1], _N + jnp.arange(padw, dtype=jnp.int32))
    et = tile_pad(edge_type, jnp.zeros((padw,), jnp.int32))

    blk = _N // 10
    table1 = pl.pallas_call(
        _mm1_kernel,
        grid=(10, _R),
        in_specs=[pl.BlockSpec((blk, nfeat), lambda i, r: (i, 0)),
                  pl.BlockSpec((1, nfeat, nhid), lambda i, r: (r, 0, 0))],
        out_specs=pl.BlockSpec((blk, nhid), lambda i, r: (r * 10 + i, 0)),
        out_shape=jax.ShapeDtypeStruct((_R * _N, nhid), jnp.float32),
    )(x, W1)

    p = _sc_aggregate(nhid, _N)(table1, src, et, dst)

    blk2 = _N_ACC // 10
    table2 = pl.pallas_call(
        functools.partial(_layer2_kernel, inv_n, nclass),
        grid=(10, _R),
        in_specs=[pl.BlockSpec((_NC, blk2, nhid), lambda i, r: (0, i, 0)),
                  pl.BlockSpec((1, nhid), lambda i, r: (0, 0)),
                  pl.BlockSpec((1, nhid, nclass), lambda i, r: (r, 0, 0))],
        out_specs=pl.BlockSpec((blk2, 128), lambda i, r: (r * 10 + i, 0)),
        out_shape=jax.ShapeDtypeStruct((_R * _N_ACC, 128), jnp.float32),
    )(p, b1.reshape(1, nhid), W2)

    q = _sc_aggregate(128, _N_ACC)(table2, src, et, dst)

    return pl.pallas_call(
        functools.partial(_final_kernel, inv_n, nclass),
        grid=(10,),
        in_specs=[pl.BlockSpec((_NC, blk, 128), lambda i: (0, i, 0)),
                  pl.BlockSpec((1, nclass), lambda i: (0, 0))],
        out_specs=pl.BlockSpec((blk, nclass), lambda i: (i, 0)),
        out_shape=jax.ShapeDtypeStruct((_N, nclass), jnp.float32),
    )(q, b2.reshape(1, nclass))

# --- scband reference (transcript-rebuilt; emitter-appended) ---
"""Pipeline reference for scband-r-gcn-45646912422571 (READ-ONLY COPY).

The authoritative reference and input builder live on the scoring server;
editing this copy changes nothing except your own understanding.
"""

import jax, jax.numpy as jnp
import numpy as np

N = 10000
E = 320000
R = 4
NFEAT = 128
NHID = 128
NCLASS = 64
NUM_NEIGHBORS = 32


def setup_inputs(seed: int = 0) -> dict:
    key = jax.random.key(seed)
    ks = jax.random.split(key, 8)
    x = jax.random.normal(ks[0], (N, NFEAT), dtype=jnp.float32)
    edge_index = jax.random.randint(ks[1], (2, E), 0, N)
    edge_type = jax.random.randint(ks[2], (E,), 0, R)
    # learned parameters: per-relation weight matrices + biases for two GraphConvolution layers
    W1 = jax.random.normal(ks[3], (R, NFEAT, NHID), dtype=jnp.float32) * (1.0 / np.sqrt(NFEAT))
    b1 = jnp.zeros((NHID,), dtype=jnp.float32)
    W2 = jax.random.normal(ks[4], (R, NHID, NCLASS), dtype=jnp.float32) * (1.0 / np.sqrt(NHID))
    b2 = jnp.zeros((NCLASS,), dtype=jnp.float32)
    return {"x": x, "edge_index": edge_index, "edge_type": edge_type,
            "W1": W1, "b1": b1, "W2": W2, "b2": b2}


def _rgcn_layer(h, W, b, edge_index, edge_type):
    # relational GCN layer: out[v] = (1/num_neighbors) * sum_{(u->v, r)} W_r h_u + b
    # transform node features under every relation: [R, N, out]
    transformed = jnp.einsum('ni,rio->rno', h, W)
    src = edge_index[0]
    dst = edge_index[1]
    # gather per-edge messages selected by (relation, src node)  -- SparseCore gather
    msgs = transformed[edge_type, src]  # [E, out]
    # scatter-add messages to destination nodes -- SparseCore scatter/segment_sum
    agg = jax.ops.segment_sum(msgs, dst, num_segments=N)
    return agg / float(NUM_NEIGHBORS) + b


def reference(x, edge_index, edge_type, W1, b1, W2, b2):
    h = jax.nn.relu(_rgcn_layer(x, W1, b1, edge_index, edge_type))
    # dropout is identity in eval mode
    out = _rgcn_layer(h, W2, b2, edge_index, edge_type)
    return jax.nn.log_softmax(out, axis=1)

if __name__ == "__main__":
    import jax
    _d = setup_inputs()
    print(jax.jit(kernel)(*tuple(_d.values())))

</pallas_src>

<mosaic_0001>
#map = affine_map<(d0, d1) -> (0, 0)>
#map1 = affine_map<(d0, d1) -> (0, 0, 0)>
module attributes {stable_mosaic.version = 14 : i64} {
  func.func @k(%arg0: i32, %arg1: i32, %arg2: memref<40960x128xf32, #tpu.memory_space<hbm>>, %arg3: memref<2560x128xi32, #tpu.memory_space<hbm>>, %arg4: memref<2560x128xi32, #tpu.memory_space<hbm>>, %arg5: memref<2560x128xi32, #tpu.memory_space<hbm>>, %arg6: memref<2x10240x128xf32, #tpu.memory_space<hbm>>, %arg7: memref<40x128xi32, #tpu.memory_space<vmem>>, %arg8: memref<40x128xi32, #tpu.memory_space<vmem>>, %arg9: memref<40x128xi32, #tpu.memory_space<vmem>>, %arg10: memref<128x128xf32, #tpu.memory_space<vmem>>, %arg11: memref<128x128xf32, #tpu.memory_space<vmem>>, %arg12: memref<10240x128xf32, #tpu.memory_space<vmem_shared>>, %arg13: memref<!tpu.dma_semaphore, #tpu.memory_space<semaphore_mem>>, %arg14: memref<!tpu.dma_semaphore, #tpu.memory_space<semaphore_mem>>, %arg15: memref<!tpu.dma_semaphore, #tpu.memory_space<semaphore_mem>>, %arg16: memref<!tpu.dma_semaphore, #tpu.memory_space<semaphore_mem>>, %arg17: memref<!tpu.dma_semaphore, #tpu.memory_space<semaphore_mem>>, %arg18: memref<!tpu.dma_semaphore, #tpu.memory_space<semaphore_mem>>, %arg19: memref<!tpu.dma_semaphore, #tpu.memory_space<semaphore_mem>>) attributes {dimension_semantics = [#tpu.dimension_semantics<core_parallel>, #tpu.dimension_semantics<subcore_parallel>], iteration_bounds = array<i64: 2, 16>, scalar_prefetch = 0 : i64, scratch_operands = 13 : i64, tpu.core_type = #tpu.core_type<sc_vector_subcore>, window_params = [{transform_indices = #map}, {transform_indices = #map}, {transform_indices = #map}, {transform_indices = #map}, {transform_indices = #map1}]} {
    %scan3A = arith.constant 0 : i32
    %scan3A_0 = arith.constant 0 : i32
    %scan3A_1 = arith.constant 128 : i32
    %scan3A_2 = arith.addi %scan3A_0, %scan3A_1 : i32
    %scan3A_3 = arith.constant 1 : i32
    scf.for %scan3A_350 = %scan3A_0 to %scan3A_2 step %scan3A_3  : i32 {
      %broadcast_in_dim3A = arith.constant 0.000000e+00 : f32
      %broadcast_in_dim3A_351 = vector.broadcast %broadcast_in_dim3A : f32 to vector<16xf32>
      %swap3A = arith.index_cast %scan3A_350 : i32 to index
      %swap3A_352 = arith.constant 0 : index
      %swap3A_353 = tpu.vector_load %arg10[%swap3A, %swap3A_352] {strides = array<i32>} : memref<128x128xf32, #tpu.memory_space<vmem>>, vector<1x16xf32>,
      %swap3A_354 = vector.shape_cast %swap3A_353 : vector<1x16xf32> to vector<16xf32>
      %swap3A_355 = vector.shape_cast %broadcast_in_dim3A_351 : vector<16xf32> to vector<1x16xf32>
      tpu.vector_store %arg10[%swap3A, %swap3A_352], %swap3A_355 {strides = array<i32>} : memref<128x128xf32, #tpu.memory_space<vmem>>, vector<1x16xf32>,
      %broadcast_in_dim3A_356 = arith.constant 0.000000e+00 : f32
      %broadcast_in_dim3A_357 = vector.broadcast %broadcast_in_dim3A_356 : f32 to vector<16xf32>
      %swap3A_358 = arith.index_cast %scan3A_350 : i32 to index
      %swap3A_359 = arith.constant 16 : index
      %swap3A_360 = tpu.vector_load %arg10[%swap3A_358, %swap3A_359] {strides = array<i32>} : memref<128x128xf32, #tpu.memory_space<vmem>>, vector<1x16xf32>,
      %swap3A_361 = vector.shape_cast %swap3A_360 : vector<1x16xf32> to vector<16xf32>
      %swap3A_362 = vector.shape_cast %broadcast_in_dim3A_357 : vector<16xf32> to vector<1x16xf32>
      tpu.vector_store %arg10[%swap3A_358, %swap3A_359], %swap3A_362 {strides = array<i32>} : memref<128x128xf32, #tpu.memory_space<vmem>>, vector<1x16xf32>,
      %broadcast_in_dim3A_363 = arith.constant 0.000000e+00 : f32
      %broadcast_in_dim3A_364 = vector.broadcast %broadcast_in_dim3A_363 : f32 to vector<16xf32>
      %swap3A_365 = arith.index_cast %scan3A_350 : i32 to index
      %swap3A_366 = arith.constant 32 : index
      %swap3A_367 = tpu.vector_load %arg10[%swap3A_365, %swap3A_366] {strides = array<i32>} : memref<128x128xf32, #tpu.memory_space<vmem>>, vector<1x16xf32>,
      %swap3A_368 = vector.shape_cast %swap3A_367 : vector<1x16xf32> to vector<16xf32>
      %swap3A_369 = vector.shape_cast %broadcast_in_dim3A_364 : vector<16xf32> to vector<1x16xf32>
      tpu.vector_store %arg10[%swap3A_365, %swap3A_366], %swap3A_369 {strides = array<i32>} : memref<128x128xf32, #tpu.memory_space<vmem>>, vector<1x16xf32>,
      %broadcast_in_dim3A_370 = arith.constant 0.000000e+00 : f32
      %broadcast_in_dim3A_371 = vector.broadcast %broadcast_in_dim3A_370 : f32 to vector<16xf32>
      %swap3A_372 = arith.index_cast %scan3A_350 : i32 to index
      %swap3A_373 = arith.constant 48 : index
      %swap3A_374 = tpu.vector_load %arg10[%swap3A_372, %swap3A_373] {strides = array<i32>} : memref<128x128xf32, #tpu.memory_space<vmem>>, vector<1x16xf32>,
      %swap3A_375 = vector.shape_cast %swap3A_374 : vector<1x16xf32> to vector<16xf32>
      %swap3A_376 = vector.shape_cast %broadcast_in_dim3A_371 : vector<16xf32> to vector<1x16xf32>
      tpu.vector_store %arg10[%swap3A_372, %swap3A_373], %swap3A_376 {strides = array<i32>} : memref<128x128xf32, #tpu.memory_space<vmem>>, vector<1x16xf32>,
      %broadcast_in_dim3A_377 = arith.constant 0.000000e+00 : f32
      %broadcast_in_dim3A_378 = vector.broadcast %broadcast_in_dim3A_377 : f32 to vector<16xf32>
      %swap3A_379 = arith.index_cast %scan3A_350 : i32 to index
      %swap3A_380 = arith.constant 64 : index
      %swap3A_381 = tpu.vector_load %arg10[%swap3A_379, %swap3A_380] {strides = array<i32>} : memref<128x128xf32, #tpu.memory_space<vmem>>, vector<1x16xf32>,
      %swap3A_382 = vector.shape_cast %swap3A_381 : vector<1x16xf32> to vector<16xf32>
      %swap3A_383 = vector.shape_cast %broadcast_in_dim3A_378 : vector<16xf32> to vector<1x16xf32>
      tpu.vector_store %arg10[%swap3A_379, %swap3A_380], %swap3A_383 {strides = array<i32>} : memref<128x128xf32, #tpu.memory_space<vmem>>, vector<1x16xf32>,
      %broadcast_in_dim3A_384 = arith.constant 0.000000e+00 : f32
      %broadcast_in_dim3A_385 = vector.broadcast %broadcast_in_dim3A_384 : f32 to vector<16xf32>
      %swap3A_386 = arith.index_cast %scan3A_350 : i32 to index
      %swap3A_387 = arith.constant 80 : index
      %swap3A_388 = tpu.vector_load %arg10[%swap3A_386, %swap3A_387] {strides = array<i32>} : memref<128x128xf32, #tpu.memory_space<vmem>>, vector<1x16xf32>,
      %swap3A_389 = vector.shape_cast %swap3A_388 : vector<1x16xf32> to vector<16xf32>
      %swap3A_390 = vector.shape_cast %broadcast_in_dim3A_385 : vector<16xf32> to vector<1x16xf32>
      tpu.vector_store %arg10[%swap3A_386, %swap3A_387], %swap3A_390 {strides = array<i32>} : memref<128x128xf32, #tpu.memory_space<vmem>>, vector<1x16xf32>,
      %broadcast_in_dim3A_391 = arith.constant 0.000000e+00 : f32
      %broadcast_in_dim3A_392 = vector.broadcast %broadcast_in_dim3A_391 : f32 to vector<16xf32>
      %swap3A_393 = arith.index_cast %scan3A_350 : i32 to index
      %swap3A_394 = arith.constant 96 : index
      %swap3A_395 = tpu.vector_load %arg10[%swap3A_393, %swap3A_394] {strides = array<i32>} : memref<128x128xf32, #tpu.memory_space<vmem>>, vector<1x16xf32>,
      %swap3A_396 = vector.shape_cast %swap3A_395 : vector<1x16xf32> to vector<16xf32>
      %swap3A_397 = vector.shape_cast %broadcast_in_dim3A_392 : vector<16xf32> to vector<1x16xf32>
      tpu.vector_store %arg10[%swap3A_393, %swap3A_394], %swap3A_397 {strides = array<i32>} : memref<128x128xf32, #tpu.memory_space<vmem>>, vector<1x16xf32>,
      %broadcast_in_dim3A_398 = arith.constant 0.000000e+00 : f32
      %broadcast_in_dim3A_399 = vector.broadcast %broadcast_in_dim3A_398 : f32 to vector<16xf32>
      %swap3A_400 = arith.index_cast %scan3A_350 : i32 to index
      %swap3A_401 = arith.constant 112 : index
      %swap3A_402 = tpu.vector_load %arg10[%swap3A_400, %swap3A_401] {strides = array<i32>} : memref<128x128xf32, #tpu.memory_space<vmem>>, vector<1x16xf32>,
      %swap3A_403 = vector.shape_cast %swap3A_402 : vector<1x16xf32> to vector<16xf32>
      %swap3A_404 = vector.shape_cast %broadcast_in_dim3A_399 : vector<16xf32> to vector<1x16xf32>
      tpu.vector_store %arg10[%swap3A_400, %swap3A_401], %swap3A_404 {strides = array<i32>} : memref<128x128xf32, #tpu.memory_space<vmem>>, vector<1x16xf32>,
    }
    %scan3A_4 = arith.constant 128 : i32
    %mul3A = arith.constant 640 : i32
    %mul3A_5 = arith.muli %arg1, %mul3A : i32
    %add3A = arith.constant 0 : i32
    %add3A_6 = arith.addi %mul3A_5, %add3A : i32
    %dma_start3A = arith.constant 0 : i32
    %dma_start3A_7 = tpu.memref_slice %arg12[%add3A_6, %dma_start3A] : memref<10240x128xf32, #tpu.memory_space<vmem_shared>> -> memref<128x128xf32, #tpu.memory_space<vmem_shared>>
    %dma_start3A_8 = arith.constant 0 : i32
    %dma_start3A_9 = tpu.memref_slice %arg12[%add3A_6, %dma_start3A_8] : memref<10240x128xf32, #tpu.memory_space<vmem_shared>> -> memref<128x128xf32, #tpu.memory_space<vmem_shared>>
    tpu.enqueue_dma source(%arg10 : memref<128x128xf32, #tpu.memory_space<vmem>>) target(%dma_start3A_9 : memref<128x128xf32, #tpu.memory_space<vmem_shared>>) target_semaphore(%arg19 : memref<!tpu.dma_semaphore, #tpu.memory_space<semaphore_mem>>)
    %mul3A_10 = arith.constant 640 : i32
    %mul3A_11 = arith.muli %arg1, %mul3A_10 : i32
    %add3A_12 = arith.constant 128 : i32
    %add3A_13 = arith.addi %mul3A_11, %add3A_12 : i32
    %dma_start3A_14 = arith.constant 0 : i32
    %dma_start3A_15 = tpu.memref_slice %arg12[%add3A_13, %dma_start3A_14] : memref<10240x128xf32, #tpu.memory_space<vmem_shared>> -> memref<128x128xf32, #tpu.memory_space<vmem_shared>>
    %dma_start3A_16 = arith.constant 0 : i32
    %dma_start3A_17 = tpu.memref_slice %arg12[%add3A_13, %dma_start3A_16] : memref<10240x128xf32, #tpu.memory_space<vmem_shared>> -> memref<128x128xf32, #tpu.memory_space<vmem_shared>>
    tpu.enqueue_dma source(%arg10 : memref<128x128xf32, #tpu.memory_space<vmem>>) target(%dma_start3A_17 : memref<128x128xf32, #tpu.memory_space<vmem_shared>>) target_semaphore(%arg19 : memref<!tpu.dma_semaphore, #tpu.memory_space<semaphore_mem>>)
    %mul3A_18 = arith.constant 640 : i32
    %mul3A_19 = arith.muli %arg1, %mul3A_18 : i32
    %add3A_20 = arith.constant 256 : i32
    %add3A_21 = arith.addi %mul3A_19, %add3A_20 : i32
    %dma_start3A_22 = arith.constant 0 : i32
    %dma_start3A_23 = tpu.memref_slice %arg12[%add3A_21, %dma_start3A_22] : memref<10240x128xf32, #tpu.memory_space<vmem_shared>> -> memref<128x128xf32, #tpu.memory_space<vmem_shared>>
    %dma_start3A_24 = arith.constant 0 : i32
    %dma_start3A_25 = tpu.memref_slice %arg12[%add3A_21, %dma_start3A_24] : memref<10240x128xf32, #tpu.memory_space<vmem_shared>> -> memref<128x128xf32, #tpu.memory_space<vmem_shared>>
    tpu.enqueue_dma source(%arg10 : memref<128x128xf32, #tpu.memory_space<vmem>>) target(%dma_start3A_25 : memref<128x128xf32, #tpu.memory_space<vmem_shared>>) target_semaphore(%arg19 : memref<!tpu.dma_semaphore, #tpu.memory_space<semaphore_mem>>)
    %mul3A_26 = arith.constant 640 : i32
    %mul3A_27 = arith.muli %arg1, %mul3A_26 : i32
    %add3A_28 = arith.constant 384 : i32
    %add3A_29 = arith.addi %mul3A_27, %add3A_28 : i32
    %dma_start3A_30 = arith.constant 0 : i32
    %dma_start3A_31 = tpu.memref_slice %arg12[%add3A_29, %dma_start3A_30] : memref<10240x128xf32, #tpu.memory_space<vmem_shared>> -> memref<128x128xf32, #tpu.memory_space<vmem_shared>>
    %dma_start3A_32 = arith.constant 0 : i32
    %dma_start3A_33 = tpu.memref_slice %arg12[%add3A_29, %dma_start3A_32] : memref<10240x128xf32, #tpu.memory_space<vmem_shared>> -> memref<128x128xf32, #tpu.memory_space<vmem_shared>>
    tpu.enqueue_dma source(%arg10 : memref<128x128xf32, #tpu.memory_space<vmem>>) target(%dma_start3A_33 : memref<128x128xf32, #tpu.memory_space<vmem_shared>>) target_semaphore(%arg19 : memref<!tpu.dma_semaphore, #tpu.memory_space<semaphore_mem>>)
    %mul3A_34 = arith.constant 640 : i32
    %mul3A_35 = arith.muli %arg1, %mul3A_34 : i32
    %add3A_36 = arith.constant 512 : i32
    %add3A_37 = arith.addi %mul3A_35, %add3A_36 : i32
    %dma_start3A_38 = arith.constant 0 : i32
    %dma_start3A_39 = tpu.memref_slice %arg12[%add3A_37, %dma_start3A_38] : memref<10240x128xf32, #tpu.memory_space<vmem_shared>> -> memref<128x128xf32, #tpu.memory_space<vmem_shared>>
    %dma_start3A_40 = arith.constant 0 : i32
    %dma_start3A_41 = tpu.memref_slice %arg12[%add3A_37, %dma_start3A_40] : memref<10240x128xf32, #tpu.memory_space<vmem_shared>> -> memref<128x128xf32, #tpu.memory_space<vmem_shared>>
    tpu.enqueue_dma source(%arg10 : memref<128x128xf32, #tpu.memory_space<vmem>>) target(%dma_start3A_41 : memref<128x128xf32, #tpu.memory_space<vmem_shared>>) target_semaphore(%arg19 : memref<!tpu.dma_semaphore, #tpu.memory_space<semaphore_mem>>)
    %dma_wait3A = arith.constant 0 : i32
    %dma_wait3A_42 = tpu.memref_slice %arg12[%add3A_6, %dma_wait3A] : memref<10240x128xf32, #tpu.memory_space<vmem_shared>> -> memref<128x128xf32, #tpu.memory_space<vmem_shared>>
    %dma_wait3A_43 = arith.constant 0 : i32
    %dma_wait3A_44 = tpu.memref_slice %arg12[%add3A_6, %dma_wait3A_43] : memref<10240x128xf32, #tpu.memory_space<vmem_shared>> -> memref<128x128xf32, #tpu.memory_space<vmem_shared>>
    tpu.wait_dma2 semaphore(%arg19 : memref<!tpu.dma_semaphore, #tpu.memory_space<semaphore_mem>>) src(%arg10 : memref<128x128xf32, #tpu.memory_space<vmem>>) dst(%dma_wait3A_44 : memref<128x128xf32, #tpu.memory_space<vmem_shared>>)
    %dma_wait3A_45 = arith.constant 0 : i32
    %dma_wait3A_46 = tpu.memref_slice %arg12[%add3A_13, %dma_wait3A_45] : memref<10240x128xf32, #tpu.memory_space<vmem_shared>> -> memref<128x128xf32, #tpu.memory_space<vmem_shared>>
    %dma_wait3A_47 = arith.constant 0 : i32
    %dma_wait3A_48 = tpu.memref_slice %arg12[%add3A_13, %dma_wait3A_47] : memref<10240x128xf32, #tpu.memory_space<vmem_shared>> -> memref<128x128xf32, #tpu.memory_space<vmem_shared>>
    tpu.wait_dma2 semaphore(%arg19 : memref<!tpu.dma_semaphore, #tpu.memory_space<semaphore_mem>>) src(%arg10 : memref<128x128xf32, #tpu.memory_space<vmem>>) dst(%dma_wait3A_48 : memref<128x128xf32, #tpu.memory_space<vmem_shared>>)
    %dma_wait3A_49 = arith.constant 0 : i32
    %dma_wait3A_50 = tpu.memref_slice %arg12[%add3A_21, %dma_wait3A_49] : memref<10240x128xf32, #tpu.memory_space<vmem_shared>> -> memref<128x128xf32, #tpu.memory_space<vmem_shared>>
    %dma_wait3A_51 = arith.constant 0 : i32
    %dma_wait3A_52 = tpu.memref_slice %arg12[%add3A_21, %dma_wait3A_51] : memref<10240x128xf32, #tpu.memory_space<vmem_shared>> -> memref<128x128xf32, #tpu.memory_space<vmem_shared>>
    tpu.wait_dma2 semaphore(%arg19 : memref<!tpu.dma_semaphore, #tpu.memory_space<semaphore_mem>>) src(%arg10 : memref<128x128xf32, #tpu.memory_space<vmem>>) dst(%dma_wait3A_52 : memref<128x128xf32, #tpu.memory_space<vmem_shared>>)
    %dma_wait3A_53 = arith.constant 0 : i32
    %dma_wait3A_54 = tpu.memref_slice %arg12[%add3A_29, %dma_wait3A_53] : memref<10240x128xf32, #tpu.memory_space<vmem_shared>> -> memref<128x128xf32, #tpu.memory_space<vmem_shared>>
    %dma_wait3A_55 = arith.constant 0 : i32
    %dma_wait3A_56 = tpu.memref_slice %arg12[%add3A_29, %dma_wait3A_55] : memref<10240x128xf32, #tpu.memory_space<vmem_shared>> -> memref<128x128xf32, #tpu.memory_space<vmem_shared>>
    tpu.wait_dma2 semaphore(%arg19 : memref<!tpu.dma_semaphore, #tpu.memory_space<semaphore_mem>>) src(%arg10 : memref<128x128xf32, #tpu.memory_space<vmem>>) dst(%dma_wait3A_56 : memref<128x128xf32, #tpu.memory_space<vmem_shared>>)
    %dma_wait3A_57 = arith.constant 0 : i32
    %dma_wait3A_58 = tpu.memref_slice %arg12[%add3A_37, %dma_wait3A_57] : memref<10240x128xf32, #tpu.memory_space<vmem_shared>> -> memref<128x128xf32, #tpu.memory_space<vmem_shared>>
    %dma_wait3A_59 = arith.constant 0 : i32
    %dma_wait3A_60 = tpu.memref_slice %arg12[%add3A_37, %dma_wait3A_59] : memref<10240x128xf32, #tpu.memory_space<vmem_shared>> -> memref<128x128xf32, #tpu.memory_space<vmem_shared>>
    tpu.wait_dma2 semaphore(%arg19 : memref<!tpu.dma_semaphore, #tpu.memory_space<semaphore_mem>>) src(%arg10 : memref<128x128xf32, #tpu.memory_space<vmem>>) dst(%dma_wait3A_60 : memref<128x128xf32, #tpu.memory_space<vmem_shared>>)
    %barrier3A = arith.constant 0 : index
    tpu.barrier barrier_id(%barrier3A)
    %mul3A_61 = arith.constant 2 : i32
    %mul3A_62 = arith.muli %arg1, %mul3A_61 : i32
    %add3A_63 = arith.addi %mul3A_62, %arg0 : i32
    %mul3A_64 = arith.constant 80 : i32
    %mul3A_65 = arith.muli %add3A_63, %mul3A_64 : i32
    %add3A_66 = arith.constant 0 : i32
    %add3A_67 = arith.addi %mul3A_65, %add3A_66 : i32
    "tpu.region"() ({
      %run_scoped3A_350 = tpu.sem_alloc : memref<!tpu.dma_semaphore, #tpu.memory_space<semaphore_mem>>
      %dma_start3A_351 = arith.constant 0 : i32
      %dma_start3A_352 = arith.constant 0 : i32
      %dma_start3A_353 = tpu.memref_slice %arg7[%dma_start3A_351, %dma_start3A_352] : memref<40x128xi32, #tpu.memory_space<vmem>> -> memref<40x128xi32, #tpu.memory_space<vmem>>
      %dma_start3A_354 = arith.constant 0 : i32
      %dma_start3A_355 = tpu.memref_slice %arg3[%add3A_67, %dma_start3A_354] : memref<2560x128xi32, #tpu.memory_space<hbm>> -> memref<40x128xi32, #tpu.memory_space<hbm>>
      %dma_start3A_356 = arith.constant 0 : i32
      %dma_start3A_357 = arith.constant 0 : i32
      %dma_start3A_358 = tpu.memref_slice %arg7[%dma_start3A_356, %dma_start3A_357] : memref<40x128xi32, #tpu.memory_space<vmem>> -> memref<40x128xi32, #tpu.memory_space<vmem>>
      %dma_start3A_359 = arith.constant 0 : i32
      %dma_start3A_360 = tpu.memref_slice %arg3[%add3A_67, %dma_start3A_359] : memref<2560x128xi32, #tpu.memory_space<hbm>> -> memref<40x128xi32, #tpu.memory_space<hbm>>
      tpu.enqueue_dma source(%dma_start3A_360 : memref<40x128xi32, #tpu.memory_space<hbm>>) target(%dma_start3A_358 : memref<40x128xi32, #tpu.memory_space<vmem>>) target_semaphore(%run_scoped3A_350 : memref<!tpu.dma_semaphore, #tpu.memory_space<semaphore_mem>>)
      %dma_wait3A_361 = arith.constant 0 : i32
      %dma_wait3A_362 = arith.constant 0 : i32
      %dma_wait3A_363 = tpu.memref_slice %arg7[%dma_wait3A_361, %dma_wait3A_362] : memref<40x128xi32, #tpu.memory_space<vmem>> -> memref<40x128xi32, #tpu.memory_space<vmem>>
      %dma_wait3A_364 = arith.constant 0 : i32
      %dma_wait3A_365 = tpu.memref_slice %arg3[%add3A_67, %dma_wait3A_364] : memref<2560x128xi32, #tpu.memory_space<hbm>> -> memref<40x128xi32, #tpu.memory_space<hbm>>
      %dma_wait3A_366 = arith.constant 0 : i32
      %dma_wait3A_367 = arith.constant 0 : i32
      %dma_wait3A_368 = tpu.memref_slice %arg7[%dma_wait3A_366, %dma_wait3A_367] : memref<40x128xi32, #tpu.memory_space<vmem>> -> memref<40x128xi32, #tpu.memory_space<vmem>>
      %dma_wait3A_369 = arith.constant 0 : i32
      %dma_wait3A_370 = tpu.memref_slice %arg3[%add3A_67, %dma_wait3A_369] : memref<2560x128xi32, #tpu.memory_space<hbm>> -> memref<40x128xi32, #tpu.memory_space<hbm>>
      tpu.wait_dma2 semaphore(%run_scoped3A_350 : memref<!tpu.dma_semaphore, #tpu.memory_space<semaphore_mem>>) src(%dma_wait3A_370 : memref<40x128xi32, #tpu.memory_space<hbm>>) dst(%dma_wait3A_368 : memref<40x128xi32, #tpu.memory_space<vmem>>)
      tpu.yield
    }) : () -> ()
    "tpu.region"() ({
      %run_scoped3A_350 = tpu.sem_alloc : memref<!tpu.dma_semaphore, #tpu.memory_space<semaphore_mem>>
      %dma_start3A_351 = arith.constant 0 : i32
      %dma_start3A_352 = arith.constant 0 : i32
      %dma_start3A_353 = tpu.memref_slice %arg8[%dma_start3A_351, %dma_start3A_352] : memref<40x128xi32, #tpu.memory_space<vmem>> -> memref<40x128xi32, #tpu.memory_space<vmem>>
      %dma_start3A_354 = arith.constant 0 : i32
      %dma_start3A_355 = tpu.memref_slice %arg4[%add3A_67, %dma_start3A_354] : memref<2560x128xi32, #tpu.memory_space<hbm>> -> memref<40x128xi32, #tpu.memory_space<hbm>>
      %dma_start3A_356 = arith.constant 0 : i32
      %dma_start3A_357 = arith.constant 0 : i32
      %dma_start3A_358 = tpu.memref_slice %arg8[%dma_start3A_356, %dma_start3A_357] : memref<40x128xi32, #tpu.memory_space<vmem>> -> memref<40x128xi32, #tpu.memory_space<vmem>>
      %dma_start3A_359 = arith.constant 0 : i32
      %dma_start3A_360 = tpu.memref_slice %arg4[%add3A_67, %dma_start3A_359] : memref<2560x128xi32, #tpu.memory_space<hbm>> -> memref<40x128xi32, #tpu.memory_space<hbm>>
      tpu.enqueue_dma source(%dma_start3A_360 : memref<40x128xi32, #tpu.memory_space<hbm>>) target(%dma_start3A_358 : memref<40x128xi32, #tpu.memory_space<vmem>>) target_semaphore(%run_scoped3A_350 : memref<!tpu.dma_semaphore, #tpu.memory_space<semaphore_mem>>)
      %dma_wait3A_361 = arith.constant 0 : i32
      %dma_wait3A_362 = arith.constant 0 : i32
      %dma_wait3A_363 = tpu.memref_slice %arg8[%dma_wait3A_361, %dma_wait3A_362] : memref<40x128xi32, #tpu.memory_space<vmem>> -> memref<40x128xi32, #tpu.memory_space<vmem>>
      %dma_wait3A_364 = arith.constant 0 : i32
      %dma_wait3A_365 = tpu.memref_slice %arg4[%add3A_67, %dma_wait3A_364] : memref<2560x128xi32, #tpu.memory_space<hbm>> -> memref<40x128xi32, #tpu.memory_space<hbm>>
      %dma_wait3A_366 = arith.constant 0 : i32
      %dma_wait3A_367 = arith.constant 0 : i32
      %dma_wait3A_368 = tpu.memref_slice %arg8[%dma_wait3A_366, %dma_wait3A_367] : memref<40x128xi32, #tpu.memory_space<vmem>> -> memref<40x128xi32, #tpu.memory_space<vmem>>
      %dma_wait3A_369 = arith.constant 0 : i32
      %dma_wait3A_370 = tpu.memref_slice %arg4[%add3A_67, %dma_wait3A_369] : memref<2560x128xi32, #tpu.memory_space<hbm>> -> memref<40x128xi32, #tpu.memory_space<hbm>>
      tpu.wait_dma2 semaphore(%run_scoped3A_350 : memref<!tpu.dma_semaphore, #tpu.memory_space<semaphore_mem>>) src(%dma_wait3A_370 : memref<40x128xi32, #tpu.memory_space<hbm>>) dst(%dma_wait3A_368 : memref<40x128xi32, #tpu.memory_space<vmem>>)
      tpu.yield
    }) : () -> ()
    "tpu.region"() ({
      %run_scoped3A_350 = tpu.sem_alloc : memref<!tpu.dma_semaphore, #tpu.memory_space<semaphore_mem>>
      %dma_start3A_351 = arith.constant 0 : i32
      %dma_start3A_352 = arith.constant 0 : i32
      %dma_start3A_353 = tpu.memref_slice %arg9[%dma_start3A_351, %dma_start3A_352] : memref<40x128xi32, #tpu.memory_space<vmem>> -> memref<40x128xi32, #tpu.memory_space<vmem>>
      %dma_start3A_354 = arith.constant 0 : i32
      %dma_start3A_355 = tpu.memref_slice %arg5[%add3A_67, %dma_start3A_354] : memref<2560x128xi32, #tpu.memory_space<hbm>> -> memref<40x128xi32, #tpu.memory_space<hbm>>
      %dma_start3A_356 = arith.constant 0 : i32
      %dma_start3A_357 = arith.constant 0 : i32
      %dma_start3A_358 = tpu.memref_slice %arg9[%dma_start3A_356, %dma_start3A_357] : memref<40x128xi32, #tpu.memory_space<vmem>> -> memref<40x128xi32, #tpu.memory_space<vmem>>
      %dma_start3A_359 = arith.constant 0 : i32
      %dma_start3A_360 = tpu.memref_slice %arg5[%add3A_67, %dma_start3A_359] : memref<2560x128xi32, #tpu.memory_space<hbm>> -> memref<40x128xi32, #tpu.memory_space<hbm>>
      tpu.enqueue_dma source(%dma_start3A_360 : memref<40x128xi32, #tpu.memory_space<hbm>>) target(%dma_start3A_358 : memref<40x128xi32, #tpu.memory_space<vmem>>) target_semaphore(%run_scoped3A_350 : memref<!tpu.dma_semaphore, #tpu.memory_space<semaphore_mem>>)
      %dma_wait3A_361 = arith.constant 0 : i32
      %dma_wait3A_362 = arith.constant 0 : i32
      %dma_wait3A_363 = tpu.memref_slice %arg9[%dma_wait3A_361, %dma_wait3A_362] : memref<40x128xi32, #tpu.memory_space<vmem>> -> memref<40x128xi32, #tpu.memory_space<vmem>>
      %dma_wait3A_364 = arith.constant 0 : i32
      %dma_wait3A_365 = tpu.memref_slice %arg5[%add3A_67, %dma_wait3A_364] : memref<2560x128xi32, #tpu.memory_space<hbm>> -> memref<40x128xi32, #tpu.memory_space<hbm>>
      %dma_wait3A_366 = arith.constant 0 : i32
      %dma_wait3A_367 = arith.constant 0 : i32
      %dma_wait3A_368 = tpu.memref_slice %arg9[%dma_wait3A_366, %dma_wait3A_367] : memref<40x128xi32, #tpu.memory_space<vmem>> -> memref<40x128xi32, #tpu.memory_space<vmem>>
      %dma_wait3A_369 = arith.constant 0 : i32
      %dma_wait3A_370 = tpu.memref_slice %arg5[%add3A_67, %dma_wait3A_369] : memref<2560x128xi32, #tpu.memory_space<hbm>> -> memref<40x128xi32, #tpu.memory_space<hbm>>
      tpu.wait_dma2 semaphore(%run_scoped3A_350 : memref<!tpu.dma_semaphore, #tpu.memory_space<semaphore_mem>>) src(%dma_wait3A_370 : memref<40x128xi32, #tpu.memory_space<hbm>>) dst(%dma_wait3A_368 : memref<40x128xi32, #tpu.memory_space<vmem>>)
      tpu.yield
    }) : () -> ()
    %scan3A_68 = arith.constant 0 : i32
    %scan3A_69 = arith.constant 0 : i32
    %scan3A_70 = arith.constant 40 : i32
    %scan3A_71 = arith.addi %scan3A_69, %scan3A_70 : i32
    %scan3A_72 = arith.constant 1 : i32
    scf.for %scan3A_350 = %scan3A_69 to %scan3A_71 step %scan3A_72  : i32 {
      %get3A = arith.index_cast %scan3A_350 : i32 to index
      %get3A_351 = arith.constant 0 : index
      %get3A_352 = tpu.vector_load %arg7[%get3A, %get3A_351] {strides = array<i32>} : memref<40x128xi32, #tpu.memory_space<vmem>>, vector<1x16xi32>,
      %get3A_353 = vector.shape_cast %get3A_352 : vector<1x16xi32> to vector<16xi32>
      %get3A_354 = arith.index_cast %scan3A_350 : i32 to index
      %get3A_355 = arith.constant 0 : index
      %get3A_356 = tpu.vector_load %arg8[%get3A_354, %get3A_355] {strides = array<i32>} : memref<40x128xi32, #tpu.memory_space<vmem>>, vector<1x16xi32>,
      %get3A_357 = vector.shape_cast %get3A_356 : vector<1x16xi32> to vector<16xi32>
      %mul3A_358 = arith.constant 10240 : i32
      %mul3A_359 = vector.broadcast %mul3A_358 : i32 to vector<16xi32>
      %mul3A_360 = arith.muli %get3A_357, %mul3A_359 : vector<16xi32>
      %add3A_361 = arith.addi %mul3A_360, %get3A_353 : vector<16xi32>
      %swap3A = arith.index_cast %scan3A_350 : i32 to index
      %swap3A_362 = arith.constant 0 : index
      %swap3A_363 = tpu.vector_load %arg7[%swap3A, %swap3A_362] {strides = array<i32>} : memref<40x128xi32, #tpu.memory_space<vmem>>, vector<1x16xi32>,
      %swap3A_364 = vector.shape_cast %swap3A_363 : vector<1x16xi32> to vector<16xi32>
      %swap3A_365 = vector.shape_cast %add3A_361 : vector<16xi32> to vector<1x16xi32>
      tpu.vector_store %arg7[%swap3A, %swap3A_362], %swap3A_365 {strides = array<i32>} : memref<40x128xi32, #tpu.memory_space<vmem>>, vector<1x16xi32>,
      %get3A_366 = arith.index_cast %scan3A_350 : i32 to index
      %get3A_367 = arith.constant 16 : index
      %get3A_368 = tpu.vector_load %arg7[%get3A_366, %get3A_367] {strides = array<i32>} : memref<40x128xi32, #tpu.memory_space<vmem>>, vector<1x16xi32>,
      %get3A_369 = vector.shape_cast %get3A_368 : vector<1x16xi32> to vector<16xi32>
      %get3A_370 = arith.index_cast %scan3A_350 : i32 to index
      %get3A_371 = arith.constant 16 : index
      %get3A_372 = tpu.vector_load %arg8[%get3A_370, %get3A_371] {strides = array<i32>} : memref<40x128xi32, #tpu.memory_space<vmem>>, vector<1x16xi32>,
      %get3A_373 = vector.shape_cast %get3A_372 : vector<1x16xi32> to vector<16xi32>
      %mul3A_374 = arith.constant 10240 : i32
      %mul3A_375 = vector.broadcast %mul3A_374 : i32 to vector<16xi32>
      %mul3A_376 = arith.muli %get3A_373, %mul3A_375 : vector<16xi32>
      %add3A_377 = arith.addi %mul3A_376, %get3A_369 : vector<16xi32>
      %swap3A_378 = arith.index_cast %scan3A_350 : i32 to index
      %swap3A_379 = arith.constant 16 : index
      %swap3A_380 = tpu.vector_load %arg7[%swap3A_378, %swap3A_379] {strides = array<i32>} : memref<40x128xi32, #tpu.memory_space<vmem>>, vector<1x16xi32>,
      %swap3A_381 = vector.shape_cast %swap3A_380 : vector<1x16xi32> to vector<16xi32>
      %swap3A_382 = vector.shape_cast %add3A_377 : vector<16xi32> to vector<1x16xi32>
      tpu.vector_store %arg7[%swap3A_378, %swap3A_379], %swap3A_382 {strides = array<i32>} : memref<40x128xi32, #tpu.memory_space<vmem>>, vector<1x16xi32>,
      %get3A_383 = arith.index_cast %scan3A_350 : i32 to index
      %get3A_384 = arith.constant 32 : index
      %get3A_385 = tpu.vector_load %arg7[%get3A_383, %get3A_384] {strides = array<i32>} : memref<40x128xi32, #tpu.memory_space<vmem>>, vector<1x16xi32>,
      %get3A_386 = vector.shape_cast %get3A_385 : vector<1x16xi32> to vector<16xi32>
      %get3A_387 = arith.index_cast %scan3A_350 : i32 to index
      %get3A_388 = arith.constant 32 : index
      %get3A_389 = tpu.vector_load %arg8[%get3A_387, %get3A_388] {strides = array<i32>} : memref<40x128xi32, #tpu.memory_space<vmem>>, vector<1x16xi32>,
      %get3A_390 = vector.shape_cast %get3A_389 : vector<1x16xi32> to vector<16xi32>
      %mul3A_391 = arith.constant 10240 : i32
      %mul3A_392 = vector.broadcast %mul3A_391 : i32 to vector<16xi32>
      %mul3A_393 = arith.muli %get3A_390, %mul3A_392 : vector<16xi32>
      %add3A_394 = arith.addi %mul3A_393, %get3A_386 : vector<16xi32>
      %swap3A_395 = arith.index_cast %scan3A_350 : i32 to index
      %swap3A_396 = arith.constant 32 : index
      %swap3A_397 = tpu.vector_load %arg7[%swap3A_395, %swap3A_396] {strides = array<i32>} : memref<40x128xi32, #tpu.memory_space<vmem>>, vector<1x16xi32>,
      %swap3A_398 = vector.shape_cast %swap3A_397 : vector<1x16xi32> to vector<16xi32>
      %swap3A_399 = vector.shape_cast %add3A_394 : vector<16xi32> to vector<1x16xi32>
      tpu.vector_store %arg7[%swap3A_395, %swap3A_396], %swap3A_399 {strides = array<i32>} : memref<40x128xi32, #tpu.memory_space<vmem>>, vector<1x16xi32>,
      %get3A_400 = arith.index_cast %scan3A_350 : i32 to index
      %get3A_401 = arith.constant 48 : index
      %get3A_402 = tpu.vector_load %arg7[%get3A_400, %get3A_401] {strides = array<i32>} : memref<40x128xi32, #tpu.memory_space<vmem>>, vector<1x16xi32>,
      %get3A_403 = vector.shape_cast %get3A_402 : vector<1x16xi32> to vector<16xi32>
      %get3A_404 = arith.index_cast %scan3A_350 : i32 to index
      %get3A_405 = arith.constant 48 : index
      %get3A_406 = tpu.vector_load %arg8[%get3A_404, %get3A_405] {strides = array<i32>} : memref<40x128xi32, #tpu.memory_space<vmem>>, vector<1x16xi32>,
      %get3A_407 = vector.shape_cast %get3A_406 : vector<1x16xi32> to vector<16xi32>
      %mul3A_408 = arith.constant 10240 : i32
      %mul3A_409 = vector.broadcast %mul3A_408 : i32 to vector<16xi32>
      %mul3A_410 = arith.muli %get3A_407, %mul3A_409 : vector<16xi32>
      %add3A_411 = arith.addi %mul3A_410, %get3A_403 : vector<16xi32>
      %swap3A_412 = arith.index_cast %scan3A_350 : i32 to index
      %swap3A_413 = arith.constant 48 : index
      %swap3A_414 = tpu.vector_load %arg7[%swap3A_412, %swap3A_413] {strides = array<i32>} : memref<40x128xi32, #tpu.memory_space<vmem>>, vector<1x16xi32>,
      %swap3A_415 = vector.shape_cast %swap3A_414 : vector<1x16xi32> to vector<16xi32>
      %swap3A_416 = vector.shape_cast %add3A_411 : vector<16xi32> to vector<1x16xi32>
      tpu.vector_store %arg7[%swap3A_412, %swap3A_413], %swap3A_416 {strides = array<i32>} : memref<40x128xi32, #tpu.memory_space<vmem>>, vector<1x16xi32>,
      %get3A_417 = arith.index_cast %scan3A_350 : i32 to index
      %get3A_418 = arith.constant 64 : index
      %get3A_419 = tpu.vector_load %arg7[%get3A_417, %get3A_418] {strides = array<i32>} : memref<40x128xi32, #tpu.memory_space<vmem>>, vector<1x16xi32>,
      %get3A_420 = vector.shape_cast %get3A_419 : vector<1x16xi32> to vector<16xi32>
      %get3A_421 = arith.index_cast %scan3A_350 : i32 to index
      %get3A_422 = arith.constant 64 : index
      %get3A_423 = tpu.vector_load %arg8[%get3A_421, %get3A_422] {strides = array<i32>} : memref<40x128xi32, #tpu.memory_space<vmem>>, vector<1x16xi32>,
      %get3A_424 = vector.shape_cast %get3A_423 : vector<1x16xi32> to vector<16xi32>
      %mul3A_425 = arith.constant 10240 : i32
      %mul3A_426 = vector.broadcast %mul3A_425 : i32 to vector<16xi32>
      %mul3A_427 = arith.muli %get3A_424, %mul3A_426 : vector<16xi32>
      %add3A_428 = arith.addi %mul3A_427, %get3A_420 : vector<16xi32>
      %swap3A_429 = arith.index_cast %scan3A_350 : i32 to index
      %swap3A_430 = arith.constant 64 : index
      %swap3A_431 = tpu.vector_load %arg7[%swap3A_429, %swap3A_430] {strides = array<i32>} : memref<40x128xi32, #tpu.memory_space<vmem>>, vector<1x16xi32>,
      %swap3A_432 = vector.shape_cast %swap3A_431 : vector<1x16xi32> to vector<16xi32>
      %swap3A_433 = vector.shape_cast %add3A_428 : vector<16xi32> to vector<1x16xi32>
      tpu.vector_store %arg7[%swap3A_429, %swap3A_430], %swap3A_433 {strides = array<i32>} : memref<40x128xi32, #tpu.memory_space<vmem>>, vector<1x16xi32>,
      %get3A_434 = arith.index_cast %scan3A_350 : i32 to index
      %get3A_435 = arith.constant 80 : index
      %get3A_436 = tpu.vector_load %arg7[%get3A_434, %get3A_435] {strides = array<i32>} : memref<40x128xi32, #tpu.memory_space<vmem>>, vector<1x16xi32>,
      %get3A_437 = vector.shape_cast %get3A_436 : vector<1x16xi32> to vector<16xi32>
      %get3A_438 = arith.index_cast %scan3A_350 : i32 to index
      %get3A_439 = arith.constant 80 : index
      %get3A_440 = tpu.vector_load %arg8[%get3A_438, %get3A_439] {strides = array<i32>} : memref<40x128xi32, #tpu.memory_space<vmem>>, vector<1x16xi32>,
      %get3A_441 = vector.shape_cast %get3A_440 : vector<1x16xi32> to vector<16xi32>
      %mul3A_442 = arith.constant 10240 : i32
      %mul3A_443 = vector.broadcast %mul3A_442 : i32 to vector<16xi32>
      %mul3A_444 = arith.muli %get3A_441, %mul3A_443 : vector<16xi32>
      %add3A_445 = arith.addi %mul3A_444, %get3A_437 : vector<16xi32>
      %swap3A_446 = arith.index_cast %scan3A_350 : i32 to index
      %swap3A_447 = arith.constant 80 : index
      %swap3A_448 = tpu.vector_load %arg7[%swap3A_446, %swap3A_447] {strides = array<i32>} : memref<40x128xi32, #tpu.memory_space<vmem>>, vector<1x16xi32>,
      %swap3A_449 = vector.shape_cast %swap3A_448 : vector<1x16xi32> to vector<16xi32>
      %swap3A_450 = vector.shape_cast %add3A_445 : vector<16xi32> to vector<1x16xi32>
      tpu.vector_store %arg7[%swap3A_446, %swap3A_447], %swap3A_450 {strides = array<i32>} : memref<40x128xi32, #tpu.memory_space<vmem>>, vector<1x16xi32>,
      %get3A_451 = arith.index_cast %scan3A_350 : i32 to index
      %get3A_452 = arith.constant 96 : index
      %get3A_453 = tpu.vector_load %arg7[%get3A_451, %get3A_452] {strides = array<i32>} : memref<40x128xi32, #tpu.memory_space<vmem>>, vector<1x16xi32>,
      %get3A_454 = vector.shape_cast %get3A_453 : vector<1x16xi32> to vector<16xi32>
      %get3A_455 = arith.index_cast %scan3A_350 : i32 to index
      %get3A_456 = arith.constant 96 : index
      %get3A_457 = tpu.vector_load %arg8[%get3A_455, %get3A_456] {strides = array<i32>} : memref<40x128xi32, #tpu.memory_space<vmem>>, vector<1x16xi32>,
      %get3A_458 = vector.shape_cast %get3A_457 : vector<1x16xi32> to vector<16xi32>
      %mul3A_459 = arith.constant 10240 : i32
      %mul3A_460 = vector.broadcast %mul3A_459 : i32 to vector<16xi32>
      %mul3A_461 = arith.muli %get3A_458, %mul3A_460 : vector<16xi32>
      %add3A_462 = arith.addi %mul3A_461, %get3A_454 : vector<16xi32>
      %swap3A_463 = arith.index_cast %scan3A_350 : i32 to index
      %swap3A_464 = arith.constant 96 : index
      %swap3A_465 = tpu.vector_load %arg7[%swap3A_463, %swap3A_464] {strides = array<i32>} : memref<40x128xi32, #tpu.memory_space<vmem>>, vector<1x16xi32>,
      %swap3A_466 = vector.shape_cast %swap3A_465 : vector<1x16xi32> to vector<16xi32>
      %swap3A_467 = vector.shape_cast %add3A_462 : vector<16xi32> to vector<1x16xi32>
      tpu.vector_store %arg7[%swap3A_463, %swap3A_464], %swap3A_467 {strides = array<i32>} : memref<40x128xi32, #tpu.memory_space<vmem>>, vector<1x16xi32>,
      %get3A_468 = arith.index_cast %scan3A_350 : i32 to index
      %get3A_469 = arith.constant 112 : index
      %get3A_470 = tpu.vector_load %arg7[%get3A_468, %get3A_469] {strides = array<i32>} : memref<40x128xi32, #tpu.memory_space<vmem>>, vector<1x16xi32>,
      %get3A_471 = vector.shape_cast %get3A_470 : vector<1x16xi32> to vector<16xi32>
      %get3A_472 = arith.index_cast %scan3A_350 : i32 to index
      %get3A_473 = arith.constant 112 : index
      %get3A_474 = tpu.vector_load %arg8[%get3A_472, %get3A_473] {strides = array<i32>} : memref<40x128xi32, #tpu.memory_space<vmem>>, vector<1x16xi32>,
      %get3A_475 = vector.shape_cast %get3A_474 : vector<1x16xi32> to vector<16xi32>
      %mul3A_476 = arith.constant 10240 : i32
      %mul3A_477 = vector.broadcast %mul3A_476 : i32 to vector<16xi32>
      %mul3A_478 = arith.muli %get3A_475, %mul3A_477 : vector<16xi32>
      %add3A_479 = arith.addi %mul3A_478, %get3A_471 : vector<16xi32>
      %swap3A_480 = arith.index_cast %scan3A_350 : i32 to index
      %swap3A_481 = arith.constant 112 : index
      %swap3A_482 = tpu.vector_load %arg7[%swap3A_480, %swap3A_481] {strides = array<i32>} : memref<40x128xi32, #tpu.memory_space<vmem>>, vector<1x16xi32>,
      %swap3A_483 = vector.shape_cast %swap3A_482 : vector<1x16xi32> to vector<16xi32>
      %swap3A_484 = vector.shape_cast %add3A_479 : vector<16xi32> to vector<1x16xi32>
      tpu.vector_store %arg7[%swap3A_480, %swap3A_481], %swap3A_484 {strides = array<i32>} : memref<40x128xi32, #tpu.memory_space<vmem>>, vector<1x16xi32>,
    }
    %scan3A_73 = arith.constant 40 : i32
    %dma_start3A_74 = arith.constant 0 : i32
    %dma_start3A_75 = arith.constant 0 : i32
    %dma_start3A_76 = arith.constant 0 : i32
    %dma_start3A_77 = tpu.memref_slice %arg10[%dma_start3A_75, %dma_start3A_76] : memref<128x128xf32, #tpu.memory_space<vmem>> -> memref<64x128xf32, #tpu.memory_space<vmem>>
    %dma_start3A_78 = arith.constant 0 : i32
    %dma_start3A_79 = tpu.memref_slice %arg7[%dma_start3A_74, %dma_start3A_78] : memref<40x128xi32, #tpu.memory_space<vmem>> -> memref<1x64xi32, #tpu.memory_space<vmem>>
    %dma_start3A_80 = tpu.memref_squeeze %dma_start3A_79 : memref<1x64xi32, #tpu.memory_space<vmem>> -> memref<64xi32, #tpu.memory_space<vmem>>
    %dma_start3A_81 = arith.constant 0 : i32
    %dma_start3A_82 = arith.constant 0 : i32
    %dma_start3A_83 = tpu.memref_slice %arg2[%dma_start3A_81, %dma_start3A_82] : memref<40960x128xf32, #tpu.memory_space<hbm>> -> memref<40960x128xf32, #tpu.memory_space<hbm>>
    tpu.enqueue_indirect_dma source(%dma_start3A_83 : memref<40960x128xf32, #tpu.memory_space<hbm>>) target(%dma_start3A_77 : memref<64x128xf32, #tpu.memory_space<vmem>>) offsets(%dma_start3A_80 : memref<64xi32, #tpu.memory_space<vmem>>) semaphore(%arg13 : memref<!tpu.dma_semaphore, #tpu.memory_space<semaphore_mem>>)
    %dma_start3A_84 = arith.constant 0 : i32
    %dma_start3A_85 = arith.constant 64 : i32
    %dma_start3A_86 = arith.constant 0 : i32
    %dma_start3A_87 = tpu.memref_slice %arg10[%dma_start3A_85, %dma_start3A_86] : memref<128x128xf32, #tpu.memory_space<vmem>> -> memref<64x128xf32, #tpu.memory_space<vmem>>
    %dma_start3A_88 = arith.constant 64 : i32
    %dma_start3A_89 = tpu.memref_slice %arg7[%dma_start3A_84, %dma_start3A_88] : memref<40x128xi32, #tpu.memory_space<vmem>> -> memref<1x64xi32, #tpu.memory_space<vmem>>
    %dma_start3A_90 = tpu.memref_squeeze %dma_start3A_89 : memref<1x64xi32, #tpu.memory_space<vmem>> -> memref<64xi32, #tpu.memory_space<vmem>>
    %dma_start3A_91 = arith.constant 0 : i32
    %dma_start3A_92 = arith.constant 0 : i32
    %dma_start3A_93 = tpu.memref_slice %arg2[%dma_start3A_91, %dma_start3A_92] : memref<40960x128xf32, #tpu.memory_space<hbm>> -> memref<40960x128xf32, #tpu.memory_space<hbm>>
    tpu.enqueue_indirect_dma source(%dma_start3A_93 : memref<40960x128xf32, #tpu.memory_space<hbm>>) target(%dma_start3A_87 : memref<64x128xf32, #tpu.memory_space<vmem>>) offsets(%dma_start3A_90 : memref<64xi32, #tpu.memory_space<vmem>>) semaphore(%arg14 : memref<!tpu.dma_semaphore, #tpu.memory_space<semaphore_mem>>)
    %dma_start3A_94 = arith.constant 1 : i32
    %dma_start3A_95 = arith.constant 0 : i32
    %dma_start3A_96 = arith.constant 0 : i32
    %dma_start3A_97 = tpu.memref_slice %arg11[%dma_start3A_95, %dma_start3A_96] : memref<128x128xf32, #tpu.memory_space<vmem>> -> memref<64x128xf32, #tpu.memory_space<vmem>>
    %dma_start3A_98 = arith.constant 0 : i32
    %dma_start3A_99 = tpu.memref_slice %arg7[%dma_start3A_94, %dma_start3A_98] : memref<40x128xi32, #tpu.memory_space<vmem>> -> memref<1x64xi32, #tpu.memory_space<vmem>>
    %dma_start3A_100 = tpu.memref_squeeze %dma_start3A_99 : memref<1x64xi32, #tpu.memory_space<vmem>> -> memref<64xi32, #tpu.memory_space<vmem>>
    %dma_start3A_101 = arith.constant 0 : i32
    %dma_start3A_102 = arith.constant 0 : i32
    %dma_start3A_103 = tpu.memref_slice %arg2[%dma_start3A_101, %dma_start3A_102] : memref<40960x128xf32, #tpu.memory_space<hbm>> -> memref<40960x128xf32, #tpu.memory_space<hbm>>
    tpu.enqueue_indirect_dma source(%dma_start3A_103 : memref<40960x128xf32, #tpu.memory_space<hbm>>) target(%dma_start3A_97 : memref<64x128xf32, #tpu.memory_space<vmem>>) offsets(%dma_start3A_100 : memref<64xi32, #tpu.memory_space<vmem>>) semaphore(%arg15 : memref<!tpu.dma_semaphore, #tpu.memory_space<semaphore_mem>>)
    %dma_start3A_104 = arith.constant 1 : i32
    %dma_start3A_105 = arith.constant 64 : i32
    %dma_start3A_106 = arith.constant 0 : i32
    %dma_start3A_107 = tpu.memref_slice %arg11[%dma_start3A_105, %dma_start3A_106] : memref<128x128xf32, #tpu.memory_space<vmem>> -> memref<64x128xf32, #tpu.memory_space<vmem>>
    %dma_start3A_108 = arith.constant 64 : i32
    %dma_start3A_109 = tpu.memref_slice %arg7[%dma_start3A_104, %dma_start3A_108] : memref<40x128xi32, #tpu.memory_space<vmem>> -> memref<1x64xi32, #tpu.memory_space<vmem>>
    %dma_start3A_110 = tpu.memref_squeeze %dma_start3A_109 : memref<1x64xi32, #tpu.memory_space<vmem>> -> memref<64xi32, #tpu.memory_space<vmem>>
    %dma_start3A_111 = arith.constant 0 : i32
    %dma_start3A_112 = arith.constant 0 : i32
    %dma_start3A_113 = tpu.memref_slice %arg2[%dma_start3A_111, %dma_start3A_112] : memref<40960x128xf32, #tpu.memory_space<hbm>> -> memref<40960x128xf32, #tpu.memory_space<hbm>>
    tpu.enqueue_indirect_dma source(%dma_start3A_113 : memref<40960x128xf32, #tpu.memory_space<hbm>>) target(%dma_start3A_107 : memref<64x128xf32, #tpu.memory_space<vmem>>) offsets(%dma_start3A_110 : memref<64xi32, #tpu.memory_space<vmem>>) semaphore(%arg16 : memref<!tpu.dma_semaphore, #tpu.memory_space<semaphore_mem>>)
    %scan3A_114 = arith.constant 0 : i32
    %scan3A_115 = arith.constant 0 : i32
    %scan3A_116 = arith.constant 19 : i32
    %scan3A_117 = arith.addi %scan3A_115, %scan3A_116 : i32
    %scan3A_118 = arith.constant 1 : i32
    scf.for %scan3A_350 = %scan3A_115 to %scan3A_117 step %scan3A_118  : i32 {
      %mul3A_351 = arith.constant 2 : i32
      %mul3A_352 = arith.muli %mul3A_351, %scan3A_350 : i32
      %dma_wait3A_353 = arith.constant 0 : i32
      %dma_wait3A_354 = arith.constant 0 : i32
      %dma_wait3A_355 = tpu.memref_slice %arg10[%dma_wait3A_353, %dma_wait3A_354] : memref<128x128xf32, #tpu.memory_space<vmem>> -> memref<64x128xf32, #tpu.memory_space<vmem>>
      %dma_wait3A_356 = arith.constant 0 : i32
      %dma_wait3A_357 = tpu.memref_slice %arg7[%mul3A_352, %dma_wait3A_356] : memref<40x128xi32, #tpu.memory_space<vmem>> -> memref<1x64xi32, #tpu.memory_space<vmem>>
      %dma_wait3A_358 = tpu.memref_squeeze %dma_wait3A_357 : memref<1x64xi32, #tpu.memory_space<vmem>> -> memref<64xi32, #tpu.memory_space<vmem>>
      %dma_wait3A_359 = arith.constant 0 : i32
      %dma_wait3A_360 = arith.constant 0 : i32
      %dma_wait3A_361 = tpu.memref_slice %arg2[%dma_wait3A_359, %dma_wait3A_360] : memref<40960x128xf32, #tpu.memory_space<hbm>> -> memref<40960x128xf32, #tpu.memory_space<hbm>>
      tpu.wait_indirect_dma semaphore(%arg13 : memref<!tpu.dma_semaphore, #tpu.memory_space<semaphore_mem>>) src(%dma_wait3A_361 : memref<40960x128xf32, #tpu.memory_space<hbm>>) dst(%dma_wait3A_355 : memref<64x128xf32, #tpu.memory_space<vmem>>)
      %dma_wait3A_362 = arith.constant 64 : i32
      %dma_wait3A_363 = arith.constant 0 : i32
      %dma_wait3A_364 = tpu.memref_slice %arg10[%dma_wait3A_362, %dma_wait3A_363] : memref<128x128xf32, #tpu.memory_space<vmem>> -> memref<64x128xf32, #tpu.memory_space<vmem>>
      %dma_wait3A_365 = arith.constant 64 : i32
      %dma_wait3A_366 = tpu.memref_slice %arg7[%mul3A_352, %dma_wait3A_365] : memref<40x128xi32, #tpu.memory_space<vmem>> -> memref<1x64xi32, #tpu.memory_space<vmem>>
      %dma_wait3A_367 = tpu.memref_squeeze %dma_wait3A_366 : memref<1x64xi32, #tpu.memory_space<vmem>> -> memref<64xi32, #tpu.memory_space<vmem>>
      %dma_wait3A_368 = arith.constant 0 : i32
      %dma_wait3A_369 = arith.constant 0 : i32
      %dma_wait3A_370 = tpu.memref_slice %arg2[%dma_wait3A_368, %dma_wait3A_369] : memref<40960x128xf32, #tpu.memory_space<hbm>> -> memref<40960x128xf32, #tpu.memory_space<hbm>>
      tpu.wait_indirect_dma semaphore(%arg14 : memref<!tpu.dma_semaphore, #tpu.memory_space<semaphore_mem>>) src(%dma_wait3A_370 : memref<40960x128xf32, #tpu.memory_space<hbm>>) dst(%dma_wait3A_364 : memref<64x128xf32, #tpu.memory_space<vmem>>)
      %dma_start3A_371 = arith.constant 0 : i32
      %dma_start3A_372 = tpu.memref_slice %arg9[%mul3A_352, %dma_start3A_371] : memref<40x128xi32, #tpu.memory_space<vmem>> -> memref<1x128xi32, #tpu.memory_space<vmem>>
      %dma_start3A_373 = tpu.memref_squeeze %dma_start3A_372 : memref<1x128xi32, #tpu.memory_space<vmem>> -> memref<128xi32, #tpu.memory_space<vmem>>
      %dma_start3A_374 = arith.constant 0 : i32
      %dma_start3A_375 = arith.constant 0 : i32
      %dma_start3A_376 = tpu.memref_slice %arg12[%dma_start3A_374, %dma_start3A_375] : memref<10240x128xf32, #tpu.memory_space<vmem_shared>> -> memref<10240x128xf32, #tpu.memory_space<vmem_shared>>
      tpu.enqueue_indirect_dma source(%arg10 : memref<128x128xf32, #tpu.memory_space<vmem>>) target(%dma_start3A_376 : memref<10240x128xf32, #tpu.memory_space<vmem_shared>>) offsets(%dma_start3A_373 : memref<128xi32, #tpu.memory_space<vmem>>) semaphore(%arg17 : memref<!tpu.dma_semaphore, #tpu.memory_space<semaphore_mem>>) {add = true}
      %add3A_377 = arith.constant 1 : i32
      %add3A_378 = arith.addi %mul3A_352, %add3A_377 : i32
      %dma_wait3A_379 = arith.constant 0 : i32
      %dma_wait3A_380 = arith.constant 0 : i32
      %dma_wait3A_381 = tpu.memref_slice %arg11[%dma_wait3A_379, %dma_wait3A_380] : memref<128x128xf32, #tpu.memory_space<vmem>> -> memref<64x128xf32, #tpu.memory_space<vmem>>
      %dma_wait3A_382 = arith.constant 0 : i32
      %dma_wait3A_383 = tpu.memref_slice %arg7[%add3A_378, %dma_wait3A_382] : memref<40x128xi32, #tpu.memory_space<vmem>> -> memref<1x64xi32, #tpu.memory_space<vmem>>
      %dma_wait3A_384 = tpu.memref_squeeze %dma_wait3A_383 : memref<1x64xi32, #tpu.memory_space<vmem>> -> memref<64xi32, #tpu.memory_space<vmem>>
      %dma_wait3A_385 = arith.constant 0 : i32
      %dma_wait3A_386 = arith.constant 0 : i32
      %dma_wait3A_387 = tpu.memref_slice %arg2[%dma_wait3A_385, %dma_wait3A_386] : memref<40960x128xf32, #tpu.memory_space<hbm>> -> memref<40960x128xf32, #tpu.memory_space<hbm>>
      tpu.wait_indirect_dma semaphore(%arg15 : memref<!tpu.dma_semaphore, #tpu.memory_space<semaphore_mem>>) src(%dma_wait3A_387 : memref<40960x128xf32, #tpu.memory_space<hbm>>) dst(%dma_wait3A_381 : memref<64x128xf32, #tpu.memory_space<vmem>>)
      %dma_wait3A_388 = arith.constant 64 : i32
      %dma_wait3A_389 = arith.constant 0 : i32
      %dma_wait3A_390 = tpu.memref_slice %arg11[%dma_wait3A_388, %dma_wait3A_389] : memref<128x128xf32, #tpu.memory_space<vmem>> -> memref<64x128xf32, #tpu.memory_space<vmem>>
      %dma_wait3A_391 = arith.constant 64 : i32
      %dma_wait3A_392 = tpu.memref_slice %arg7[%add3A_378, %dma_wait3A_391] : memref<40x128xi32, #tpu.memory_space<vmem>> -> memref<1x64xi32, #tpu.memory_space<vmem>>
      %dma_wait3A_393 = tpu.memref_squeeze %dma_wait3A_392 : memref<1x64xi32, #tpu.memory_space<vmem>> -> memref<64xi32, #tpu.memory_space<vmem>>
      %dma_wait3A_394 = arith.constant 0 : i32
      %dma_wait3A_395 = arith.constant 0 : i32
      %dma_wait3A_396 = tpu.memref_slice %arg2[%dma_wait3A_394, %dma_wait3A_395] : memref<40960x128xf32, #tpu.memory_space<hbm>> -> memref<40960x128xf32, #tpu.memory_space<hbm>>
      tpu.wait_indirect_dma semaphore(%arg16 : memref<!tpu.dma_semaphore, #tpu.memory_space<semaphore_mem>>) src(%dma_wait3A_396 : memref<40960x128xf32, #tpu.memory_space<hbm>>) dst(%dma_wait3A_390 : memref<64x128xf32, #tpu.memory_space<vmem>>)
      %add3A_397 = arith.constant 1 : i32
      %add3A_398 = arith.addi %mul3A_352, %add3A_397 : i32
      %dma_start3A_399 = arith.constant 0 : i32
      %dma_start3A_400 = tpu.memref_slice %arg9[%add3A_398, %dma_start3A_399] : memref<40x128xi32, #tpu.memory_space<vmem>> -> memref<1x128xi32, #tpu.memory_space<vmem>>
      %dma_start3A_401 = tpu.memref_squeeze %dma_start3A_400 : memref<1x128xi32, #tpu.memory_space<vmem>> -> memref<128xi32, #tpu.memory_space<vmem>>
      %dma_start3A_402 = arith.constant 0 : i32
      %dma_start3A_403 = arith.constant 0 : i32
      %dma_start3A_404 = tpu.memref_slice %arg12[%dma_start3A_402, %dma_start3A_403] : memref<10240x128xf32, #tpu.memory_space<vmem_shared>> -> memref<10240x128xf32, #tpu.memory_space<vmem_shared>>
      tpu.enqueue_indirect_dma source(%arg11 : memref<128x128xf32, #tpu.memory_space<vmem>>) target(%dma_start3A_404 : memref<10240x128xf32, #tpu.memory_space<vmem_shared>>) offsets(%dma_start3A_401 : memref<128xi32, #tpu.memory_space<vmem>>) semaphore(%arg18 : memref<!tpu.dma_semaphore, #tpu.memory_space<semaphore_mem>>) {add = true}
      %dma_wait3A_405 = arith.constant 0 : i32
      %dma_wait3A_406 = tpu.memref_slice %arg9[%mul3A_352, %dma_wait3A_405] : memref<40x128xi32, #tpu.memory_space<vmem>> -> memref<1x128xi32, #tpu.memory_space<vmem>>
      %dma_wait3A_407 = tpu.memref_squeeze %dma_wait3A_406 : memref<1x128xi32, #tpu.memory_space<vmem>> -> memref<128xi32, #tpu.memory_space<vmem>>
      %dma_wait3A_408 = arith.constant 0 : i32
      %dma_wait3A_409 = arith.constant 0 : i32
      %dma_wait3A_410 = tpu.memref_slice %arg12[%dma_wait3A_408, %dma_wait3A_409] : memref<10240x128xf32, #tpu.memory_space<vmem_shared>> -> memref<10240x128xf32, #tpu.memory_space<vmem_shared>>
      tpu.wait_indirect_dma semaphore(%arg17 : memref<!tpu.dma_semaphore, #tpu.memory_space<semaphore_mem>>) src(%arg10 : memref<128x128xf32, #tpu.memory_space<vmem>>) dst(%dma_wait3A_410 : memref<10240x128xf32, #tpu.memory_space<vmem_shared>>)
      %add3A_411 = arith.constant 2 : i32
      %add3A_412 = arith.addi %mul3A_352, %add3A_411 : i32
      %dma_start3A_413 = arith.constant 0 : i32
      %dma_start3A_414 = arith.constant 0 : i32
      %dma_start3A_415 = tpu.memref_slice %arg10[%dma_start3A_413, %dma_start3A_414] : memref<128x128xf32, #tpu.memory_space<vmem>> -> memref<64x128xf32, #tpu.memory_space<vmem>>
      %dma_start3A_416 = arith.constant 0 : i32
      %dma_start3A_417 = tpu.memref_slice %arg7[%add3A_412, %dma_start3A_416] : memref<40x128xi32, #tpu.memory_space<vmem>> -> memref<1x64xi32, #tpu.memory_space<vmem>>
      %dma_start3A_418 = tpu.memref_squeeze %dma_start3A_417 : memref<1x64xi32, #tpu.memory_space<vmem>> -> memref<64xi32, #tpu.memory_space<vmem>>
      %dma_start3A_419 = arith.constant 0 : i32
      %dma_start3A_420 = arith.constant 0 : i32
      %dma_start3A_421 = tpu.memref_slice %arg2[%dma_start3A_419, %dma_start3A_420] : memref<40960x128xf32, #tpu.memory_space<hbm>> -> memref<40960x128xf32, #tpu.memory_space<hbm>>
      tpu.enqueue_indirect_dma source(%dma_start3A_421 : memref<40960x128xf32, #tpu.memory_space<hbm>>) target(%dma_start3A_415 : memref<64x128xf32, #tpu.memory_space<vmem>>) offsets(%dma_start3A_418 : memref<64xi32, #tpu.memory_space<vmem>>) semaphore(%arg13 : memref<!tpu.dma_semaphore, #tpu.memory_space<semaphore_mem>>)
      %dma_start3A_422 = arith.constant 64 : i32
      %dma_start3A_423 = arith.constant 0 : i32
      %dma_start3A_424 = tpu.memref_slice %arg10[%dma_start3A_422, %dma_start3A_423] : memref<128x128xf32, #tpu.memory_space<vmem>> -> memref<64x128xf32, #tpu.memory_space<vmem>>
      %dma_start3A_425 = arith.constant 64 : i32
      %dma_start3A_426 = tpu.memref_slice %arg7[%add3A_412, %dma_start3A_425] : memref<40x128xi32, #tpu.memory_space<vmem>> -> memref<1x64xi32, #tpu.memory_space<vmem>>
      %dma_start3A_427 = tpu.memref_squeeze %dma_start3A_426 : memref<1x64xi32, #tpu.memory_space<vmem>> -> memref<64xi32, #tpu.memory_space<vmem>>
      %dma_start3A_428 = arith.constant 0 : i32
      %dma_start3A_429 = arith.constant 0 : i32
      %dma_start3A_430 = tpu.memref_slice %arg2[%dma_start3A_428, %dma_start3A_429] : memref<40960x128xf32, #tpu.memory_space<hbm>> -> memref<40960x128xf32, #tpu.memory_space<hbm>>
      tpu.enqueue_indirect_dma source(%dma_start3A_430 : memref<40960x128xf32, #tpu.memory_space<hbm>>) target(%dma_start3A_424 : memref<64x128xf32, #tpu.memory_space<vmem>>) offsets(%dma_start3A_427 : memref<64xi32, #tpu.memory_space<vmem>>) semaphore(%arg14 : memref<!tpu.dma_semaphore, #tpu.memory_space<semaphore_mem>>)
      %dma_wait3A_431 = arith.constant 0 : i32
      %dma_wait3A_432 = tpu.memref_slice %arg9[%add3A_398, %dma_wait3A_431] : memref<40x128xi32, #tpu.memory_space<vmem>> -> memref<1x128xi32, #tpu.memory_space<vmem>>
      %dma_wait3A_433 = tpu.memref_squeeze %dma_wait3A_432 : memref<1x128xi32, #tpu.memory_space<vmem>> -> memref<128xi32, #tpu.memory_space<vmem>>
      %dma_wait3A_434 = arith.constant 0 : i32
      %dma_wait3A_435 = arith.constant 0 : i32
      %dma_wait3A_436 = tpu.memref_slice %arg12[%dma_wait3A_434, %dma_wait3A_435] : memref<10240x128xf32, #tpu.memory_space<vmem_shared>> -> memref<10240x128xf32, #tpu.memory_space<vmem_shared>>
      tpu.wait_indirect_dma semaphore(%arg18 : memref<!tpu.dma_semaphore, #tpu.memory_space<semaphore_mem>>) src(%arg11 : memref<128x128xf32, #tpu.memory_space<vmem>>) dst(%dma_wait3A_436 : memref<10240x128xf32, #tpu.memory_space<vmem_shared>>)
      %add3A_437 = arith.constant 3 : i32
      %add3A_438 = arith.addi %mul3A_352, %add3A_437 : i32
      %dma_start3A_439 = arith.constant 0 : i32
      %dma_start3A_440 = arith.constant 0 : i32
      %dma_start3A_441 = tpu.memref_slice %arg11[%dma_start3A_439, %dma_start3A_440] : memref<128x128xf32, #tpu.memory_space<vmem>> -> memref<64x128xf32, #tpu.memory_space<vmem>>
      %dma_start3A_442 = arith.constant 0 : i32
      %dma_start3A_443 = tpu.memref_slice %arg7[%add3A_438, %dma_start3A_442] : memref<40x128xi32, #tpu.memory_space<vmem>> -> memref<1x64xi32, #tpu.memory_space<vmem>>
      %dma_start3A_444 = tpu.memref_squeeze %dma_start3A_443 : memref<1x64xi32, #tpu.memory_space<vmem>> -> memref<64xi32, #tpu.memory_space<vmem>>
      %dma_start3A_445 = arith.constant 0 : i32
      %dma_start3A_446 = arith.constant 0 : i32
      %dma_start3A_447 = tpu.memref_slice %arg2[%dma_start3A_445, %dma_start3A_446] : memref<40960x128xf32, #tpu.memory_space<hbm>> -> memref<40960x128xf32, #tpu.memory_space<hbm>>
      tpu.enqueue_indirect_dma source(%dma_start3A_447 : memref<40960x128xf32, #tpu.memory_space<hbm>>) target(%dma_start3A_441 : memref<64x128xf32, #tpu.memory_space<vmem>>) offsets(%dma_start3A_444 : memref<64xi32, #tpu.memory_space<vmem>>) semaphore(%arg15 : memref<!tpu.dma_semaphore, #tpu.memory_space<semaphore_mem>>)
      %dma_start3A_448 = arith.constant 64 : i32
      %dma_start3A_449 = arith.constant 0 : i32
      %dma_start3A_450 = tpu.memref_slice %arg11[%dma_start3A_448, %dma_start3A_449] : memref<128x128xf32, #tpu.memory_space<vmem>> -> memref<64x128xf32, #tpu.memory_space<vmem>>
      %dma_start3A_451 = arith.constant 64 : i32
      %dma_start3A_452 = tpu.memref_slice %arg7[%add3A_438, %dma_start3A_451] : memref<40x128xi32, #tpu.memory_space<vmem>> -> memref<1x64xi32, #tpu.memory_space<vmem>>
      %dma_start3A_453 = tpu.memref_squeeze %dma_start3A_452 : memref<1x64xi32, #tpu.memory_space<vmem>> -> memref<64xi32, #tpu.memory_space<vmem>>
      %dma_start3A_454 = arith.constant 0 : i32
      %dma_start3A_455 = arith.constant 0 : i32
      %dma_start3A_456 = tpu.memref_slice %arg2[%dma_start3A_454, %dma_start3A_455] : memref<40960x128xf32, #tpu.memory_space<hbm>> -> memref<40960x128xf32, #tpu.memory_space<hbm>>
      tpu.enqueue_indirect_dma source(%dma_start3A_456 : memref<40960x128xf32, #tpu.memory_space<hbm>>) target(%dma_start3A_450 : memref<64x128xf32, #tpu.memory_space<vmem>>) offsets(%dma_start3A_453 : memref<64xi32, #tpu.memory_space<vmem>>) semaphore(%arg16 : memref<!tpu.dma_semaphore, #tpu.memory_space<semaphore_mem>>)
    }
    %scan3A_119 = arith.constant 19 : i32
    %dma_wait3A_120 = arith.constant 38 : i32
    %dma_wait3A_121 = arith.constant 0 : i32
    %dma_wait3A_122 = arith.constant 0 : i32
    %dma_wait3A_123 = tpu.memref_slice %arg10[%dma_wait3A_121, %dma_wait3A_122] : memref<128x128xf32, #tpu.memory_space<vmem>> -> memref<64x128xf32, #tpu.memory_space<vmem>>
    %dma_wait3A_124 = arith.constant 0 : i32
    %dma_wait3A_125 = tpu.memref_slice %arg7[%dma_wait3A_120, %dma_wait3A_124] : memref<40x128xi32, #tpu.memory_space<vmem>> -> memref<1x64xi32, #tpu.memory_space<vmem>>
    %dma_wait3A_126 = tpu.memref_squeeze %dma_wait3A_125 : memref<1x64xi32, #tpu.memory_space<vmem>> -> memref<64xi32, #tpu.memory_space<vmem>>
    %dma_wait3A_127 = arith.constant 0 : i32
    %dma_wait3A_128 = arith.constant 0 : i32
    %dma_wait3A_129 = tpu.memref_slice %arg2[%dma_wait3A_127, %dma_wait3A_128] : memref<40960x128xf32, #tpu.memory_space<hbm>> -> memref<40960x128xf32, #tpu.memory_space<hbm>>
    tpu.wait_indirect_dma semaphore(%arg13 : memref<!tpu.dma_semaphore, #tpu.memory_space<semaphore_mem>>) src(%dma_wait3A_129 : memref<40960x128xf32, #tpu.memory_space<hbm>>) dst(%dma_wait3A_123 : memref<64x128xf32, #tpu.memory_space<vmem>>)
    %dma_wait3A_130 = arith.constant 38 : i32
    %dma_wait3A_131 = arith.constant 64 : i32
    %dma_wait3A_132 = arith.constant 0 : i32
    %dma_wait3A_133 = tpu.memref_slice %arg10[%dma_wait3A_131, %dma_wait3A_132] : memref<128x128xf32, #tpu.memory_space<vmem>> -> memref<64x128xf32, #tpu.memory_space<vmem>>
    %dma_wait3A_134 = arith.constant 64 : i32
    %dma_wait3A_135 = tpu.memref_slice %arg7[%dma_wait3A_130, %dma_wait3A_134] : memref<40x128xi32, #tpu.memory_space<vmem>> -> memref<1x64xi32, #tpu.memory_space<vmem>>
    %dma_wait3A_136 = tpu.memref_squeeze %dma_wait3A_135 : memref<1x64xi32, #tpu.memory_space<vmem>> -> memref<64xi32, #tpu.memory_space<vmem>>
    %dma_wait3A_137 = arith.constant 0 : i32
    %dma_wait3A_138 = arith.constant 0 : i32
    %dma_wait3A_139 = tpu.memref_slice %arg2[%dma_wait3A_137, %dma_wait3A_138] : memref<40960x128xf32, #tpu.memory_space<hbm>> -> memref<40960x128xf32, #tpu.memory_space<hbm>>
    tpu.wait_indirect_dma semaphore(%arg14 : memref<!tpu.dma_semaphore, #tpu.memory_space<semaphore_mem>>) src(%dma_wait3A_139 : memref<40960x128xf32, #tpu.memory_space<hbm>>) dst(%dma_wait3A_133 : memref<64x128xf32, #tpu.memory_space<vmem>>)
    %run_scoped3A = arith.constant 38 : i32
    "tpu.region"() ({
      %run_scoped3A_350 = tpu.sem_alloc : memref<!tpu.dma_semaphore, #tpu.memory_space<semaphore_mem>>
      %dma_start3A_351 = arith.constant 0 : i32
      %dma_start3A_352 = tpu.memref_slice %arg9[%run_scoped3A, %dma_start3A_351] : memref<40x128xi32, #tpu.memory_space<vmem>> -> memref<1x128xi32, #tpu.memory_space<vmem>>
      %dma_start3A_353 = tpu.memref_squeeze %dma_start3A_352 : memref<1x128xi32, #tpu.memory_space<vmem>> -> memref<128xi32, #tpu.memory_space<vmem>>
      %dma_start3A_354 = arith.constant 0 : i32
      %dma_start3A_355 = arith.constant 0 : i32
      %dma_start3A_356 = tpu.memref_slice %arg12[%dma_start3A_354, %dma_start3A_355] : memref<10240x128xf32, #tpu.memory_space<vmem_shared>> -> memref<10240x128xf32, #tpu.memory_space<vmem_shared>>
      tpu.enqueue_indirect_dma source(%arg10 : memref<128x128xf32, #tpu.memory_space<vmem>>) target(%dma_start3A_356 : memref<10240x128xf32, #tpu.memory_space<vmem_shared>>) offsets(%dma_start3A_353 : memref<128xi32, #tpu.memory_space<vmem>>) semaphore(%run_scoped3A_350 : memref<!tpu.dma_semaphore, #tpu.memory_space<semaphore_mem>>) {add = true}
      %dma_wait3A_357 = arith.constant 0 : i32
      %dma_wait3A_358 = tpu.memref_slice %arg9[%run_scoped3A, %dma_wait3A_357] : memref<40x128xi32, #tpu.memory_space<vmem>> -> memref<1x128xi32, #tpu.memory_space<vmem>>
      %dma_wait3A_359 = tpu.memref_squeeze %dma_wait3A_358 : memref<1x128xi32, #tpu.memory_space<vmem>> -> memref<128xi32, #tpu.memory_space<vmem>>
      %dma_wait3A_360 = arith.constant 0 : i32
      %dma_wait3A_361 = arith.constant 0 : i32
      %dma_wait3A_362 = tpu.memref_slice %arg12[%dma_wait3A_360, %dma_wait3A_361] : memref<10240x128xf32, #tpu.memory_space<vmem_shared>> -> memref<10240x128xf32, #tpu.memory_space<vmem_shared>>
      tpu.wait_indirect_dma semaphore(%run_scoped3A_350 : memref<!tpu.dma_semaphore, #tpu.memory_space<semaphore_mem>>) src(%arg10 : memref<128x128xf32, #tpu.memory_space<vmem>>) dst(%dma_wait3A_362 : memref<10240x128xf32, #tpu.memory_space<vmem_shared>>)
      tpu.yield
    }) : () -> ()
    %dma_wait3A_140 = arith.constant 39 : i32
    %dma_wait3A_141 = arith.constant 0 : i32
    %dma_wait3A_142 = arith.constant 0 : i32
    %dma_wait3A_143 = tpu.memref_slice %arg11[%dma_wait3A_141, %dma_wait3A_142] : memref<128x128xf32, #tpu.memory_space<vmem>> -> memref<64x128xf32, #tpu.memory_space<vmem>>
    %dma_wait3A_144 = arith.constant 0 : i32
    %dma_wait3A_145 = tpu.memref_slice %arg7[%dma_wait3A_140, %dma_wait3A_144] : memref<40x128xi32, #tpu.memory_space<vmem>> -> memref<1x64xi32, #tpu.memory_space<vmem>>
    %dma_wait3A_146 = tpu.memref_squeeze %dma_wait3A_145 : memref<1x64xi32, #tpu.memory_space<vmem>> -> memref<64xi32, #tpu.memory_space<vmem>>
    %dma_wait3A_147 = arith.constant 0 : i32
    %dma_wait3A_148 = arith.constant 0 : i32
    %dma_wait3A_149 = tpu.memref_slice %arg2[%dma_wait3A_147, %dma_wait3A_148] : memref<40960x128xf32, #tpu.memory_space<hbm>> -> memref<40960x128xf32, #tpu.memory_space<hbm>>
    tpu.wait_indirect_dma semaphore(%arg15 : memref<!tpu.dma_semaphore, #tpu.memory_space<semaphore_mem>>) src(%dma_wait3A_149 : memref<40960x128xf32, #tpu.memory_space<hbm>>) dst(%dma_wait3A_143 : memref<64x128xf32, #tpu.memory_space<vmem>>)
    %dma_wait3A_150 = arith.constant 39 : i32
    %dma_wait3A_151 = arith.constant 64 : i32
    %dma_wait3A_152 = arith.constant 0 : i32
    %dma_wait3A_153 = tpu.memref_slice %arg11[%dma_wait3A_151, %dma_wait3A_152] : memref<128x128xf32, #tpu.memory_space<vmem>> -> memref<64x128xf32, #tpu.memory_space<vmem>>
    %dma_wait3A_154 = arith.constant 64 : i32
    %dma_wait3A_155 = tpu.memref_slice %arg7[%dma_wait3A_150, %dma_wait3A_154] : memref<40x128xi32, #tpu.memory_space<vmem>> -> memref<1x64xi32, #tpu.memory_space<vmem>>
    %dma_wait3A_156 = tpu.memref_squeeze %dma_wait3A_155 : memref<1x64xi32, #tpu.memory_space<vmem>> -> memref<64xi32, #tpu.memory_space<vmem>>
    %dma_wait3A_157 = arith.constant 0 : i32
    %dma_wait3A_158 = arith.constant 0 : i32
    %dma_wait3A_159 = tpu.memref_slice %arg2[%dma_wait3A_157, %dma_wait3A_158] : memref<40960x128xf32, #tpu.memory_space<hbm>> -> memref<40960x128xf32, #tpu.memory_space<hbm>>
    tpu.wait_indirect_dma semaphore(%arg16 : memref<!tpu.dma_semaphore, #tpu.memory_space<semaphore_mem>>) src(%dma_wait3A_159 : memref<40960x128xf32, #tpu.memory_space<hbm>>) dst(%dma_wait3A_153 : memref<64x128xf32, #tpu.memory_space<vmem>>)
    %run_scoped3A_160 = arith.constant 39 : i32
    "tpu.region"() ({
      %run_scoped3A_350 = tpu.sem_alloc : memref<!tpu.dma_semaphore, #tpu.memory_space<semaphore_mem>>
      %dma_start3A_351 = arith.constant 0 : i32
      %dma_start3A_352 = tpu.memref_slice %arg9[%run_scoped3A_160, %dma_start3A_351] : memref<40x128xi32, #tpu.memory_space<vmem>> -> memref<1x128xi32, #tpu.memory_space<vmem>>
      %dma_start3A_353 = tpu.memref_squeeze %dma_start3A_352 : memref<1x128xi32, #tpu.memory_space<vmem>> -> memref<128xi32, #tpu.memory_space<vmem>>
      %dma_start3A_354 = arith.constant 0 : i32
      %dma_start3A_355 = arith.constant 0 : i32
      %dma_start3A_356 = tpu.memref_slice %arg12[%dma_start3A_354, %dma_start3A_355] : memref<10240x128xf32, #tpu.memory_space<vmem_shared>> -> memref<10240x128xf32, #tpu.memory_space<vmem_shared>>
      tpu.enqueue_indirect_dma source(%arg11 : memref<128x128xf32, #tpu.memory_space<vmem>>) target(%dma_start3A_356 : memref<10240x128xf32, #tpu.memory_space<vmem_shared>>) offsets(%dma_start3A_353 : memref<128xi32, #tpu.memory_space<vmem>>) semaphore(%run_scoped3A_350 : memref<!tpu.dma_semaphore, #tpu.memory_space<semaphore_mem>>) {add = true}
      %dma_wait3A_357 = arith.constant 0 : i32
      %dma_wait3A_358 = tpu.memref_slice %arg9[%run_scoped3A_160, %dma_wait3A_357] : memref<40x128xi32, #tpu.memory_space<vmem>> -> memref<1x128xi32, #tpu.memory_space<vmem>>
      %dma_wait3A_359 = tpu.memref_squeeze %dma_wait3A_358 : memref<1x128xi32, #tpu.memory_space<vmem>> -> memref<128xi32, #tpu.memory_space<vmem>>
      %dma_wait3A_360 = arith.constant 0 : i32
      %dma_wait3A_361 = arith.constant 0 : i32
      %dma_wait3A_362 = tpu.memref_slice %arg12[%dma_wait3A_360, %dma_wait3A_361] : memref<10240x128xf32, #tpu.memory_space<vmem_shared>> -> memref<10240x128xf32, #tpu.memory_space<vmem_shared>>
      tpu.wait_indirect_dma semaphore(%run_scoped3A_350 : memref<!tpu.dma_semaphore, #tpu.memory_space<semaphore_mem>>) src(%arg11 : memref<128x128xf32, #tpu.memory_space<vmem>>) dst(%dma_wait3A_362 : memref<10240x128xf32, #tpu.memory_space<vmem_shared>>)
      tpu.yield
    }) : () -> ()
    %mul3A_161 = arith.constant 80 : i32
    %mul3A_162 = arith.muli %add3A_63, %mul3A_161 : i32
    %add3A_163 = arith.constant 40 : i32
    %add3A_164 = arith.addi %mul3A_162, %add3A_163 : i32
    "tpu.region"() ({
      %run_scoped3A_350 = tpu.sem_alloc : memref<!tpu.dma_semaphore, #tpu.memory_space<semaphore_mem>>
      %dma_start3A_351 = arith.constant 0 : i32
      %dma_start3A_352 = arith.constant 0 : i32
      %dma_start3A_353 = tpu.memref_slice %arg7[%dma_start3A_351, %dma_start3A_352] : memref<40x128xi32, #tpu.memory_space<vmem>> -> memref<40x128xi32, #tpu.memory_space<vmem>>
      %dma_start3A_354 = arith.constant 0 : i32
      %dma_start3A_355 = tpu.memref_slice %arg3[%add3A_164, %dma_start3A_354] : memref<2560x128xi32, #tpu.memory_space<hbm>> -> memref<40x128xi32, #tpu.memory_space<hbm>>
      %dma_start3A_356 = arith.constant 0 : i32
      %dma_start3A_357 = arith.constant 0 : i32
      %dma_start3A_358 = tpu.memref_slice %arg7[%dma_start3A_356, %dma_start3A_357] : memref<40x128xi32, #tpu.memory_space<vmem>> -> memref<40x128xi32, #tpu.memory_space<vmem>>
      %dma_start3A_359 = arith.constant 0 : i32
      %dma_start3A_360 = tpu.memref_slice %arg3[%add3A_164, %dma_start3A_359] : memref<2560x128xi32, #tpu.memory_space<hbm>> -> memref<40x128xi32, #tpu.memory_space<hbm>>
      tpu.enqueue_dma source(%dma_start3A_360 : memref<40x128xi32, #tpu.memory_space<hbm>>) target(%dma_start3A_358 : memref<40x128xi32, #tpu.memory_space<vmem>>) target_semaphore(%run_scoped3A_350 : memref<!tpu.dma_semaphore, #tpu.memory_space<semaphore_mem>>)
      %dma_wait3A_361 = arith.constant 0 : i32
      %dma_wait3A_362 = arith.constant 0 : i32
      %dma_wait3A_363 = tpu.memref_slice %arg7[%dma_wait3A_361, %dma_wait3A_362] : memref<40x128xi32, #tpu.memory_space<vmem>> -> memref<40x128xi32, #tpu.memory_space<vmem>>
      %dma_wait3A_364 = arith.constant 0 : i32
      %dma_wait3A_365 = tpu.memref_slice %arg3[%add3A_164, %dma_wait3A_364] : memref<2560x128xi32, #tpu.memory_space<hbm>> -> memref<40x128xi32, #tpu.memory_space<hbm>>
      %dma_wait3A_366 = arith.constant 0 : i32
      %dma_wait3A_367 = arith.constant 0 : i32
      %dma_wait3A_368 = tpu.memref_slice %arg7[%dma_wait3A_366, %dma_wait3A_367] : memref<40x128xi32, #tpu.memory_space<vmem>> -> memref<40x128xi32, #tpu.memory_space<vmem>>
      %dma_wait3A_369 = arith.constant 0 : i32
      %dma_wait3A_370 = tpu.memref_slice %arg3[%add3A_164, %dma_wait3A_369] : memref<2560x128xi32, #tpu.memory_space<hbm>> -> memref<40x128xi32, #tpu.memory_space<hbm>>
      tpu.wait_dma2 semaphore(%run_scoped3A_350 : memref<!tpu.dma_semaphore, #tpu.memory_space<semaphore_mem>>) src(%dma_wait3A_370 : memref<40x128xi32, #tpu.memory_space<hbm>>) dst(%dma_wait3A_368 : memref<40x128xi32, #tpu.memory_space<vmem>>)
      tpu.yield
    }) : () -> ()
    "tpu.region"() ({
      %run_scoped3A_350 = tpu.sem_alloc : memref<!tpu.dma_semaphore, #tpu.memory_space<semaphore_mem>>
      %dma_start3A_351 = arith.constant 0 : i32
      %dma_start3A_352 = arith.constant 0 : i32
      %dma_start3A_353 = tpu.memref_slice %arg8[%dma_start3A_351, %dma_start3A_352] : memref<40x128xi32, #tpu.memory_space<vmem>> -> memref<40x128xi32, #tpu.memory_space<vmem>>
      %dma_start3A_354 = arith.constant 0 : i32
      %dma_start3A_355 = tpu.memref_slice %arg4[%add3A_164, %dma_start3A_354] : memref<2560x128xi32, #tpu.memory_space<hbm>> -> memref<40x128xi32, #tpu.memory_space<hbm>>
      %dma_start3A_356 = arith.constant 0 : i32
      %dma_start3A_357 = arith.constant 0 : i32
      %dma_start3A_358 = tpu.memref_slice %arg8[%dma_start3A_356, %dma_start3A_357] : memref<40x128xi32, #tpu.memory_space<vmem>> -> memref<40x128xi32, #tpu.memory_space<vmem>>
      %dma_start3A_359 = arith.constant 0 : i32
      %dma_start3A_360 = tpu.memref_slice %arg4[%add3A_164, %dma_start3A_359] : memref<2560x128xi32, #tpu.memory_space<hbm>> -> memref<40x128xi32, #tpu.memory_space<hbm>>
      tpu.enqueue_dma source(%dma_start3A_360 : memref<40x128xi32, #tpu.memory_space<hbm>>) target(%dma_start3A_358 : memref<40x128xi32, #tpu.memory_space<vmem>>) target_semaphore(%run_scoped3A_350 : memref<!tpu.dma_semaphore, #tpu.memory_space<semaphore_mem>>)
      %dma_wait3A_361 = arith.constant 0 : i32
      %dma_wait3A_362 = arith.constant 0 : i32
      %dma_wait3A_363 = tpu.memref_slice %arg8[%dma_wait3A_361, %dma_wait3A_362] : memref<40x128xi32, #tpu.memory_space<vmem>> -> memref<40x128xi32, #tpu.memory_space<vmem>>
      %dma_wait3A_364 = arith.constant 0 : i32
      %dma_wait3A_365 = tpu.memref_slice %arg4[%add3A_164, %dma_wait3A_364] : memref<2560x128xi32, #tpu.memory_space<hbm>> -> memref<40x128xi32, #tpu.memory_space<hbm>>
      %dma_wait3A_366 = arith.constant 0 : i32
      %dma_wait3A_367 = arith.constant 0 : i32
      %dma_wait3A_368 = tpu.memref_slice %arg8[%dma_wait3A_366, %dma_wait3A_367] : memref<40x128xi32, #tpu.memory_space<vmem>> -> memref<40x128xi32, #tpu.memory_space<vmem>>
      %dma_wait3A_369 = arith.constant 0 : i32
      %dma_wait3A_370 = tpu.memref_slice %arg4[%add3A_164, %dma_wait3A_369] : memref<2560x128xi32, #tpu.memory_space<hbm>> -> memref<40x128xi32, #tpu.memory_space<hbm>>
      tpu.wait_dma2 semaphore(%run_scoped3A_350 : memref<!tpu.dma_semaphore, #tpu.memory_space<semaphore_mem>>) src(%dma_wait3A_370 : memref<40x128xi32, #tpu.memory_space<hbm>>) dst(%dma_wait3A_368 : memref<40x128xi32, #tpu.memory_space<vmem>>)
      tpu.yield
    }) : () -> ()
    "tpu.region"() ({
      %run_scoped3A_350 = tpu.sem_alloc : memref<!tpu.dma_semaphore, #tpu.memory_space<semaphore_mem>>
      %dma_start3A_351 = arith.constant 0 : i32
      %dma_start3A_352 = arith.constant 0 : i32
      %dma_start3A_353 = tpu.memref_slice %arg9[%dma_start3A_351, %dma_start3A_352] : memref<40x128xi32, #tpu.memory_space<vmem>> -> memref<40x128xi32, #tpu.memory_space<vmem>>
      %dma_start3A_354 = arith.constant 0 : i32
      %dma_start3A_355 = tpu.memref_slice %arg5[%add3A_164, %dma_start3A_354] : memref<2560x128xi32, #tpu.memory_space<hbm>> -> memref<40x128xi32, #tpu.memory_space<hbm>>
      %dma_start3A_356 = arith.constant 0 : i32
      %dma_start3A_357 = arith.constant 0 : i32
      %dma_start3A_358 = tpu.memref_slice %arg9[%dma_start3A_356, %dma_start3A_357] : memref<40x128xi32, #tpu.memory_space<vmem>> -> memref<40x128xi32, #tpu.memory_space<vmem>>
      %dma_start3A_359 = arith.constant 0 : i32
      %dma_start3A_360 = tpu.memref_slice %arg5[%add3A_164, %dma_start3A_359] : memref<2560x128xi32, #tpu.memory_space<hbm>> -> memref<40x128xi32, #tpu.memory_space<hbm>>
      tpu.enqueue_dma source(%dma_start3A_360 : memref<40x128xi32, #tpu.memory_space<hbm>>) target(%dma_start3A_358 : memref<40x128xi32, #tpu.memory_space<vmem>>) target_semaphore(%run_scoped3A_350 : memref<!tpu.dma_semaphore, #tpu.memory_space<semaphore_mem>>)
      %dma_wait3A_361 = arith.constant 0 : i32
      %dma_wait3A_362 = arith.constant 0 : i32
      %dma_wait3A_363 = tpu.memref_slice %arg9[%dma_wait3A_361, %dma_wait3A_362] : memref<40x128xi32, #tpu.memory_space<vmem>> -> memref<40x128xi32, #tpu.memory_space<vmem>>
      %dma_wait3A_364 = arith.constant 0 : i32
      %dma_wait3A_365 = tpu.memref_slice %arg5[%add3A_164, %dma_wait3A_364] : memref<2560x128xi32, #tpu.memory_space<hbm>> -> memref<40x128xi32, #tpu.memory_space<hbm>>
      %dma_wait3A_366 = arith.constant 0 : i32
      %dma_wait3A_367 = arith.constant 0 : i32
      %dma_wait3A_368 = tpu.memref_slice %arg9[%dma_wait3A_366, %dma_wait3A_367] : memref<40x128xi32, #tpu.memory_space<vmem>> -> memref<40x128xi32, #tpu.memory_space<vmem>>
      %dma_wait3A_369 = arith.constant 0 : i32
      %dma_wait3A_370 = tpu.memref_slice %arg5[%add3A_164, %dma_wait3A_369] : memref<2560x128xi32, #tpu.memory_space<hbm>> -> memref<40x128xi32, #tpu.memory_space<hbm>>
      tpu.wait_dma2 semaphore(%run_scoped3A_350 : memref<!tpu.dma_semaphore, #tpu.memory_space<semaphore_mem>>) src(%dma_wait3A_370 : memref<40x128xi32, #tpu.memory_space<hbm>>) dst(%dma_wait3A_368 : memref<40x128xi32, #tpu.memory_space<vmem>>)
      tpu.yield
    }) : () -> ()
    %scan3A_165 = arith.constant 0 : i32
    %scan3A_166 = arith.constant 0 : i32
    %scan3A_167 = arith.constant 40 : i32
    %scan3A_168 = arith.addi %scan3A_166, %scan3A_167 : i32
    %scan3A_169 = arith.constant 1 : i32
    scf.for %scan3A_350 = %scan3A_166 to %scan3A_168 step %scan3A_169  : i32 {
      %get3A = arith.index_cast %scan3A_350 : i32 to index
      %get3A_351 = arith.constant 0 : index
      %get3A_352 = tpu.vector_load %arg7[%get3A, %get3A_351] {strides = array<i32>} : memref<40x128xi32, #tpu.memory_space<vmem>>, vector<1x16xi32>,
      %get3A_353 = vector.shape_cast %get3A_352 : vector<1x16xi32> to vector<16xi32>
      %get3A_354 = arith.index_cast %scan3A_350 : i32 to index
      %get3A_355 = arith.constant 0 : index
      %get3A_356 = tpu.vector_load %arg8[%get3A_354, %get3A_355] {strides = array<i32>} : memref<40x128xi32, #tpu.memory_space<vmem>>, vector<1x16xi32>,
      %get3A_357 = vector.shape_cast %get3A_356 : vector<1x16xi32> to vector<16xi32>
      %mul3A_358 = arith.constant 10240 : i32
      %mul3A_359 = vector.broadcast %mul3A_358 : i32 to vector<16xi32>
      %mul3A_360 = arith.muli %get3A_357, %mul3A_359 : vector<16xi32>
      %add3A_361 = arith.addi %mul3A_360, %get3A_353 : vector<16xi32>
      %swap3A = arith.index_cast %scan3A_350 : i32 to index
      %swap3A_362 = arith.constant 0 : index
      %swap3A_363 = tpu.vector_load %arg7[%swap3A, %swap3A_362] {strides = array<i32>} : memref<40x128xi32, #tpu.memory_space<vmem>>, vector<1x16xi32>,
      %swap3A_364 = vector.shape_cast %swap3A_363 : vector<1x16xi32> to vector<16xi32>
      %swap3A_365 = vector.shape_cast %add3A_361 : vector<16xi32> to vector<1x16xi32>
      tpu.vector_store %arg7[%swap3A, %swap3A_362], %swap3A_365 {strides = array<i32>} : memref<40x128xi32, #tpu.memory_space<vmem>>, vector<1x16xi32>,
      %get3A_366 = arith.index_cast %scan3A_350 : i32 to index
      %get3A_367 = arith.constant 16 : index
      %get3A_368 = tpu.vector_load %arg7[%get3A_366, %get3A_367] {strides = array<i32>} : memref<40x128xi32, #tpu.memory_space<vmem>>, vector<1x16xi32>,
      %get3A_369 = vector.shape_cast %get3A_368 : vector<1x16xi32> to vector<16xi32>
      %get3A_370 = arith.index_cast %scan3A_350 : i32 to index
      %get3A_371 = arith.constant 16 : index
      %get3A_372 = tpu.vector_load %arg8[%get3A_370, %get3A_371] {strides = array<i32>} : memref<40x128xi32, #tpu.memory_space<vmem>>, vector<1x16xi32>,
      %get3A_373 = vector.shape_cast %get3A_372 : vector<1x16xi32> to vector<16xi32>
      %mul3A_374 = arith.constant 10240 : i32
      %mul3A_375 = vector.broadcast %mul3A_374 : i32 to vector<16xi32>
      %mul3A_376 = arith.muli %get3A_373, %mul3A_375 : vector<16xi32>
      %add3A_377 = arith.addi %mul3A_376, %get3A_369 : vector<16xi32>
      %swap3A_378 = arith.index_cast %scan3A_350 : i32 to index
      %swap3A_379 = arith.constant 16 : index
      %swap3A_380 = tpu.vector_load %arg7[%swap3A_378, %swap3A_379] {strides = array<i32>} : memref<40x128xi32, #tpu.memory_space<vmem>>, vector<1x16xi32>,
      %swap3A_381 = vector.shape_cast %swap3A_380 : vector<1x16xi32> to vector<16xi32>
      %swap3A_382 = vector.shape_cast %add3A_377 : vector<16xi32> to vector<1x16xi32>
      tpu.vector_store %arg7[%swap3A_378, %swap3A_379], %swap3A_382 {strides = array<i32>} : memref<40x128xi32, #tpu.memory_space<vmem>>, vector<1x16xi32>,
      %get3A_383 = arith.index_cast %scan3A_350 : i32 to index
      %get3A_384 = arith.constant 32 : index
      %get3A_385 = tpu.vector_load %arg7[%get3A_383, %get3A_384] {strides = array<i32>} : memref<40x128xi32, #tpu.memory_space<vmem>>, vector<1x16xi32>,
      %get3A_386 = vector.shape_cast %get3A_385 : vector<1x16xi32> to vector<16xi32>
      %get3A_387 = arith.index_cast %scan3A_350 : i32 to index
      %get3A_388 = arith.constant 32 : index
      %get3A_389 = tpu.vector_load %arg8[%get3A_387, %get3A_388] {strides = array<i32>} : memref<40x128xi32, #tpu.memory_space<vmem>>, vector<1x16xi32>,
      %get3A_390 = vector.shape_cast %get3A_389 : vector<1x16xi32> to vector<16xi32>
      %mul3A_391 = arith.constant 10240 : i32
      %mul3A_392 = vector.broadcast %mul3A_391 : i32 to vector<16xi32>
      %mul3A_393 = arith.muli %get3A_390, %mul3A_392 : vector<16xi32>
      %add3A_394 = arith.addi %mul3A_393, %get3A_386 : vector<16xi32>
      %swap3A_395 = arith.index_cast %scan3A_350 : i32 to index
      %swap3A_396 = arith.constant 32 : index
      %swap3A_397 = tpu.vector_load %arg7[%swap3A_395, %swap3A_396] {strides = array<i32>} : memref<40x128xi32, #tpu.memory_space<vmem>>, vector<1x16xi32>,
      %swap3A_398 = vector.shape_cast %swap3A_397 : vector<1x16xi32> to vector<16xi32>
      %swap3A_399 = vector.shape_cast %add3A_394 : vector<16xi32> to vector<1x16xi32>
      tpu.vector_store %arg7[%swap3A_395, %swap3A_396], %swap3A_399 {strides = array<i32>} : memref<40x128xi32, #tpu.memory_space<vmem>>, vector<1x16xi32>,
      %get3A_400 = arith.index_cast %scan3A_350 : i32 to index
      %get3A_401 = arith.constant 48 : index
      %get3A_402 = tpu.vector_load %arg7[%get3A_400, %get3A_401] {strides = array<i32>} : memref<40x128xi32, #tpu.memory_space<vmem>>, vector<1x16xi32>,
      %get3A_403 = vector.shape_cast %get3A_402 : vector<1x16xi32> to vector<16xi32>
      %get3A_404 = arith.index_cast %scan3A_350 : i32 to index
      %get3A_405 = arith.constant 48 : index
      %get3A_406 = tpu.vector_load %arg8[%get3A_404, %get3A_405] {strides = array<i32>} : memref<40x128xi32, #tpu.memory_space<vmem>>, vector<1x16xi32>,
      %get3A_407 = vector.shape_cast %get3A_406 : vector<1x16xi32> to vector<16xi32>
      %mul3A_408 = arith.constant 10240 : i32
      %mul3A_409 = vector.broadcast %mul3A_408 : i32 to vector<16xi32>
      %mul3A_410 = arith.muli %get3A_407, %mul3A_409 : vector<16xi32>
      %add3A_411 = arith.addi %mul3A_410, %get3A_403 : vector<16xi32>
      %swap3A_412 = arith.index_cast %scan3A_350 : i32 to index
      %swap3A_413 = arith.constant 48 : index
      %swap3A_414 = tpu.vector_load %arg7[%swap3A_412, %swap3A_413] {strides = array<i32>} : memref<40x128xi32, #tpu.memory_space<vmem>>, vector<1x16xi32>,
      %swap3A_415 = vector.shape_cast %swap3A_414 : vector<1x16xi32> to vector<16xi32>
      %swap3A_416 = vector.shape_cast %add3A_411 : vector<16xi32> to vector<1x16xi32>
      tpu.vector_store %arg7[%swap3A_412, %swap3A_413], %swap3A_416 {strides = array<i32>} : memref<40x128xi32, #tpu.memory_space<vmem>>, vector<1x16xi32>,
      %get3A_417 = arith.index_cast %scan3A_350 : i32 to index
      %get3A_418 = arith.constant 64 : index
      %get3A_419 = tpu.vector_load %arg7[%get3A_417, %get3A_418] {strides = array<i32>} : memref<40x128xi32, #tpu.memory_space<vmem>>, vector<1x16xi32>,
      %get3A_420 = vector.shape_cast %get3A_419 : vector<1x16xi32> to vector<16xi32>
      %get3A_421 = arith.index_cast %scan3A_350 : i32 to index
      %get3A_422 = arith.constant 64 : index
      %get3A_423 = tpu.vector_load %arg8[%get3A_421, %get3A_422] {strides = array<i32>} : memref<40x128xi32, #tpu.memory_space<vmem>>, vector<1x16xi32>,
      %get3A_424 = vector.shape_cast %get3A_423 : vector<1x16xi32> to vector<16xi32>
      %mul3A_425 = arith.constant 10240 : i32
      %mul3A_426 = vector.broadcast %mul3A_425 : i32 to vector<16xi32>
      %mul3A_427 = arith.muli %get3A_424, %mul3A_426 : vector<16xi32>
      %add3A_428 = arith.addi %mul3A_427, %get3A_420 : vector<16xi32>
      %swap3A_429 = arith.index_cast %scan3A_350 : i32 to index
      %swap3A_430 = arith.constant 64 : index
      %swap3A_431 = tpu.vector_load %arg7[%swap3A_429, %swap3A_430] {strides = array<i32>} : memref<40x128xi32, #tpu.memory_space<vmem>>, vector<1x16xi32>,
      %swap3A_432 = vector.shape_cast %swap3A_431 : vector<1x16xi32> to vector<16xi32>
      %swap3A_433 = vector.shape_cast %add3A_428 : vector<16xi32> to vector<1x16xi32>
      tpu.vector_store %arg7[%swap3A_429, %swap3A_430], %swap3A_433 {strides = array<i32>} : memref<40x128xi32, #tpu.memory_space<vmem>>, vector<1x16xi32>,
      %get3A_434 = arith.index_cast %scan3A_350 : i32 to index
      %get3A_435 = arith.constant 80 : index
      %get3A_436 = tpu.vector_load %arg7[%get3A_434, %get3A_435] {strides = array<i32>} : memref<40x128xi32, #tpu.memory_space<vmem>>, vector<1x16xi32>,
      %get3A_437 = vector.shape_cast %get3A_436 : vector<1x16xi32> to vector<16xi32>
      %get3A_438 = arith.index_cast %scan3A_350 : i32 to index
      %get3A_439 = arith.constant 80 : index
      %get3A_440 = tpu.vector_load %arg8[%get3A_438, %get3A_439] {strides = array<i32>} : memref<40x128xi32, #tpu.memory_space<vmem>>, vector<1x16xi32>,
      %get3A_441 = vector.shape_cast %get3A_440 : vector<1x16xi32> to vector<16xi32>
      %mul3A_442 = arith.constant 10240 : i32
      %mul3A_443 = vector.broadcast %mul3A_442 : i32 to vector<16xi32>
      %mul3A_444 = arith.muli %get3A_441, %mul3A_443 : vector<16xi32>
      %add3A_445 = arith.addi %mul3A_444, %get3A_437 : vector<16xi32>
      %swap3A_446 = arith.index_cast %scan3A_350 : i32 to index
      %swap3A_447 = arith.constant 80 : index
      %swap3A_448 = tpu.vector_load %arg7[%swap3A_446, %swap3A_447] {strides = array<i32>} : memref<40x128xi32, #tpu.memory_space<vmem>>, vector<1x16xi32>,
      %swap3A_449 = vector.shape_cast %swap3A_448 : vector<1x16xi32> to vector<16xi32>
      %swap3A_450 = vector.shape_cast %add3A_445 : vector<16xi32> to vector<1x16xi32>
      tpu.vector_store %arg7[%swap3A_446, %swap3A_447], %swap3A_450 {strides = array<i32>} : memref<40x128xi32, #tpu.memory_space<vmem>>, vector<1x16xi32>,
      %get3A_451 = arith.index_cast %scan3A_350 : i32 to index
      %get3A_452 = arith.constant 96 : index
      %get3A_453 = tpu.vector_load %arg7[%get3A_451, %get3A_452] {strides = array<i32>} : memref<40x128xi32, #tpu.memory_space<vmem>>, vector<1x16xi32>,
      %get3A_454 = vector.shape_cast %get3A_453 : vector<1x16xi32> to vector<16xi32>
      %get3A_455 = arith.index_cast %scan3A_350 : i32 to index
      %get3A_456 = arith.constant 96 : index
      %get3A_457 = tpu.vector_load %arg8[%get3A_455, %get3A_456] {strides = array<i32>} : memref<40x128xi32, #tpu.memory_space<vmem>>, vector<1x16xi32>,
      %get3A_458 = vector.shape_cast %get3A_457 : vector<1x16xi32> to vector<16xi32>
      %mul3A_459 = arith.constant 10240 : i32
      %mul3A_460 = vector.broadcast %mul3A_459 : i32 to vector<16xi32>
      %mul3A_461 = arith.muli %get3A_458, %mul3A_460 : vector<16xi32>
      %add3A_462 = arith.addi %mul3A_461, %get3A_454 : vector<16xi32>
      %swap3A_463 = arith.index_cast %scan3A_350 : i32 to index
      %swap3A_464 = arith.constant 96 : index
      %swap3A_465 = tpu.vector_load %arg7[%swap3A_463, %swap3A_464] {strides = array<i32>} : memref<40x128xi32, #tpu.memory_space<vmem>>, vector<1x16xi32>,
      %swap3A_466 = vector.shape_cast %swap3A_465 : vector<1x16xi32> to vector<16xi32>
      %swap3A_467 = vector.shape_cast %add3A_462 : vector<16xi32> to vector<1x16xi32>
      tpu.vector_store %arg7[%swap3A_463, %swap3A_464], %swap3A_467 {strides = array<i32>} : memref<40x128xi32, #tpu.memory_space<vmem>>, vector<1x16xi32>,
      %get3A_468 = arith.index_cast %scan3A_350 : i32 to index
      %get3A_469 = arith.constant 112 : index
      %get3A_470 = tpu.vector_load %arg7[%get3A_468, %get3A_469] {strides = array<i32>} : memref<40x128xi32, #tpu.memory_space<vmem>>, vector<1x16xi32>,
      %get3A_471 = vector.shape_cast %get3A_470 : vector<1x16xi32> to vector<16xi32>
      %get3A_472 = arith.index_cast %scan3A_350 : i32 to index
      %get3A_473 = arith.constant 112 : index
      %get3A_474 = tpu.vector_load %arg8[%get3A_472, %get3A_473] {strides = array<i32>} : memref<40x128xi32, #tpu.memory_space<vmem>>, vector<1x16xi32>,
      %get3A_475 = vector.shape_cast %get3A_474 : vector<1x16xi32> to vector<16xi32>
      %mul3A_476 = arith.constant 10240 : i32
      %mul3A_477 = vector.broadcast %mul3A_476 : i32 to vector<16xi32>
      %mul3A_478 = arith.muli %get3A_475, %mul3A_477 : vector<16xi32>
      %add3A_479 = arith.addi %mul3A_478, %get3A_471 : vector<16xi32>
      %swap3A_480 = arith.index_cast %scan3A_350 : i32 to index
      %swap3A_481 = arith.constant 112 : index
      %swap3A_482 = tpu.vector_load %arg7[%swap3A_480, %swap3A_481] {strides = array<i32>} : memref<40x128xi32, #tpu.memory_space<vmem>>, vector<1x16xi32>,
      %swap3A_483 = vector.shape_cast %swap3A_482 : vector<1x16xi32> to vector<16xi32>
      %swap3A_484 = vector.shape_cast %add3A_479 : vector<16xi32> to vector<1x16xi32>
      tpu.vector_store %arg7[%swap3A_480, %swap3A_481], %swap3A_484 {strides = array<i32>} : memref<40x128xi32, #tpu.memory_space<vmem>>, vector<1x16xi32>,
    }
    %scan3A_170 = arith.constant 40 : i32
    %dma_start3A_171 = arith.constant 0 : i32
    %dma_start3A_172 = arith.constant 0 : i32
    %dma_start3A_173 = arith.constant 0 : i32
    %dma_start3A_174 = tpu.memref_slice %arg10[%dma_start3A_172, %dma_start3A_173] : memref<128x128xf32, #tpu.memory_space<vmem>> -> memref<64x128xf32, #tpu.memory_space<vmem>>
    %dma_start3A_175 = arith.constant 0 : i32
    %dma_start3A_176 = tpu.memref_slice %arg7[%dma_start3A_171, %dma_start3A_175] : memref<40x128xi32, #tpu.memory_space<vmem>> -> memref<1x64xi32, #tpu.memory_space<vmem>>
    %dma_start3A_177 = tpu.memref_squeeze %dma_start3A_176 : memref<1x64xi32, #tpu.memory_space<vmem>> -> memref<64xi32, #tpu.memory_space<vmem>>
    %dma_start3A_178 = arith.constant 0 : i32
    %dma_start3A_179 = arith.constant 0 : i32
    %dma_start3A_180 = tpu.memref_slice %arg2[%dma_start3A_178, %dma_start3A_179] : memref<40960x128xf32, #tpu.memory_space<hbm>> -> memref<40960x128xf32, #tpu.memory_space<hbm>>
    tpu.enqueue_indirect_dma source(%dma_start3A_180 : memref<40960x128xf32, #tpu.memory_space<hbm>>) target(%dma_start3A_174 : memref<64x128xf32, #tpu.memory_space<vmem>>) offsets(%dma_start3A_177 : memref<64xi32, #tpu.memory_space<vmem>>) semaphore(%arg13 : memref<!tpu.dma_semaphore, #tpu.memory_space<semaphore_mem>>)
    %dma_start3A_181 = arith.constant 0 : i32
    %dma_start3A_182 = arith.constant 64 : i32
    %dma_start3A_183 = arith.constant 0 : i32
    %dma_start3A_184 = tpu.memref_slice %arg10[%dma_start3A_182, %dma_start3A_183] : memref<128x128xf32, #tpu.memory_space<vmem>> -> memref<64x128xf32, #tpu.memory_space<vmem>>
    %dma_start3A_185 = arith.constant 64 : i32
    %dma_start3A_186 = tpu.memref_slice %arg7[%dma_start3A_181, %dma_start3A_185] : memref<40x128xi32, #tpu.memory_space<vmem>> -> memref<1x64xi32, #tpu.memory_space<vmem>>
    %dma_start3A_187 = tpu.memref_squeeze %dma_start3A_186 : memref<1x64xi32, #tpu.memory_space<vmem>> -> memref<64xi32, #tpu.memory_space<vmem>>
    %dma_start3A_188 = arith.constant 0 : i32
    %dma_start3A_189 = arith.constant 0 : i32
    %dma_start3A_190 = tpu.memref_slice %arg2[%dma_start3A_188, %dma_start3A_189] : memref<40960x128xf32, #tpu.memory_space<hbm>> -> memref<40960x128xf32, #tpu.memory_space<hbm>>
    tpu.enqueue_indirect_dma source(%dma_start3A_190 : memref<40960x128xf32, #tpu.memory_space<hbm>>) target(%dma_start3A_184 : memref<64x128xf32, #tpu.memory_space<vmem>>) offsets(%dma_start3A_187 : memref<64xi32, #tpu.memory_space<vmem>>) semaphore(%arg14 : memref<!tpu.dma_semaphore, #tpu.memory_space<semaphore_mem>>)
    %dma_start3A_191 = arith.constant 1 : i32
    %dma_start3A_192 = arith.constant 0 : i32
    %dma_start3A_193 = arith.constant 0 : i32
    %dma_start3A_194 = tpu.memref_slice %arg11[%dma_start3A_192, %dma_start3A_193] : memref<128x128xf32, #tpu.memory_space<vmem>> -> memref<64x128xf32, #tpu.memory_space<vmem>>
    %dma_start3A_195 = arith.constant 0 : i32
    %dma_start3A_196 = tpu.memref_slice %arg7[%dma_start3A_191, %dma_start3A_195] : memref<40x128xi32, #tpu.memory_space<vmem>> -> memref<1x64xi32, #tpu.memory_space<vmem>>
    %dma_start3A_197 = tpu.memref_squeeze %dma_start3A_196 : memref<1x64xi32, #tpu.memory_space<vmem>> -> memref<64xi32, #tpu.memory_space<vmem>>
    %dma_start3A_198 = arith.constant 0 : i32
    %dma_start3A_199 = arith.constant 0 : i32
    %dma_start3A_200 = tpu.memref_slice %arg2[%dma_start3A_198, %dma_start3A_199] : memref<40960x128xf32, #tpu.memory_space<hbm>> -> memref<40960x128xf32, #tpu.memory_space<hbm>>
    tpu.enqueue_indirect_dma source(%dma_start3A_200 : memref<40960x128xf32, #tpu.memory_space<hbm>>) target(%dma_start3A_194 : memref<64x128xf32, #tpu.memory_space<vmem>>) offsets(%dma_start3A_197 : memref<64xi32, #tpu.memory_space<vmem>>) semaphore(%arg15 : memref<!tpu.dma_semaphore, #tpu.memory_space<semaphore_mem>>)
    %dma_start3A_201 = arith.constant 1 : i32
    %dma_start3A_202 = arith.constant 64 : i32
    %dma_start3A_203 = arith.constant 0 : i32
    %dma_start3A_204 = tpu.memref_slice %arg11[%dma_start3A_202, %dma_start3A_203] : memref<128x128xf32, #tpu.memory_space<vmem>> -> memref<64x128xf32, #tpu.memory_space<vmem>>
    %dma_start3A_205 = arith.constant 64 : i32
    %dma_start3A_206 = tpu.memref_slice %arg7[%dma_start3A_201, %dma_start3A_205] : memref<40x128xi32, #tpu.memory_space<vmem>> -> memref<1x64xi32, #tpu.memory_space<vmem>>
    %dma_start3A_207 = tpu.memref_squeeze %dma_start3A_206 : memref<1x64xi32, #tpu.memory_space<vmem>> -> memref<64xi32, #tpu.memory_space<vmem>>
    %dma_start3A_208 = arith.constant 0 : i32
    %dma_start3A_209 = arith.constant 0 : i32
    %dma_start3A_210 = tpu.memref_slice %arg2[%dma_start3A_208, %dma_start3A_209] : memref<40960x128xf32, #tpu.memory_space<hbm>> -> memref<40960x128xf32, #tpu.memory_space<hbm>>
    tpu.enqueue_indirect_dma source(%dma_start3A_210 : memref<40960x128xf32, #tpu.memory_space<hbm>>) target(%dma_start3A_204 : memref<64x128xf32, #tpu.memory_space<vmem>>) offsets(%dma_start3A_207 : memref<64xi32, #tpu.memory_space<vmem>>) semaphore(%arg16 : memref<!tpu.dma_semaphore, #tpu.memory_space<semaphore_mem>>)
    %scan3A_211 = arith.constant 0 : i32
    %scan3A_212 = arith.constant 0 : i32
    %scan3A_213 = arith.constant 19 : i32
    %scan3A_214 = arith.addi %scan3A_212, %scan3A_213 : i32
    %scan3A_215 = arith.constant 1 : i32
    scf.for %scan3A_350 = %scan3A_212 to %scan3A_214 step %scan3A_215  : i32 {
      %mul3A_351 = arith.constant 2 : i32
      %mul3A_352 = arith.muli %mul3A_351, %scan3A_350 : i32
      %dma_wait3A_353 = arith.constant 0 : i32
      %dma_wait3A_354 = arith.constant 0 : i32
      %dma_wait3A_355 = tpu.memref_slice %arg10[%dma_wait3A_353, %dma_wait3A_354] : memref<128x128xf32, #tpu.memory_space<vmem>> -> memref<64x128xf32, #tpu.memory_space<vmem>>
      %dma_wait3A_356 = arith.constant 0 : i32
      %dma_wait3A_357 = tpu.memref_slice %arg7[%mul3A_352, %dma_wait3A_356] : memref<40x128xi32, #tpu.memory_space<vmem>> -> memref<1x64xi32, #tpu.memory_space<vmem>>
      %dma_wait3A_358 = tpu.memref_squeeze %dma_wait3A_357 : memref<1x64xi32, #tpu.memory_space<vmem>> -> memref<64xi32, #tpu.memory_space<vmem>>
      %dma_wait3A_359 = arith.constant 0 : i32
      %dma_wait3A_360 = arith.constant 0 : i32
      %dma_wait3A_361 = tpu.memref_slice %arg2[%dma_wait3A_359, %dma_wait3A_360] : memref<40960x128xf32, #tpu.memory_space<hbm>> -> memref<40960x128xf32, #tpu.memory_space<hbm>>
      tpu.wait_indirect_dma semaphore(%arg13 : memref<!tpu.dma_semaphore, #tpu.memory_space<semaphore_mem>>) src(%dma_wait3A_361 : memref<40960x128xf32, #tpu.memory_space<hbm>>) dst(%dma_wait3A_355 : memref<64x128xf32, #tpu.memory_space<vmem>>)
      %dma_wait3A_362 = arith.constant 64 : i32
      %dma_wait3A_363 = arith.constant 0 : i32
      %dma_wait3A_364 = tpu.memref_slice %arg10[%dma_wait3A_362, %dma_wait3A_363] : memref<128x128xf32, #tpu.memory_space<vmem>> -> memref<64x128xf32, #tpu.memory_space<vmem>>
      %dma_wait3A_365 = arith.constant 64 : i32
      %dma_wait3A_366 = tpu.memref_slice %arg7[%mul3A_352, %dma_wait3A_365] : memref<40x128xi32, #tpu.memory_space<vmem>> -> memref<1x64xi32, #tpu.memory_space<vmem>>
      %dma_wait3A_367 = tpu.memref_squeeze %dma_wait3A_366 : memref<1x64xi32, #tpu.memory_space<vmem>> -> memref<64xi32, #tpu.memory_space<vmem>>
      %dma_wait3A_368 = arith.constant 0 : i32
      %dma_wait3A_369 = arith.constant 0 : i32
      %dma_wait3A_370 = tpu.memref_slice %arg2[%dma_wait3A_368, %dma_wait3A_369] : memref<40960x128xf32, #tpu.memory_space<hbm>> -> memref<40960x128xf32, #tpu.memory_space<hbm>>
      tpu.wait_indirect_dma semaphore(%arg14 : memref<!tpu.dma_semaphore, #tpu.memory_space<semaphore_mem>>) src(%dma_wait3A_370 : memref<40960x128xf32, #tpu.memory_space<hbm>>) dst(%dma_wait3A_364 : memref<64x128xf32, #tpu.memory_space<vmem>>)
      %dma_start3A_371 = arith.constant 0 : i32
      %dma_start3A_372 = tpu.memref_slice %arg9[%mul3A_352, %dma_start3A_371] : memref<40x128xi32, #tpu.memory_space<vmem>> -> memref<1x128xi32, #tpu.memory_space<vmem>>
      %dma_start3A_373 = tpu.memref_squeeze %dma_start3A_372 : memref<1x128xi32, #tpu.memory_space<vmem>> -> memref<128xi32, #tpu.memory_space<vmem>>
      %dma_start3A_374 = arith.constant 0 : i32
      %dma_start3A_375 = arith.constant 0 : i32
      %dma_start3A_376 = tpu.memref_slice %arg12[%dma_start3A_374, %dma_start3A_375] : memref<10240x128xf32, #tpu.memory_space<vmem_shared>> -> memref<10240x128xf32, #tpu.memory_space<vmem_shared>>
      tpu.enqueue_indirect_dma source(%arg10 : memref<128x128xf32, #tpu.memory_space<vmem>>) target(%dma_start3A_376 : memref<10240x128xf32, #tpu.memory_space<vmem_shared>>) offsets(%dma_start3A_373 : memref<128xi32, #tpu.memory_space<vmem>>) semaphore(%arg17 : memref<!tpu.dma_semaphore, #tpu.memory_space<semaphore_mem>>) {add = true}
      %add3A_377 = arith.constant 1 : i32
      %add3A_378 = arith.addi %mul3A_352, %add3A_377 : i32
      %dma_wait3A_379 = arith.constant 0 : i32
      %dma_wait3A_380 = arith.constant 0 : i32
      %dma_wait3A_381 = tpu.memref_slice %arg11[%dma_wait3A_379, %dma_wait3A_380] : memref<128x128xf32, #tpu.memory_space<vmem>> -> memref<64x128xf32, #tpu.memory_space<vmem>>
      %dma_wait3A_382 = arith.constant 0 : i32
      %dma_wait3A_383 = tpu.memref_slice %arg7[%add3A_378, %dma_wait3A_382] : memref<40x128xi32, #tpu.memory_space<vmem>> -> memref<1x64xi32, #tpu.memory_space<vmem>>
      %dma_wait3A_384 = tpu.memref_squeeze %dma_wait3A_383 : memref<1x64xi32, #tpu.memory_space<vmem>> -> memref<64xi32, #tpu.memory_space<vmem>>
      %dma_wait3A_385 = arith.constant 0 : i32
      %dma_wait3A_386 = arith.constant 0 : i32
      %dma_wait3A_387 = tpu.memref_slice %arg2[%dma_wait3A_385, %dma_wait3A_386] : memref<40960x128xf32, #tpu.memory_space<hbm>> -> memref<40960x128xf32, #tpu.memory_space<hbm>>
      tpu.wait_indirect_dma semaphore(%arg15 : memref<!tpu.dma_semaphore, #tpu.memory_space<semaphore_mem>>) src(%dma_wait3A_387 : memref<40960x128xf32, #tpu.memory_space<hbm>>) dst(%dma_wait3A_381 : memref<64x128xf32, #tpu.memory_space<vmem>>)
      %dma_wait3A_388 = arith.constant 64 : i32
      %dma_wait3A_389 = arith.constant 0 : i32
      %dma_wait3A_390 = tpu.memref_slice %arg11[%dma_wait3A_388, %dma_wait3A_389] : memref<128x128xf32, #tpu.memory_space<vmem>> -> memref<64x128xf32, #tpu.memory_space<vmem>>
      %dma_wait3A_391 = arith.constant 64 : i32
      %dma_wait3A_392 = tpu.memref_slice %arg7[%add3A_378, %dma_wait3A_391] : memref<40x128xi32, #tpu.memory_space<vmem>> -> memref<1x64xi32, #tpu.memory_space<vmem>>
      %dma_wait3A_393 = tpu.memref_squeeze %dma_wait3A_392 : memref<1x64xi32, #tpu.memory_space<vmem>> -> memref<64xi32, #tpu.memory_space<vmem>>
      %dma_wait3A_394 = arith.constant 0 : i32
      %dma_wait3A_395 = arith.constant 0 : i32
      %dma_wait3A_396 = tpu.memref_slice %arg2[%dma_wait3A_394, %dma_wait3A_395] : memref<40960x128xf32, #tpu.memory_space<hbm>> -> memref<40960x128xf32, #tpu.memory_space<hbm>>
      tpu.wait_indirect_dma semaphore(%arg16 : memref<!tpu.dma_semaphore, #tpu.memory_space<semaphore_mem>>) src(%dma_wait3A_396 : memref<40960x128xf32, #tpu.memory_space<hbm>>) dst(%dma_wait3A_390 : memref<64x128xf32, #tpu.memory_space<vmem>>)
      %add3A_397 = arith.constant 1 : i32
      %add3A_398 = arith.addi %mul3A_352, %add3A_397 : i32
      %dma_start3A_399 = arith.constant 0 : i32
      %dma_start3A_400 = tpu.memref_slice %arg9[%add3A_398, %dma_start3A_399] : memref<40x128xi32, #tpu.memory_space<vmem>> -> memref<1x128xi32, #tpu.memory_space<vmem>>
      %dma_start3A_401 = tpu.memref_squeeze %dma_start3A_400 : memref<1x128xi32, #tpu.memory_space<vmem>> -> memref<128xi32, #tpu.memory_space<vmem>>
      %dma_start3A_402 = arith.constant 0 : i32
      %dma_start3A_403 = arith.constant 0 : i32
      %dma_start3A_404 = tpu.memref_slice %arg12[%dma_start3A_402, %dma_start3A_403] : memref<10240x128xf32, #tpu.memory_space<vmem_shared>> -> memref<10240x128xf32, #tpu.memory_space<vmem_shared>>
      tpu.enqueue_indirect_dma source(%arg11 : memref<128x128xf32, #tpu.memory_space<vmem>>) target(%dma_start3A_404 : memref<10240x128xf32, #tpu.memory_space<vmem_shared>>) offsets(%dma_start3A_401 : memref<128xi32, #tpu.memory_space<vmem>>) semaphore(%arg18 : memref<!tpu.dma_semaphore, #tpu.memory_space<semaphore_mem>>) {add = true}
      %dma_wait3A_405 = arith.constant 0 : i32
      %dma_wait3A_406 = tpu.memref_slice %arg9[%mul3A_352, %dma_wait3A_405] : memref<40x128xi32, #tpu.memory_space<vmem>> -> memref<1x128xi32, #tpu.memory_space<vmem>>
      %dma_wait3A_407 = tpu.memref_squeeze %dma_wait3A_406 : memref<1x128xi32, #tpu.memory_space<vmem>> -> memref<128xi32, #tpu.memory_space<vmem>>
      %dma_wait3A_408 = arith.constant 0 : i32
      %dma_wait3A_409 = arith.constant 0 : i32
      %dma_wait3A_410 = tpu.memref_slice %arg12[%dma_wait3A_408, %dma_wait3A_409] : memref<10240x128xf32, #tpu.memory_space<vmem_shared>> -> memref<10240x128xf32, #tpu.memory_space<vmem_shared>>
      tpu.wait_indirect_dma semaphore(%arg17 : memref<!tpu.dma_semaphore, #tpu.memory_space<semaphore_mem>>) src(%arg10 : memref<128x128xf32, #tpu.memory_space<vmem>>) dst(%dma_wait3A_410 : memref<10240x128xf32, #tpu.memory_space<vmem_shared>>)
      %add3A_411 = arith.constant 2 : i32
      %add3A_412 = arith.addi %mul3A_352, %add3A_411 : i32
      %dma_start3A_413 = arith.constant 0 : i32
      %dma_start3A_414 = arith.constant 0 : i32
      %dma_start3A_415 = tpu.memref_slice %arg10[%dma_start3A_413, %dma_start3A_414] : memref<128x128xf32, #tpu.memory_space<vmem>> -> memref<64x128xf32, #tpu.memory_space<vmem>>
      %dma_start3A_416 = arith.constant 0 : i32
      %dma_start3A_417 = tpu.memref_slice %arg7[%add3A_412, %dma_start3A_416] : memref<40x128xi32, #tpu.memory_space<vmem>> -> memref<1x64xi32, #tpu.memory_space<vmem>>
      %dma_start3A_418 = tpu.memref_squeeze %dma_start3A_417 : memref<1x64xi32, #tpu.memory_space<vmem>> -> memref<64xi32, #tpu.memory_space<vmem>>
      %dma_start3A_419 = arith.constant 0 : i32
      %dma_start3A_420 = arith.constant 0 : i32
      %dma_start3A_421 = tpu.memref_slice %arg2[%dma_start3A_419, %dma_start3A_420] : memref<40960x128xf32, #tpu.memory_space<hbm>> -> memref<40960x128xf32, #tpu.memory_space<hbm>>
      tpu.enqueue_indirect_dma source(%dma_start3A_421 : memref<40960x128xf32, #tpu.memory_space<hbm>>) target(%dma_start3A_415 : memref<64x128xf32, #tpu.memory_space<vmem>>) offsets(%dma_start3A_418 : memref<64xi32, #tpu.memory_space<vmem>>) semaphore(%arg13 : memref<!tpu.dma_semaphore, #tpu.memory_space<semaphore_mem>>)
      %dma_start3A_422 = arith.constant 64 : i32
      %dma_start3A_423 = arith.constant 0 : i32
      %dma_start3A_424 = tpu.memref_slice %arg10[%dma_start3A_422, %dma_start3A_423] : memref<128x128xf32, #tpu.memory_space<vmem>> -> memref<64x128xf32, #tpu.memory_space<vmem>>
      %dma_start3A_425 = arith.constant 64 : i32
      %dma_start3A_426 = tpu.memref_slice %arg7[%add3A_412, %dma_start3A_425] : memref<40x128xi32, #tpu.memory_space<vmem>> -> memref<1x64xi32, #tpu.memory_space<vmem>>
      %dma_start3A_427 = tpu.memref_squeeze %dma_start3A_426 : memref<1x64xi32, #tpu.memory_space<vmem>> -> memref<64xi32, #tpu.memory_space<vmem>>
      %dma_start3A_428 = arith.constant 0 : i32
      %dma_start3A_429 = arith.constant 0 : i32
      %dma_start3A_430 = tpu.memref_slice %arg2[%dma_start3A_428, %dma_start3A_429] : memref<40960x128xf32, #tpu.memory_space<hbm>> -> memref<40960x128xf32, #tpu.memory_space<hbm>>
      tpu.enqueue_indirect_dma source(%dma_start3A_430 : memref<40960x128xf32, #tpu.memory_space<hbm>>) target(%dma_start3A_424 : memref<64x128xf32, #tpu.memory_space<vmem>>) offsets(%dma_start3A_427 : memref<64xi32, #tpu.memory_space<vmem>>) semaphore(%arg14 : memref<!tpu.dma_semaphore, #tpu.memory_space<semaphore_mem>>)
      %dma_wait3A_431 = arith.constant 0 : i32
      %dma_wait3A_432 = tpu.memref_slice %arg9[%add3A_398, %dma_wait3A_431] : memref<40x128xi32, #tpu.memory_space<vmem>> -> memref<1x128xi32, #tpu.memory_space<vmem>>
      %dma_wait3A_433 = tpu.memref_squeeze %dma_wait3A_432 : memref<1x128xi32, #tpu.memory_space<vmem>> -> memref<128xi32, #tpu.memory_space<vmem>>
      %dma_wait3A_434 = arith.constant 0 : i32
      %dma_wait3A_435 = arith.constant 0 : i32
      %dma_wait3A_436 = tpu.memref_slice %arg12[%dma_wait3A_434, %dma_wait3A_435] : memref<10240x128xf32, #tpu.memory_space<vmem_shared>> -> memref<10240x128xf32, #tpu.memory_space<vmem_shared>>
      tpu.wait_indirect_dma semaphore(%arg18 : memref<!tpu.dma_semaphore, #tpu.memory_space<semaphore_mem>>) src(%arg11 : memref<128x128xf32, #tpu.memory_space<vmem>>) dst(%dma_wait3A_436 : memref<10240x128xf32, #tpu.memory_space<vmem_shared>>)
      %add3A_437 = arith.constant 3 : i32
      %add3A_438 = arith.addi %mul3A_352, %add3A_437 : i32
      %dma_start3A_439 = arith.constant 0 : i32
      %dma_start3A_440 = arith.constant 0 : i32
      %dma_start3A_441 = tpu.memref_slice %arg11[%dma_start3A_439, %dma_start3A_440] : memref<128x128xf32, #tpu.memory_space<vmem>> -> memref<64x128xf32, #tpu.memory_space<vmem>>
      %dma_start3A_442 = arith.constant 0 : i32
      %dma_start3A_443 = tpu.memref_slice %arg7[%add3A_438, %dma_start3A_442] : memref<40x128xi32, #tpu.memory_space<vmem>> -> memref<1x64xi32, #tpu.memory_space<vmem>>
      %dma_start3A_444 = tpu.memref_squeeze %dma_start3A_443 : memref<1x64xi32, #tpu.memory_space<vmem>> -> memref<64xi32, #tpu.memory_space<vmem>>
      %dma_start3A_445 = arith.constant 0 : i32
      %dma_start3A_446 = arith.constant 0 : i32
      %dma_start3A_447 = tpu.memref_slice %arg2[%dma_start3A_445, %dma_start3A_446] : memref<40960x128xf32, #tpu.memory_space<hbm>> -> memref<40960x128xf32, #tpu.memory_space<hbm>>
      tpu.enqueue_indirect_dma source(%dma_start3A_447 : memref<40960x128xf32, #tpu.memory_space<hbm>>) target(%dma_start3A_441 : memref<64x128xf32, #tpu.memory_space<vmem>>) offsets(%dma_start3A_444 : memref<64xi32, #tpu.memory_space<vmem>>) semaphore(%arg15 : memref<!tpu.dma_semaphore, #tpu.memory_space<semaphore_mem>>)
      %dma_start3A_448 = arith.constant 64 : i32
      %dma_start3A_449 = arith.constant 0 : i32
      %dma_start3A_450 = tpu.memref_slice %arg11[%dma_start3A_448, %dma_start3A_449] : memref<128x128xf32, #tpu.memory_space<vmem>> -> memref<64x128xf32, #tpu.memory_space<vmem>>
      %dma_start3A_451 = arith.constant 64 : i32
      %dma_start3A_452 = tpu.memref_slice %arg7[%add3A_438, %dma_start3A_451] : memref<40x128xi32, #tpu.memory_space<vmem>> -> memref<1x64xi32, #tpu.memory_space<vmem>>
      %dma_start3A_453 = tpu.memref_squeeze %dma_start3A_452 : memref<1x64xi32, #tpu.memory_space<vmem>> -> memref<64xi32, #tpu.memory_space<vmem>>
      %dma_start3A_454 = arith.constant 0 : i32
      %dma_start3A_455 = arith.constant 0 : i32
      %dma_start3A_456 = tpu.memref_slice %arg2[%dma_start3A_454, %dma_start3A_455] : memref<40960x128xf32, #tpu.memory_space<hbm>> -> memref<40960x128xf32, #tpu.memory_space<hbm>>
      tpu.enqueue_indirect_dma source(%dma_start3A_456 : memref<40960x128xf32, #tpu.memory_space<hbm>>) target(%dma_start3A_450 : memref<64x128xf32, #tpu.memory_space<vmem>>) offsets(%dma_start3A_453 : memref<64xi32, #tpu.memory_space<vmem>>) semaphore(%arg16 : memref<!tpu.dma_semaphore, #tpu.memory_space<semaphore_mem>>)
    }
    %scan3A_216 = arith.constant 19 : i32
    %dma_wait3A_217 = arith.constant 38 : i32
    %dma_wait3A_218 = arith.constant 0 : i32
    %dma_wait3A_219 = arith.constant 0 : i32
    %dma_wait3A_220 = tpu.memref_slice %arg10[%dma_wait3A_218, %dma_wait3A_219] : memref<128x128xf32, #tpu.memory_space<vmem>> -> memref<64x128xf32, #tpu.memory_space<vmem>>
    %dma_wait3A_221 = arith.constant 0 : i32
    %dma_wait3A_222 = tpu.memref_slice %arg7[%dma_wait3A_217, %dma_wait3A_221] : memref<40x128xi32, #tpu.memory_space<vmem>> -> memref<1x64xi32, #tpu.memory_space<vmem>>
    %dma_wait3A_223 = tpu.memref_squeeze %dma_wait3A_222 : memref<1x64xi32, #tpu.memory_space<vmem>> -> memref<64xi32, #tpu.memory_space<vmem>>
    %dma_wait3A_224 = arith.constant 0 : i32
    %dma_wait3A_225 = arith.constant 0 : i32
    %dma_wait3A_226 = tpu.memref_slice %arg2[%dma_wait3A_224, %dma_wait3A_225] : memref<40960x128xf32, #tpu.memory_space<hbm>> -> memref<40960x128xf32, #tpu.memory_space<hbm>>
    tpu.wait_indirect_dma semaphore(%arg13 : memref<!tpu.dma_semaphore, #tpu.memory_space<semaphore_mem>>) src(%dma_wait3A_226 : memref<40960x128xf32, #tpu.memory_space<hbm>>) dst(%dma_wait3A_220 : memref<64x128xf32, #tpu.memory_space<vmem>>)
    %dma_wait3A_227 = arith.constant 38 : i32
    %dma_wait3A_228 = arith.constant 64 : i32
    %dma_wait3A_229 = arith.constant 0 : i32
    %dma_wait3A_230 = tpu.memref_slice %arg10[%dma_wait3A_228, %dma_wait3A_229] : memref<128x128xf32, #tpu.memory_space<vmem>> -> memref<64x128xf32, #tpu.memory_space<vmem>>
    %dma_wait3A_231 = arith.constant 64 : i32
    %dma_wait3A_232 = tpu.memref_slice %arg7[%dma_wait3A_227, %dma_wait3A_231] : memref<40x128xi32, #tpu.memory_space<vmem>> -> memref<1x64xi32, #tpu.memory_space<vmem>>
    %dma_wait3A_233 = tpu.memref_squeeze %dma_wait3A_232 : memref<1x64xi32, #tpu.memory_space<vmem>> -> memref<64xi32, #tpu.memory_space<vmem>>
    %dma_wait3A_234 = arith.constant 0 : i32
    %dma_wait3A_235 = arith.constant 0 : i32
    %dma_wait3A_236 = tpu.memref_slice %arg2[%dma_wait3A_234, %dma_wait3A_235] : memref<40960x128xf32, #tpu.memory_space<hbm>> -> memref<40960x128xf32, #tpu.memory_space<hbm>>
    tpu.wait_indirect_dma semaphore(%arg14 : memref<!tpu.dma_semaphore, #tpu.memory_space<semaphore_mem>>) src(%dma_wait3A_236 : memref<40960x128xf32, #tpu.memory_space<hbm>>) dst(%dma_wait3A_230 : memref<64x128xf32, #tpu.memory_space<vmem>>)
    %run_scoped3A_237 = arith.constant 38 : i32
    "tpu.region"() ({
      %run_scoped3A_350 = tpu.sem_alloc : memref<!tpu.dma_semaphore, #tpu.memory_space<semaphore_mem>>
      %dma_start3A_351 = arith.constant 0 : i32
      %dma_start3A_352 = tpu.memref_slice %arg9[%run_scoped3A_237, %dma_start3A_351] : memref<40x128xi32, #tpu.memory_space<vmem>> -> memref<1x128xi32, #tpu.memory_space<vmem>>
      %dma_start3A_353 = tpu.memref_squeeze %dma_start3A_352 : memref<1x128xi32, #tpu.memory_space<vmem>> -> memref<128xi32, #tpu.memory_space<vmem>>
      %dma_start3A_354 = arith.constant 0 : i32
      %dma_start3A_355 = arith.constant 0 : i32
      %dma_start3A_356 = tpu.memref_slice %arg12[%dma_start3A_354, %dma_start3A_355] : memref<10240x128xf32, #tpu.memory_space<vmem_shared>> -> memref<10240x128xf32, #tpu.memory_space<vmem_shared>>
      tpu.enqueue_indirect_dma source(%arg10 : memref<128x128xf32, #tpu.memory_space<vmem>>) target(%dma_start3A_356 : memref<10240x128xf32, #tpu.memory_space<vmem_shared>>) offsets(%dma_start3A_353 : memref<128xi32, #tpu.memory_space<vmem>>) semaphore(%run_scoped3A_350 : memref<!tpu.dma_semaphore, #tpu.memory_space<semaphore_mem>>) {add = true}
      %dma_wait3A_357 = arith.constant 0 : i32
      %dma_wait3A_358 = tpu.memref_slice %arg9[%run_scoped3A_237, %dma_wait3A_357] : memref<40x128xi32, #tpu.memory_space<vmem>> -> memref<1x128xi32, #tpu.memory_space<vmem>>
      %dma_wait3A_359 = tpu.memref_squeeze %dma_wait3A_358 : memref<1x128xi32, #tpu.memory_space<vmem>> -> memref<128xi32, #tpu.memory_space<vmem>>
      %dma_wait3A_360 = arith.constant 0 : i32
      %dma_wait3A_361 = arith.constant 0 : i32
      %dma_wait3A_362 = tpu.memref_slice %arg12[%dma_wait3A_360, %dma_wait3A_361] : memref<10240x128xf32, #tpu.memory_space<vmem_shared>> -> memref<10240x128xf32, #tpu.memory_space<vmem_shared>>
      tpu.wait_indirect_dma semaphore(%run_scoped3A_350 : memref<!tpu.dma_semaphore, #tpu.memory_space<semaphore_mem>>) src(%arg10 : memref<128x128xf32, #tpu.memory_space<vmem>>) dst(%dma_wait3A_362 : memref<10240x128xf32, #tpu.memory_space<vmem_shared>>)
      tpu.yield
    }) : () -> ()
    %dma_wait3A_238 = arith.constant 39 : i32
    %dma_wait3A_239 = arith.constant 0 : i32
    %dma_wait3A_240 = arith.constant 0 : i32
    %dma_wait3A_241 = tpu.memref_slice %arg11[%dma_wait3A_239, %dma_wait3A_240] : memref<128x128xf32, #tpu.memory_space<vmem>> -> memref<64x128xf32, #tpu.memory_space<vmem>>
    %dma_wait3A_242 = arith.constant 0 : i32
    %dma_wait3A_243 = tpu.memref_slice %arg7[%dma_wait3A_238, %dma_wait3A_242] : memref<40x128xi32, #tpu.memory_space<vmem>> -> memref<1x64xi32, #tpu.memory_space<vmem>>
    %dma_wait3A_244 = tpu.memref_squeeze %dma_wait3A_243 : memref<1x64xi32, #tpu.memory_space<vmem>> -> memref<64xi32, #tpu.memory_space<vmem>>
    %dma_wait3A_245 = arith.constant 0 : i32
    %dma_wait3A_246 = arith.constant 0 : i32
    %dma_wait3A_247 = tpu.memref_slice %arg2[%dma_wait3A_245, %dma_wait3A_246] : memref<40960x128xf32, #tpu.memory_space<hbm>> -> memref<40960x128xf32, #tpu.memory_space<hbm>>
    tpu.wait_indirect_dma semaphore(%arg15 : memref<!tpu.dma_semaphore, #tpu.memory_space<semaphore_mem>>) src(%dma_wait3A_247 : memref<40960x128xf32, #tpu.memory_space<hbm>>) dst(%dma_wait3A_241 : memref<64x128xf32, #tpu.memory_space<vmem>>)
    %dma_wait3A_248 = arith.constant 39 : i32
    %dma_wait3A_249 = arith.constant 64 : i32
    %dma_wait3A_250 = arith.constant 0 : i32
    %dma_wait3A_251 = tpu.memref_slice %arg11[%dma_wait3A_249, %dma_wait3A_250] : memref<128x128xf32, #tpu.memory_space<vmem>> -> memref<64x128xf32, #tpu.memory_space<vmem>>
    %dma_wait3A_252 = arith.constant 64 : i32
    %dma_wait3A_253 = tpu.memref_slice %arg7[%dma_wait3A_248, %dma_wait3A_252] : memref<40x128xi32, #tpu.memory_space<vmem>> -> memref<1x64xi32, #tpu.memory_space<vmem>>
    %dma_wait3A_254 = tpu.memref_squeeze %dma_wait3A_253 : memref<1x64xi32, #tpu.memory_space<vmem>> -> memref<64xi32, #tpu.memory_space<vmem>>
    %dma_wait3A_255 = arith.constant 0 : i32
    %dma_wait3A_256 = arith.constant 0 : i32
    %dma_wait3A_257 = tpu.memref_slice %arg2[%dma_wait3A_255, %dma_wait3A_256] : memref<40960x128xf32, #tpu.memory_space<hbm>> -> memref<40960x128xf32, #tpu.memory_space<hbm>>
    tpu.wait_indirect_dma semaphore(%arg16 : memref<!tpu.dma_semaphore, #tpu.memory_space<semaphore_mem>>) src(%dma_wait3A_257 : memref<40960x128xf32, #tpu.memory_space<hbm>>) dst(%dma_wait3A_251 : memref<64x128xf32, #tpu.memory_space<vmem>>)
    %run_scoped3A_258 = arith.constant 39 : i32
    "tpu.region"() ({
      %run_scoped3A_350 = tpu.sem_alloc : memref<!tpu.dma_semaphore, #tpu.memory_space<semaphore_mem>>
      %dma_start3A_351 = arith.constant 0 : i32
      %dma_start3A_352 = tpu.memref_slice %arg9[%run_scoped3A_258, %dma_start3A_351] : memref<40x128xi32, #tpu.memory_space<vmem>> -> memref<1x128xi32, #tpu.memory_space<vmem>>
      %dma_start3A_353 = tpu.memref_squeeze %dma_start3A_352 : memref<1x128xi32, #tpu.memory_space<vmem>> -> memref<128xi32, #tpu.memory_space<vmem>>
      %dma_start3A_354 = arith.constant 0 : i32
      %dma_start3A_355 = arith.constant 0 : i32
      %dma_start3A_356 = tpu.memref_slice %arg12[%dma_start3A_354, %dma_start3A_355] : memref<10240x128xf32, #tpu.memory_space<vmem_shared>> -> memref<10240x128xf32, #tpu.memory_space<vmem_shared>>
      tpu.enqueue_indirect_dma source(%arg11 : memref<128x128xf32, #tpu.memory_space<vmem>>) target(%dma_start3A_356 : memref<10240x128xf32, #tpu.memory_space<vmem_shared>>) offsets(%dma_start3A_353 : memref<128xi32, #tpu.memory_space<vmem>>) semaphore(%run_scoped3A_350 : memref<!tpu.dma_semaphore, #tpu.memory_space<semaphore_mem>>) {add = true}
      %dma_wait3A_357 = arith.constant 0 : i32
      %dma_wait3A_358 = tpu.memref_slice %arg9[%run_scoped3A_258, %dma_wait3A_357] : memref<40x128xi32, #tpu.memory_space<vmem>> -> memref<1x128xi32, #tpu.memory_space<vmem>>
      %dma_wait3A_359 = tpu.memref_squeeze %dma_wait3A_358 : memref<1x128xi32, #tpu.memory_space<vmem>> -> memref<128xi32, #tpu.memory_space<vmem>>
      %dma_wait3A_360 = arith.constant 0 : i32
      %dma_wait3A_361 = arith.constant 0 : i32
      %dma_wait3A_362 = tpu.memref_slice %arg12[%dma_wait3A_360, %dma_wait3A_361] : memref<10240x128xf32, #tpu.memory_space<vmem_shared>> -> memref<10240x128xf32, #tpu.memory_space<vmem_shared>>
      tpu.wait_indirect_dma semaphore(%run_scoped3A_350 : memref<!tpu.dma_semaphore, #tpu.memory_space<semaphore_mem>>) src(%arg11 : memref<128x128xf32, #tpu.memory_space<vmem>>) dst(%dma_wait3A_362 : memref<10240x128xf32, #tpu.memory_space<vmem_shared>>)
      tpu.yield
    }) : () -> ()
    %barrier3A_259 = arith.constant 0 : index
    tpu.barrier barrier_id(%barrier3A_259)
    %mul3A_260 = arith.constant 640 : i32
    %mul3A_261 = arith.muli %arg1, %mul3A_260 : i32
    %add3A_262 = arith.constant 0 : i32
    %add3A_263 = arith.addi %mul3A_261, %add3A_262 : i32
    %mul3A_264 = arith.constant 640 : i32
    %mul3A_265 = arith.muli %arg1, %mul3A_264 : i32
    %add3A_266 = arith.constant 0 : i32
    %add3A_267 = arith.addi %mul3A_265, %add3A_266 : i32
    %dma_start3A_268 = arith.constant 0 : i32
    %dma_start3A_269 = tpu.memref_slice %arg6[%arg0, %add3A_267, %dma_start3A_268] : memref<2x10240x128xf32, #tpu.memory_space<hbm>> -> memref<1x128x128xf32, #tpu.memory_space<hbm>>
    %dma_start3A_270 = tpu.memref_squeeze %dma_start3A_269 : memref<1x128x128xf32, #tpu.memory_space<hbm>> -> memref<128x128xf32, #tpu.memory_space<hbm>>
    %dma_start3A_271 = arith.constant 0 : i32
    %dma_start3A_272 = tpu.memref_slice %arg12[%add3A_263, %dma_start3A_271] : memref<10240x128xf32, #tpu.memory_space<vmem_shared>> -> memref<128x128xf32, #tpu.memory_space<vmem_shared>>
    tpu.enqueue_dma source(%dma_start3A_272 : memref<128x128xf32, #tpu.memory_space<vmem_shared>>) target(%dma_start3A_270 : memref<128x128xf32, #tpu.memory_space<hbm>>) target_semaphore(%arg19 : memref<!tpu.dma_semaphore, #tpu.memory_space<semaphore_mem>>)
    %mul3A_273 = arith.constant 640 : i32
    %mul3A_274 = arith.muli %arg1, %mul3A_273 : i32
    %add3A_275 = arith.constant 128 : i32
    %add3A_276 = arith.addi %mul3A_274, %add3A_275 : i32
    %mul3A_277 = arith.constant 640 : i32
    %mul3A_278 = arith.muli %arg1, %mul3A_277 : i32
    %add3A_279 = arith.constant 128 : i32
    %add3A_280 = arith.addi %mul3A_278, %add3A_279 : i32
    %dma_start3A_281 = arith.constant 0 : i32
    %dma_start3A_282 = tpu.memref_slice %arg6[%arg0, %add3A_280, %dma_start3A_281] : memref<2x10240x128xf32, #tpu.memory_space<hbm>> -> memref<1x128x128xf32, #tpu.memory_space<hbm>>
    %dma_start3A_283 = tpu.memref_squeeze %dma_start3A_282 : memref<1x128x128xf32, #tpu.memory_space<hbm>> -> memref<128x128xf32, #tpu.memory_space<hbm>>
    %dma_start3A_284 = arith.constant 0 : i32
    %dma_start3A_285 = tpu.memref_slice %arg12[%add3A_276, %dma_start3A_284] : memref<10240x128xf32, #tpu.memory_space<vmem_shared>> -> memref<128x128xf32, #tpu.memory_space<vmem_shared>>
    tpu.enqueue_dma source(%dma_start3A_285 : memref<128x128xf32, #tpu.memory_space<vmem_shared>>) target(%dma_start3A_283 : memref<128x128xf32, #tpu.memory_space<hbm>>) target_semaphore(%arg19 : memref<!tpu.dma_semaphore, #tpu.memory_space<semaphore_mem>>)
    %mul3A_286 = arith.constant 640 : i32
    %mul3A_287 = arith.muli %arg1, %mul3A_286 : i32
    %add3A_288 = arith.constant 256 : i32
    %add3A_289 = arith.addi %mul3A_287, %add3A_288 : i32
    %mul3A_290 = arith.constant 640 : i32
    %mul3A_291 = arith.muli %arg1, %mul3A_290 : i32
    %add3A_292 = arith.constant 256 : i32
    %add3A_293 = arith.addi %mul3A_291, %add3A_292 : i32
    %dma_start3A_294 = arith.constant 0 : i32
    %dma_start3A_295 = tpu.memref_slice %arg6[%arg0, %add3A_293, %dma_start3A_294] : memref<2x10240x128xf32, #tpu.memory_space<hbm>> -> memref<1x128x128xf32, #tpu.memory_space<hbm>>
    %dma_start3A_296 = tpu.memref_squeeze %dma_start3A_295 : memref<1x128x128xf32, #tpu.memory_space<hbm>> -> memref<128x128xf32, #tpu.memory_space<hbm>>
    %dma_start3A_297 = arith.constant 0 : i32
    %dma_start3A_298 = tpu.memref_slice %arg12[%add3A_289, %dma_start3A_297] : memref<10240x128xf32, #tpu.memory_space<vmem_shared>> -> memref<128x128xf32, #tpu.memory_space<vmem_shared>>
    tpu.enqueue_dma source(%dma_start3A_298 : memref<128x128xf32, #tpu.memory_space<vmem_shared>>) target(%dma_start3A_296 : memref<128x128xf32, #tpu.memory_space<hbm>>) target_semaphore(%arg19 : memref<!tpu.dma_semaphore, #tpu.memory_space<semaphore_mem>>)
    %mul3A_299 = arith.constant 640 : i32
    %mul3A_300 = arith.muli %arg1, %mul3A_299 : i32
    %add3A_301 = arith.constant 384 : i32
    %add3A_302 = arith.addi %mul3A_300, %add3A_301 : i32
    %mul3A_303 = arith.constant 640 : i32
    %mul3A_304 = arith.muli %arg1, %mul3A_303 : i32
    %add3A_305 = arith.constant 384 : i32
    %add3A_306 = arith.addi %mul3A_304, %add3A_305 : i32
    %dma_start3A_307 = arith.constant 0 : i32
    %dma_start3A_308 = tpu.memref_slice %arg6[%arg0, %add3A_306, %dma_start3A_307] : memref<2x10240x128xf32, #tpu.memory_space<hbm>> -> memref<1x128x128xf32, #tpu.memory_space<hbm>>
    %dma_start3A_309 = tpu.memref_squeeze %dma_start3A_308 : memref<1x128x128xf32, #tpu.memory_space<hbm>> -> memref<128x128xf32, #tpu.memory_space<hbm>>
    %dma_start3A_310 = arith.constant 0 : i32
    %dma_start3A_311 = tpu.memref_slice %arg12[%add3A_302, %dma_start3A_310] : memref<10240x128xf32, #tpu.memory_space<vmem_shared>> -> memref<128x128xf32, #tpu.memory_space<vmem_shared>>
    tpu.enqueue_dma source(%dma_start3A_311 : memref<128x128xf32, #tpu.memory_space<vmem_shared>>) target(%dma_start3A_309 : memref<128x128xf32, #tpu.memory_space<hbm>>) target_semaphore(%arg19 : memref<!tpu.dma_semaphore, #tpu.memory_space<semaphore_mem>>)
    %mul3A_312 = arith.constant 640 : i32
    %mul3A_313 = arith.muli %arg1, %mul3A_312 : i32
    %add3A_314 = arith.constant 512 : i32
    %add3A_315 = arith.addi %mul3A_313, %add3A_314 : i32
    %mul3A_316 = arith.constant 640 : i32
    %mul3A_317 = arith.muli %arg1, %mul3A_316 : i32
    %add3A_318 = arith.constant 512 : i32
    %add3A_319 = arith.addi %mul3A_317, %add3A_318 : i32
    %dma_start3A_320 = arith.constant 0 : i32
    %dma_start3A_321 = tpu.memref_slice %arg6[%arg0, %add3A_319, %dma_start3A_320] : memref<2x10240x128xf32, #tpu.memory_space<hbm>> -> memref<1x128x128xf32, #tpu.memory_space<hbm>>
    %dma_start3A_322 = tpu.memref_squeeze %dma_start3A_321 : memref<1x128x128xf32, #tpu.memory_space<hbm>> -> memref<128x128xf32, #tpu.memory_space<hbm>>
    %dma_start3A_323 = arith.constant 0 : i32
    %dma_start3A_324 = tpu.memref_slice %arg12[%add3A_315, %dma_start3A_323] : memref<10240x128xf32, #tpu.memory_space<vmem_shared>> -> memref<128x128xf32, #tpu.memory_space<vmem_shared>>
    tpu.enqueue_dma source(%dma_start3A_324 : memref<128x128xf32, #tpu.memory_space<vmem_shared>>) target(%dma_start3A_322 : memref<128x128xf32, #tpu.memory_space<hbm>>) target_semaphore(%arg19 : memref<!tpu.dma_semaphore, #tpu.memory_space<semaphore_mem>>)
    %dma_wait3A_325 = arith.constant 0 : i32
    %dma_wait3A_326 = tpu.memref_slice %arg6[%arg0, %add3A_267, %dma_wait3A_325] : memref<2x10240x128xf32, #tpu.memory_space<hbm>> -> memref<1x128x128xf32, #tpu.memory_space<hbm>>
    %dma_wait3A_327 = tpu.memref_squeeze %dma_wait3A_326 : memref<1x128x128xf32, #tpu.memory_space<hbm>> -> memref<128x128xf32, #tpu.memory_space<hbm>>
    %dma_wait3A_328 = arith.constant 0 : i32
    %dma_wait3A_329 = tpu.memref_slice %arg12[%add3A_263, %dma_wait3A_328] : memref<10240x128xf32, #tpu.memory_space<vmem_shared>> -> memref<128x128xf32, #tpu.memory_space<vmem_shared>>
    tpu.wait_dma2 semaphore(%arg19 : memref<!tpu.dma_semaphore, #tpu.memory_space<semaphore_mem>>) src(%dma_wait3A_329 : memref<128x128xf32, #tpu.memory_space<vmem_shared>>) dst(%dma_wait3A_327 : memref<128x128xf32, #tpu.memory_space<hbm>>)
    %dma_wait3A_330 = arith.constant 0 : i32
    %dma_wait3A_331 = tpu.memref_slice %arg6[%arg0, %add3A_280, %dma_wait3A_330] : memref<2x10240x128xf32, #tpu.memory_space<hbm>> -> memref<1x128x128xf32, #tpu.memory_space<hbm>>
    %dma_wait3A_332 = tpu.memref_squeeze %dma_wait3A_331 : memref<1x128x128xf32, #tpu.memory_space<hbm>> -> memref<128x128xf32, #tpu.memory_space<hbm>>
    %dma_wait3A_333 = arith.constant 0 : i32
    %dma_wait3A_334 = tpu.memref_slice %arg12[%add3A_276, %dma_wait3A_333] : memref<10240x128xf32, #tpu.memory_space<vmem_shared>> -> memref<128x128xf32, #tpu.memory_space<vmem_shared>>
    tpu.wait_dma2 semaphore(%arg19 : memref<!tpu.dma_semaphore, #tpu.memory_space<semaphore_mem>>) src(%dma_wait3A_334 : memref<128x128xf32, #tpu.memory_space<vmem_shared>>) dst(%dma_wait3A_332 : memref<128x128xf32, #tpu.memory_space<hbm>>)
    %dma_wait3A_335 = arith.constant 0 : i32
    %dma_wait3A_336 = tpu.memref_slice %arg6[%arg0, %add3A_293, %dma_wait3A_335] : memref<2x10240x128xf32, #tpu.memory_space<hbm>> -> memref<1x128x128xf32, #tpu.memory_space<hbm>>
    %dma_wait3A_337 = tpu.memref_squeeze %dma_wait3A_336 : memref<1x128x128xf32, #tpu.memory_space<hbm>> -> memref<128x128xf32, #tpu.memory_space<hbm>>
    %dma_wait3A_338 = arith.constant 0 : i32
    %dma_wait3A_339 = tpu.memref_slice %arg12[%add3A_289, %dma_wait3A_338] : memref<10240x128xf32, #tpu.memory_space<vmem_shared>> -> memref<128x128xf32, #tpu.memory_space<vmem_shared>>
    tpu.wait_dma2 semaphore(%arg19 : memref<!tpu.dma_semaphore, #tpu.memory_space<semaphore_mem>>) src(%dma_wait3A_339 : memref<128x128xf32, #tpu.memory_space<vmem_shared>>) dst(%dma_wait3A_337 : memref<128x128xf32, #tpu.memory_space<hbm>>)
    %dma_wait3A_340 = arith.constant 0 : i32
    %dma_wait3A_341 = tpu.memref_slice %arg6[%arg0, %add3A_306, %dma_wait3A_340] : memref<2x10240x128xf32, #tpu.memory_space<hbm>> -> memref<1x128x128xf32, #tpu.memory_space<hbm>>
    %dma_wait3A_342 = tpu.memref_squeeze %dma_wait3A_341 : memref<1x128x128xf32, #tpu.memory_space<hbm>> -> memref<128x128xf32, #tpu.memory_space<hbm>>
    %dma_wait3A_343 = arith.constant 0 : i32
    %dma_wait3A_344 = tpu.memref_slice %arg12[%add3A_302, %dma_wait3A_343] : memref<10240x128xf32, #tpu.memory_space<vmem_shared>> -> memref<128x128xf32, #tpu.memory_space<vmem_shared>>
    tpu.wait_dma2 semaphore(%arg19 : memref<!tpu.dma_semaphore, #tpu.memory_space<semaphore_mem>>) src(%dma_wait3A_344 : memref<128x128xf32, #tpu.memory_space<vmem_shared>>) dst(%dma_wait3A_342 : memref<128x128xf32, #tpu.memory_space<hbm>>)
    %dma_wait3A_345 = arith.constant 0 : i32
    %dma_wait3A_346 = tpu.memref_slice %arg6[%arg0, %add3A_319, %dma_wait3A_345] : memref<2x10240x128xf32, #tpu.memory_space<hbm>> -> memref<1x128x128xf32, #tpu.memory_space<hbm>>
    %dma_wait3A_347 = tpu.memref_squeeze %dma_wait3A_346 : memref<1x128x128xf32, #tpu.memory_space<hbm>> -> memref<128x128xf32, #tpu.memory_space<hbm>>
    %dma_wait3A_348 = arith.constant 0 : i32
    %dma_wait3A_349 = tpu.memref_slice %arg12[%add3A_315, %dma_wait3A_348] : memref<10240x128xf32, #tpu.memory_space<vmem_shared>> -> memref<128x128xf32, #tpu.memory_space<vmem_shared>>
    tpu.wait_dma2 semaphore(%arg19 : memref<!tpu.dma_semaphore, #tpu.memory_space<semaphore_mem>>) src(%dma_wait3A_349 : memref<128x128xf32, #tpu.memory_space<vmem_shared>>) dst(%dma_wait3A_347 : memref<128x128xf32, #tpu.memory_space<hbm>>)
    return
  }
}

#map = affine_map<(d0, d1) -> (0, 0)>
#map1 = affine_map<(d0, d1) -> (0, 0, 0)>
module attributes {stable_mosaic.version = 14 : i64} {
  func.func @k(%arg0: i32, %arg1: i32, %arg2: memref<40000x128xf32, #tpu.memory_space<hbm>>, %arg3: memref<2560x128xi32, #tpu.memory_space<hbm>>, %arg4: memref<2560x128xi32, #tpu.memory_space<hbm>>, %arg5: memref<2560x128xi32, #tpu.memory_space<hbm>>, %arg6: memref<2x10240x128xf32, #tpu.memory_space<hbm>>, %arg7: memref<40x128xi32, #tpu.memory_space<vmem>>, %arg8: memref<40x128xi32, #tpu.memory_space<vmem>>, %arg9: memref<40x128xi32, #tpu.memory_space<vmem>>, %arg10: memref<128x128xf32, #tpu.memory_space<vmem>>, %arg11: memref<128x128xf32, #tpu.memory_space<vmem>>, %arg12: memref<10240x128xf32, #tpu.memory_space<vmem_shared>>, %arg13: memref<!tpu.dma_semaphore, #tpu.memory_space<semaphore_mem>>, %arg14: memref<!tpu.dma_semaphore, #tpu.memory_space<semaphore_mem>>, %arg15: memref<!tpu.dma_semaphore, #tpu.memory_space<semaphore_mem>>, %arg16: memref<!tpu.dma_semaphore, #tpu.memory_space<semaphore_mem>>, %arg17: memref<!tpu.dma_semaphore, #tpu.memory_space<semaphore_mem>>, %arg18: memref<!tpu.dma_semaphore, #tpu.memory_space<semaphore_mem>>, %arg19: memref<!tpu.dma_semaphore, #tpu.memory_space<semaphore_mem>>) attributes {dimension_semantics = [#tpu.dimension_semantics<core_parallel>, #tpu.dimension_semantics<subcore_parallel>], iteration_bounds = array<i64: 2, 16>, scalar_prefetch = 0 : i64, scratch_operands = 13 : i64, tpu.core_type = #tpu.core_type<sc_vector_subcore>, window_params = [{transform_indices = #map}, {transform_indices = #map}, {transform_indices = #map}, {transform_indices = #map}, {transform_indices = #map1}]} {
    %scan3A = arith.constant 0 : i32
    %scan3A_0 = arith.constant 0 : i32
    %scan3A_1 = arith.constant 128 : i32
    %scan3A_2 = arith.addi %scan3A_0, %scan3A_1 : i32
    %scan3A_3 = arith.constant 1 : i32
    scf.for %scan3A_350 = %scan3A_0 to %scan3A_2 step %scan3A_3  : i32 {
      %broadcast_in_dim3A = arith.constant 0.000000e+00 : f32
      %broadcast_in_dim3A_351 = vector.broadcast %broadcast_in_dim3A : f32 to vector<16xf32>
      %swap3A = arith.index_cast %scan3A_350 : i32 to index
      %swap3A_352 = arith.constant 0 : index
      %swap3A_353 = tpu.vector_load %arg10[%swap3A, %swap3A_352] {strides = array<i32>} : memref<128x128xf32, #tpu.memory_space<vmem>>, vector<1x16xf32>,
      %swap3A_354 = vector.shape_cast %swap3A_353 : vector<1x16xf32> to vector<16xf32>
      %swap3A_355 = vector.shape_cast %broadcast_in_dim3A_351 : vector<16xf32> to vector<1x16xf32>
      tpu.vector_store %arg10[%swap3A, %swap3A_352], %swap3A_355 {strides = array<i32>} : memref<128x128xf32, #tpu.memory_space<vmem>>, vector<1x16xf32>,
      %broadcast_in_dim3A_356 = arith.constant 0.000000e+00 : f32
      %broadcast_in_dim3A_357 = vector.broadcast %broadcast_in_dim3A_356 : f32 to vector<16xf32>
      %swap3A_358 = arith.index_cast %scan3A_350 : i32 to index
      %swap3A_359 = arith.constant 16 : index
      %swap3A_360 = tpu.vector_load %arg10[%swap3A_358, %swap3A_359] {strides = array<i32>} : memref<128x128xf32, #tpu.memory_space<vmem>>, vector<1x16xf32>,
      %swap3A_361 = vector.shape_cast %swap3A_360 : vector<1x16xf32> to vector<16xf32>
      %swap3A_362 = vector.shape_cast %broadcast_in_dim3A_357 : vector<16xf32> to vector<1x16xf32>
      tpu.vector_store %arg10[%swap3A_358, %swap3A_359], %swap3A_362 {strides = array<i32>} : memref<128x128xf32, #tpu.memory_space<vmem>>, vector<1x16xf32>,
      %broadcast_in_dim3A_363 = arith.constant 0.000000e+00 : f32
      %broadcast_in_dim3A_364 = vector.broadcast %broadcast_in_dim3A_363 : f32 to vector<16xf32>
      %swap3A_365 = arith.index_cast %scan3A_350 : i32 to index
      %swap3A_366 = arith.constant 32 : index
      %swap3A_367 = tpu.vector_load %arg10[%swap3A_365, %swap3A_366] {strides = array<i32>} : memref<128x128xf32, #tpu.memory_space<vmem>>, vector<1x16xf32>,
      %swap3A_368 = vector.shape_cast %swap3A_367 : vector<1x16xf32> to vector<16xf32>
      %swap3A_369 = vector.shape_cast %broadcast_in_dim3A_364 : vector<16xf32> to vector<1x16xf32>
      tpu.vector_store %arg10[%swap3A_365, %swap3A_366], %swap3A_369 {strides = array<i32>} : memref<128x128xf32, #tpu.memory_space<vmem>>, vector<1x16xf32>,
      %broadcast_in_dim3A_370 = arith.constant 0.000000e+00 : f32
      %broadcast_in_dim3A_371 = vector.broadcast %broadcast_in_dim3A_370 : f32 to vector<16xf32>
      %swap3A_372 = arith.index_cast %scan3A_350 : i32 to index
      %swap3A_373 = arith.constant 48 : index
      %swap3A_374 = tpu.vector_load %arg10[%swap3A_372, %swap3A_373] {strides = array<i32>} : memref<128x128xf32, #tpu.memory_space<vmem>>, vector<1x16xf32>,
      %swap3A_375 = vector.shape_cast %swap3A_374 : vector<1x16xf32> to vector<16xf32>
      %swap3A_376 = vector.shape_cast %broadcast_in_dim3A_371 : vector<16xf32> to vector<1x16xf32>
      tpu.vector_store %arg10[%swap3A_372, %swap3A_373], %swap3A_376 {strides = array<i32>} : memref<128x128xf32, #tpu.memory_space<vmem>>, vector<1x16xf32>,
      %broadcast_in_dim3A_377 = arith.constant 0.000000e+00 : f32
      %broadcast_in_dim3A_378 = vector.broadcast %broadcast_in_dim3A_377 : f32 to vector<16xf32>
      %swap3A_379 = arith.index_cast %scan3A_350 : i32 to index
      %swap3A_380 = arith.constant 64 : index
      %swap3A_381 = tpu.vector_load %arg10[%swap3A_379, %swap3A_380] {strides = array<i32>} : memref<128x128xf32, #tpu.memory_space<vmem>>, vector<1x16xf32>,
      %swap3A_382 = vector.shape_cast %swap3A_381 : vector<1x16xf32> to vector<16xf32>
      %swap3A_383 = vector.shape_cast %broadcast_in_dim3A_378 : vector<16xf32> to vector<1x16xf32>
      tpu.vector_store %arg10[%swap3A_379, %swap3A_380], %swap3A_383 {strides = array<i32>} : memref<128x128xf32, #tpu.memory_space<vmem>>, vector<1x16xf32>,
      %broadcast_in_dim3A_384 = arith.constant 0.000000e+00 : f32
      %broadcast_in_dim3A_385 = vector.broadcast %broadcast_in_dim3A_384 : f32 to vector<16xf32>
      %swap3A_386 = arith.index_cast %scan3A_350 : i32 to index
      %swap3A_387 = arith.constant 80 : index
      %swap3A_388 = tpu.vector_load %arg10[%swap3A_386, %swap3A_387] {strides = array<i32>} : memref<128x128xf32, #tpu.memory_space<vmem>>, vector<1x16xf32>,
      %swap3A_389 = vector.shape_cast %swap3A_388 : vector<1x16xf32> to vector<16xf32>
      %swap3A_390 = vector.shape_cast %broadcast_in_dim3A_385 : vector<16xf32> to vector<1x16xf32>
      tpu.vector_store %arg10[%swap3A_386, %swap3A_387], %swap3A_390 {strides = array<i32>} : memref<128x128xf32, #tpu.memory_space<vmem>>, vector<1x16xf32>,
      %broadcast_in_dim3A_391 = arith.constant 0.000000e+00 : f32
      %broadcast_in_dim3A_392 = vector.broadcast %broadcast_in_dim3A_391 : f32 to vector<16xf32>
      %swap3A_393 = arith.index_cast %scan3A_350 : i32 to index
      %swap3A_394 = arith.constant 96 : index
      %swap3A_395 = tpu.vector_load %arg10[%swap3A_393, %swap3A_394] {strides = array<i32>} : memref<128x128xf32, #tpu.memory_space<vmem>>, vector<1x16xf32>,
      %swap3A_396 = vector.shape_cast %swap3A_395 : vector<1x16xf32> to vector<16xf32>
      %swap3A_397 = vector.shape_cast %broadcast_in_dim3A_392 : vector<16xf32> to vector<1x16xf32>
      tpu.vector_store %arg10[%swap3A_393, %swap3A_394], %swap3A_397 {strides = array<i32>} : memref<128x128xf32, #tpu.memory_space<vmem>>, vector<1x16xf32>,
      %broadcast_in_dim3A_398 = arith.constant 0.000000e+00 : f32
      %broadcast_in_dim3A_399 = vector.broadcast %broadcast_in_dim3A_398 : f32 to vector<16xf32>
      %swap3A_400 = arith.index_cast %scan3A_350 : i32 to index
      %swap3A_401 = arith.constant 112 : index
      %swap3A_402 = tpu.vector_load %arg10[%swap3A_400, %swap3A_401] {strides = array<i32>} : memref<128x128xf32, #tpu.memory_space<vmem>>, vector<1x16xf32>,
      %swap3A_403 = vector.shape_cast %swap3A_402 : vector<1x16xf32> to vector<16xf32>
      %swap3A_404 = vector.shape_cast %broadcast_in_dim3A_399 : vector<16xf32> to vector<1x16xf32>
      tpu.vector_store %arg10[%swap3A_400, %swap3A_401], %swap3A_404 {strides = array<i32>} : memref<128x128xf32, #tpu.memory_space<vmem>>, vector<1x16xf32>,
    }
    %scan3A_4 = arith.constant 128 : i32
    %mul3A = arith.constant 640 : i32
    %mul3A_5 = arith.muli %arg1, %mul3A : i32
    %add3A = arith.constant 0 : i32
    %add3A_6 = arith.addi %mul3A_5, %add3A : i32
    %dma_start3A = arith.constant 0 : i32
    %dma_start3A_7 = tpu.memref_slice %arg12[%add3A_6, %dma_start3A] : memref<10240x128xf32, #tpu.memory_space<vmem_shared>> -> memref<128x128xf32, #tpu.memory_space<vmem_shared>>
    %dma_start3A_8 = arith.constant 0 : i32
    %dma_start3A_9 = tpu.memref_slice %arg12[%add3A_6, %dma_start3A_8] : memref<10240x128xf32, #tpu.memory_space<vmem_shared>> -> memref<128x128xf32, #tpu.memory_space<vmem_shared>>
    tpu.enqueue_dma source(%arg10 : memref<128x128xf32, #tpu.memory_space<vmem>>) target(%dma_start3A_9 : memref<128x128xf32, #tpu.memory_space<vmem_shared>>) target_semaphore(%arg19 : memref<!tpu.dma_semaphore, #tpu.memory_space<semaphore_mem>>)
    %mul3A_10 = arith.constant 640 : i32
    %mul3A_11 = arith.muli %arg1, %mul3A_10 : i32
    %add3A_12 = arith.constant 128 : i32
    %add3A_13 = arith.addi %mul3A_11, %add3A_12 : i32
    %dma_start3A_14 = arith.constant 0 : i32
    %dma_start3A_15 = tpu.memref_slice %arg12[%add3A_13, %dma_start3A_14] : memref<10240x128xf32, #tpu.memory_space<vmem_shared>> -> memref<128x128xf32, #tpu.memory_space<vmem_shared>>
    %dma_start3A_16 = arith.constant 0 : i32
    %dma_start3A_17 = tpu.memref_slice %arg12[%add3A_13, %dma_start3A_16] : memref<10240x128xf32, #tpu.memory_space<vmem_shared>> -> memref<128x128xf32, #tpu.memory_space<vmem_shared>>
    tpu.enqueue_dma source(%arg10 : memref<128x128xf32, #tpu.memory_space<vmem>>) target(%dma_start3A_17 : memref<128x128xf32, #tpu.memory_space<vmem_shared>>) target_semaphore(%arg19 : memref<!tpu.dma_semaphore, #tpu.memory_space<semaphore_mem>>)
    %mul3A_18 = arith.constant 640 : i32
    %mul3A_19 = arith.muli %arg1, %mul3A_18 : i32
    %add3A_20 = arith.constant 256 : i32
    %add3A_21 = arith.addi %mul3A_19, %add3A_20 : i32
    %dma_start3A_22 = arith.constant 0 : i32
    %dma_start3A_23 = tpu.memref_slice %arg12[%add3A_21, %dma_start3A_22] : memref<10240x128xf32, #tpu.memory_space<vmem_shared>> -> memref<128x128xf32, #tpu.memory_space<vmem_shared>>
    %dma_start3A_24 = arith.constant 0 : i32
    %dma_start3A_25 = tpu.memref_slice %arg12[%add3A_21, %dma_start3A_24] : memref<10240x128xf32, #tpu.memory_space<vmem_shared>> -> memref<128x128xf32, #tpu.memory_space<vmem_shared>>
    tpu.enqueue_dma source(%arg10 : memref<128x128xf32, #tpu.memory_space<vmem>>) target(%dma_start3A_25 : memref<128x128xf32, #tpu.memory_space<vmem_shared>>) target_semaphore(%arg19 : memref<!tpu.dma_semaphore, #tpu.memory_space<semaphore_mem>>)
    %mul3A_26 = arith.constant 640 : i32
    %mul3A_27 = arith.muli %arg1, %mul3A_26 : i32
    %add3A_28 = arith.constant 384 : i32
    %add3A_29 = arith.addi %mul3A_27, %add3A_28 : i32
    %dma_start3A_30 = arith.constant 0 : i32
    %dma_start3A_31 = tpu.memref_slice %arg12[%add3A_29, %dma_start3A_30] : memref<10240x128xf32, #tpu.memory_space<vmem_shared>> -> memref<128x128xf32, #tpu.memory_space<vmem_shared>>
    %dma_start3A_32 = arith.constant 0 : i32
    %dma_start3A_33 = tpu.memref_slice %arg12[%add3A_29, %dma_start3A_32] : memref<10240x128xf32, #tpu.memory_space<vmem_shared>> -> memref<128x128xf32, #tpu.memory_space<vmem_shared>>
    tpu.enqueue_dma source(%arg10 : memref<128x128xf32, #tpu.memory_space<vmem>>) target(%dma_start3A_33 : memref<128x128xf32, #tpu.memory_space<vmem_shared>>) target_semaphore(%arg19 : memref<!tpu.dma_semaphore, #tpu.memory_space<semaphore_mem>>)
    %mul3A_34 = arith.constant 640 : i32
    %mul3A_35 = arith.muli %arg1, %mul3A_34 : i32
    %add3A_36 = arith.constant 512 : i32
    %add3A_37 = arith.addi %mul3A_35, %add3A_36 : i32
    %dma_start3A_38 = arith.constant 0 : i32
    %dma_start3A_39 = tpu.memref_slice %arg12[%add3A_37, %dma_start3A_38] : memref<10240x128xf32, #tpu.memory_space<vmem_shared>> -> memref<128x128xf32, #tpu.memory_space<vmem_shared>>
    %dma_start3A_40 = arith.constant 0 : i32
    %dma_start3A_41 = tpu.memref_slice %arg12[%add3A_37, %dma_start3A_40] : memref<10240x128xf32, #tpu.memory_space<vmem_shared>> -> memref<128x128xf32, #tpu.memory_space<vmem_shared>>
    tpu.enqueue_dma source(%arg10 : memref<128x128xf32, #tpu.memory_space<vmem>>) target(%dma_start3A_41 : memref<128x128xf32, #tpu.memory_space<vmem_shared>>) target_semaphore(%arg19 : memref<!tpu.dma_semaphore, #tpu.memory_space<semaphore_mem>>)
    %dma_wait3A = arith.constant 0 : i32
    %dma_wait3A_42 = tpu.memref_slice %arg12[%add3A_6, %dma_wait3A] : memref<10240x128xf32, #tpu.memory_space<vmem_shared>> -> memref<128x128xf32, #tpu.memory_space<vmem_shared>>
    %dma_wait3A_43 = arith.constant 0 : i32
    %dma_wait3A_44 = tpu.memref_slice %arg12[%add3A_6, %dma_wait3A_43] : memref<10240x128xf32, #tpu.memory_space<vmem_shared>> -> memref<128x128xf32, #tpu.memory_space<vmem_shared>>
    tpu.wait_dma2 semaphore(%arg19 : memref<!tpu.dma_semaphore, #tpu.memory_space<semaphore_mem>>) src(%arg10 : memref<128x128xf32, #tpu.memory_space<vmem>>) dst(%dma_wait3A_44 : memref<128x128xf32, #tpu.memory_space<vmem_shared>>)
    %dma_wait3A_45 = arith.constant 0 : i32
    %dma_wait3A_46 = tpu.memref_slice %arg12[%add3A_13, %dma_wait3A_45] : memref<10240x128xf32, #tpu.memory_space<vmem_shared>> -> memref<128x128xf32, #tpu.memory_space<vmem_shared>>
    %dma_wait3A_47 = arith.constant 0 : i32
    %dma_wait3A_48 = tpu.memref_slice %arg12[%add3A_13, %dma_wait3A_47] : memref<10240x128xf32, #tpu.memory_space<vmem_shared>> -> memref<128x128xf32, #tpu.memory_space<vmem_shared>>
    tpu.wait_dma2 semaphore(%arg19 : memref<!tpu.dma_semaphore, #tpu.memory_space<semaphore_mem>>) src(%arg10 : memref<128x128xf32, #tpu.memory_space<vmem>>) dst(%dma_wait3A_48 : memref<128x128xf32, #tpu.memory_space<vmem_shared>>)
    %dma_wait3A_49 = arith.constant 0 : i32
    %dma_wait3A_50 = tpu.memref_slice %arg12[%add3A_21, %dma_wait3A_49] : memref<10240x128xf32, #tpu.memory_space<vmem_shared>> -> memref<128x128xf32, #tpu.memory_space<vmem_shared>>
    %dma_wait3A_51 = arith.constant 0 : i32
    %dma_wait3A_52 = tpu.memref_slice %arg12[%add3A_21, %dma_wait3A_51] : memref<10240x128xf32, #tpu.memory_space<vmem_shared>> -> memref<128x128xf32, #tpu.memory_space<vmem_shared>>
    tpu.wait_dma2 semaphore(%arg19 : memref<!tpu.dma_semaphore, #tpu.memory_space<semaphore_mem>>) src(%arg10 : memref<128x128xf32, #tpu.memory_space<vmem>>) dst(%dma_wait3A_52 : memref<128x128xf32, #tpu.memory_space<vmem_shared>>)
    %dma_wait3A_53 = arith.constant 0 : i32
    %dma_wait3A_54 = tpu.memref_slice %arg12[%add3A_29, %dma_wait3A_53] : memref<10240x128xf32, #tpu.memory_space<vmem_shared>> -> memref<128x128xf32, #tpu.memory_space<vmem_shared>>
    %dma_wait3A_55 = arith.constant 0 : i32
    %dma_wait3A_56 = tpu.memref_slice %arg12[%add3A_29, %dma_wait3A_55] : memref<10240x128xf32, #tpu.memory_space<vmem_shared>> -> memref<128x128xf32, #tpu.memory_space<vmem_shared>>
    tpu.wait_dma2 semaphore(%arg19 : memref<!tpu.dma_semaphore, #tpu.memory_space<semaphore_mem>>) src(%arg10 : memref<128x128xf32, #tpu.memory_space<vmem>>) dst(%dma_wait3A_56 : memref<128x128xf32, #tpu.memory_space<vmem_shared>>)
    %dma_wait3A_57 = arith.constant 0 : i32
    %dma_wait3A_58 = tpu.memref_slice %arg12[%add3A_37, %dma_wait3A_57] : memref<10240x128xf32, #tpu.memory_space<vmem_shared>> -> memref<128x128xf32, #tpu.memory_space<vmem_shared>>
    %dma_wait3A_59 = arith.constant 0 : i32
    %dma_wait3A_60 = tpu.memref_slice %arg12[%add3A_37, %dma_wait3A_59] : memref<10240x128xf32, #tpu.memory_space<vmem_shared>> -> memref<128x128xf32, #tpu.memory_space<vmem_shared>>
    tpu.wait_dma2 semaphore(%arg19 : memref<!tpu.dma_semaphore, #tpu.memory_space<semaphore_mem>>) src(%arg10 : memref<128x128xf32, #tpu.memory_space<vmem>>) dst(%dma_wait3A_60 : memref<128x128xf32, #tpu.memory_space<vmem_shared>>)
    %barrier3A = arith.constant 0 : index
    tpu.barrier barrier_id(%barrier3A)
    %mul3A_61 = arith.constant 2 : i32
    %mul3A_62 = arith.muli %arg1, %mul3A_61 : i32
    %add3A_63 = arith.addi %mul3A_62, %arg0 : i32
    %mul3A_64 = arith.constant 80 : i32
    %mul3A_65 = arith.muli %add3A_63, %mul3A_64 : i32
    %add3A_66 = arith.constant 0 : i32
    %add3A_67 = arith.addi %mul3A_65, %add3A_66 : i32
    "tpu.region"() ({
      %run_scoped3A_350 = tpu.sem_alloc : memref<!tpu.dma_semaphore, #tpu.memory_space<semaphore_mem>>
      %dma_start3A_351 = arith.constant 0 : i32
      %dma_start3A_352 = arith.constant 0 : i32
      %dma_start3A_353 = tpu.memref_slice %arg7[%dma_start3A_351, %dma_start3A_352] : memref<40x128xi32, #tpu.memory_space<vmem>> -> memref<40x128xi32, #tpu.memory_space<vmem>>
      %dma_start3A_354 = arith.constant 0 : i32
      %dma_start3A_355 = tpu.memref_slice %arg3[%add3A_67, %dma_start3A_354] : memref<2560x128xi32, #tpu.memory_space<hbm>> -> memref<40x128xi32, #tpu.memory_space<hbm>>
      %dma_start3A_356 = arith.constant 0 : i32
      %dma_start3A_357 = arith.constant 0 : i32
      %dma_start3A_358 = tpu.memref_slice %arg7[%dma_start3A_356, %dma_start3A_357] : memref<40x128xi32, #tpu.memory_space<vmem>> -> memref<40x128xi32, #tpu.memory_space<vmem>>
      %dma_start3A_359 = arith.constant 0 : i32
      %dma_start3A_360 = tpu.memref_slice %arg3[%add3A_67, %dma_start3A_359] : memref<2560x128xi32, #tpu.memory_space<hbm>> -> memref<40x128xi32, #tpu.memory_space<hbm>>
      tpu.enqueue_dma source(%dma_start3A_360 : memref<40x128xi32, #tpu.memory_space<hbm>>) target(%dma_start3A_358 : memref<40x128xi32, #tpu.memory_space<vmem>>) target_semaphore(%run_scoped3A_350 : memref<!tpu.dma_semaphore, #tpu.memory_space<semaphore_mem>>)
      %dma_wait3A_361 = arith.constant 0 : i32
      %dma_wait3A_362 = arith.constant 0 : i32
      %dma_wait3A_363 = tpu.memref_slice %arg7[%dma_wait3A_361, %dma_wait3A_362] : memref<40x128xi32, #tpu.memory_space<vmem>> -> memref<40x128xi32, #tpu.memory_space<vmem>>
      %dma_wait3A_364 = arith.constant 0 : i32
      %dma_wait3A_365 = tpu.memref_slice %arg3[%add3A_67, %dma_wait3A_364] : memref<2560x128xi32, #tpu.memory_space<hbm>> -> memref<40x128xi32, #tpu.memory_space<hbm>>
      %dma_wait3A_366 = arith.constant 0 : i32
      %dma_wait3A_367 = arith.constant 0 : i32
      %dma_wait3A_368 = tpu.memref_slice %arg7[%dma_wait3A_366, %dma_wait3A_367] : memref<40x128xi32, #tpu.memory_space<vmem>> -> memref<40x128xi32, #tpu.memory_space<vmem>>
      %dma_wait3A_369 = arith.constant 0 : i32
      %dma_wait3A_370 = tpu.memref_slice %arg3[%add3A_67, %dma_wait3A_369] : memref<2560x128xi32, #tpu.memory_space<hbm>> -> memref<40x128xi32, #tpu.memory_space<hbm>>
      tpu.wait_dma2 semaphore(%run_scoped3A_350 : memref<!tpu.dma_semaphore, #tpu.memory_space<semaphore_mem>>) src(%dma_wait3A_370 : memref<40x128xi32, #tpu.memory_space<hbm>>) dst(%dma_wait3A_368 : memref<40x128xi32, #tpu.memory_space<vmem>>)
      tpu.yield
    }) : () -> ()
    "tpu.region"() ({
      %run_scoped3A_350 = tpu.sem_alloc : memref<!tpu.dma_semaphore, #tpu.memory_space<semaphore_mem>>
      %dma_start3A_351 = arith.constant 0 : i32
      %dma_start3A_352 = arith.constant 0 : i32
      %dma_start3A_353 = tpu.memref_slice %arg8[%dma_start3A_351, %dma_start3A_352] : memref<40x128xi32, #tpu.memory_space<vmem>> -> memref<40x128xi32, #tpu.memory_space<vmem>>
      %dma_start3A_354 = arith.constant 0 : i32
      %dma_start3A_355 = tpu.memref_slice %arg4[%add3A_67, %dma_start3A_354] : memref<2560x128xi32, #tpu.memory_space<hbm>> -> memref<40x128xi32, #tpu.memory_space<hbm>>
      %dma_start3A_356 = arith.constant 0 : i32
      %dma_start3A_357 = arith.constant 0 : i32
      %dma_start3A_358 = tpu.memref_slice %arg8[%dma_start3A_356, %dma_start3A_357] : memref<40x128xi32, #tpu.memory_space<vmem>> -> memref<40x128xi32, #tpu.memory_space<vmem>>
      %dma_start3A_359 = arith.constant 0 : i32
      %dma_start3A_360 = tpu.memref_slice %arg4[%add3A_67, %dma_start3A_359] : memref<2560x128xi32, #tpu.memory_space<hbm>> -> memref<40x128xi32, #tpu.memory_space<hbm>>
      tpu.enqueue_dma source(%dma_start3A_360 : memref<40x128xi32, #tpu.memory_space<hbm>>) target(%dma_start3A_358 : memref<40x128xi32, #tpu.memory_space<vmem>>) target_semaphore(%run_scoped3A_350 : memref<!tpu.dma_semaphore, #tpu.memory_space<semaphore_mem>>)
      %dma_wait3A_361 = arith.constant 0 : i32
      %dma_wait3A_362 = arith.constant 0 : i32
      %dma_wait3A_363 = tpu.memref_slice %arg8[%dma_wait3A_361, %dma_wait3A_362] : memref<40x128xi32, #tpu.memory_space<vmem>> -> memref<40x128xi32, #tpu.memory_space<vmem>>
      %dma_wait3A_364 = arith.constant 0 : i32
      %dma_wait3A_365 = tpu.memref_slice %arg4[%add3A_67, %dma_wait3A_364] : memref<2560x128xi32, #tpu.memory_space<hbm>> -> memref<40x128xi32, #tpu.memory_space<hbm>>
      %dma_wait3A_366 = arith.constant 0 : i32
      %dma_wait3A_367 = arith.constant 0 : i32
      %dma_wait3A_368 = tpu.memref_slice %arg8[%dma_wait3A_366, %dma_wait3A_367] : memref<40x128xi32, #tpu.memory_space<vmem>> -> memref<40x128xi32, #tpu.memory_space<vmem>>
      %dma_wait3A_369 = arith.constant 0 : i32
      %dma_wait3A_370 = tpu.memref_slice %arg4[%add3A_67, %dma_wait3A_369] : memref<2560x128xi32, #tpu.memory_space<hbm>> -> memref<40x128xi32, #tpu.memory_space<hbm>>
      tpu.wait_dma2 semaphore(%run_scoped3A_350 : memref<!tpu.dma_semaphore, #tpu.memory_space<semaphore_mem>>) src(%dma_wait3A_370 : memref<40x128xi32, #tpu.memory_space<hbm>>) dst(%dma_wait3A_368 : memref<40x128xi32, #tpu.memory_space<vmem>>)
      tpu.yield
    }) : () -> ()
    "tpu.region"() ({
      %run_scoped3A_350 = tpu.sem_alloc : memref<!tpu.dma_semaphore, #tpu.memory_space<semaphore_mem>>
      %dma_start3A_351 = arith.constant 0 : i32
      %dma_start3A_352 = arith.constant 0 : i32
      %dma_start3A_353 = tpu.memref_slice %arg9[%dma_start3A_351, %dma_start3A_352] : memref<40x128xi32, #tpu.memory_space<vmem>> -> memref<40x128xi32, #tpu.memory_space<vmem>>
      %dma_start3A_354 = arith.constant 0 : i32
      %dma_start3A_355 = tpu.memref_slice %arg5[%add3A_67, %dma_start3A_354] : memref<2560x128xi32, #tpu.memory_space<hbm>> -> memref<40x128xi32, #tpu.memory_space<hbm>>
      %dma_start3A_356 = arith.constant 0 : i32
      %dma_start3A_357 = arith.constant 0 : i32
      %dma_start3A_358 = tpu.memref_slice %arg9[%dma_start3A_356, %dma_start3A_357] : memref<40x128xi32, #tpu.memory_space<vmem>> -> memref<40x128xi32, #tpu.memory_space<vmem>>
      %dma_start3A_359 = arith.constant 0 : i32
      %dma_start3A_360 = tpu.memref_slice %arg5[%add3A_67, %dma_start3A_359] : memref<2560x128xi32, #tpu.memory_space<hbm>> -> memref<40x128xi32, #tpu.memory_space<hbm>>
      tpu.enqueue_dma source(%dma_start3A_360 : memref<40x128xi32, #tpu.memory_space<hbm>>) target(%dma_start3A_358 : memref<40x128xi32, #tpu.memory_space<vmem>>) target_semaphore(%run_scoped3A_350 : memref<!tpu.dma_semaphore, #tpu.memory_space<semaphore_mem>>)
      %dma_wait3A_361 = arith.constant 0 : i32
      %dma_wait3A_362 = arith.constant 0 : i32
      %dma_wait3A_363 = tpu.memref_slice %arg9[%dma_wait3A_361, %dma_wait3A_362] : memref<40x128xi32, #tpu.memory_space<vmem>> -> memref<40x128xi32, #tpu.memory_space<vmem>>
      %dma_wait3A_364 = arith.constant 0 : i32
      %dma_wait3A_365 = tpu.memref_slice %arg5[%add3A_67, %dma_wait3A_364] : memref<2560x128xi32, #tpu.memory_space<hbm>> -> memref<40x128xi32, #tpu.memory_space<hbm>>
      %dma_wait3A_366 = arith.constant 0 : i32
      %dma_wait3A_367 = arith.constant 0 : i32
      %dma_wait3A_368 = tpu.memref_slice %arg9[%dma_wait3A_366, %dma_wait3A_367] : memref<40x128xi32, #tpu.memory_space<vmem>> -> memref<40x128xi32, #tpu.memory_space<vmem>>
      %dma_wait3A_369 = arith.constant 0 : i32
      %dma_wait3A_370 = tpu.memref_slice %arg5[%add3A_67, %dma_wait3A_369] : memref<2560x128xi32, #tpu.memory_space<hbm>> -> memref<40x128xi32, #tpu.memory_space<hbm>>
      tpu.wait_dma2 semaphore(%run_scoped3A_350 : memref<!tpu.dma_semaphore, #tpu.memory_space<semaphore_mem>>) src(%dma_wait3A_370 : memref<40x128xi32, #tpu.memory_space<hbm>>) dst(%dma_wait3A_368 : memref<40x128xi32, #tpu.memory_space<vmem>>)
      tpu.yield
    }) : () -> ()
    %scan3A_68 = arith.constant 0 : i32
    %scan3A_69 = arith.constant 0 : i32
    %scan3A_70 = arith.constant 40 : i32
    %scan3A_71 = arith.addi %scan3A_69, %scan3A_70 : i32
    %scan3A_72 = arith.constant 1 : i32
    scf.for %scan3A_350 = %scan3A_69 to %scan3A_71 step %scan3A_72  : i32 {
      %get3A = arith.index_cast %scan3A_350 : i32 to index
      %get3A_351 = arith.constant 0 : index
      %get3A_352 = tpu.vector_load %arg7[%get3A, %get3A_351] {strides = array<i32>} : memref<40x128xi32, #tpu.memory_space<vmem>>, vector<1x16xi32>,
      %get3A_353 = vector.shape_cast %get3A_352 : vector<1x16xi32> to vector<16xi32>
      %get3A_354 = arith.index_cast %scan3A_350 : i32 to index
      %get3A_355 = arith.constant 0 : index
      %get3A_356 = tpu.vector_load %arg8[%get3A_354, %get3A_355] {strides = array<i32>} : memref<40x128xi32, #tpu.memory_space<vmem>>, vector<1x16xi32>,
      %get3A_357 = vector.shape_cast %get3A_356 : vector<1x16xi32> to vector<16xi32>
      %mul3A_358 = arith.constant 10000 : i32
      %mul3A_359 = vector.broadcast %mul3A_358 : i32 to vector<16xi32>
      %mul3A_360 = arith.muli %get3A_357, %mul3A_359 : vector<16xi32>
      %add3A_361 = arith.addi %mul3A_360, %get3A_353 : vector<16xi32>
      %swap3A = arith.index_cast %scan3A_350 : i32 to index
      %swap3A_362 = arith.constant 0 : index
      %swap3A_363 = tpu.vector_load %arg7[%swap3A, %swap3A_362] {strides = array<i32>} : memref<40x128xi32, #tpu.memory_space<vmem>>, vector<1x16xi32>,
      %swap3A_364 = vector.shape_cast %swap3A_363 : vector<1x16xi32> to vector<16xi32>
      %swap3A_365 = vector.shape_cast %add3A_361 : vector<16xi32> to vector<1x16xi32>
      tpu.vector_store %arg7[%swap3A, %swap3A_362], %swap3A_365 {strides = array<i32>} : memref<40x128xi32, #tpu.memory_space<vmem>>, vector<1x16xi32>,
      %get3A_366 = arith.index_cast %scan3A_350 : i32 to index
      %get3A_367 = arith.constant 16 : index
      %get3A_368 = tpu.vector_load %arg7[%get3A_366, %get3A_367] {strides = array<i32>} : memref<40x128xi32, #tpu.memory_space<vmem>>, vector<1x16xi32>,
      %get3A_369 = vector.shape_cast %get3A_368 : vector<1x16xi32> to vector<16xi32>
      %get3A_370 = arith.index_cast %scan3A_350 : i32 to index
      %get3A_371 = arith.constant 16 : index
      %get3A_372 = tpu.vector_load %arg8[%get3A_370, %get3A_371] {strides = array<i32>} : memref<40x128xi32, #tpu.memory_space<vmem>>, vector<1x16xi32>,
      %get3A_373 = vector.shape_cast %get3A_372 : vector<1x16xi32> to vector<16xi32>
      %mul3A_374 = arith.constant 10000 : i32
      %mul3A_375 = vector.broadcast %mul3A_374 : i32 to vector<16xi32>
      %mul3A_376 = arith.muli %get3A_373, %mul3A_375 : vector<16xi32>
      %add3A_377 = arith.addi %mul3A_376, %get3A_369 : vector<16xi32>
      %swap3A_378 = arith.index_cast %scan3A_350 : i32 to index
      %swap3A_379 = arith.constant 16 : index
      %swap3A_380 = tpu.vector_load %arg7[%swap3A_378, %swap3A_379] {strides = array<i32>} : memref<40x128xi32, #tpu.memory_space<vmem>>, vector<1x16xi32>,
      %swap3A_381 = vector.shape_cast %swap3A_380 : vector<1x16xi32> to vector<16xi32>
      %swap3A_382 = vector.shape_cast %add3A_377 : vector<16xi32> to vector<1x16xi32>
      tpu.vector_store %arg7[%swap3A_378, %swap3A_379], %swap3A_382 {strides = array<i32>} : memref<40x128xi32, #tpu.memory_space<vmem>>, vector<1x16xi32>,
      %get3A_383 = arith.index_cast %scan3A_350 : i32 to index
      %get3A_384 = arith.constant 32 : index
      %get3A_385 = tpu.vector_load %arg7[%get3A_383, %get3A_384] {strides = array<i32>} : memref<40x128xi32, #tpu.memory_space<vmem>>, vector<1x16xi32>,
      %get3A_386 = vector.shape_cast %get3A_385 : vector<1x16xi32> to vector<16xi32>
      %get3A_387 = arith.index_cast %scan3A_350 : i32 to index
      %get3A_388 = arith.constant 32 : index
      %get3A_389 = tpu.vector_load %arg8[%get3A_387, %get3A_388] {strides = array<i32>} : memref<40x128xi32, #tpu.memory_space<vmem>>, vector<1x16xi32>,
      %get3A_390 = vector.shape_cast %get3A_389 : vector<1x16xi32> to vector<16xi32>
      %mul3A_391 = arith.constant 10000 : i32
      %mul3A_392 = vector.broadcast %mul3A_391 : i32 to vector<16xi32>
      %mul3A_393 = arith.muli %get3A_390, %mul3A_392 : vector<16xi32>
      %add3A_394 = arith.addi %mul3A_393, %get3A_386 : vector<16xi32>
      %swap3A_395 = arith.index_cast %scan3A_350 : i32 to index
      %swap3A_396 = arith.constant 32 : index
      %swap3A_397 = tpu.vector_load %arg7[%swap3A_395, %swap3A_396] {strides = array<i32>} : memref<40x128xi32, #tpu.memory_space<vmem>>, vector<1x16xi32>,
      %swap3A_398 = vector.shape_cast %swap3A_397 : vector<1x16xi32> to vector<16xi32>
      %swap3A_399 = vector.shape_cast %add3A_394 : vector<16xi32> to vector<1x16xi32>
      tpu.vector_store %arg7[%swap3A_395, %swap3A_396], %swap3A_399 {strides = array<i32>} : memref<40x128xi32, #tpu.memory_space<vmem>>, vector<1x16xi32>,
      %get3A_400 = arith.index_cast %scan3A_350 : i32 to index
      %get3A_401 = arith.constant 48 : index
      %get3A_402 = tpu.vector_load %arg7[%get3A_400, %get3A_401] {strides = array<i32>} : memref<40x128xi32, #tpu.memory_space<vmem>>, vector<1x16xi32>,
      %get3A_403 = vector.shape_cast %get3A_402 : vector<1x16xi32> to vector<16xi32>
      %get3A_404 = arith.index_cast %scan3A_350 : i32 to index
      %get3A_405 = arith.constant 48 : index
      %get3A_406 = tpu.vector_load %arg8[%get3A_404, %get3A_405] {strides = array<i32>} : memref<40x128xi32, #tpu.memory_space<vmem>>, vector<1x16xi32>,
      %get3A_407 = vector.shape_cast %get3A_406 : vector<1x16xi32> to vector<16xi32>
      %mul3A_408 = arith.constant 10000 : i32
      %mul3A_409 = vector.broadcast %mul3A_408 : i32 to vector<16xi32>
      %mul3A_410 = arith.muli %get3A_407, %mul3A_409 : vector<16xi32>
      %add3A_411 = arith.addi %mul3A_410, %get3A_403 : vector<16xi32>
      %swap3A_412 = arith.index_cast %scan3A_350 : i32 to index
      %swap3A_413 = arith.constant 48 : index
      %swap3A_414 = tpu.vector_load %arg7[%swap3A_412, %swap3A_413] {strides = array<i32>} : memref<40x128xi32, #tpu.memory_space<vmem>>, vector<1x16xi32>,
      %swap3A_415 = vector.shape_cast %swap3A_414 : vector<1x16xi32> to vector<16xi32>
      %swap3A_416 = vector.shape_cast %add3A_411 : vector<16xi32> to vector<1x16xi32>
      tpu.vector_store %arg7[%swap3A_412, %swap3A_413], %swap3A_416 {strides = array<i32>} : memref<40x128xi32, #tpu.memory_space<vmem>>, vector<1x16xi32>,
      %get3A_417 = arith.index_cast %scan3A_350 : i32 to index
      %get3A_418 = arith.constant 64 : index
      %get3A_419 = tpu.vector_load %arg7[%get3A_417, %get3A_418] {strides = array<i32>} : memref<40x128xi32, #tpu.memory_space<vmem>>, vector<1x16xi32>,
      %get3A_420 = vector.shape_cast %get3A_419 : vector<1x16xi32> to vector<16xi32>
      %get3A_421 = arith.index_cast %scan3A_350 : i32 to index
      %get3A_422 = arith.constant 64 : index
      %get3A_423 = tpu.vector_load %arg8[%get3A_421, %get3A_422] {strides = array<i32>} : memref<40x128xi32, #tpu.memory_space<vmem>>, vector<1x16xi32>,
      %get3A_424 = vector.shape_cast %get3A_423 : vector<1x16xi32> to vector<16xi32>
      %mul3A_425 = arith.constant 10000 : i32
      %mul3A_426 = vector.broadcast %mul3A_425 : i32 to vector<16xi32>
      %mul3A_427 = arith.muli %get3A_424, %mul3A_426 : vector<16xi32>
      %add3A_428 = arith.addi %mul3A_427, %get3A_420 : vector<16xi32>
      %swap3A_429 = arith.index_cast %scan3A_350 : i32 to index
      %swap3A_430 = arith.constant 64 : index
      %swap3A_431 = tpu.vector_load %arg7[%swap3A_429, %swap3A_430] {strides = array<i32>} : memref<40x128xi32, #tpu.memory_space<vmem>>, vector<1x16xi32>,
      %swap3A_432 = vector.shape_cast %swap3A_431 : vector<1x16xi32> to vector<16xi32>
      %swap3A_433 = vector.shape_cast %add3A_428 : vector<16xi32> to vector<1x16xi32>
      tpu.vector_store %arg7[%swap3A_429, %swap3A_430], %swap3A_433 {strides = array<i32>} : memref<40x128xi32, #tpu.memory_space<vmem>>, vector<1x16xi32>,
      %get3A_434 = arith.index_cast %scan3A_350 : i32 to index
      %get3A_435 = arith.constant 80 : index
      %get3A_436 = tpu.vector_load %arg7[%get3A_434, %get3A_435] {strides = array<i32>} : memref<40x128xi32, #tpu.memory_space<vmem>>, vector<1x16xi32>,
      %get3A_437 = vector.shape_cast %get3A_436 : vector<1x16xi32> to vector<16xi32>
      %get3A_438 = arith.index_cast %scan3A_350 : i32 to index
      %get3A_439 = arith.constant 80 : index
      %get3A_440 = tpu.vector_load %arg8[%get3A_438, %get3A_439] {strides = array<i32>} : memref<40x128xi32, #tpu.memory_space<vmem>>, vector<1x16xi32>,
      %get3A_441 = vector.shape_cast %get3A_440 : vector<1x16xi32> to vector<16xi32>
      %mul3A_442 = arith.constant 10000 : i32
      %mul3A_443 = vector.broadcast %mul3A_442 : i32 to vector<16xi32>
      %mul3A_444 = arith.muli %get3A_441, %mul3A_443 : vector<16xi32>
      %add3A_445 = arith.addi %mul3A_444, %get3A_437 : vector<16xi32>
      %swap3A_446 = arith.index_cast %scan3A_350 : i32 to index
      %swap3A_447 = arith.constant 80 : index
      %swap3A_448 = tpu.vector_load %arg7[%swap3A_446, %swap3A_447] {strides = array<i32>} : memref<40x128xi32, #tpu.memory_space<vmem>>, vector<1x16xi32>,
      %swap3A_449 = vector.shape_cast %swap3A_448 : vector<1x16xi32> to vector<16xi32>
      %swap3A_450 = vector.shape_cast %add3A_445 : vector<16xi32> to vector<1x16xi32>
      tpu.vector_store %arg7[%swap3A_446, %swap3A_447], %swap3A_450 {strides = array<i32>} : memref<40x128xi32, #tpu.memory_space<vmem>>, vector<1x16xi32>,
      %get3A_451 = arith.index_cast %scan3A_350 : i32 to index
      %get3A_452 = arith.constant 96 : index
      %get3A_453 = tpu.vector_load %arg7[%get3A_451, %get3A_452] {strides = array<i32>} : memref<40x128xi32, #tpu.memory_space<vmem>>, vector<1x16xi32>,
      %get3A_454 = vector.shape_cast %get3A_453 : vector<1x16xi32> to vector<16xi32>
      %get3A_455 = arith.index_cast %scan3A_350 : i32 to index
      %get3A_456 = arith.constant 96 : index
      %get3A_457 = tpu.vector_load %arg8[%get3A_455, %get3A_456] {strides = array<i32>} : memref<40x128xi32, #tpu.memory_space<vmem>>, vector<1x16xi32>,
      %get3A_458 = vector.shape_cast %get3A_457 : vector<1x16xi32> to vector<16xi32>
      %mul3A_459 = arith.constant 10000 : i32
      %mul3A_460 = vector.broadcast %mul3A_459 : i32 to vector<16xi32>
      %mul3A_461 = arith.muli %get3A_458, %mul3A_460 : vector<16xi32>
      %add3A_462 = arith.addi %mul3A_461, %get3A_454 : vector<16xi32>
      %swap3A_463 = arith.index_cast %scan3A_350 : i32 to index
      %swap3A_464 = arith.constant 96 : index
      %swap3A_465 = tpu.vector_load %arg7[%swap3A_463, %swap3A_464] {strides = array<i32>} : memref<40x128xi32, #tpu.memory_space<vmem>>, vector<1x16xi32>,
      %swap3A_466 = vector.shape_cast %swap3A_465 : vector<1x16xi32> to vector<16xi32>
      %swap3A_467 = vector.shape_cast %add3A_462 : vector<16xi32> to vector<1x16xi32>
      tpu.vector_store %arg7[%swap3A_463, %swap3A_464], %swap3A_467 {strides = array<i32>} : memref<40x128xi32, #tpu.memory_space<vmem>>, vector<1x16xi32>,
      %get3A_468 = arith.index_cast %scan3A_350 : i32 to index
      %get3A_469 = arith.constant 112 : index
      %get3A_470 = tpu.vector_load %arg7[%get3A_468, %get3A_469] {strides = array<i32>} : memref<40x128xi32, #tpu.memory_space<vmem>>, vector<1x16xi32>,
      %get3A_471 = vector.shape_cast %get3A_470 : vector<1x16xi32> to vector<16xi32>
      %get3A_472 = arith.index_cast %scan3A_350 : i32 to index
      %get3A_473 = arith.constant 112 : index
      %get3A_474 = tpu.vector_load %arg8[%get3A_472, %get3A_473] {strides = array<i32>} : memref<40x128xi32, #tpu.memory_space<vmem>>, vector<1x16xi32>,
      %get3A_475 = vector.shape_cast %get3A_474 : vector<1x16xi32> to vector<16xi32>
      %mul3A_476 = arith.constant 10000 : i32
      %mul3A_477 = vector.broadcast %mul3A_476 : i32 to vector<16xi32>
      %mul3A_478 = arith.muli %get3A_475, %mul3A_477 : vector<16xi32>
      %add3A_479 = arith.addi %mul3A_478, %get3A_471 : vector<16xi32>
      %swap3A_480 = arith.index_cast %scan3A_350 : i32 to index
      %swap3A_481 = arith.constant 112 : index
      %swap3A_482 = tpu.vector_load %arg7[%swap3A_480, %swap3A_481] {strides = array<i32>} : memref<40x128xi32, #tpu.memory_space<vmem>>, vector<1x16xi32>,
      %swap3A_483 = vector.shape_cast %swap3A_482 : vector<1x16xi32> to vector<16xi32>
      %swap3A_484 = vector.shape_cast %add3A_479 : vector<16xi32> to vector<1x16xi32>
      tpu.vector_store %arg7[%swap3A_480, %swap3A_481], %swap3A_484 {strides = array<i32>} : memref<40x128xi32, #tpu.memory_space<vmem>>, vector<1x16xi32>,
    }
    %scan3A_73 = arith.constant 40 : i32
    %dma_start3A_74 = arith.constant 0 : i32
    %dma_start3A_75 = arith.constant 0 : i32
    %dma_start3A_76 = arith.constant 0 : i32
    %dma_start3A_77 = tpu.memref_slice %arg10[%dma_start3A_75, %dma_start3A_76] : memref<128x128xf32, #tpu.memory_space<vmem>> -> memref<64x128xf32, #tpu.memory_space<vmem>>
    %dma_start3A_78 = arith.constant 0 : i32
    %dma_start3A_79 = tpu.memref_slice %arg7[%dma_start3A_74, %dma_start3A_78] : memref<40x128xi32, #tpu.memory_space<vmem>> -> memref<1x64xi32, #tpu.memory_space<vmem>>
    %dma_start3A_80 = tpu.memref_squeeze %dma_start3A_79 : memref<1x64xi32, #tpu.memory_space<vmem>> -> memref<64xi32, #tpu.memory_space<vmem>>
    %dma_start3A_81 = arith.constant 0 : i32
    %dma_start3A_82 = arith.constant 0 : i32
    %dma_start3A_83 = tpu.memref_slice %arg2[%dma_start3A_81, %dma_start3A_82] : memref<40000x128xf32, #tpu.memory_space<hbm>> -> memref<40000x128xf32, #tpu.memory_space<hbm>>
    tpu.enqueue_indirect_dma source(%dma_start3A_83 : memref<40000x128xf32, #tpu.memory_space<hbm>>) target(%dma_start3A_77 : memref<64x128xf32, #tpu.memory_space<vmem>>) offsets(%dma_start3A_80 : memref<64xi32, #tpu.memory_space<vmem>>) semaphore(%arg13 : memref<!tpu.dma_semaphore, #tpu.memory_space<semaphore_mem>>)
    %dma_start3A_84 = arith.constant 0 : i32
    %dma_start3A_85 = arith.constant 64 : i32
    %dma_start3A_86 = arith.constant 0 : i32
    %dma_start3A_87 = tpu.memref_slice %arg10[%dma_start3A_85, %dma_start3A_86] : memref<128x128xf32, #tpu.memory_space<vmem>> -> memref<64x128xf32, #tpu.memory_space<vmem>>
    %dma_start3A_88 = arith.constant 64 : i32
    %dma_start3A_89 = tpu.memref_slice %arg7[%dma_start3A_84, %dma_start3A_88] : memref<40x128xi32, #tpu.memory_space<vmem>> -> memref<1x64xi32, #tpu.memory_space<vmem>>
    %dma_start3A_90 = tpu.memref_squeeze %dma_start3A_89 : memref<1x64xi32, #tpu.memory_space<vmem>> -> memref<64xi32, #tpu.memory_space<vmem>>
    %dma_start3A_91 = arith.constant 0 : i32
    %dma_start3A_92 = arith.constant 0 : i32
    %dma_start3A_93 = tpu.memref_slice %arg2[%dma_start3A_91, %dma_start3A_92] : memref<40000x128xf32, #tpu.memory_space<hbm>> -> memref<40000x128xf32, #tpu.memory_space<hbm>>
    tpu.enqueue_indirect_dma source(%dma_start3A_93 : memref<40000x128xf32, #tpu.memory_space<hbm>>) target(%dma_start3A_87 : memref<64x128xf32, #tpu.memory_space<vmem>>) offsets(%dma_start3A_90 : memref<64xi32, #tpu.memory_space<vmem>>) semaphore(%arg14 : memref<!tpu.dma_semaphore, #tpu.memory_space<semaphore_mem>>)
    %dma_start3A_94 = arith.constant 1 : i32
    %dma_start3A_95 = arith.constant 0 : i32
    %dma_start3A_96 = arith.constant 0 : i32
    %dma_start3A_97 = tpu.memref_slice %arg11[%dma_start3A_95, %dma_start3A_96] : memref<128x128xf32, #tpu.memory_space<vmem>> -> memref<64x128xf32, #tpu.memory_space<vmem>>
    %dma_start3A_98 = arith.constant 0 : i32
    %dma_start3A_99 = tpu.memref_slice %arg7[%dma_start3A_94, %dma_start3A_98] : memref<40x128xi32, #tpu.memory_space<vmem>> -> memref<1x64xi32, #tpu.memory_space<vmem>>
    %dma_start3A_100 = tpu.memref_squeeze %dma_start3A_99 : memref<1x64xi32, #tpu.memory_space<vmem>> -> memref<64xi32, #tpu.memory_space<vmem>>
    %dma_start3A_101 = arith.constant 0 : i32
    %dma_start3A_102 = arith.constant 0 : i32
    %dma_start3A_103 = tpu.memref_slice %arg2[%dma_start3A_101, %dma_start3A_102] : memref<40000x128xf32, #tpu.memory_space<hbm>> -> memref<40000x128xf32, #tpu.memory_space<hbm>>
    tpu.enqueue_indirect_dma source(%dma_start3A_103 : memref<40000x128xf32, #tpu.memory_space<hbm>>) target(%dma_start3A_97 : memref<64x128xf32, #tpu.memory_space<vmem>>) offsets(%dma_start3A_100 : memref<64xi32, #tpu.memory_space<vmem>>) semaphore(%arg15 : memref<!tpu.dma_semaphore, #tpu.memory_space<semaphore_mem>>)
    %dma_start3A_104 = arith.constant 1 : i32
    %dma_start3A_105 = arith.constant 64 : i32
    %dma_start3A_106 = arith.constant 0 : i32
    %dma_start3A_107 = tpu.memref_slice %arg11[%dma_start3A_105, %dma_start3A_106] : memref<128x128xf32, #tpu.memory_space<vmem>> -> memref<64x128xf32, #tpu.memory_space<vmem>>
    %dma_start3A_108 = arith.constant 64 : i32
    %dma_start3A_109 = tpu.memref_slice %arg7[%dma_start3A_104, %dma_start3A_108] : memref<40x128xi32, #tpu.memory_space<vmem>> -> memref<1x64xi32, #tpu.memory_space<vmem>>
    %dma_start3A_110 = tpu.memref_squeeze %dma_start3A_109 : memref<1x64xi32, #tpu.memory_space<vmem>> -> memref<64xi32, #tpu.memory_space<vmem>>
    %dma_start3A_111 = arith.constant 0 : i32
    %dma_start3A_112 = arith.constant 0 : i32
    %dma_start3A_113 = tpu.memref_slice %arg2[%dma_start3A_111, %dma_start3A_112] : memref<40000x128xf32, #tpu.memory_space<hbm>> -> memref<40000x128xf32, #tpu.memory_space<hbm>>
    tpu.enqueue_indirect_dma source(%dma_start3A_113 : memref<40000x128xf32, #tpu.memory_space<hbm>>) target(%dma_start3A_107 : memref<64x128xf32, #tpu.memory_space<vmem>>) offsets(%dma_start3A_110 : memref<64xi32, #tpu.memory_space<vmem>>) semaphore(%arg16 : memref<!tpu.dma_semaphore, #tpu.memory_space<semaphore_mem>>)
    %scan3A_114 = arith.constant 0 : i32
    %scan3A_115 = arith.constant 0 : i32
    %scan3A_116 = arith.constant 19 : i32
    %scan3A_117 = arith.addi %scan3A_115, %scan3A_116 : i32
    %scan3A_118 = arith.constant 1 : i32
    scf.for %scan3A_350 = %scan3A_115 to %scan3A_117 step %scan3A_118  : i32 {
      %mul3A_351 = arith.constant 2 : i32
      %mul3A_352 = arith.muli %mul3A_351, %scan3A_350 : i32
      %dma_wait3A_353 = arith.constant 0 : i32
      %dma_wait3A_354 = arith.constant 0 : i32
      %dma_wait3A_355 = tpu.memref_slice %arg10[%dma_wait3A_353, %dma_wait3A_354] : memref<128x128xf32, #tpu.memory_space<vmem>> -> memref<64x128xf32, #tpu.memory_space<vmem>>
      %dma_wait3A_356 = arith.constant 0 : i32
      %dma_wait3A_357 = tpu.memref_slice %arg7[%mul3A_352, %dma_wait3A_356] : memref<40x128xi32, #tpu.memory_space<vmem>> -> memref<1x64xi32, #tpu.memory_space<vmem>>
      %dma_wait3A_358 = tpu.memref_squeeze %dma_wait3A_357 : memref<1x64xi32, #tpu.memory_space<vmem>> -> memref<64xi32, #tpu.memory_space<vmem>>
      %dma_wait3A_359 = arith.constant 0 : i32
      %dma_wait3A_360 = arith.constant 0 : i32
      %dma_wait3A_361 = tpu.memref_slice %arg2[%dma_wait3A_359, %dma_wait3A_360] : memref<40000x128xf32, #tpu.memory_space<hbm>> -> memref<40000x128xf32, #tpu.memory_space<hbm>>
      tpu.wait_indirect_dma semaphore(%arg13 : memref<!tpu.dma_semaphore, #tpu.memory_space<semaphore_mem>>) src(%dma_wait3A_361 : memref<40000x128xf32, #tpu.memory_space<hbm>>) dst(%dma_wait3A_355 : memref<64x128xf32, #tpu.memory_space<vmem>>)
      %dma_wait3A_362 = arith.constant 64 : i32
      %dma_wait3A_363 = arith.constant 0 : i32
      %dma_wait3A_364 = tpu.memref_slice %arg10[%dma_wait3A_362, %dma_wait3A_363] : memref<128x128xf32, #tpu.memory_space<vmem>> -> memref<64x128xf32, #tpu.memory_space<vmem>>
      %dma_wait3A_365 = arith.constant 64 : i32
      %dma_wait3A_366 = tpu.memref_slice %arg7[%mul3A_352, %dma_wait3A_365] : memref<40x128xi32, #tpu.memory_space<vmem>> -> memref<1x64xi32, #tpu.memory_space<vmem>>
      %dma_wait3A_367 = tpu.memref_squeeze %dma_wait3A_366 : memref<1x64xi32, #tpu.memory_space<vmem>> -> memref<64xi32, #tpu.memory_space<vmem>>
      %dma_wait3A_368 = arith.constant 0 : i32
      %dma_wait3A_369 = arith.constant 0 : i32
      %dma_wait3A_370 = tpu.memref_slice %arg2[%dma_wait3A_368, %dma_wait3A_369] : memref<40000x128xf32, #tpu.memory_space<hbm>> -> memref<40000x128xf32, #tpu.memory_space<hbm>>
      tpu.wait_indirect_dma semaphore(%arg14 : memref<!tpu.dma_semaphore, #tpu.memory_space<semaphore_mem>>) src(%dma_wait3A_370 : memref<40000x128xf32, #tpu.memory_space<hbm>>) dst(%dma_wait3A_364 : memref<64x128xf32, #tpu.memory_space<vmem>>)
      %dma_start3A_371 = arith.constant 0 : i32
      %dma_start3A_372 = tpu.memref_slice %arg9[%mul3A_352, %dma_start3A_371] : memref<40x128xi32, #tpu.memory_space<vmem>> -> memref<1x128xi32, #tpu.memory_space<vmem>>
      %dma_start3A_373 = tpu.memref_squeeze %dma_start3A_372 : memref<1x128xi32, #tpu.memory_space<vmem>> -> memref<128xi32, #tpu.memory_space<vmem>>
      %dma_start3A_374 = arith.constant 0 : i32
      %dma_start3A_375 = arith.constant 0 : i32
      %dma_start3A_376 = tpu.memref_slice %arg12[%dma_start3A_374, %dma_start3A_375] : memref<10240x128xf32, #tpu.memory_space<vmem_shared>> -> memref<10240x128xf32, #tpu.memory_space<vmem_shared>>
      tpu.enqueue_indirect_dma source(%arg10 : memref<128x128xf32, #tpu.memory_space<vmem>>) target(%dma_start3A_376 : memref<10240x128xf32, #tpu.memory_space<vmem_shared>>) offsets(%dma_start3A_373 : memref<128xi32, #tpu.memory_space<vmem>>) semaphore(%arg17 : memref<!tpu.dma_semaphore, #tpu.memory_space<semaphore_mem>>) {add = true}
      %add3A_377 = arith.constant 1 : i32
      %add3A_378 = arith.addi %mul3A_352, %add3A_377 : i32
      %dma_wait3A_379 = arith.constant 0 : i32
      %dma_wait3A_380 = arith.constant 0 : i32
      %dma_wait3A_381 = tpu.memref_slice %arg11[%dma_wait3A_379, %dma_wait3A_380] : memref<128x128xf32, #tpu.memory_space<vmem>> -> memref<64x128xf32, #tpu.memory_space<vmem>>
      %dma_wait3A_382 = arith.constant 0 : i32
      %dma_wait3A_383 = tpu.memref_slice %arg7[%add3A_378, %dma_wait3A_382] : memref<40x128xi32, #tpu.memory_space<vmem>> -> memref<1x64xi32, #tpu.memory_space<vmem>>
      %dma_wait3A_384 = tpu.memref_squeeze %dma_wait3A_383 : memref<1x64xi32, #tpu.memory_space<vmem>> -> memref<64xi32, #tpu.memory_space<vmem>>
      %dma_wait3A_385 = arith.constant 0 : i32
      %dma_wait3A_386 = arith.constant 0 : i32
      %dma_wait3A_387 = tpu.memref_slice %arg2[%dma_wait3A_385, %dma_wait3A_386] : memref<40000x128xf32, #tpu.memory_space<hbm>> -> memref<40000x128xf32, #tpu.memory_space<hbm>>
      tpu.wait_indirect_dma semaphore(%arg15 : memref<!tpu.dma_semaphore, #tpu.memory_space<semaphore_mem>>) src(%dma_wait3A_387 : memref<40000x128xf32, #tpu.memory_space<hbm>>) dst(%dma_wait3A_381 : memref<64x128xf32, #tpu.memory_space<vmem>>)
      %dma_wait3A_388 = arith.constant 64 : i32
      %dma_wait3A_389 = arith.constant 0 : i32
      %dma_wait3A_390 = tpu.memref_slice %arg11[%dma_wait3A_388, %dma_wait3A_389] : memref<128x128xf32, #tpu.memory_space<vmem>> -> memref<64x128xf32, #tpu.memory_space<vmem>>
      %dma_wait3A_391 = arith.constant 64 : i32
      %dma_wait3A_392 = tpu.memref_slice %arg7[%add3A_378, %dma_wait3A_391] : memref<40x128xi32, #tpu.memory_space<vmem>> -> memref<1x64xi32, #tpu.memory_space<vmem>>
      %dma_wait3A_393 = tpu.memref_squeeze %dma_wait3A_392 : memref<1x64xi32, #tpu.memory_space<vmem>> -> memref<64xi32, #tpu.memory_space<vmem>>
      %dma_wait3A_394 = arith.constant 0 : i32
      %dma_wait3A_395 = arith.constant 0 : i32
      %dma_wait3A_396 = tpu.memref_slice %arg2[%dma_wait3A_394, %dma_wait3A_395] : memref<40000x128xf32, #tpu.memory_space<hbm>> -> memref<40000x128xf32, #tpu.memory_space<hbm>>
      tpu.wait_indirect_dma semaphore(%arg16 : memref<!tpu.dma_semaphore, #tpu.memory_space<semaphore_mem>>) src(%dma_wait3A_396 : memref<40000x128xf32, #tpu.memory_space<hbm>>) dst(%dma_wait3A_390 : memref<64x128xf32, #tpu.memory_space<vmem>>)
      %add3A_397 = arith.constant 1 : i32
      %add3A_398 = arith.addi %mul3A_352, %add3A_397 : i32
      %dma_start3A_399 = arith.constant 0 : i32
      %dma_start3A_400 = tpu.memref_slice %arg9[%add3A_398, %dma_start3A_399] : memref<40x128xi32, #tpu.memory_space<vmem>> -> memref<1x128xi32, #tpu.memory_space<vmem>>
      %dma_start3A_401 = tpu.memref_squeeze %dma_start3A_400 : memref<1x128xi32, #tpu.memory_space<vmem>> -> memref<128xi32, #tpu.memory_space<vmem>>
      %dma_start3A_402 = arith.constant 0 : i32
      %dma_start3A_403 = arith.constant 0 : i32
      %dma_start3A_404 = tpu.memref_slice %arg12[%dma_start3A_402, %dma_start3A_403] : memref<10240x128xf32, #tpu.memory_space<vmem_shared>> -> memref<10240x128xf32, #tpu.memory_space<vmem_shared>>
      tpu.enqueue_indirect_dma source(%arg11 : memref<128x128xf32, #tpu.memory_space<vmem>>) target(%dma_start3A_404 : memref<10240x128xf32, #tpu.memory_space<vmem_shared>>) offsets(%dma_start3A_401 : memref<128xi32, #tpu.memory_space<vmem>>) semaphore(%arg18 : memref<!tpu.dma_semaphore, #tpu.memory_space<semaphore_mem>>) {add = true}
      %dma_wait3A_405 = arith.constant 0 : i32
      %dma_wait3A_406 = tpu.memref_slice %arg9[%mul3A_352, %dma_wait3A_405] : memref<40x128xi32, #tpu.memory_space<vmem>> -> memref<1x128xi32, #tpu.memory_space<vmem>>
      %dma_wait3A_407 = tpu.memref_squeeze %dma_wait3A_406 : memref<1x128xi32, #tpu.memory_space<vmem>> -> memref<128xi32, #tpu.memory_space<vmem>>
      %dma_wait3A_408 = arith.constant 0 : i32
      %dma_wait3A_409 = arith.constant 0 : i32
      %dma_wait3A_410 = tpu.memref_slice %arg12[%dma_wait3A_408, %dma_wait3A_409] : memref<10240x128xf32, #tpu.memory_space<vmem_shared>> -> memref<10240x128xf32, #tpu.memory_space<vmem_shared>>
      tpu.wait_indirect_dma semaphore(%arg17 : memref<!tpu.dma_semaphore, #tpu.memory_space<semaphore_mem>>) src(%arg10 : memref<128x128xf32, #tpu.memory_space<vmem>>) dst(%dma_wait3A_410 : memref<10240x128xf32, #tpu.memory_space<vmem_shared>>)
      %add3A_411 = arith.constant 2 : i32
      %add3A_412 = arith.addi %mul3A_352, %add3A_411 : i32
      %dma_start3A_413 = arith.constant 0 : i32
      %dma_start3A_414 = arith.constant 0 : i32
      %dma_start3A_415 = tpu.memref_slice %arg10[%dma_start3A_413, %dma_start3A_414] : memref<128x128xf32, #tpu.memory_space<vmem>> -> memref<64x128xf32, #tpu.memory_space<vmem>>
      %dma_start3A_416 = arith.constant 0 : i32
      %dma_start3A_417 = tpu.memref_slice %arg7[%add3A_412, %dma_start3A_416] : memref<40x128xi32, #tpu.memory_space<vmem>> -> memref<1x64xi32, #tpu.memory_space<vmem>>
      %dma_start3A_418 = tpu.memref_squeeze %dma_start3A_417 : memref<1x64xi32, #tpu.memory_space<vmem>> -> memref<64xi32, #tpu.memory_space<vmem>>
      %dma_start3A_419 = arith.constant 0 : i32
      %dma_start3A_420 = arith.constant 0 : i32
      %dma_start3A_421 = tpu.memref_slice %arg2[%dma_start3A_419, %dma_start3A_420] : memref<40000x128xf32, #tpu.memory_space<hbm>> -> memref<40000x128xf32, #tpu.memory_space<hbm>>
      tpu.enqueue_indirect_dma source(%dma_start3A_421 : memref<40000x128xf32, #tpu.memory_space<hbm>>) target(%dma_start3A_415 : memref<64x128xf32, #tpu.memory_space<vmem>>) offsets(%dma_start3A_418 : memref<64xi32, #tpu.memory_space<vmem>>) semaphore(%arg13 : memref<!tpu.dma_semaphore, #tpu.memory_space<semaphore_mem>>)
      %dma_start3A_422 = arith.constant 64 : i32
      %dma_start3A_423 = arith.constant 0 : i32
      %dma_start3A_424 = tpu.memref_slice %arg10[%dma_start3A_422, %dma_start3A_423] : memref<128x128xf32, #tpu.memory_space<vmem>> -> memref<64x128xf32, #tpu.memory_space<vmem>>
      %dma_start3A_425 = arith.constant 64 : i32
      %dma_start3A_426 = tpu.memref_slice %arg7[%add3A_412, %dma_start3A_425] : memref<40x128xi32, #tpu.memory_space<vmem>> -> memref<1x64xi32, #tpu.memory_space<vmem>>
      %dma_start3A_427 = tpu.memref_squeeze %dma_start3A_426 : memref<1x64xi32, #tpu.memory_space<vmem>> -> memref<64xi32, #tpu.memory_space<vmem>>
      %dma_start3A_428 = arith.constant 0 : i32
      %dma_start3A_429 = arith.constant 0 : i32
      %dma_start3A_430 = tpu.memref_slice %arg2[%dma_start3A_428, %dma_start3A_429] : memref<40000x128xf32, #tpu.memory_space<hbm>> -> memref<40000x128xf32, #tpu.memory_space<hbm>>
      tpu.enqueue_indirect_dma source(%dma_start3A_430 : memref<40000x128xf32, #tpu.memory_space<hbm>>) target(%dma_start3A_424 : memref<64x128xf32, #tpu.memory_space<vmem>>) offsets(%dma_start3A_427 : memref<64xi32, #tpu.memory_space<vmem>>) semaphore(%arg14 : memref<!tpu.dma_semaphore, #tpu.memory_space<semaphore_mem>>)
      %dma_wait3A_431 = arith.constant 0 : i32
      %dma_wait3A_432 = tpu.memref_slice %arg9[%add3A_398, %dma_wait3A_431] : memref<40x128xi32, #tpu.memory_space<vmem>> -> memref<1x128xi32, #tpu.memory_space<vmem>>
      %dma_wait3A_433 = tpu.memref_squeeze %dma_wait3A_432 : memref<1x128xi32, #tpu.memory_space<vmem>> -> memref<128xi32, #tpu.memory_space<vmem>>
      %dma_wait3A_434 = arith.constant 0 : i32
      %dma_wait3A_435 = arith.constant 0 : i32
      %dma_wait3A_436 = tpu.memref_slice %arg12[%dma_wait3A_434, %dma_wait3A_435] : memref<10240x128xf32, #tpu.memory_space<vmem_shared>> -> memref<10240x128xf32, #tpu.memory_space<vmem_shared>>
      tpu.wait_indirect_dma semaphore(%arg18 : memref<!tpu.dma_semaphore, #tpu.memory_space<semaphore_mem>>) src(%arg11 : memref<128x128xf32, #tpu.memory_space<vmem>>) dst(%dma_wait3A_436 : memref<10240x128xf32, #tpu.memory_space<vmem_shared>>)
      %add3A_437 = arith.constant 3 : i32
      %add3A_438 = arith.addi %mul3A_352, %add3A_437 : i32
      %dma_start3A_439 = arith.constant 0 : i32
      %dma_start3A_440 = arith.constant 0 : i32
      %dma_start3A_441 = tpu.memref_slice %arg11[%dma_start3A_439, %dma_start3A_440] : memref<128x128xf32, #tpu.memory_space<vmem>> -> memref<64x128xf32, #tpu.memory_space<vmem>>
      %dma_start3A_442 = arith.constant 0 : i32
      %dma_start3A_443 = tpu.memref_slice %arg7[%add3A_438, %dma_start3A_442] : memref<40x128xi32, #tpu.memory_space<vmem>> -> memref<1x64xi32, #tpu.memory_space<vmem>>
      %dma_start3A_444 = tpu.memref_squeeze %dma_start3A_443 : memref<1x64xi32, #tpu.memory_space<vmem>> -> memref<64xi32, #tpu.memory_space<vmem>>
      %dma_start3A_445 = arith.constant 0 : i32
      %dma_start3A_446 = arith.constant 0 : i32
      %dma_start3A_447 = tpu.memref_slice %arg2[%dma_start3A_445, %dma_start3A_446] : memref<40000x128xf32, #tpu.memory_space<hbm>> -> memref<40000x128xf32, #tpu.memory_space<hbm>>
      tpu.enqueue_indirect_dma source(%dma_start3A_447 : memref<40000x128xf32, #tpu.memory_space<hbm>>) target(%dma_start3A_441 : memref<64x128xf32, #tpu.memory_space<vmem>>) offsets(%dma_start3A_444 : memref<64xi32, #tpu.memory_space<vmem>>) semaphore(%arg15 : memref<!tpu.dma_semaphore, #tpu.memory_space<semaphore_mem>>)
      %dma_start3A_448 = arith.constant 64 : i32
      %dma_start3A_449 = arith.constant 0 : i32
      %dma_start3A_450 = tpu.memref_slice %arg11[%dma_start3A_448, %dma_start3A_449] : memref<128x128xf32, #tpu.memory_space<vmem>> -> memref<64x128xf32, #tpu.memory_space<vmem>>
      %dma_start3A_451 = arith.constant 64 : i32
      %dma_start3A_452 = tpu.memref_slice %arg7[%add3A_438, %dma_start3A_451] : memref<40x128xi32, #tpu.memory_space<vmem>> -> memref<1x64xi32, #tpu.memory_space<vmem>>
      %dma_start3A_453 = tpu.memref_squeeze %dma_start3A_452 : memref<1x64xi32, #tpu.memory_space<vmem>> -> memref<64xi32, #tpu.memory_space<vmem>>
      %dma_start3A_454 = arith.constant 0 : i32
      %dma_start3A_455 = arith.constant 0 : i32
      %dma_start3A_456 = tpu.memref_slice %arg2[%dma_start3A_454, %dma_start3A_455] : memref<40000x128xf32, #tpu.memory_space<hbm>> -> memref<40000x128xf32, #tpu.memory_space<hbm>>
      tpu.enqueue_indirect_dma source(%dma_start3A_456 : memref<40000x128xf32, #tpu.memory_space<hbm>>) target(%dma_start3A_450 : memref<64x128xf32, #tpu.memory_space<vmem>>) offsets(%dma_start3A_453 : memref<64xi32, #tpu.memory_space<vmem>>) semaphore(%arg16 : memref<!tpu.dma_semaphore, #tpu.memory_space<semaphore_mem>>)
    }
    %scan3A_119 = arith.constant 19 : i32
    %dma_wait3A_120 = arith.constant 38 : i32
    %dma_wait3A_121 = arith.constant 0 : i32
    %dma_wait3A_122 = arith.constant 0 : i32
    %dma_wait3A_123 = tpu.memref_slice %arg10[%dma_wait3A_121, %dma_wait3A_122] : memref<128x128xf32, #tpu.memory_space<vmem>> -> memref<64x128xf32, #tpu.memory_space<vmem>>
    %dma_wait3A_124 = arith.constant 0 : i32
    %dma_wait3A_125 = tpu.memref_slice %arg7[%dma_wait3A_120, %dma_wait3A_124] : memref<40x128xi32, #tpu.memory_space<vmem>> -> memref<1x64xi32, #tpu.memory_space<vmem>>
    %dma_wait3A_126 = tpu.memref_squeeze %dma_wait3A_125 : memref<1x64xi32, #tpu.memory_space<vmem>> -> memref<64xi32, #tpu.memory_space<vmem>>
    %dma_wait3A_127 = arith.constant 0 : i32
    %dma_wait3A_128 = arith.constant 0 : i32
    %dma_wait3A_129 = tpu.memref_slice %arg2[%dma_wait3A_127, %dma_wait3A_128] : memref<40000x128xf32, #tpu.memory_space<hbm>> -> memref<40000x128xf32, #tpu.memory_space<hbm>>
    tpu.wait_indirect_dma semaphore(%arg13 : memref<!tpu.dma_semaphore, #tpu.memory_space<semaphore_mem>>) src(%dma_wait3A_129 : memref<40000x128xf32, #tpu.memory_space<hbm>>) dst(%dma_wait3A_123 : memref<64x128xf32, #tpu.memory_space<vmem>>)
    %dma_wait3A_130 = arith.constant 38 : i32
    %dma_wait3A_131 = arith.constant 64 : i32
    %dma_wait3A_132 = arith.constant 0 : i32
    %dma_wait3A_133 = tpu.memref_slice %arg10[%dma_wait3A_131, %dma_wait3A_132] : memref<128x128xf32, #tpu.memory_space<vmem>> -> memref<64x128xf32, #tpu.memory_space<vmem>>
    %dma_wait3A_134 = arith.constant 64 : i32
    %dma_wait3A_135 = tpu.memref_slice %arg7[%dma_wait3A_130, %dma_wait3A_134] : memref<40x128xi32, #tpu.memory_space<vmem>> -> memref<1x64xi32, #tpu.memory_space<vmem>>
    %dma_wait3A_136 = tpu.memref_squeeze %dma_wait3A_135 : memref<1x64xi32, #tpu.memory_space<vmem>> -> memref<64xi32, #tpu.memory_space<vmem>>
    %dma_wait3A_137 = arith.constant 0 : i32
    %dma_wait3A_138 = arith.constant 0 : i32
    %dma_wait3A_139 = tpu.memref_slice %arg2[%dma_wait3A_137, %dma_wait3A_138] : memref<40000x128xf32, #tpu.memory_space<hbm>> -> memref<40000x128xf32, #tpu.memory_space<hbm>>
    tpu.wait_indirect_dma semaphore(%arg14 : memref<!tpu.dma_semaphore, #tpu.memory_space<semaphore_mem>>) src(%dma_wait3A_139 : memref<40000x128xf32, #tpu.memory_space<hbm>>) dst(%dma_wait3A_133 : memref<64x128xf32, #tpu.memory_space<vmem>>)
    %run_scoped3A = arith.constant 38 : i32
    "tpu.region"() ({
      %run_scoped3A_350 = tpu.sem_alloc : memref<!tpu.dma_semaphore, #tpu.memory_space<semaphore_mem>>
      %dma_start3A_351 = arith.constant 0 : i32
      %dma_start3A_352 = tpu.memref_slice %arg9[%run_scoped3A, %dma_start3A_351] : memref<40x128xi32, #tpu.memory_space<vmem>> -> memref<1x128xi32, #tpu.memory_space<vmem>>
      %dma_start3A_353 = tpu.memref_squeeze %dma_start3A_352 : memref<1x128xi32, #tpu.memory_space<vmem>> -> memref<128xi32, #tpu.memory_space<vmem>>
      %dma_start3A_354 = arith.constant 0 : i32
      %dma_start3A_355 = arith.constant 0 : i32
      %dma_start3A_356 = tpu.memref_slice %arg12[%dma_start3A_354, %dma_start3A_355] : memref<10240x128xf32, #tpu.memory_space<vmem_shared>> -> memref<10240x128xf32, #tpu.memory_space<vmem_shared>>
      tpu.enqueue_indirect_dma source(%arg10 : memref<128x128xf32, #tpu.memory_space<vmem>>) target(%dma_start3A_356 : memref<10240x128xf32, #tpu.memory_space<vmem_shared>>) offsets(%dma_start3A_353 : memref<128xi32, #tpu.memory_space<vmem>>) semaphore(%run_scoped3A_350 : memref<!tpu.dma_semaphore, #tpu.memory_space<semaphore_mem>>) {add = true}
      %dma_wait3A_357 = arith.constant 0 : i32
      %dma_wait3A_358 = tpu.memref_slice %arg9[%run_scoped3A, %dma_wait3A_357] : memref<40x128xi32, #tpu.memory_space<vmem>> -> memref<1x128xi32, #tpu.memory_space<vmem>>
      %dma_wait3A_359 = tpu.memref_squeeze %dma_wait3A_358 : memref<1x128xi32, #tpu.memory_space<vmem>> -> memref<128xi32, #tpu.memory_space<vmem>>
      %dma_wait3A_360 = arith.constant 0 : i32
      %dma_wait3A_361 = arith.constant 0 : i32
      %dma_wait3A_362 = tpu.memref_slice %arg12[%dma_wait3A_360, %dma_wait3A_361] : memref<10240x128xf32, #tpu.memory_space<vmem_shared>> -> memref<10240x128xf32, #tpu.memory_space<vmem_shared>>
      tpu.wait_indirect_dma semaphore(%run_scoped3A_350 : memref<!tpu.dma_semaphore, #tpu.memory_space<semaphore_mem>>) src(%arg10 : memref<128x128xf32, #tpu.memory_space<vmem>>) dst(%dma_wait3A_362 : memref<10240x128xf32, #tpu.memory_space<vmem_shared>>)
      tpu.yield
    }) : () -> ()
    %dma_wait3A_140 = arith.constant 39 : i32
    %dma_wait3A_141 = arith.constant 0 : i32
    %dma_wait3A_142 = arith.constant 0 : i32
    %dma_wait3A_143 = tpu.memref_slice %arg11[%dma_wait3A_141, %dma_wait3A_142] : memref<128x128xf32, #tpu.memory_space<vmem>> -> memref<64x128xf32, #tpu.memory_space<vmem>>
    %dma_wait3A_144 = arith.constant 0 : i32
    %dma_wait3A_145 = tpu.memref_slice %arg7[%dma_wait3A_140, %dma_wait3A_144] : memref<40x128xi32, #tpu.memory_space<vmem>> -> memref<1x64xi32, #tpu.memory_space<vmem>>
    %dma_wait3A_146 = tpu.memref_squeeze %dma_wait3A_145 : memref<1x64xi32, #tpu.memory_space<vmem>> -> memref<64xi32, #tpu.memory_space<vmem>>
    %dma_wait3A_147 = arith.constant 0 : i32
    %dma_wait3A_148 = arith.constant 0 : i32
    %dma_wait3A_149 = tpu.memref_slice %arg2[%dma_wait3A_147, %dma_wait3A_148] : memref<40000x128xf32, #tpu.memory_space<hbm>> -> memref<40000x128xf32, #tpu.memory_space<hbm>>
    tpu.wait_indirect_dma semaphore(%arg15 : memref<!tpu.dma_semaphore, #tpu.memory_space<semaphore_mem>>) src(%dma_wait3A_149 : memref<40000x128xf32, #tpu.memory_space<hbm>>) dst(%dma_wait3A_143 : memref<64x128xf32, #tpu.memory_space<vmem>>)
    %dma_wait3A_150 = arith.constant 39 : i32
    %dma_wait3A_151 = arith.constant 64 : i32
    %dma_wait3A_152 = arith.constant 0 : i32
    %dma_wait3A_153 = tpu.memref_slice %arg11[%dma_wait3A_151, %dma_wait3A_152] : memref<128x128xf32, #tpu.memory_space<vmem>> -> memref<64x128xf32, #tpu.memory_space<vmem>>
    %dma_wait3A_154 = arith.constant 64 : i32
    %dma_wait3A_155 = tpu.memref_slice %arg7[%dma_wait3A_150, %dma_wait3A_154] : memref<40x128xi32, #tpu.memory_space<vmem>> -> memref<1x64xi32, #tpu.memory_space<vmem>>
    %dma_wait3A_156 = tpu.memref_squeeze %dma_wait3A_155 : memref<1x64xi32, #tpu.memory_space<vmem>> -> memref<64xi32, #tpu.memory_space<vmem>>
    %dma_wait3A_157 = arith.constant 0 : i32
    %dma_wait3A_158 = arith.constant 0 : i32
    %dma_wait3A_159 = tpu.memref_slice %arg2[%dma_wait3A_157, %dma_wait3A_158] : memref<40000x128xf32, #tpu.memory_space<hbm>> -> memref<40000x128xf32, #tpu.memory_space<hbm>>
    tpu.wait_indirect_dma semaphore(%arg16 : memref<!tpu.dma_semaphore, #tpu.memory_space<semaphore_mem>>) src(%dma_wait3A_159 : memref<40000x128xf32, #tpu.memory_space<hbm>>) dst(%dma_wait3A_153 : memref<64x128xf32, #tpu.memory_space<vmem>>)
    %run_scoped3A_160 = arith.constant 39 : i32
    "tpu.region"() ({
      %run_scoped3A_350 = tpu.sem_alloc : memref<!tpu.dma_semaphore, #tpu.memory_space<semaphore_mem>>
      %dma_start3A_351 = arith.constant 0 : i32
      %dma_start3A_352 = tpu.memref_slice %arg9[%run_scoped3A_160, %dma_start3A_351] : memref<40x128xi32, #tpu.memory_space<vmem>> -> memref<1x128xi32, #tpu.memory_space<vmem>>
      %dma_start3A_353 = tpu.memref_squeeze %dma_start3A_352 : memref<1x128xi32, #tpu.memory_space<vmem>> -> memref<128xi32, #tpu.memory_space<vmem>>
      %dma_start3A_354 = arith.constant 0 : i32
      %dma_start3A_355 = arith.constant 0 : i32
      %dma_start3A_356 = tpu.memref_slice %arg12[%dma_start3A_354, %dma_start3A_355] : memref<10240x128xf32, #tpu.memory_space<vmem_shared>> -> memref<10240x128xf32, #tpu.memory_space<vmem_shared>>
      tpu.enqueue_indirect_dma source(%arg11 : memref<128x128xf32, #tpu.memory_space<vmem>>) target(%dma_start3A_356 : memref<10240x128xf32, #tpu.memory_space<vmem_shared>>) offsets(%dma_start3A_353 : memref<128xi32, #tpu.memory_space<vmem>>) semaphore(%run_scoped3A_350 : memref<!tpu.dma_semaphore, #tpu.memory_space<semaphore_mem>>) {add = true}
      %dma_wait3A_357 = arith.constant 0 : i32
      %dma_wait3A_358 = tpu.memref_slice %arg9[%run_scoped3A_160, %dma_wait3A_357] : memref<40x128xi32, #tpu.memory_space<vmem>> -> memref<1x128xi32, #tpu.memory_space<vmem>>
      %dma_wait3A_359 = tpu.memref_squeeze %dma_wait3A_358 : memref<1x128xi32, #tpu.memory_space<vmem>> -> memref<128xi32, #tpu.memory_space<vmem>>
      %dma_wait3A_360 = arith.constant 0 : i32
      %dma_wait3A_361 = arith.constant 0 : i32
      %dma_wait3A_362 = tpu.memref_slice %arg12[%dma_wait3A_360, %dma_wait3A_361] : memref<10240x128xf32, #tpu.memory_space<vmem_shared>> -> memref<10240x128xf32, #tpu.memory_space<vmem_shared>>
      tpu.wait_indirect_dma semaphore(%run_scoped3A_350 : memref<!tpu.dma_semaphore, #tpu.memory_space<semaphore_mem>>) src(%arg11 : memref<128x128xf32, #tpu.memory_space<vmem>>) dst(%dma_wait3A_362 : memref<10240x128xf32, #tpu.memory_space<vmem_shared>>)
      tpu.yield
    }) : () -> ()
    %mul3A_161 = arith.constant 80 : i32
    %mul3A_162 = arith.muli %add3A_63, %mul3A_161 : i32
    %add3A_163 = arith.constant 40 : i32
    %add3A_164 = arith.addi %mul3A_162, %add3A_163 : i32
    "tpu.region"() ({
      %run_scoped3A_350 = tpu.sem_alloc : memref<!tpu.dma_semaphore, #tpu.memory_space<semaphore_mem>>
      %dma_start3A_351 = arith.constant 0 : i32
      %dma_start3A_352 = arith.constant 0 : i32
      %dma_start3A_353 = tpu.memref_slice %arg7[%dma_start3A_351, %dma_start3A_352] : memref<40x128xi32, #tpu.memory_space<vmem>> -> memref<40x128xi32, #tpu.memory_space<vmem>>
      %dma_start3A_354 = arith.constant 0 : i32
      %dma_start3A_355 = tpu.memref_slice %arg3[%add3A_164, %dma_start3A_354] : memref<2560x128xi32, #tpu.memory_space<hbm>> -> memref<40x128xi32, #tpu.memory_space<hbm>>
      %dma_start3A_356 = arith.constant 0 : i32
      %dma_start3A_357 = arith.constant 0 : i32
      %dma_start3A_358 = tpu.memref_slice %arg7[%dma_start3A_356, %dma_start3A_357] : memref<40x128xi32, #tpu.memory_space<vmem>> -> memref<40x128xi32, #tpu.memory_space<vmem>>
      %dma_start3A_359 = arith.constant 0 : i32
      %dma_start3A_360 = tpu.memref_slice %arg3[%add3A_164, %dma_start3A_359] : memref<2560x128xi32, #tpu.memory_space<hbm>> -> memref<40x128xi32, #tpu.memory_space<hbm>>
      tpu.enqueue_dma source(%dma_start3A_360 : memref<40x128xi32, #tpu.memory_space<hbm>>) target(%dma_start3A_358 : memref<40x128xi32, #tpu.memory_space<vmem>>) target_semaphore(%run_scoped3A_350 : memref<!tpu.dma_semaphore, #tpu.memory_space<semaphore_mem>>)
      %dma_wait3A_361 = arith.constant 0 : i32
      %dma_wait3A_362 = arith.constant 0 : i32
      %dma_wait3A_363 = tpu.memref_slice %arg7[%dma_wait3A_361, %dma_wait3A_362] : memref<40x128xi32, #tpu.memory_space<vmem>> -> memref<40x128xi32, #tpu.memory_space<vmem>>
      %dma_wait3A_364 = arith.constant 0 : i32
      %dma_wait3A_365 = tpu.memref_slice %arg3[%add3A_164, %dma_wait3A_364] : memref<2560x128xi32, #tpu.memory_space<hbm>> -> memref<40x128xi32, #tpu.memory_space<hbm>>
      %dma_wait3A_366 = arith.constant 0 : i32
      %dma_wait3A_367 = arith.constant 0 : i32
      %dma_wait3A_368 = tpu.memref_slice %arg7[%dma_wait3A_366, %dma_wait3A_367] : memref<40x128xi32, #tpu.memory_space<vmem>> -> memref<40x128xi32, #tpu.memory_space<vmem>>
      %dma_wait3A_369 = arith.constant 0 : i32
      %dma_wait3A_370 = tpu.memref_slice %arg3[%add3A_164, %dma_wait3A_369] : memref<2560x128xi32, #tpu.memory_space<hbm>> -> memref<40x128xi32, #tpu.memory_space<hbm>>
      tpu.wait_dma2 semaphore(%run_scoped3A_350 : memref<!tpu.dma_semaphore, #tpu.memory_space<semaphore_mem>>) src(%dma_wait3A_370 : memref<40x128xi32, #tpu.memory_space<hbm>>) dst(%dma_wait3A_368 : memref<40x128xi32, #tpu.memory_space<vmem>>)
      tpu.yield
    }) : () -> ()
    "tpu.region"() ({
      %run_scoped3A_350 = tpu.sem_alloc : memref<!tpu.dma_semaphore, #tpu.memory_space<semaphore_mem>>
      %dma_start3A_351 = arith.constant 0 : i32
      %dma_start3A_352 = arith.constant 0 : i32
      %dma_start3A_353 = tpu.memref_slice %arg8[%dma_start3A_351, %dma_start3A_352] : memref<40x128xi32, #tpu.memory_space<vmem>> -> memref<40x128xi32, #tpu.memory_space<vmem>>
      %dma_start3A_354 = arith.constant 0 : i32
      %dma_start3A_355 = tpu.memref_slice %arg4[%add3A_164, %dma_start3A_354] : memref<2560x128xi32, #tpu.memory_space<hbm>> -> memref<40x128xi32, #tpu.memory_space<hbm>>
      %dma_start3A_356 = arith.constant 0 : i32
      %dma_start3A_357 = arith.constant 0 : i32
      %dma_start3A_358 = tpu.memref_slice %arg8[%dma_start3A_356, %dma_start3A_357] : memref<40x128xi32, #tpu.memory_space<vmem>> -> memref<40x128xi32, #tpu.memory_space<vmem>>
      %dma_start3A_359 = arith.constant 0 : i32
      %dma_start3A_360 = tpu.memref_slice %arg4[%add3A_164, %dma_start3A_359] : memref<2560x128xi32, #tpu.memory_space<hbm>> -> memref<40x128xi32, #tpu.memory_space<hbm>>
      tpu.enqueue_dma source(%dma_start3A_360 : memref<40x128xi32, #tpu.memory_space<hbm>>) target(%dma_start3A_358 : memref<40x128xi32, #tpu.memory_space<vmem>>) target_semaphore(%run_scoped3A_350 : memref<!tpu.dma_semaphore, #tpu.memory_space<semaphore_mem>>)
      %dma_wait3A_361 = arith.constant 0 : i32
      %dma_wait3A_362 = arith.constant 0 : i32
      %dma_wait3A_363 = tpu.memref_slice %arg8[%dma_wait3A_361, %dma_wait3A_362] : memref<40x128xi32, #tpu.memory_space<vmem>> -> memref<40x128xi32, #tpu.memory_space<vmem>>
      %dma_wait3A_364 = arith.constant 0 : i32
      %dma_wait3A_365 = tpu.memref_slice %arg4[%add3A_164, %dma_wait3A_364] : memref<2560x128xi32, #tpu.memory_space<hbm>> -> memref<40x128xi32, #tpu.memory_space<hbm>>
      %dma_wait3A_366 = arith.constant 0 : i32
      %dma_wait3A_367 = arith.constant 0 : i32
      %dma_wait3A_368 = tpu.memref_slice %arg8[%dma_wait3A_366, %dma_wait3A_367] : memref<40x128xi32, #tpu.memory_space<vmem>> -> memref<40x128xi32, #tpu.memory_space<vmem>>
      %dma_wait3A_369 = arith.constant 0 : i32
      %dma_wait3A_370 = tpu.memref_slice %arg4[%add3A_164, %dma_wait3A_369] : memref<2560x128xi32, #tpu.memory_space<hbm>> -> memref<40x128xi32, #tpu.memory_space<hbm>>
      tpu.wait_dma2 semaphore(%run_scoped3A_350 : memref<!tpu.dma_semaphore, #tpu.memory_space<semaphore_mem>>) src(%dma_wait3A_370 : memref<40x128xi32, #tpu.memory_space<hbm>>) dst(%dma_wait3A_368 : memref<40x128xi32, #tpu.memory_space<vmem>>)
      tpu.yield
    }) : () -> ()
    "tpu.region"() ({
      %run_scoped3A_350 = tpu.sem_alloc : memref<!tpu.dma_semaphore, #tpu.memory_space<semaphore_mem>>
      %dma_start3A_351 = arith.constant 0 : i32
      %dma_start3A_352 = arith.constant 0 : i32
      %dma_start3A_353 = tpu.memref_slice %arg9[%dma_start3A_351, %dma_start3A_352] : memref<40x128xi32, #tpu.memory_space<vmem>> -> memref<40x128xi32, #tpu.memory_space<vmem>>
      %dma_start3A_354 = arith.constant 0 : i32
      %dma_start3A_355 = tpu.memref_slice %arg5[%add3A_164, %dma_start3A_354] : memref<2560x128xi32, #tpu.memory_space<hbm>> -> memref<40x128xi32, #tpu.memory_space<hbm>>
      %dma_start3A_356 = arith.constant 0 : i32
      %dma_start3A_357 = arith.constant 0 : i32
      %dma_start3A_358 = tpu.memref_slice %arg9[%dma_start3A_356, %dma_start3A_357] : memref<40x128xi32, #tpu.memory_space<vmem>> -> memref<40x128xi32, #tpu.memory_space<vmem>>
      %dma_start3A_359 = arith.constant 0 : i32
      %dma_start3A_360 = tpu.memref_slice %arg5[%add3A_164, %dma_start3A_359] : memref<2560x128xi32, #tpu.memory_space<hbm>> -> memref<40x128xi32, #tpu.memory_space<hbm>>
      tpu.enqueue_dma source(%dma_start3A_360 : memref<40x128xi32, #tpu.memory_space<hbm>>) target(%dma_start3A_358 : memref<40x128xi32, #tpu.memory_space<vmem>>) target_semaphore(%run_scoped3A_350 : memref<!tpu.dma_semaphore, #tpu.memory_space<semaphore_mem>>)
      %dma_wait3A_361 = arith.constant 0 : i32
      %dma_wait3A_362 = arith.constant 0 : i32
      %dma_wait3A_363 = tpu.memref_slice %arg9[%dma_wait3A_361, %dma_wait3A_362] : memref<40x128xi32, #tpu.memory_space<vmem>> -> memref<40x128xi32, #tpu.memory_space<vmem>>
      %dma_wait3A_364 = arith.constant 0 : i32
      %dma_wait3A_365 = tpu.memref_slice %arg5[%add3A_164, %dma_wait3A_364] : memref<2560x128xi32, #tpu.memory_space<hbm>> -> memref<40x128xi32, #tpu.memory_space<hbm>>
      %dma_wait3A_366 = arith.constant 0 : i32
      %dma_wait3A_367 = arith.constant 0 : i32
      %dma_wait3A_368 = tpu.memref_slice %arg9[%dma_wait3A_366, %dma_wait3A_367] : memref<40x128xi32, #tpu.memory_space<vmem>> -> memref<40x128xi32, #tpu.memory_space<vmem>>
      %dma_wait3A_369 = arith.constant 0 : i32
      %dma_wait3A_370 = tpu.memref_slice %arg5[%add3A_164, %dma_wait3A_369] : memref<2560x128xi32, #tpu.memory_space<hbm>> -> memref<40x128xi32, #tpu.memory_space<hbm>>
      tpu.wait_dma2 semaphore(%run_scoped3A_350 : memref<!tpu.dma_semaphore, #tpu.memory_space<semaphore_mem>>) src(%dma_wait3A_370 : memref<40x128xi32, #tpu.memory_space<hbm>>) dst(%dma_wait3A_368 : memref<40x128xi32, #tpu.memory_space<vmem>>)
      tpu.yield
    }) : () -> ()
    %scan3A_165 = arith.constant 0 : i32
    %scan3A_166 = arith.constant 0 : i32
    %scan3A_167 = arith.constant 40 : i32
    %scan3A_168 = arith.addi %scan3A_166, %scan3A_167 : i32
    %scan3A_169 = arith.constant 1 : i32
    scf.for %scan3A_350 = %scan3A_166 to %scan3A_168 step %scan3A_169  : i32 {
      %get3A = arith.index_cast %scan3A_350 : i32 to index
      %get3A_351 = arith.constant 0 : index
      %get3A_352 = tpu.vector_load %arg7[%get3A, %get3A_351] {strides = array<i32>} : memref<40x128xi32, #tpu.memory_space<vmem>>, vector<1x16xi32>,
      %get3A_353 = vector.shape_cast %get3A_352 : vector<1x16xi32> to vector<16xi32>
      %get3A_354 = arith.index_cast %scan3A_350 : i32 to index
      %get3A_355 = arith.constant 0 : index
      %get3A_356 = tpu.vector_load %arg8[%get3A_354, %get3A_355] {strides = array<i32>} : memref<40x128xi32, #tpu.memory_space<vmem>>, vector<1x16xi32>,
      %get3A_357 = vector.shape_cast %get3A_356 : vector<1x16xi32> to vector<16xi32>
      %mul3A_358 = arith.constant 10000 : i32
      %mul3A_359 = vector.broadcast %mul3A_358 : i32 to vector<16xi32>
      %mul3A_360 = arith.muli %get3A_357, %mul3A_359 : vector<16xi32>
      %add3A_361 = arith.addi %mul3A_360, %get3A_353 : vector<16xi32>
      %swap3A = arith.index_cast %scan3A_350 : i32 to index
      %swap3A_362 = arith.constant 0 : index
      %swap3A_363 = tpu.vector_load %arg7[%swap3A, %swap3A_362] {strides = array<i32>} : memref<40x128xi32, #tpu.memory_space<vmem>>, vector<1x16xi32>,
      %swap3A_364 = vector.shape_cast %swap3A_363 : vector<1x16xi32> to vector<16xi32>
      %swap3A_365 = vector.shape_cast %add3A_361 : vector<16xi32> to vector<1x16xi32>
      tpu.vector_store %arg7[%swap3A, %swap3A_362], %swap3A_365 {strides = array<i32>} : memref<40x128xi32, #tpu.memory_space<vmem>>, vector<1x16xi32>,
      %get3A_366 = arith.index_cast %scan3A_350 : i32 to index
      %get3A_367 = arith.constant 16 : index
      %get3A_368 = tpu.vector_load %arg7[%get3A_366, %get3A_367] {strides = array<i32>} : memref<40x128xi32, #tpu.memory_space<vmem>>, vector<1x16xi32>,
      %get3A_369 = vector.shape_cast %get3A_368 : vector<1x16xi32> to vector<16xi32>
      %get3A_370 = arith.index_cast %scan3A_350 : i32 to index
      %get3A_371 = arith.constant 16 : index
      %get3A_372 = tpu.vector_load %arg8[%get3A_370, %get3A_371] {strides = array<i32>} : memref<40x128xi32, #tpu.memory_space<vmem>>, vector<1x16xi32>,
      %get3A_373 = vector.shape_cast %get3A_372 : vector<1x16xi32> to vector<16xi32>
      %mul3A_374 = arith.constant 10000 : i32
      %mul3A_375 = vector.broadcast %mul3A_374 : i32 to vector<16xi32>
      %mul3A_376 = arith.muli %get3A_373, %mul3A_375 : vector<16xi32>
      %add3A_377 = arith.addi %mul3A_376, %get3A_369 : vector<16xi32>
      %swap3A_378 = arith.index_cast %scan3A_350 : i32 to index
      %swap3A_379 = arith.constant 16 : index
      %swap3A_380 = tpu.vector_load %arg7[%swap3A_378, %swap3A_379] {strides = array<i32>} : memref<40x128xi32, #tpu.memory_space<vmem>>, vector<1x16xi32>,
      %swap3A_381 = vector.shape_cast %swap3A_380 : vector<1x16xi32> to vector<16xi32>
      %swap3A_382 = vector.shape_cast %add3A_377 : vector<16xi32> to vector<1x16xi32>
      tpu.vector_store %arg7[%swap3A_378, %swap3A_379], %swap3A_382 {strides = array<i32>} : memref<40x128xi32, #tpu.memory_space<vmem>>, vector<1x16xi32>,
      %get3A_383 = arith.index_cast %scan3A_350 : i32 to index
      %get3A_384 = arith.constant 32 : index
      %get3A_385 = tpu.vector_load %arg7[%get3A_383, %get3A_384] {strides = array<i32>} : memref<40x128xi32, #tpu.memory_space<vmem>>, vector<1x16xi32>,
      %get3A_386 = vector.shape_cast %get3A_385 : vector<1x16xi32> to vector<16xi32>
      %get3A_387 = arith.index_cast %scan3A_350 : i32 to index
      %get3A_388 = arith.constant 32 : index
      %get3A_389 = tpu.vector_load %arg8[%get3A_387, %get3A_388] {strides = array<i32>} : memref<40x128xi32, #tpu.memory_space<vmem>>, vector<1x16xi32>,
      %get3A_390 = vector.shape_cast %get3A_389 : vector<1x16xi32> to vector<16xi32>
      %mul3A_391 = arith.constant 10000 : i32
      %mul3A_392 = vector.broadcast %mul3A_391 : i32 to vector<16xi32>
      %mul3A_393 = arith.muli %get3A_390, %mul3A_392 : vector<16xi32>
      %add3A_394 = arith.addi %mul3A_393, %get3A_386 : vector<16xi32>
      %swap3A_395 = arith.index_cast %scan3A_350 : i32 to index
      %swap3A_396 = arith.constant 32 : index
      %swap3A_397 = tpu.vector_load %arg7[%swap3A_395, %swap3A_396] {strides = array<i32>} : memref<40x128xi32, #tpu.memory_space<vmem>>, vector<1x16xi32>,
      %swap3A_398 = vector.shape_cast %swap3A_397 : vector<1x16xi32> to vector<16xi32>
      %swap3A_399 = vector.shape_cast %add3A_394 : vector<16xi32> to vector<1x16xi32>
      tpu.vector_store %arg7[%swap3A_395, %swap3A_396], %swap3A_399 {strides = array<i32>} : memref<40x128xi32, #tpu.memory_space<vmem>>, vector<1x16xi32>,
      %get3A_400 = arith.index_cast %scan3A_350 : i32 to index
      %get3A_401 = arith.constant 48 : index
      %get3A_402 = tpu.vector_load %arg7[%get3A_400, %get3A_401] {strides = array<i32>} : memref<40x128xi32, #tpu.memory_space<vmem>>, vector<1x16xi32>,
      %get3A_403 = vector.shape_cast %get3A_402 : vector<1x16xi32> to vector<16xi32>
      %get3A_404 = arith.index_cast %scan3A_350 : i32 to index
      %get3A_405 = arith.constant 48 : index
      %get3A_406 = tpu.vector_load %arg8[%get3A_404, %get3A_405] {strides = array<i32>} : memref<40x128xi32, #tpu.memory_space<vmem>>, vector<1x16xi32>,
      %get3A_407 = vector.shape_cast %get3A_406 : vector<1x16xi32> to vector<16xi32>
      %mul3A_408 = arith.constant 10000 : i32
      %mul3A_409 = vector.broadcast %mul3A_408 : i32 to vector<16xi32>
      %mul3A_410 = arith.muli %get3A_407, %mul3A_409 : vector<16xi32>
      %add3A_411 = arith.addi %mul3A_410, %get3A_403 : vector<16xi32>
      %swap3A_412 = arith.index_cast %scan3A_350 : i32 to index
      %swap3A_413 = arith.constant 48 : index
      %swap3A_414 = tpu.vector_load %arg7[%swap3A_412, %swap3A_413] {strides = array<i32>} : memref<40x128xi32, #tpu.memory_space<vmem>>, vector<1x16xi32>,
      %swap3A_415 = vector.shape_cast %swap3A_414 : vector<1x16xi32> to vector<16xi32>
      %swap3A_416 = vector.shape_cast %add3A_411 : vector<16xi32> to vector<1x16xi32>
      tpu.vector_store %arg7[%swap3A_412, %swap3A_413], %swap3A_416 {strides = array<i32>} : memref<40x128xi32, #tpu.memory_space<vmem>>, vector<1x16xi32>,
      %get3A_417 = arith.index_cast %scan3A_350 : i32 to index
      %get3A_418 = arith.constant 64 : index
      %get3A_419 = tpu.vector_load %arg7[%get3A_417, %get3A_418] {strides = array<i32>} : memref<40x128xi32, #tpu.memory_space<vmem>>, vector<1x16xi32>,
      %get3A_420 = vector.shape_cast %get3A_419 : vector<1x16xi32> to vector<16xi32>
      %get3A_421 = arith.index_cast %scan3A_350 : i32 to index
      %get3A_422 = arith.constant 64 : index
      %get3A_423 = tpu.vector_load %arg8[%get3A_421, %get3A_422] {strides = array<i32>} : memref<40x128xi32, #tpu.memory_space<vmem>>, vector<1x16xi32>,
      %get3A_424 = vector.shape_cast %get3A_423 : vector<1x16xi32> to vector<16xi32>
      %mul3A_425 = arith.constant 10000 : i32
      %mul3A_426 = vector.broadcast %mul3A_425 : i32 to vector<16xi32>
      %mul3A_427 = arith.muli %get3A_424, %mul3A_426 : vector<16xi32>
      %add3A_428 = arith.addi %mul3A_427, %get3A_420 : vector<16xi32>
      %swap3A_429 = arith.index_cast %scan3A_350 : i32 to index
      %swap3A_430 = arith.constant 64 : index
      %swap3A_431 = tpu.vector_load %arg7[%swap3A_429, %swap3A_430] {strides = array<i32>} : memref<40x128xi32, #tpu.memory_space<vmem>>, vector<1x16xi32>,
      %swap3A_432 = vector.shape_cast %swap3A_431 : vector<1x16xi32> to vector<16xi32>
      %swap3A_433 = vector.shape_cast %add3A_428 : vector<16xi32> to vector<1x16xi32>
      tpu.vector_store %arg7[%swap3A_429, %swap3A_430], %swap3A_433 {strides = array<i32>} : memref<40x128xi32, #tpu.memory_space<vmem>>, vector<1x16xi32>,
      %get3A_434 = arith.index_cast %scan3A_350 : i32 to index
      %get3A_435 = arith.constant 80 : index
      %get3A_436 = tpu.vector_load %arg7[%get3A_434, %get3A_435] {strides = array<i32>} : memref<40x128xi32, #tpu.memory_space<vmem>>, vector<1x16xi32>,
      %get3A_437 = vector.shape_cast %get3A_436 : vector<1x16xi32> to vector<16xi32>
      %get3A_438 = arith.index_cast %scan3A_350 : i32 to index
      %get3A_439 = arith.constant 80 : index
      %get3A_440 = tpu.vector_load %arg8[%get3A_438, %get3A_439] {strides = array<i32>} : memref<40x128xi32, #tpu.memory_space<vmem>>, vector<1x16xi32>,
      %get3A_441 = vector.shape_cast %get3A_440 : vector<1x16xi32> to vector<16xi32>
      %mul3A_442 = arith.constant 10000 : i32
      %mul3A_443 = vector.broadcast %mul3A_442 : i32 to vector<16xi32>
      %mul3A_444 = arith.muli %get3A_441, %mul3A_443 : vector<16xi32>
      %add3A_445 = arith.addi %mul3A_444, %get3A_437 : vector<16xi32>
      %swap3A_446 = arith.index_cast %scan3A_350 : i32 to index
      %swap3A_447 = arith.constant 80 : index
      %swap3A_448 = tpu.vector_load %arg7[%swap3A_446, %swap3A_447] {strides = array<i32>} : memref<40x128xi32, #tpu.memory_space<vmem>>, vector<1x16xi32>,
      %swap3A_449 = vector.shape_cast %swap3A_448 : vector<1x16xi32> to vector<16xi32>
      %swap3A_450 = vector.shape_cast %add3A_445 : vector<16xi32> to vector<1x16xi32>
      tpu.vector_store %arg7[%swap3A_446, %swap3A_447], %swap3A_450 {strides = array<i32>} : memref<40x128xi32, #tpu.memory_space<vmem>>, vector<1x16xi32>,
      %get3A_451 = arith.index_cast %scan3A_350 : i32 to index
      %get3A_452 = arith.constant 96 : index
      %get3A_453 = tpu.vector_load %arg7[%get3A_451, %get3A_452] {strides = array<i32>} : memref<40x128xi32, #tpu.memory_space<vmem>>, vector<1x16xi32>,
      %get3A_454 = vector.shape_cast %get3A_453 : vector<1x16xi32> to vector<16xi32>
      %get3A_455 = arith.index_cast %scan3A_350 : i32 to index
      %get3A_456 = arith.constant 96 : index
      %get3A_457 = tpu.vector_load %arg8[%get3A_455, %get3A_456] {strides = array<i32>} : memref<40x128xi32, #tpu.memory_space<vmem>>, vector<1x16xi32>,
      %get3A_458 = vector.shape_cast %get3A_457 : vector<1x16xi32> to vector<16xi32>
      %mul3A_459 = arith.constant 10000 : i32
      %mul3A_460 = vector.broadcast %mul3A_459 : i32 to vector<16xi32>
      %mul3A_461 = arith.muli %get3A_458, %mul3A_460 : vector<16xi32>
      %add3A_462 = arith.addi %mul3A_461, %get3A_454 : vector<16xi32>
      %swap3A_463 = arith.index_cast %scan3A_350 : i32 to index
      %swap3A_464 = arith.constant 96 : index
      %swap3A_465 = tpu.vector_load %arg7[%swap3A_463, %swap3A_464] {strides = array<i32>} : memref<40x128xi32, #tpu.memory_space<vmem>>, vector<1x16xi32>,
      %swap3A_466 = vector.shape_cast %swap3A_465 : vector<1x16xi32> to vector<16xi32>
      %swap3A_467 = vector.shape_cast %add3A_462 : vector<16xi32> to vector<1x16xi32>
      tpu.vector_store %arg7[%swap3A_463, %swap3A_464], %swap3A_467 {strides = array<i32>} : memref<40x128xi32, #tpu.memory_space<vmem>>, vector<1x16xi32>,
      %get3A_468 = arith.index_cast %scan3A_350 : i32 to index
      %get3A_469 = arith.constant 112 : index
      %get3A_470 = tpu.vector_load %arg7[%get3A_468, %get3A_469] {strides = array<i32>} : memref<40x128xi32, #tpu.memory_space<vmem>>, vector<1x16xi32>,
      %get3A_471 = vector.shape_cast %get3A_470 : vector<1x16xi32> to vector<16xi32>
      %get3A_472 = arith.index_cast %scan3A_350 : i32 to index
      %get3A_473 = arith.constant 112 : index
      %get3A_474 = tpu.vector_load %arg8[%get3A_472, %get3A_473] {strides = array<i32>} : memref<40x128xi32, #tpu.memory_space<vmem>>, vector<1x16xi32>,
      %get3A_475 = vector.shape_cast %get3A_474 : vector<1x16xi32> to vector<16xi32>
      %mul3A_476 = arith.constant 10000 : i32
      %mul3A_477 = vector.broadcast %mul3A_476 : i32 to vector<16xi32>
      %mul3A_478 = arith.muli %get3A_475, %mul3A_477 : vector<16xi32>
      %add3A_479 = arith.addi %mul3A_478, %get3A_471 : vector<16xi32>
      %swap3A_480 = arith.index_cast %scan3A_350 : i32 to index
      %swap3A_481 = arith.constant 112 : index
      %swap3A_482 = tpu.vector_load %arg7[%swap3A_480, %swap3A_481] {strides = array<i32>} : memref<40x128xi32, #tpu.memory_space<vmem>>, vector<1x16xi32>,
      %swap3A_483 = vector.shape_cast %swap3A_482 : vector<1x16xi32> to vector<16xi32>
      %swap3A_484 = vector.shape_cast %add3A_479 : vector<16xi32> to vector<1x16xi32>
      tpu.vector_store %arg7[%swap3A_480, %swap3A_481], %swap3A_484 {strides = array<i32>} : memref<40x128xi32, #tpu.memory_space<vmem>>, vector<1x16xi32>,
    }
    %scan3A_170 = arith.constant 40 : i32
    %dma_start3A_171 = arith.constant 0 : i32
    %dma_start3A_172 = arith.constant 0 : i32
    %dma_start3A_173 = arith.constant 0 : i32
    %dma_start3A_174 = tpu.memref_slice %arg10[%dma_start3A_172, %dma_start3A_173] : memref<128x128xf32, #tpu.memory_space<vmem>> -> memref<64x128xf32, #tpu.memory_space<vmem>>
    %dma_start3A_175 = arith.constant 0 : i32
    %dma_start3A_176 = tpu.memref_slice %arg7[%dma_start3A_171, %dma_start3A_175] : memref<40x128xi32, #tpu.memory_space<vmem>> -> memref<1x64xi32, #tpu.memory_space<vmem>>
    %dma_start3A_177 = tpu.memref_squeeze %dma_start3A_176 : memref<1x64xi32, #tpu.memory_space<vmem>> -> memref<64xi32, #tpu.memory_space<vmem>>
    %dma_start3A_178 = arith.constant 0 : i32
    %dma_start3A_179 = arith.constant 0 : i32
    %dma_start3A_180 = tpu.memref_slice %arg2[%dma_start3A_178, %dma_start3A_179] : memref<40000x128xf32, #tpu.memory_space<hbm>> -> memref<40000x128xf32, #tpu.memory_space<hbm>>
    tpu.enqueue_indirect_dma source(%dma_start3A_180 : memref<40000x128xf32, #tpu.memory_space<hbm>>) target(%dma_start3A_174 : memref<64x128xf32, #tpu.memory_space<vmem>>) offsets(%dma_start3A_177 : memref<64xi32, #tpu.memory_space<vmem>>) semaphore(%arg13 : memref<!tpu.dma_semaphore, #tpu.memory_space<semaphore_mem>>)
    %dma_start3A_181 = arith.constant 0 : i32
    %dma_start3A_182 = arith.constant 64 : i32
    %dma_start3A_183 = arith.constant 0 : i32
    %dma_start3A_184 = tpu.memref_slice %arg10[%dma_start3A_182, %dma_start3A_183] : memref<128x128xf32, #tpu.memory_space<vmem>> -> memref<64x128xf32, #tpu.memory_space<vmem>>
    %dma_start3A_185 = arith.constant 64 : i32
    %dma_start3A_186 = tpu.memref_slice %arg7[%dma_start3A_181, %dma_start3A_185] : memref<40x128xi32, #tpu.memory_space<vmem>> -> memref<1x64xi32, #tpu.memory_space<vmem>>
    %dma_start3A_187 = tpu.memref_squeeze %dma_start3A_186 : memref<1x64xi32, #tpu.memory_space<vmem>> -> memref<64xi32, #tpu.memory_space<vmem>>
    %dma_start3A_188 = arith.constant 0 : i32
    %dma_start3A_189 = arith.constant 0 : i32
    %dma_start3A_190 = tpu.memref_slice %arg2[%dma_start3A_188, %dma_start3A_189] : memref<40000x128xf32, #tpu.memory_space<hbm>> -> memref<40000x128xf32, #tpu.memory_space<hbm>>
    tpu.enqueue_indirect_dma source(%dma_start3A_190 : memref<40000x128xf32, #tpu.memory_space<hbm>>) target(%dma_start3A_184 : memref<64x128xf32, #tpu.memory_space<vmem>>) offsets(%dma_start3A_187 : memref<64xi32, #tpu.memory_space<vmem>>) semaphore(%arg14 : memref<!tpu.dma_semaphore, #tpu.memory_space<semaphore_mem>>)
    %dma_start3A_191 = arith.constant 1 : i32
    %dma_start3A_192 = arith.constant 0 : i32
    %dma_start3A_193 = arith.constant 0 : i32
    %dma_start3A_194 = tpu.memref_slice %arg11[%dma_start3A_192, %dma_start3A_193] : memref<128x128xf32, #tpu.memory_space<vmem>> -> memref<64x128xf32, #tpu.memory_space<vmem>>
    %dma_start3A_195 = arith.constant 0 : i32
    %dma_start3A_196 = tpu.memref_slice %arg7[%dma_start3A_191, %dma_start3A_195] : memref<40x128xi32, #tpu.memory_space<vmem>> -> memref<1x64xi32, #tpu.memory_space<vmem>>
    %dma_start3A_197 = tpu.memref_squeeze %dma_start3A_196 : memref<1x64xi32, #tpu.memory_space<vmem>> -> memref<64xi32, #tpu.memory_space<vmem>>
    %dma_start3A_198 = arith.constant 0 : i32
    %dma_start3A_199 = arith.constant 0 : i32
    %dma_start3A_200 = tpu.memref_slice %arg2[%dma_start3A_198, %dma_start3A_199] : memref<40000x128xf32, #tpu.memory_space<hbm>> -> memref<40000x128xf32, #tpu.memory_space<hbm>>
    tpu.enqueue_indirect_dma source(%dma_start3A_200 : memref<40000x128xf32, #tpu.memory_space<hbm>>) target(%dma_start3A_194 : memref<64x128xf32, #tpu.memory_space<vmem>>) offsets(%dma_start3A_197 : memref<64xi32, #tpu.memory_space<vmem>>) semaphore(%arg15 : memref<!tpu.dma_semaphore, #tpu.memory_space<semaphore_mem>>)
    %dma_start3A_201 = arith.constant 1 : i32
    %dma_start3A_202 = arith.constant 64 : i32
    %dma_start3A_203 = arith.constant 0 : i32
    %dma_start3A_204 = tpu.memref_slice %arg11[%dma_start3A_202, %dma_start3A_203] : memref<128x128xf32, #tpu.memory_space<vmem>> -> memref<64x128xf32, #tpu.memory_space<vmem>>
    %dma_start3A_205 = arith.constant 64 : i32
    %dma_start3A_206 = tpu.memref_slice %arg7[%dma_start3A_201, %dma_start3A_205] : memref<40x128xi32, #tpu.memory_space<vmem>> -> memref<1x64xi32, #tpu.memory_space<vmem>>
    %dma_start3A_207 = tpu.memref_squeeze %dma_start3A_206 : memref<1x64xi32, #tpu.memory_space<vmem>> -> memref<64xi32, #tpu.memory_space<vmem>>
    %dma_start3A_208 = arith.constant 0 : i32
    %dma_start3A_209 = arith.constant 0 : i32
    %dma_start3A_210 = tpu.memref_slice %arg2[%dma_start3A_208, %dma_start3A_209] : memref<40000x128xf32, #tpu.memory_space<hbm>> -> memref<40000x128xf32, #tpu.memory_space<hbm>>
    tpu.enqueue_indirect_dma source(%dma_start3A_210 : memref<40000x128xf32, #tpu.memory_space<hbm>>) target(%dma_start3A_204 : memref<64x128xf32, #tpu.memory_space<vmem>>) offsets(%dma_start3A_207 : memref<64xi32, #tpu.memory_space<vmem>>) semaphore(%arg16 : memref<!tpu.dma_semaphore, #tpu.memory_space<semaphore_mem>>)
    %scan3A_211 = arith.constant 0 : i32
    %scan3A_212 = arith.constant 0 : i32
    %scan3A_213 = arith.constant 19 : i32
    %scan3A_214 = arith.addi %scan3A_212, %scan3A_213 : i32
    %scan3A_215 = arith.constant 1 : i32
    scf.for %scan3A_350 = %scan3A_212 to %scan3A_214 step %scan3A_215  : i32 {
      %mul3A_351 = arith.constant 2 : i32
      %mul3A_352 = arith.muli %mul3A_351, %scan3A_350 : i32
      %dma_wait3A_353 = arith.constant 0 : i32
      %dma_wait3A_354 = arith.constant 0 : i32
      %dma_wait3A_355 = tpu.memref_slice %arg10[%dma_wait3A_353, %dma_wait3A_354] : memref<128x128xf32, #tpu.memory_space<vmem>> -> memref<64x128xf32, #tpu.memory_space<vmem>>
      %dma_wait3A_356 = arith.constant 0 : i32
      %dma_wait3A_357 = tpu.memref_slice %arg7[%mul3A_352, %dma_wait3A_356] : memref<40x128xi32, #tpu.memory_space<vmem>> -> memref<1x64xi32, #tpu.memory_space<vmem>>
      %dma_wait3A_358 = tpu.memref_squeeze %dma_wait3A_357 : memref<1x64xi32, #tpu.memory_space<vmem>> -> memref<64xi32, #tpu.memory_space<vmem>>
      %dma_wait3A_359 = arith.constant 0 : i32
      %dma_wait3A_360 = arith.constant 0 : i32
      %dma_wait3A_361 = tpu.memref_slice %arg2[%dma_wait3A_359, %dma_wait3A_360] : memref<40000x128xf32, #tpu.memory_space<hbm>> -> memref<40000x128xf32, #tpu.memory_space<hbm>>
      tpu.wait_indirect_dma semaphore(%arg13 : memref<!tpu.dma_semaphore, #tpu.memory_space<semaphore_mem>>) src(%dma_wait3A_361 : memref<40000x128xf32, #tpu.memory_space<hbm>>) dst(%dma_wait3A_355 : memref<64x128xf32, #tpu.memory_space<vmem>>)
      %dma_wait3A_362 = arith.constant 64 : i32
      %dma_wait3A_363 = arith.constant 0 : i32
      %dma_wait3A_364 = tpu.memref_slice %arg10[%dma_wait3A_362, %dma_wait3A_363] : memref<128x128xf32, #tpu.memory_space<vmem>> -> memref<64x128xf32, #tpu.memory_space<vmem>>
      %dma_wait3A_365 = arith.constant 64 : i32
      %dma_wait3A_366 = tpu.memref_slice %arg7[%mul3A_352, %dma_wait3A_365] : memref<40x128xi32, #tpu.memory_space<vmem>> -> memref<1x64xi32, #tpu.memory_space<vmem>>
      %dma_wait3A_367 = tpu.memref_squeeze %dma_wait3A_366 : memref<1x64xi32, #tpu.memory_space<vmem>> -> memref<64xi32, #tpu.memory_space<vmem>>
      %dma_wait3A_368 = arith.constant 0 : i32
      %dma_wait3A_369 = arith.constant 0 : i32
      %dma_wait3A_370 = tpu.memref_slice %arg2[%dma_wait3A_368, %dma_wait3A_369] : memref<40000x128xf32, #tpu.memory_space<hbm>> -> memref<40000x128xf32, #tpu.memory_space<hbm>>
      tpu.wait_indirect_dma semaphore(%arg14 : memref<!tpu.dma_semaphore, #tpu.memory_space<semaphore_mem>>) src(%dma_wait3A_370 : memref<40000x128xf32, #tpu.memory_space<hbm>>) dst(%dma_wait3A_364 : memref<64x128xf32, #tpu.memory_space<vmem>>)
      %dma_start3A_371 = arith.constant 0 : i32
      %dma_start3A_372 = tpu.memref_slice %arg9[%mul3A_352, %dma_start3A_371] : memref<40x128xi32, #tpu.memory_space<vmem>> -> memref<1x128xi32, #tpu.memory_space<vmem>>
      %dma_start3A_373 = tpu.memref_squeeze %dma_start3A_372 : memref<1x128xi32, #tpu.memory_space<vmem>> -> memref<128xi32, #tpu.memory_space<vmem>>
      %dma_start3A_374 = arith.constant 0 : i32
      %dma_start3A_375 = arith.constant 0 : i32
      %dma_start3A_376 = tpu.memref_slice %arg12[%dma_start3A_374, %dma_start3A_375] : memref<10240x128xf32, #tpu.memory_space<vmem_shared>> -> memref<10240x128xf32, #tpu.memory_space<vmem_shared>>
      tpu.enqueue_indirect_dma source(%arg10 : memref<128x128xf32, #tpu.memory_space<vmem>>) target(%dma_start3A_376 : memref<10240x128xf32, #tpu.memory_space<vmem_shared>>) offsets(%dma_start3A_373 : memref<128xi32, #tpu.memory_space<vmem>>) semaphore(%arg17 : memref<!tpu.dma_semaphore, #tpu.memory_space<semaphore_mem>>) {add = true}
      %add3A_377 = arith.constant 1 : i32
      %add3A_378 = arith.addi %mul3A_352, %add3A_377 : i32
      %dma_wait3A_379 = arith.constant 0 : i32
      %dma_wait3A_380 = arith.constant 0 : i32
      %dma_wait3A_381 = tpu.memref_slice %arg11[%dma_wait3A_379, %dma_wait3A_380] : memref<128x128xf32, #tpu.memory_space<vmem>> -> memref<64x128xf32, #tpu.memory_space<vmem>>
      %dma_wait3A_382 = arith.constant 0 : i32
      %dma_wait3A_383 = tpu.memref_slice %arg7[%add3A_378, %dma_wait3A_382] : memref<40x128xi32, #tpu.memory_space<vmem>> -> memref<1x64xi32, #tpu.memory_space<vmem>>
      %dma_wait3A_384 = tpu.memref_squeeze %dma_wait3A_383 : memref<1x64xi32, #tpu.memory_space<vmem>> -> memref<64xi32, #tpu.memory_space<vmem>>
      %dma_wait3A_385 = arith.constant 0 : i32
      %dma_wait3A_386 = arith.constant 0 : i32
      %dma_wait3A_387 = tpu.memref_slice %arg2[%dma_wait3A_385, %dma_wait3A_386] : memref<40000x128xf32, #tpu.memory_space<hbm>> -> memref<40000x128xf32, #tpu.memory_space<hbm>>
      tpu.wait_indirect_dma semaphore(%arg15 : memref<!tpu.dma_semaphore, #tpu.memory_space<semaphore_mem>>) src(%dma_wait3A_387 : memref<40000x128xf32, #tpu.memory_space<hbm>>) dst(%dma_wait3A_381 : memref<64x128xf32, #tpu.memory_space<vmem>>)
      %dma_wait3A_388 = arith.constant 64 : i32
      %dma_wait3A_389 = arith.constant 0 : i32
      %dma_wait3A_390 = tpu.memref_slice %arg11[%dma_wait3A_388, %dma_wait3A_389] : memref<128x128xf32, #tpu.memory_space<vmem>> -> memref<64x128xf32, #tpu.memory_space<vmem>>
      %dma_wait3A_391 = arith.constant 64 : i32
      %dma_wait3A_392 = tpu.memref_slice %arg7[%add3A_378, %dma_wait3A_391] : memref<40x128xi32, #tpu.memory_space<vmem>> -> memref<1x64xi32, #tpu.memory_space<vmem>>
      %dma_wait3A_393 = tpu.memref_squeeze %dma_wait3A_392 : memref<1x64xi32, #tpu.memory_space<vmem>> -> memref<64xi32, #tpu.memory_space<vmem>>
      %dma_wait3A_394 = arith.constant 0 : i32
      %dma_wait3A_395 = arith.constant 0 : i32
      %dma_wait3A_396 = tpu.memref_slice %arg2[%dma_wait3A_394, %dma_wait3A_395] : memref<40000x128xf32, #tpu.memory_space<hbm>> -> memref<40000x128xf32, #tpu.memory_space<hbm>>
      tpu.wait_indirect_dma semaphore(%arg16 : memref<!tpu.dma_semaphore, #tpu.memory_space<semaphore_mem>>) src(%dma_wait3A_396 : memref<40000x128xf32, #tpu.memory_space<hbm>>) dst(%dma_wait3A_390 : memref<64x128xf32, #tpu.memory_space<vmem>>)
      %add3A_397 = arith.constant 1 : i32
      %add3A_398 = arith.addi %mul3A_352, %add3A_397 : i32
      %dma_start3A_399 = arith.constant 0 : i32
      %dma_start3A_400 = tpu.memref_slice %arg9[%add3A_398, %dma_start3A_399] : memref<40x128xi32, #tpu.memory_space<vmem>> -> memref<1x128xi32, #tpu.memory_space<vmem>>
      %dma_start3A_401 = tpu.memref_squeeze %dma_start3A_400 : memref<1x128xi32, #tpu.memory_space<vmem>> -> memref<128xi32, #tpu.memory_space<vmem>>
      %dma_start3A_402 = arith.constant 0 : i32
      %dma_start3A_403 = arith.constant 0 : i32
      %dma_start3A_404 = tpu.memref_slice %arg12[%dma_start3A_402, %dma_start3A_403] : memref<10240x128xf32, #tpu.memory_space<vmem_shared>> -> memref<10240x128xf32, #tpu.memory_space<vmem_shared>>
      tpu.enqueue_indirect_dma source(%arg11 : memref<128x128xf32, #tpu.memory_space<vmem>>) target(%dma_start3A_404 : memref<10240x128xf32, #tpu.memory_space<vmem_shared>>) offsets(%dma_start3A_401 : memref<128xi32, #tpu.memory_space<vmem>>) semaphore(%arg18 : memref<!tpu.dma_semaphore, #tpu.memory_space<semaphore_mem>>) {add = true}
      %dma_wait3A_405 = arith.constant 0 : i32
      %dma_wait3A_406 = tpu.memref_slice %arg9[%mul3A_352, %dma_wait3A_405] : memref<40x128xi32, #tpu.memory_space<vmem>> -> memref<1x128xi32, #tpu.memory_space<vmem>>
      %dma_wait3A_407 = tpu.memref_squeeze %dma_wait3A_406 : memref<1x128xi32, #tpu.memory_space<vmem>> -> memref<128xi32, #tpu.memory_space<vmem>>
      %dma_wait3A_408 = arith.constant 0 : i32
      %dma_wait3A_409 = arith.constant 0 : i32
      %dma_wait3A_410 = tpu.memref_slice %arg12[%dma_wait3A_408, %dma_wait3A_409] : memref<10240x128xf32, #tpu.memory_space<vmem_shared>> -> memref<10240x128xf32, #tpu.memory_space<vmem_shared>>
      tpu.wait_indirect_dma semaphore(%arg17 : memref<!tpu.dma_semaphore, #tpu.memory_space<semaphore_mem>>) src(%arg10 : memref<128x128xf32, #tpu.memory_space<vmem>>) dst(%dma_wait3A_410 : memref<10240x128xf32, #tpu.memory_space<vmem_shared>>)
      %add3A_411 = arith.constant 2 : i32
      %add3A_412 = arith.addi %mul3A_352, %add3A_411 : i32
      %dma_start3A_413 = arith.constant 0 : i32
      %dma_start3A_414 = arith.constant 0 : i32
      %dma_start3A_415 = tpu.memref_slice %arg10[%dma_start3A_413, %dma_start3A_414] : memref<128x128xf32, #tpu.memory_space<vmem>> -> memref<64x128xf32, #tpu.memory_space<vmem>>
      %dma_start3A_416 = arith.constant 0 : i32
      %dma_start3A_417 = tpu.memref_slice %arg7[%add3A_412, %dma_start3A_416] : memref<40x128xi32, #tpu.memory_space<vmem>> -> memref<1x64xi32, #tpu.memory_space<vmem>>
      %dma_start3A_418 = tpu.memref_squeeze %dma_start3A_417 : memref<1x64xi32, #tpu.memory_space<vmem>> -> memref<64xi32, #tpu.memory_space<vmem>>
      %dma_start3A_419 = arith.constant 0 : i32
      %dma_start3A_420 = arith.constant 0 : i32
      %dma_start3A_421 = tpu.memref_slice %arg2[%dma_start3A_419, %dma_start3A_420] : memref<40000x128xf32, #tpu.memory_space<hbm>> -> memref<40000x128xf32, #tpu.memory_space<hbm>>
      tpu.enqueue_indirect_dma source(%dma_start3A_421 : memref<40000x128xf32, #tpu.memory_space<hbm>>) target(%dma_start3A_415 : memref<64x128xf32, #tpu.memory_space<vmem>>) offsets(%dma_start3A_418 : memref<64xi32, #tpu.memory_space<vmem>>) semaphore(%arg13 : memref<!tpu.dma_semaphore, #tpu.memory_space<semaphore_mem>>)
      %dma_start3A_422 = arith.constant 64 : i32
      %dma_start3A_423 = arith.constant 0 : i32
      %dma_start3A_424 = tpu.memref_slice %arg10[%dma_start3A_422, %dma_start3A_423] : memref<128x128xf32, #tpu.memory_space<vmem>> -> memref<64x128xf32, #tpu.memory_space<vmem>>
      %dma_start3A_425 = arith.constant 64 : i32
      %dma_start3A_426 = tpu.memref_slice %arg7[%add3A_412, %dma_start3A_425] : memref<40x128xi32, #tpu.memory_space<vmem>> -> memref<1x64xi32, #tpu.memory_space<vmem>>
      %dma_start3A_427 = tpu.memref_squeeze %dma_start3A_426 : memref<1x64xi32, #tpu.memory_space<vmem>> -> memref<64xi32, #tpu.memory_space<vmem>>
      %dma_start3A_428 = arith.constant 0 : i32
      %dma_start3A_429 = arith.constant 0 : i32
      %dma_start3A_430 = tpu.memref_slice %arg2[%dma_start3A_428, %dma_start3A_429] : memref<40000x128xf32, #tpu.memory_space<hbm>> -> memref<40000x128xf32, #tpu.memory_space<hbm>>
      tpu.enqueue_indirect_dma source(%dma_start3A_430 : memref<40000x128xf32, #tpu.memory_space<hbm>>) target(%dma_start3A_424 : memref<64x128xf32, #tpu.memory_space<vmem>>) offsets(%dma_start3A_427 : memref<64xi32, #tpu.memory_space<vmem>>) semaphore(%arg14 : memref<!tpu.dma_semaphore, #tpu.memory_space<semaphore_mem>>)
      %dma_wait3A_431 = arith.constant 0 : i32
      %dma_wait3A_432 = tpu.memref_slice %arg9[%add3A_398, %dma_wait3A_431] : memref<40x128xi32, #tpu.memory_space<vmem>> -> memref<1x128xi32, #tpu.memory_space<vmem>>
      %dma_wait3A_433 = tpu.memref_squeeze %dma_wait3A_432 : memref<1x128xi32, #tpu.memory_space<vmem>> -> memref<128xi32, #tpu.memory_space<vmem>>
      %dma_wait3A_434 = arith.constant 0 : i32
      %dma_wait3A_435 = arith.constant 0 : i32
      %dma_wait3A_436 = tpu.memref_slice %arg12[%dma_wait3A_434, %dma_wait3A_435] : memref<10240x128xf32, #tpu.memory_space<vmem_shared>> -> memref<10240x128xf32, #tpu.memory_space<vmem_shared>>
      tpu.wait_indirect_dma semaphore(%arg18 : memref<!tpu.dma_semaphore, #tpu.memory_space<semaphore_mem>>) src(%arg11 : memref<128x128xf32, #tpu.memory_space<vmem>>) dst(%dma_wait3A_436 : memref<10240x128xf32, #tpu.memory_space<vmem_shared>>)
      %add3A_437 = arith.constant 3 : i32
      %add3A_438 = arith.addi %mul3A_352, %add3A_437 : i32
      %dma_start3A_439 = arith.constant 0 : i32
      %dma_start3A_440 = arith.constant 0 : i32
      %dma_start3A_441 = tpu.memref_slice %arg11[%dma_start3A_439, %dma_start3A_440] : memref<128x128xf32, #tpu.memory_space<vmem>> -> memref<64x128xf32, #tpu.memory_space<vmem>>
      %dma_start3A_442 = arith.constant 0 : i32
      %dma_start3A_443 = tpu.memref_slice %arg7[%add3A_438, %dma_start3A_442] : memref<40x128xi32, #tpu.memory_space<vmem>> -> memref<1x64xi32, #tpu.memory_space<vmem>>
      %dma_start3A_444 = tpu.memref_squeeze %dma_start3A_443 : memref<1x64xi32, #tpu.memory_space<vmem>> -> memref<64xi32, #tpu.memory_space<vmem>>
      %dma_start3A_445 = arith.constant 0 : i32
      %dma_start3A_446 = arith.constant 0 : i32
      %dma_start3A_447 = tpu.memref_slice %arg2[%dma_start3A_445, %dma_start3A_446] : memref<40000x128xf32, #tpu.memory_space<hbm>> -> memref<40000x128xf32, #tpu.memory_space<hbm>>
      tpu.enqueue_indirect_dma source(%dma_start3A_447 : memref<40000x128xf32, #tpu.memory_space<hbm>>) target(%dma_start3A_441 : memref<64x128xf32, #tpu.memory_space<vmem>>) offsets(%dma_start3A_444 : memref<64xi32, #tpu.memory_space<vmem>>) semaphore(%arg15 : memref<!tpu.dma_semaphore, #tpu.memory_space<semaphore_mem>>)
      %dma_start3A_448 = arith.constant 64 : i32
      %dma_start3A_449 = arith.constant 0 : i32
      %dma_start3A_450 = tpu.memref_slice %arg11[%dma_start3A_448, %dma_start3A_449] : memref<128x128xf32, #tpu.memory_space<vmem>> -> memref<64x128xf32, #tpu.memory_space<vmem>>
      %dma_start3A_451 = arith.constant 64 : i32
      %dma_start3A_452 = tpu.memref_slice %arg7[%add3A_438, %dma_start3A_451] : memref<40x128xi32, #tpu.memory_space<vmem>> -> memref<1x64xi32, #tpu.memory_space<vmem>>
      %dma_start3A_453 = tpu.memref_squeeze %dma_start3A_452 : memref<1x64xi32, #tpu.memory_space<vmem>> -> memref<64xi32, #tpu.memory_space<vmem>>
      %dma_start3A_454 = arith.constant 0 : i32
      %dma_start3A_455 = arith.constant 0 : i32
      %dma_start3A_456 = tpu.memref_slice %arg2[%dma_start3A_454, %dma_start3A_455] : memref<40000x128xf32, #tpu.memory_space<hbm>> -> memref<40000x128xf32, #tpu.memory_space<hbm>>
      tpu.enqueue_indirect_dma source(%dma_start3A_456 : memref<40000x128xf32, #tpu.memory_space<hbm>>) target(%dma_start3A_450 : memref<64x128xf32, #tpu.memory_space<vmem>>) offsets(%dma_start3A_453 : memref<64xi32, #tpu.memory_space<vmem>>) semaphore(%arg16 : memref<!tpu.dma_semaphore, #tpu.memory_space<semaphore_mem>>)
    }
    %scan3A_216 = arith.constant 19 : i32
    %dma_wait3A_217 = arith.constant 38 : i32
    %dma_wait3A_218 = arith.constant 0 : i32
    %dma_wait3A_219 = arith.constant 0 : i32
    %dma_wait3A_220 = tpu.memref_slice %arg10[%dma_wait3A_218, %dma_wait3A_219] : memref<128x128xf32, #tpu.memory_space<vmem>> -> memref<64x128xf32, #tpu.memory_space<vmem>>
    %dma_wait3A_221 = arith.constant 0 : i32
    %dma_wait3A_222 = tpu.memref_slice %arg7[%dma_wait3A_217, %dma_wait3A_221] : memref<40x128xi32, #tpu.memory_space<vmem>> -> memref<1x64xi32, #tpu.memory_space<vmem>>
    %dma_wait3A_223 = tpu.memref_squeeze %dma_wait3A_222 : memref<1x64xi32, #tpu.memory_space<vmem>> -> memref<64xi32, #tpu.memory_space<vmem>>
    %dma_wait3A_224 = arith.constant 0 : i32
    %dma_wait3A_225 = arith.constant 0 : i32
    %dma_wait3A_226 = tpu.memref_slice %arg2[%dma_wait3A_224, %dma_wait3A_225] : memref<40000x128xf32, #tpu.memory_space<hbm>> -> memref<40000x128xf32, #tpu.memory_space<hbm>>
    tpu.wait_indirect_dma semaphore(%arg13 : memref<!tpu.dma_semaphore, #tpu.memory_space<semaphore_mem>>) src(%dma_wait3A_226 : memref<40000x128xf32, #tpu.memory_space<hbm>>) dst(%dma_wait3A_220 : memref<64x128xf32, #tpu.memory_space<vmem>>)
    %dma_wait3A_227 = arith.constant 38 : i32
    %dma_wait3A_228 = arith.constant 64 : i32
    %dma_wait3A_229 = arith.constant 0 : i32
    %dma_wait3A_230 = tpu.memref_slice %arg10[%dma_wait3A_228, %dma_wait3A_229] : memref<128x128xf32, #tpu.memory_space<vmem>> -> memref<64x128xf32, #tpu.memory_space<vmem>>
    %dma_wait3A_231 = arith.constant 64 : i32
    %dma_wait3A_232 = tpu.memref_slice %arg7[%dma_wait3A_227, %dma_wait3A_231] : memref<40x128xi32, #tpu.memory_space<vmem>> -> memref<1x64xi32, #tpu.memory_space<vmem>>
    %dma_wait3A_233 = tpu.memref_squeeze %dma_wait3A_232 : memref<1x64xi32, #tpu.memory_space<vmem>> -> memref<64xi32, #tpu.memory_space<vmem>>
    %dma_wait3A_234 = arith.constant 0 : i32
    %dma_wait3A_235 = arith.constant 0 : i32
    %dma_wait3A_236 = tpu.memref_slice %arg2[%dma_wait3A_234, %dma_wait3A_235] : memref<40000x128xf32, #tpu.memory_space<hbm>> -> memref<40000x128xf32, #tpu.memory_space<hbm>>
    tpu.wait_indirect_dma semaphore(%arg14 : memref<!tpu.dma_semaphore, #tpu.memory_space<semaphore_mem>>) src(%dma_wait3A_236 : memref<40000x128xf32, #tpu.memory_space<hbm>>) dst(%dma_wait3A_230 : memref<64x128xf32, #tpu.memory_space<vmem>>)
    %run_scoped3A_237 = arith.constant 38 : i32
    "tpu.region"() ({
      %run_scoped3A_350 = tpu.sem_alloc : memref<!tpu.dma_semaphore, #tpu.memory_space<semaphore_mem>>
      %dma_start3A_351 = arith.constant 0 : i32
      %dma_start3A_352 = tpu.memref_slice %arg9[%run_scoped3A_237, %dma_start3A_351] : memref<40x128xi32, #tpu.memory_space<vmem>> -> memref<1x128xi32, #tpu.memory_space<vmem>>
      %dma_start3A_353 = tpu.memref_squeeze %dma_start3A_352 : memref<1x128xi32, #tpu.memory_space<vmem>> -> memref<128xi32, #tpu.memory_space<vmem>>
      %dma_start3A_354 = arith.constant 0 : i32
      %dma_start3A_355 = arith.constant 0 : i32
      %dma_start3A_356 = tpu.memref_slice %arg12[%dma_start3A_354, %dma_start3A_355] : memref<10240x128xf32, #tpu.memory_space<vmem_shared>> -> memref<10240x128xf32, #tpu.memory_space<vmem_shared>>
      tpu.enqueue_indirect_dma source(%arg10 : memref<128x128xf32, #tpu.memory_space<vmem>>) target(%dma_start3A_356 : memref<10240x128xf32, #tpu.memory_space<vmem_shared>>) offsets(%dma_start3A_353 : memref<128xi32, #tpu.memory_space<vmem>>) semaphore(%run_scoped3A_350 : memref<!tpu.dma_semaphore, #tpu.memory_space<semaphore_mem>>) {add = true}
      %dma_wait3A_357 = arith.constant 0 : i32
      %dma_wait3A_358 = tpu.memref_slice %arg9[%run_scoped3A_237, %dma_wait3A_357] : memref<40x128xi32, #tpu.memory_space<vmem>> -> memref<1x128xi32, #tpu.memory_space<vmem>>
      %dma_wait3A_359 = tpu.memref_squeeze %dma_wait3A_358 : memref<1x128xi32, #tpu.memory_space<vmem>> -> memref<128xi32, #tpu.memory_space<vmem>>
      %dma_wait3A_360 = arith.constant 0 : i32
      %dma_wait3A_361 = arith.constant 0 : i32
      %dma_wait3A_362 = tpu.memref_slice %arg12[%dma_wait3A_360, %dma_wait3A_361] : memref<10240x128xf32, #tpu.memory_space<vmem_shared>> -> memref<10240x128xf32, #tpu.memory_space<vmem_shared>>
      tpu.wait_indirect_dma semaphore(%run_scoped3A_350 : memref<!tpu.dma_semaphore, #tpu.memory_space<semaphore_mem>>) src(%arg10 : memref<128x128xf32, #tpu.memory_space<vmem>>) dst(%dma_wait3A_362 : memref<10240x128xf32, #tpu.memory_space<vmem_shared>>)
      tpu.yield
    }) : () -> ()
    %dma_wait3A_238 = arith.constant 39 : i32
    %dma_wait3A_239 = arith.constant 0 : i32
    %dma_wait3A_240 = arith.constant 0 : i32
    %dma_wait3A_241 = tpu.memref_slice %arg11[%dma_wait3A_239, %dma_wait3A_240] : memref<128x128xf32, #tpu.memory_space<vmem>> -> memref<64x128xf32, #tpu.memory_space<vmem>>
    %dma_wait3A_242 = arith.constant 0 : i32
    %dma_wait3A_243 = tpu.memref_slice %arg7[%dma_wait3A_238, %dma_wait3A_242] : memref<40x128xi32, #tpu.memory_space<vmem>> -> memref<1x64xi32, #tpu.memory_space<vmem>>
    %dma_wait3A_244 = tpu.memref_squeeze %dma_wait3A_243 : memref<1x64xi32, #tpu.memory_space<vmem>> -> memref<64xi32, #tpu.memory_space<vmem>>
    %dma_wait3A_245 = arith.constant 0 : i32
    %dma_wait3A_246 = arith.constant 0 : i32
    %dma_wait3A_247 = tpu.memref_slice %arg2[%dma_wait3A_245, %dma_wait3A_246] : memref<40000x128xf32, #tpu.memory_space<hbm>> -> memref<40000x128xf32, #tpu.memory_space<hbm>>
    tpu.wait_indirect_dma semaphore(%arg15 : memref<!tpu.dma_semaphore, #tpu.memory_space<semaphore_mem>>) src(%dma_wait3A_247 : memref<40000x128xf32, #tpu.memory_space<hbm>>) dst(%dma_wait3A_241 : memref<64x128xf32, #tpu.memory_space<vmem>>)
    %dma_wait3A_248 = arith.constant 39 : i32
    %dma_wait3A_249 = arith.constant 64 : i32
    %dma_wait3A_250 = arith.constant 0 : i32
    %dma_wait3A_251 = tpu.memref_slice %arg11[%dma_wait3A_249, %dma_wait3A_250] : memref<128x128xf32, #tpu.memory_space<vmem>> -> memref<64x128xf32, #tpu.memory_space<vmem>>
    %dma_wait3A_252 = arith.constant 64 : i32
    %dma_wait3A_253 = tpu.memref_slice %arg7[%dma_wait3A_248, %dma_wait3A_252] : memref<40x128xi32, #tpu.memory_space<vmem>> -> memref<1x64xi32, #tpu.memory_space<vmem>>
    %dma_wait3A_254 = tpu.memref_squeeze %dma_wait3A_253 : memref<1x64xi32, #tpu.memory_space<vmem>> -> memref<64xi32, #tpu.memory_space<vmem>>
    %dma_wait3A_255 = arith.constant 0 : i32
    %dma_wait3A_256 = arith.constant 0 : i32
    %dma_wait3A_257 = tpu.memref_slice %arg2[%dma_wait3A_255, %dma_wait3A_256] : memref<40000x128xf32, #tpu.memory_space<hbm>> -> memref<40000x128xf32, #tpu.memory_space<hbm>>
    tpu.wait_indirect_dma semaphore(%arg16 : memref<!tpu.dma_semaphore, #tpu.memory_space<semaphore_mem>>) src(%dma_wait3A_257 : memref<40000x128xf32, #tpu.memory_space<hbm>>) dst(%dma_wait3A_251 : memref<64x128xf32, #tpu.memory_space<vmem>>)
    %run_scoped3A_258 = arith.constant 39 : i32
    "tpu.region"() ({
      %run_scoped3A_350 = tpu.sem_alloc : memref<!tpu.dma_semaphore, #tpu.memory_space<semaphore_mem>>
      %dma_start3A_351 = arith.constant 0 : i32
      %dma_start3A_352 = tpu.memref_slice %arg9[%run_scoped3A_258, %dma_start3A_351] : memref<40x128xi32, #tpu.memory_space<vmem>> -> memref<1x128xi32, #tpu.memory_space<vmem>>
      %dma_start3A_353 = tpu.memref_squeeze %dma_start3A_352 : memref<1x128xi32, #tpu.memory_space<vmem>> -> memref<128xi32, #tpu.memory_space<vmem>>
      %dma_start3A_354 = arith.constant 0 : i32
      %dma_start3A_355 = arith.constant 0 : i32
      %dma_start3A_356 = tpu.memref_slice %arg12[%dma_start3A_354, %dma_start3A_355] : memref<10240x128xf32, #tpu.memory_space<vmem_shared>> -> memref<10240x128xf32, #tpu.memory_space<vmem_shared>>
      tpu.enqueue_indirect_dma source(%arg11 : memref<128x128xf32, #tpu.memory_space<vmem>>) target(%dma_start3A_356 : memref<10240x128xf32, #tpu.memory_space<vmem_shared>>) offsets(%dma_start3A_353 : memref<128xi32, #tpu.memory_space<vmem>>) semaphore(%run_scoped3A_350 : memref<!tpu.dma_semaphore, #tpu.memory_space<semaphore_mem>>) {add = true}
      %dma_wait3A_357 = arith.constant 0 : i32
      %dma_wait3A_358 = tpu.memref_slice %arg9[%run_scoped3A_258, %dma_wait3A_357] : memref<40x128xi32, #tpu.memory_space<vmem>> -> memref<1x128xi32, #tpu.memory_space<vmem>>
      %dma_wait3A_359 = tpu.memref_squeeze %dma_wait3A_358 : memref<1x128xi32, #tpu.memory_space<vmem>> -> memref<128xi32, #tpu.memory_space<vmem>>
      %dma_wait3A_360 = arith.constant 0 : i32
      %dma_wait3A_361 = arith.constant 0 : i32
      %dma_wait3A_362 = tpu.memref_slice %arg12[%dma_wait3A_360, %dma_wait3A_361] : memref<10240x128xf32, #tpu.memory_space<vmem_shared>> -> memref<10240x128xf32, #tpu.memory_space<vmem_shared>>
      tpu.wait_indirect_dma semaphore(%run_scoped3A_350 : memref<!tpu.dma_semaphore, #tpu.memory_space<semaphore_mem>>) src(%arg11 : memref<128x128xf32, #tpu.memory_space<vmem>>) dst(%dma_wait3A_362 : memref<10240x128xf32, #tpu.memory_space<vmem_shared>>)
      tpu.yield
    }) : () -> ()
    %barrier3A_259 = arith.constant 0 : index
    tpu.barrier barrier_id(%barrier3A_259)
    %mul3A_260 = arith.constant 640 : i32
    %mul3A_261 = arith.muli %arg1, %mul3A_260 : i32
    %add3A_262 = arith.constant 0 : i32
    %add3A_263 = arith.addi %mul3A_261, %add3A_262 : i32
    %mul3A_264 = arith.constant 640 : i32
    %mul3A_265 = arith.muli %arg1, %mul3A_264 : i32
    %add3A_266 = arith.constant 0 : i32
    %add3A_267 = arith.addi %mul3A_265, %add3A_266 : i32
    %dma_start3A_268 = arith.constant 0 : i32
    %dma_start3A_269 = tpu.memref_slice %arg6[%arg0, %add3A_267, %dma_start3A_268] : memref<2x10240x128xf32, #tpu.memory_space<hbm>> -> memref<1x128x128xf32, #tpu.memory_space<hbm>>
    %dma_start3A_270 = tpu.memref_squeeze %dma_start3A_269 : memref<1x128x128xf32, #tpu.memory_space<hbm>> -> memref<128x128xf32, #tpu.memory_space<hbm>>
    %dma_start3A_271 = arith.constant 0 : i32
    %dma_start3A_272 = tpu.memref_slice %arg12[%add3A_263, %dma_start3A_271] : memref<10240x128xf32, #tpu.memory_space<vmem_shared>> -> memref<128x128xf32, #tpu.memory_space<vmem_shared>>
    tpu.enqueue_dma source(%dma_start3A_272 : memref<128x128xf32, #tpu.memory_space<vmem_shared>>) target(%dma_start3A_270 : memref<128x128xf32, #tpu.memory_space<hbm>>) target_semaphore(%arg19 : memref<!tpu.dma_semaphore, #tpu.memory_space<semaphore_mem>>)
    %mul3A_273 = arith.constant 640 : i32
    %mul3A_274 = arith.muli %arg1, %mul3A_273 : i32
    %add3A_275 = arith.constant 128 : i32
    %add3A_276 = arith.addi %mul3A_274, %add3A_275 : i32
    %mul3A_277 = arith.constant 640 : i32
    %mul3A_278 = arith.muli %arg1, %mul3A_277 : i32
    %add3A_279 = arith.constant 128 : i32
    %add3A_280 = arith.addi %mul3A_278, %add3A_279 : i32
    %dma_start3A_281 = arith.constant 0 : i32
    %dma_start3A_282 = tpu.memref_slice %arg6[%arg0, %add3A_280, %dma_start3A_281] : memref<2x10240x128xf32, #tpu.memory_space<hbm>> -> memref<1x128x128xf32, #tpu.memory_space<hbm>>
    %dma_start3A_283 = tpu.memref_squeeze %dma_start3A_282 : memref<1x128x128xf32, #tpu.memory_space<hbm>> -> memref<128x128xf32, #tpu.memory_space<hbm>>
    %dma_start3A_284 = arith.constant 0 : i32
    %dma_start3A_285 = tpu.memref_slice %arg12[%add3A_276, %dma_start3A_284] : memref<10240x128xf32, #tpu.memory_space<vmem_shared>> -> memref<128x128xf32, #tpu.memory_space<vmem_shared>>
    tpu.enqueue_dma source(%dma_start3A_285 : memref<128x128xf32, #tpu.memory_space<vmem_shared>>) target(%dma_start3A_283 : memref<128x128xf32, #tpu.memory_space<hbm>>) target_semaphore(%arg19 : memref<!tpu.dma_semaphore, #tpu.memory_space<semaphore_mem>>)
    %mul3A_286 = arith.constant 640 : i32
    %mul3A_287 = arith.muli %arg1, %mul3A_286 : i32
    %add3A_288 = arith.constant 256 : i32
    %add3A_289 = arith.addi %mul3A_287, %add3A_288 : i32
    %mul3A_290 = arith.constant 640 : i32
    %mul3A_291 = arith.muli %arg1, %mul3A_290 : i32
    %add3A_292 = arith.constant 256 : i32
    %add3A_293 = arith.addi %mul3A_291, %add3A_292 : i32
    %dma_start3A_294 = arith.constant 0 : i32
    %dma_start3A_295 = tpu.memref_slice %arg6[%arg0, %add3A_293, %dma_start3A_294] : memref<2x10240x128xf32, #tpu.memory_space<hbm>> -> memref<1x128x128xf32, #tpu.memory_space<hbm>>
    %dma_start3A_296 = tpu.memref_squeeze %dma_start3A_295 : memref<1x128x128xf32, #tpu.memory_space<hbm>> -> memref<128x128xf32, #tpu.memory_space<hbm>>
    %dma_start3A_297 = arith.constant 0 : i32
    %dma_start3A_298 = tpu.memref_slice %arg12[%add3A_289, %dma_start3A_297] : memref<10240x128xf32, #tpu.memory_space<vmem_shared>> -> memref<128x128xf32, #tpu.memory_space<vmem_shared>>
    tpu.enqueue_dma source(%dma_start3A_298 : memref<128x128xf32, #tpu.memory_space<vmem_shared>>) target(%dma_start3A_296 : memref<128x128xf32, #tpu.memory_space<hbm>>) target_semaphore(%arg19 : memref<!tpu.dma_semaphore, #tpu.memory_space<semaphore_mem>>)
    %mul3A_299 = arith.constant 640 : i32
    %mul3A_300 = arith.muli %arg1, %mul3A_299 : i32
    %add3A_301 = arith.constant 384 : i32
    %add3A_302 = arith.addi %mul3A_300, %add3A_301 : i32
    %mul3A_303 = arith.constant 640 : i32
    %mul3A_304 = arith.muli %arg1, %mul3A_303 : i32
    %add3A_305 = arith.constant 384 : i32
    %add3A_306 = arith.addi %mul3A_304, %add3A_305 : i32
    %dma_start3A_307 = arith.constant 0 : i32
    %dma_start3A_308 = tpu.memref_slice %arg6[%arg0, %add3A_306, %dma_start3A_307] : memref<2x10240x128xf32, #tpu.memory_space<hbm>> -> memref<1x128x128xf32, #tpu.memory_space<hbm>>
    %dma_start3A_309 = tpu.memref_squeeze %dma_start3A_308 : memref<1x128x128xf32, #tpu.memory_space<hbm>> -> memref<128x128xf32, #tpu.memory_space<hbm>>
    %dma_start3A_310 = arith.constant 0 : i32
    %dma_start3A_311 = tpu.memref_slice %arg12[%add3A_302, %dma_start3A_310] : memref<10240x128xf32, #tpu.memory_space<vmem_shared>> -> memref<128x128xf32, #tpu.memory_space<vmem_shared>>
    tpu.enqueue_dma source(%dma_start3A_311 : memref<128x128xf32, #tpu.memory_space<vmem_shared>>) target(%dma_start3A_309 : memref<128x128xf32, #tpu.memory_space<hbm>>) target_semaphore(%arg19 : memref<!tpu.dma_semaphore, #tpu.memory_space<semaphore_mem>>)
    %mul3A_312 = arith.constant 640 : i32
    %mul3A_313 = arith.muli %arg1, %mul3A_312 : i32
    %add3A_314 = arith.constant 512 : i32
    %add3A_315 = arith.addi %mul3A_313, %add3A_314 : i32
    %mul3A_316 = arith.constant 640 : i32
    %mul3A_317 = arith.muli %arg1, %mul3A_316 : i32
    %add3A_318 = arith.constant 512 : i32
    %add3A_319 = arith.addi %mul3A_317, %add3A_318 : i32
    %dma_start3A_320 = arith.constant 0 : i32
    %dma_start3A_321 = tpu.memref_slice %arg6[%arg0, %add3A_319, %dma_start3A_320] : memref<2x10240x128xf32, #tpu.memory_space<hbm>> -> memref<1x128x128xf32, #tpu.memory_space<hbm>>
    %dma_start3A_322 = tpu.memref_squeeze %dma_start3A_321 : memref<1x128x128xf32, #tpu.memory_space<hbm>> -> memref<128x128xf32, #tpu.memory_space<hbm>>
    %dma_start3A_323 = arith.constant 0 : i32
    %dma_start3A_324 = tpu.memref_slice %arg12[%add3A_315, %dma_start3A_323] : memref<10240x128xf32, #tpu.memory_space<vmem_shared>> -> memref<128x128xf32, #tpu.memory_space<vmem_shared>>
    tpu.enqueue_dma source(%dma_start3A_324 : memref<128x128xf32, #tpu.memory_space<vmem_shared>>) target(%dma_start3A_322 : memref<128x128xf32, #tpu.memory_space<hbm>>) target_semaphore(%arg19 : memref<!tpu.dma_semaphore, #tpu.memory_space<semaphore_mem>>)
    %dma_wait3A_325 = arith.constant 0 : i32
    %dma_wait3A_326 = tpu.memref_slice %arg6[%arg0, %add3A_267, %dma_wait3A_325] : memref<2x10240x128xf32, #tpu.memory_space<hbm>> -> memref<1x128x128xf32, #tpu.memory_space<hbm>>
    %dma_wait3A_327 = tpu.memref_squeeze %dma_wait3A_326 : memref<1x128x128xf32, #tpu.memory_space<hbm>> -> memref<128x128xf32, #tpu.memory_space<hbm>>
    %dma_wait3A_328 = arith.constant 0 : i32
    %dma_wait3A_329 = tpu.memref_slice %arg12[%add3A_263, %dma_wait3A_328] : memref<10240x128xf32, #tpu.memory_space<vmem_shared>> -> memref<128x128xf32, #tpu.memory_space<vmem_shared>>
    tpu.wait_dma2 semaphore(%arg19 : memref<!tpu.dma_semaphore, #tpu.memory_space<semaphore_mem>>) src(%dma_wait3A_329 : memref<128x128xf32, #tpu.memory_space<vmem_shared>>) dst(%dma_wait3A_327 : memref<128x128xf32, #tpu.memory_space<hbm>>)
    %dma_wait3A_330 = arith.constant 0 : i32
    %dma_wait3A_331 = tpu.memref_slice %arg6[%arg0, %add3A_280, %dma_wait3A_330] : memref<2x10240x128xf32, #tpu.memory_space<hbm>> -> memref<1x128x128xf32, #tpu.memory_space<hbm>>
    %dma_wait3A_332 = tpu.memref_squeeze %dma_wait3A_331 : memref<1x128x128xf32, #tpu.memory_space<hbm>> -> memref<128x128xf32, #tpu.memory_space<hbm>>
    %dma_wait3A_333 = arith.constant 0 : i32
    %dma_wait3A_334 = tpu.memref_slice %arg12[%add3A_276, %dma_wait3A_333] : memref<10240x128xf32, #tpu.memory_space<vmem_shared>> -> memref<128x128xf32, #tpu.memory_space<vmem_shared>>
    tpu.wait_dma2 semaphore(%arg19 : memref<!tpu.dma_semaphore, #tpu.memory_space<semaphore_mem>>) src(%dma_wait3A_334 : memref<128x128xf32, #tpu.memory_space<vmem_shared>>) dst(%dma_wait3A_332 : memref<128x128xf32, #tpu.memory_space<hbm>>)
    %dma_wait3A_335 = arith.constant 0 : i32
    %dma_wait3A_336 = tpu.memref_slice %arg6[%arg0, %add3A_293, %dma_wait3A_335] : memref<2x10240x128xf32, #tpu.memory_space<hbm>> -> memref<1x128x128xf32, #tpu.memory_space<hbm>>
    %dma_wait3A_337 = tpu.memref_squeeze %dma_wait3A_336 : memref<1x128x128xf32, #tpu.memory_space<hbm>> -> memref<128x128xf32, #tpu.memory_space<hbm>>
    %dma_wait3A_338 = arith.constant 0 : i32
    %dma_wait3A_339 = tpu.memref_slice %arg12[%add3A_289, %dma_wait3A_338] : memref<10240x128xf32, #tpu.memory_space<vmem_shared>> -> memref<128x128xf32, #tpu.memory_space<vmem_shared>>
    tpu.wait_dma2 semaphore(%arg19 : memref<!tpu.dma_semaphore, #tpu.memory_space<semaphore_mem>>) src(%dma_wait3A_339 : memref<128x128xf32, #tpu.memory_space<vmem_shared>>) dst(%dma_wait3A_337 : memref<128x128xf32, #tpu.memory_space<hbm>>)
    %dma_wait3A_340 = arith.constant 0 : i32
    %dma_wait3A_341 = tpu.memref_slice %arg6[%arg0, %add3A_306, %dma_wait3A_340] : memref<2x10240x128xf32, #tpu.memory_space<hbm>> -> memref<1x128x128xf32, #tpu.memory_space<hbm>>
    %dma_wait3A_342 = tpu.memref_squeeze %dma_wait3A_341 : memref<1x128x128xf32, #tpu.memory_space<hbm>> -> memref<128x128xf32, #tpu.memory_space<hbm>>
    %dma_wait3A_343 = arith.constant 0 : i32
    %dma_wait3A_344 = tpu.memref_slice %arg12[%add3A_302, %dma_wait3A_343] : memref<10240x128xf32, #tpu.memory_space<vmem_shared>> -> memref<128x128xf32, #tpu.memory_space<vmem_shared>>
    tpu.wait_dma2 semaphore(%arg19 : memref<!tpu.dma_semaphore, #tpu.memory_space<semaphore_mem>>) src(%dma_wait3A_344 : memref<128x128xf32, #tpu.memory_space<vmem_shared>>) dst(%dma_wait3A_342 : memref<128x128xf32, #tpu.memory_space<hbm>>)
    %dma_wait3A_345 = arith.constant 0 : i32
    %dma_wait3A_346 = tpu.memref_slice %arg6[%arg0, %add3A_319, %dma_wait3A_345] : memref<2x10240x128xf32, #tpu.memory_space<hbm>> -> memref<1x128x128xf32, #tpu.memory_space<hbm>>
    %dma_wait3A_347 = tpu.memref_squeeze %dma_wait3A_346 : memref<1x128x128xf32, #tpu.memory_space<hbm>> -> memref<128x128xf32, #tpu.memory_space<hbm>>
    %dma_wait3A_348 = arith.constant 0 : i32
    %dma_wait3A_349 = tpu.memref_slice %arg12[%add3A_315, %dma_wait3A_348] : memref<10240x128xf32, #tpu.memory_space<vmem_shared>> -> memref<128x128xf32, #tpu.memory_space<vmem_shared>>
    tpu.wait_dma2 semaphore(%arg19 : memref<!tpu.dma_semaphore, #tpu.memory_space<semaphore_mem>>) src(%dma_wait3A_349 : memref<128x128xf32, #tpu.memory_space<vmem_shared>>) dst(%dma_wait3A_347 : memref<128x128xf32, #tpu.memory_space<hbm>>)
    return
  }
}

module attributes {stable_mosaic.version = 14 : i64} {
  func.func @_mm1_kernel(%arg0: i32, %arg1: i32, %arg2: memref<1000x128xf32, #tpu.memory_space<vmem>>, %arg3: memref<1x128x128xf32, #tpu.memory_space<vmem>>, %arg4: memref<1000x128xf32, #tpu.memory_space<vmem>>) attributes {dimension_semantics = [#tpu.dimension_semantics<arbitrary>, #tpu.dimension_semantics<arbitrary>], iteration_bounds = array<i64: 10, 4>, scalar_prefetch = 0 : i64, scratch_operands = 0 : i64, tpu.core_type = #tpu.core_type<tc>, window_params = [{transform_indices = @transform_0, window_bounds = array<i64: 1000, 128>}, {transform_indices = @transform_1, window_bounds = array<i64: 1, 128, 128>}, {transform_indices = @transform_2, window_bounds = array<i64: 1000, 128>}]} {
    %get3A = arith.constant 0 : index
    %get3A_0 = arith.constant 0 : index
    %get3A_1 = vector.load %arg2[%get3A, %get3A_0] : memref<1000x128xf32, #tpu.memory_space<vmem>>, vector<1000x128xf32>
    %get3A_2 = arith.constant 0 : index
    %get3A_3 = arith.constant 0 : index
    %get3A_4 = arith.constant 0 : index
    %get3A_5 = vector.load %arg3[%get3A_2, %get3A_3, %get3A_4] : memref<1x128x128xf32, #tpu.memory_space<vmem>>, vector<1x128x128xf32>
    %get3A_6 = vector.shape_cast %get3A_5 : vector<1x128x128xf32> to vector<128x128xf32>
    %dot_general3A = arith.constant dense<0.000000e+00> : vector<1000x128xf32>
    %dot_general3A_7 = tpu.matmul %get3A_1, %get3A_6, %dot_general3A {dimension_numbers = #tpu.dot_dimension_numbers<[1], [0], [0], [1], [0, 0, 1, 1], [], []>, transpose_lhs_hint = false} : vector<1000x128xf32>, vector<128x128xf32>, vector<1000x128xf32> -> vector<1000x128xf32>
    %swap3A = arith.constant 0 : index
    %swap3A_8 = arith.constant 0 : index
    %swap3A_9 = vector.load %arg4[%swap3A, %swap3A_8] : memref<1000x128xf32, #tpu.memory_space<vmem>>, vector<1000x128xf32>
    tpu.vector_store %arg4[%swap3A, %swap3A_8], %dot_general3A_7 {strides = array<i32>} : memref<1000x128xf32, #tpu.memory_space<vmem>>, vector<1000x128xf32>,
    return
  }
  func.func @transform_0(%arg0: i32, %arg1: i32) -> (i32, i32) {
    %c0_i32 = arith.constant 0 : i32
    %c0_i32_0 = arith.constant 0 : i32
    return %arg0, %c0_i32 : i32, i32
  }
  func.func @transform_1(%arg0: i32, %arg1: i32) -> (i32, i32, i32) {
    %c0_i32 = arith.constant 0 : i32
    %c0_i32_0 = arith.constant 0 : i32
    %c0_i32_1 = arith.constant 0 : i32
    return %arg1, %c0_i32, %c0_i32_0 : i32, i32, i32
  }
  func.func @transform_2(%arg0: i32, %arg1: i32) -> (i32, i32) {
    %mul3A = arith.constant 10 : i32
    %mul3A_0 = arith.muli %arg1, %mul3A : i32
    %add3A = arith.addi %mul3A_0, %arg0 : i32
    %c0_i32 = arith.constant 0 : i32
    %c0_i32_1 = arith.constant 0 : i32
    return %add3A, %c0_i32 : i32, i32
  }
}

module attributes {stable_mosaic.version = 14 : i64} {
  func.func @_layer2_kernel(%arg0: i32, %arg1: i32, %arg2: memref<2x1024x128xf32, #tpu.memory_space<vmem>>, %arg3: memref<1x128xf32, #tpu.memory_space<vmem>>, %arg4: memref<1x128x64xf32, #tpu.memory_space<vmem>>, %arg5: memref<1024x128xf32, #tpu.memory_space<vmem>>) attributes {dimension_semantics = [#tpu.dimension_semantics<arbitrary>, #tpu.dimension_semantics<arbitrary>], iteration_bounds = array<i64: 10, 4>, scalar_prefetch = 0 : i64, scratch_operands = 0 : i64, tpu.core_type = #tpu.core_type<tc>, window_params = [{transform_indices = @transform_0, window_bounds = array<i64: 2, 1024, 128>}, {pipeline_mode = #tpu.pipeline_mode<synchronous>, transform_indices = @transform_1, window_bounds = array<i64: 1, 128>}, {transform_indices = @transform_2, window_bounds = array<i64: 1, 128, 64>}, {transform_indices = @transform_3, window_bounds = array<i64: 1024, 128>}]} {
    %get3A = arith.constant 0 : index
    %get3A_0 = arith.constant 0 : index
    %get3A_1 = arith.constant 0 : index
    %get3A_2 = vector.load %arg2[%get3A, %get3A_0, %get3A_1] : memref<2x1024x128xf32, #tpu.memory_space<vmem>>, vector<1x1024x128xf32>
    %get3A_3 = vector.shape_cast %get3A_2 : vector<1x1024x128xf32> to vector<1024x128xf32>
    %get3A_4 = arith.constant 1 : index
    %get3A_5 = arith.constant 0 : index
    %get3A_6 = arith.constant 0 : index
    %get3A_7 = vector.load %arg2[%get3A_4, %get3A_5, %get3A_6] : memref<2x1024x128xf32, #tpu.memory_space<vmem>>, vector<1x1024x128xf32>
    %get3A_8 = vector.shape_cast %get3A_7 : vector<1x1024x128xf32> to vector<1024x128xf32>
    %add3A = arith.addf %get3A_3, %get3A_8 : vector<1024x128xf32>
    %mul3A = arith.constant 3.125000e-02 : f32
    %mul3A_9 = vector.broadcast %mul3A : f32 to vector<1024x128xf32>
    %mul3A_10 = arith.mulf %add3A, %mul3A_9 : vector<1024x128xf32>
    %get3A_11 = arith.constant 0 : index
    %get3A_12 = arith.constant 0 : index
    %get3A_13 = vector.load %arg3[%get3A_11, %get3A_12] : memref<1x128xf32, #tpu.memory_space<vmem>>, vector<1x128xf32>
    %add3A_14 = vector.broadcast %get3A_13 : vector<1x128xf32> to vector<1024x128xf32>
    %add3A_15 = arith.addf %mul3A_10, %add3A_14 : vector<1024x128xf32>
    %max3A = arith.constant 0.000000e+00 : f32
    %max3A_16 = vector.broadcast %max3A : f32 to vector<1024x128xf32>
    %max3A_17 = arith.maximumf %add3A_15, %max3A_16 : vector<1024x128xf32>
    %get3A_18 = arith.constant 0 : index
    %get3A_19 = arith.constant 0 : index
    %get3A_20 = arith.constant 0 : index
    %get3A_21 = vector.load %arg4[%get3A_18, %get3A_19, %get3A_20] : memref<1x128x64xf32, #tpu.memory_space<vmem>>, vector<1x128x64xf32>
    %get3A_22 = vector.shape_cast %get3A_21 : vector<1x128x64xf32> to vector<128x64xf32>
    %dot_general3A = arith.constant dense<0.000000e+00> : vector<1024x64xf32>
    %dot_general3A_23 = tpu.matmul %max3A_17, %get3A_22, %dot_general3A {dimension_numbers = #tpu.dot_dimension_numbers<[1], [0], [0], [1], [0, 0, 1, 1], [], []>, transpose_lhs_hint = false} : vector<1024x128xf32>, vector<128x64xf32>, vector<1024x64xf32> -> vector<1024x64xf32>
    %swap3A = arith.constant 0 : index
    %swap3A_24 = arith.constant 0 : index
    %swap3A_25 = vector.load %arg5[%swap3A, %swap3A_24] : memref<1024x128xf32, #tpu.memory_space<vmem>>, vector<1024x64xf32>
    tpu.vector_store %arg5[%swap3A, %swap3A_24], %dot_general3A_23 {strides = array<i32>} : memref<1024x128xf32, #tpu.memory_space<vmem>>, vector<1024x64xf32>,
    %broadcast_in_dim3A = arith.constant 0.000000e+00 : f32
    %broadcast_in_dim3A_26 = vector.broadcast %broadcast_in_dim3A : f32 to vector<1024x64xf32>
    %swap3A_27 = arith.constant 0 : index
    %swap3A_28 = arith.constant 64 : index
    %swap3A_29 = vector.load %arg5[%swap3A_27, %swap3A_28] : memref<1024x128xf32, #tpu.memory_space<vmem>>, vector<1024x64xf32>
    tpu.vector_store %arg5[%swap3A_27, %swap3A_28], %broadcast_in_dim3A_26 {strides = array<i32>} : memref<1024x128xf32, #tpu.memory_space<vmem>>, vector<1024x64xf32>,
    return
  }
  func.func @transform_0(%arg0: i32, %arg1: i32) -> (i32, i32, i32) {
    %c0_i32 = arith.constant 0 : i32
    %c0_i32_0 = arith.constant 0 : i32
    %c0_i32_1 = arith.constant 0 : i32
    return %c0_i32, %arg0, %c0_i32_0 : i32, i32, i32
  }
  func.func @transform_1(%arg0: i32, %arg1: i32) -> (i32, i32) {
    %c0_i32 = arith.constant 0 : i32
    %c0_i32_0 = arith.constant 0 : i32
    %c0_i32_1 = arith.constant 0 : i32
    return %c0_i32, %c0_i32_0 : i32, i32
  }
  func.func @transform_2(%arg0: i32, %arg1: i32) -> (i32, i32, i32) {
    %c0_i32 = arith.constant 0 : i32
    %c0_i32_0 = arith.constant 0 : i32
    %c0_i32_1 = arith.constant 0 : i32
    return %arg1, %c0_i32, %c0_i32_0 : i32, i32, i32
  }
  func.func @transform_3(%arg0: i32, %arg1: i32) -> (i32, i32) {
    %mul3A = arith.constant 10 : i32
    %mul3A_0 = arith.muli %arg1, %mul3A : i32
    %add3A = arith.addi %mul3A_0, %arg0 : i32
    %c0_i32 = arith.constant 0 : i32
    %c0_i32_1 = arith.constant 0 : i32
    return %add3A, %c0_i32 : i32, i32
  }
}

module attributes {stable_mosaic.version = 14 : i64} {
  func.func @_final_kernel(%arg0: i32, %arg1: memref<2x1000x128xf32, #tpu.memory_space<vmem>>, %arg2: memref<1x64xf32, #tpu.memory_space<vmem>>, %arg3: memref<1000x64xf32, #tpu.memory_space<vmem>>) attributes {dimension_semantics = [#tpu.dimension_semantics<arbitrary>], iteration_bounds = array<i64: 10>, scalar_prefetch = 0 : i64, scratch_operands = 0 : i64, tpu.core_type = #tpu.core_type<tc>, window_params = [{transform_indices = @transform_0, window_bounds = array<i64: 2, 1000, 128>}, {pipeline_mode = #tpu.pipeline_mode<synchronous>, transform_indices = @transform_1, window_bounds = array<i64: 1, 64>}, {transform_indices = @transform_2, window_bounds = array<i64: 1000, 64>}]} {
    %get3A = arith.constant 0 : index
    %get3A_0 = arith.constant 0 : index
    %get3A_1 = arith.constant 0 : index
    %get3A_2 = vector.load %arg1[%get3A, %get3A_0, %get3A_1] : memref<2x1000x128xf32, #tpu.memory_space<vmem>>, vector<1x1000x64xf32>
    %get3A_3 = vector.shape_cast %get3A_2 : vector<1x1000x64xf32> to vector<1000x64xf32>
    %get3A_4 = arith.constant 1 : index
    %get3A_5 = arith.constant 0 : index
    %get3A_6 = arith.constant 0 : index
    %get3A_7 = vector.load %arg1[%get3A_4, %get3A_5, %get3A_6] : memref<2x1000x128xf32, #tpu.memory_space<vmem>>, vector<1x1000x64xf32>
    %get3A_8 = vector.shape_cast %get3A_7 : vector<1x1000x64xf32> to vector<1000x64xf32>
    %add3A = arith.addf %get3A_3, %get3A_8 : vector<1000x64xf32>
    %mul3A = arith.constant 3.125000e-02 : f32
    %mul3A_9 = vector.broadcast %mul3A : f32 to vector<1000x64xf32>
    %mul3A_10 = arith.mulf %add3A, %mul3A_9 : vector<1000x64xf32>
    %get3A_11 = arith.constant 0 : index
    %get3A_12 = arith.constant 0 : index
    %get3A_13 = vector.load %arg2[%get3A_11, %get3A_12] : memref<1x64xf32, #tpu.memory_space<vmem>>, vector<1x64xf32>
    %add3A_14 = vector.broadcast %get3A_13 : vector<1x64xf32> to vector<1000x64xf32>
    %add3A_15 = arith.addf %mul3A_10, %add3A_14 : vector<1000x64xf32>
    %reduce_max3A = arith.constant dense<0xFF800000> : vector<1000xf32>
    %reduce_max3A_16 = vector.multi_reduction <maximumf>, %add3A_15, %reduce_max3A [1] : vector<1000x64xf32> to vector<1000xf32>
    %broadcast_in_dim3A = vector.shape_cast %reduce_max3A_16 : vector<1000xf32> to vector<1000x1xf32>
    %sub3A = vector.broadcast %broadcast_in_dim3A : vector<1000x1xf32> to vector<1000x64xf32>
    %sub3A_17 = arith.subf %add3A_15, %sub3A : vector<1000x64xf32>
    %exp3A = math.exp %sub3A_17 : vector<1000x64xf32>
    %reduce_sum3A = arith.constant dense<0.000000e+00> : vector<1000xf32>
    %reduce_sum3A_18 = vector.multi_reduction <add>, %exp3A, %reduce_sum3A [1] : vector<1000x64xf32> to vector<1000xf32>
    %broadcast_in_dim3A_19 = vector.shape_cast %reduce_sum3A_18 : vector<1000xf32> to vector<1000x1xf32>
    %log3A = math.log %broadcast_in_dim3A_19 : vector<1000x1xf32>
    %add3A_20 = arith.addf %log3A, %broadcast_in_dim3A : vector<1000x1xf32>
    %sub3A_21 = vector.broadcast %add3A_20 : vector<1000x1xf32> to vector<1000x64xf32>
    %sub3A_22 = arith.subf %add3A_15, %sub3A_21 : vector<1000x64xf32>
    %swap3A = arith.constant 0 : index
    %swap3A_23 = arith.constant 0 : index
    %swap3A_24 = vector.load %arg3[%swap3A, %swap3A_23] : memref<1000x64xf32, #tpu.memory_space<vmem>>, vector<1000x64xf32>
    tpu.vector_store %arg3[%swap3A, %swap3A_23], %sub3A_22 {strides = array<i32>} : memref<1000x64xf32, #tpu.memory_space<vmem>>, vector<1000x64xf32>,
    return
  }
  func.func @transform_0(%arg0: i32) -> (i32, i32, i32) {
    %c0_i32 = arith.constant 0 : i32
    %c0_i32_0 = arith.constant 0 : i32
    %c0_i32_1 = arith.constant 0 : i32
    return %c0_i32, %arg0, %c0_i32_0 : i32, i32, i32
  }
  func.func @transform_1(%arg0: i32) -> (i32, i32) {
    %c0_i32 = arith.constant 0 : i32
    %c0_i32_0 = arith.constant 0 : i32
    %c0_i32_1 = arith.constant 0 : i32
    return %c0_i32, %c0_i32_0 : i32, i32
  }
  func.func @transform_2(%arg0: i32) -> (i32, i32) {
    %c0_i32 = arith.constant 0 : i32
    %c0_i32_0 = arith.constant 0 : i32
    return %arg0, %c0_i32 : i32, i32
  }
}

</mosaic_0001>

<sc_bundles>
// kernel: kernel.10.cloned.1.call-start
scs
__scs_entry_jumppad:
0x0: {  	(pc) =	sbr.rel $0x88, $3  }
0x1: {  	(tag) =	ssettag $0x0;
	lr =	simm.s32 $0x1  }
0x2: {  	[smem:$0x3F9A] =	sst lr;
	_ =	strace $0xD0000000  }
0x3: {  	_ = 	snop  }
0x4: {  	_ = 	snop  }
0x5: {  	_ = 	snop  }
0x6: {  	_ = 	snop  }
0x7: {  	_ = 	snop  }
__scs_overlays_trampoline_lowered:
0x8: {  	[smem:$0x3FA9] =	sst s0  }
0x9: {  	[smem:$0x3FAA] =	sst s1  }
0xa: {  	[smem:$0x3FAB] =	sst s2  }
0xb: {  	[smem:$0x3FAC] =	sst s3  }
0xc: {  	[smem:$0x3FAD] =	sst s4  }
0xd: {  	[smem:$0x3FAE] =	sst s5  }
0xe: {  	[smem:$0x3FAF] =	sst s6  }
0xf: {  	[smem:$0x3FB0] =	sst s7  }
0x10: {  	[smem:$0x3FB1] =	sst s8  }
0x11: {  	[smem:$0x3FB2] =	sst s9;
	s0 =	simm.s32 @!p0 $0x0  }
0x12: {  	s1 =	sld [smem:$0x3F98];
	s0 =	simm.s32 @p0 $0x1  }
0x13: {  	[smem:$0x3FB3] =	sst s0;
	s0 =	simm.s32 @!p1 $0x0  }
0x14: {  	s2 =	sld [smem:$0x3F97];
	s0 =	simm.s32 @p1 $0x1  }
0x15: {  	[smem:$0x3FB4] =	sst s0;
	s0 =	simm.s32 @!p2 $0x0  }
0x16: {  	s3 =	sld [smem:$0x3FDB];
	s0 =	simm.s32 @p2 $0x1  }
0x17: {  	s4 =	simm.s32 $0x1BF5;
	[smem:$0x3FB6] =	sst s0  }
0x18: {  	s0 =	sld [smem:$0x3F99];
	_ =	swait.ge [sflag:s4], $0x0  }
0x19: {  	s7 =	sld [smem:$0x3F9A]  }
0x1a: {  	s8 =	sadd.s32 $0xFFFFE003, lr  }
0x1b: {  	s9 =	sadd.s32 $0xFFFFFEF7, lr;
	s5 =	simm.s32 $0xFFFFFFFF;
	p2 =	slt.u32 s8, $0xFFFFF086  }
0x1c: {  	p1 =	slt.u32 s9, $0xF7A;
	s5 =	simm.s32 @!p2 $0x0  }
0x1d: {  	s5 =	simm.s32 @p1 $0x1;
	p0 =	seq.s32 s7, s2  }
0x1e: {  	s7 =	smul.u32 @!p0 $0xF7A, s2;
	p2 =	seq.s32 @!p0 s5, $0x0  }
0x1f: {  	s9 =	smul.u32 $0xF7A, s1;
	s8 =	simm.s32 @!p0 $0x1BF5;
	p2 =	por !p2, p0  }
0x20: {  	[sflag:s8] =	ssyncset.s32 @!p0 $0xFFFFF086;
	s6 =	sadd.s32 @!p0 s3, s7;
	s7 =	simm.s32 @!p0 $0x108  }
0x21: {  	s3 =	sadd.s32 s3, s9;
	s6 =	sadd.s32 @!p0 $0x88, s6;
	s7 =	simm.s32 @p2 $0x1082  }
0x22: {  	[simem:s7], [sflag:s8] =	dma.local @!p0 [hbm:s6], $0xF7A  }
0x23: {  	s9 =	sor.u32 $0xD0000000, s2;
	s6 =	simm.s32 $0x108;
	_ =	swait.ge @!p0 [sflag:s8], $0x0  }
0x24: {  	s3 =	sadd.s32 $0x88, s3;
	s6 =	simm.s32 @!p1 $0x1082;
	[sflag:s4] =	ssyncset.s32 $0xFFFFF086  }
0x25: {  	[simem:s6], [sflag:s4] =	dma.local [hbm:s3], $0xF7A  }
0x26: {  	[smem:$0x3F9A] =	sst s1;
	(tag) =	ssettag s2;
	_ =	strace s9  }
0x27: {  	s1 =	sld [smem:$0x3FAA]  }
0x28: {  	s2 =	sld [smem:$0x3FAB]  }
0x29: {  	s4 =	sld [smem:$0x3FAD]  }
0x2a: {  	p0 =	seq.s32 s5, $0x0;
	s5 =	sld [smem:$0x3FAE]  }
0x2b: {  	s6 =	sld [smem:$0x3FAF]  }
0x2c: {  	s7 =	sld [smem:$0x3FB0]  }
0x2d: {  	s3 =	simm.s32 $0x108;
	s8 =	sld [smem:$0x3FB1]  }
0x2e: {  	s3 =	simm.s32 @!p0 $0x1082;
	s9 =	sld [smem:$0x3FB2]  }
0x2f: {  	lr =	sadd.s32 s0, s3;
	s0 =	sld [smem:$0x3FA9]  }
0x30: {  	s3 =	sld [smem:$0x3FAC]  }
0x31: {  	[smem:$0x3FB5] =	sst s10  }
0x32: {  	s10 =	sld [smem:$0x3FB3];
	_ =	sdelay $0x3  }
0x33: {  	p0 =	seq.s32 s10, $0x1;
	s10 =	sld [smem:$0x3FB5];
	_ =	sdelay $0x3  }
0x34: {  	[smem:$0x3FB5] =	sst s10  }
0x35: {  	s10 =	sld [smem:$0x3FB4];
	_ =	sdelay $0x3  }
0x36: {  	p1 =	seq.s32 s10, $0x1;
	s10 =	sld [smem:$0x3FB5];
	_ =	sdelay $0x3  }
0x37: {  	[smem:$0x3FB5] =	sst s10  }
0x38: {  	s10 =	sld [smem:$0x3FB6]  }
0x39: {  	_ = 	snop;
	(pc) =	sbr.ind lr, $3  }
0x3a: {  	_ = 	snop  }
0x3b: {  	_ = 	snop  }
0x3c: {  	p2 =	seq.s32 s10, $0x1;
	s10 =	sld [smem:$0x3FB5]  }
0x3d: {  	_ =	shalt  }
0x3e: {  	_ =	shalt  }
0x3f: {  	_ =	shalt  }
0x40: {  	_ =	shalt  }
0x41: {  	_ =	shalt  }
0x42: {  	_ =	shalt  }
0x43: {  	_ =	shalt  }
0x44: {  	_ =	shalt  }
0x45: {  	_ =	shalt  }
0x46: {  	_ =	shalt  }
0x47: {  	_ =	shalt  }
0x48: {  	_ =	shalt  }
0x49: {  	_ =	shalt  }
0x4a: {  	_ =	shalt  }
0x4b: {  	_ =	shalt  }
0x4c: {  	_ =	shalt  }
0x4d: {  	_ =	shalt  }
0x4e: {  	_ =	shalt  }
0x4f: {  	_ =	shalt  }
0x50: {  	_ =	shalt  }
0x51: {  	_ =	shalt  }
0x52: {  	_ =	shalt  }
0x53: {  	_ =	shalt  }
0x54: {  	_ =	shalt  }
0x55: {  	_ =	shalt  }
0x56: {  	_ =	shalt  }
0x57: {  	_ =	shalt  }
0x58: {  	_ =	shalt  }
0x59: {  	_ =	shalt  }
0x5a: {  	_ =	shalt  }
0x5b: {  	_ =	shalt  }
0x5c: {  	_ =	shalt  }
0x5d: {  	_ =	shalt  }
0x5e: {  	_ =	shalt  }
0x5f: {  	_ =	shalt  }
0x60: {  	_ =	shalt  }
0x61: {  	_ =	shalt  }
0x62: {  	_ =	shalt  }
0x63: {  	_ =	shalt  }
0x64: {  	_ =	shalt  }
0x65: {  	_ =	shalt  }
0x66: {  	_ =	shalt  }
0x67: {  	_ =	shalt  }
0x68: {  	_ =	shalt  }
0x69: {  	_ =	shalt  }
0x6a: {  	_ =	shalt  }
0x6b: {  	_ =	shalt  }
0x6c: {  	_ =	shalt  }
0x6d: {  	_ =	shalt  }
0x6e: {  	_ =	shalt  }
0x6f: {  	_ =	shalt  }
0x70: {  	_ =	shalt  }
0x71: {  	_ =	shalt  }
0x72: {  	_ =	shalt  }
0x73: {  	_ =	shalt  }
0x74: {  	_ =	shalt  }
0x75: {  	_ =	shalt  }
0x76: {  	_ =	shalt  }
0x77: {  	_ =	shalt  }
0x78: {  	_ =	shalt  }
0x79: {  	_ =	shalt  }
0x7a: {  	_ =	shalt  }
0x7b: {  	_ =	shalt  }
0x7c: {  	_ =	shalt  }
0x7d: {  	_ =	shalt  }
0x7e: {  	_ =	shalt  }
0x7f: {  	_ =	shalt  }
0x80: {  	_ =	shalt  }
0x81: {  	_ =	shalt  }
0x82: {  	_ =	shalt  }
0x83: {  	_ =	shalt  }
0x84: {  	_ =	shalt  }
0x85: {  	_ =	shalt  }
0x86: {  	_ =	shalt  }
0x87: {  	_ =	shalt  }
.Lfunc_end0:
.L_simem_size_0:
called_computation.1_lowered:
.L_overlay_start_0:
0x88: {  	s2 =	sld [smem:$0x3FD9]  }
0x89: {  	s3 =	sld [smem:$0x3FFE];
	_ =	sdelay $0x1  }
0x8a: {  	s1 =	srdreg.scid  }
0x8b: {  	s0 =	sand.u32 $0x1, s1  }
0x8c: {  	s17 =	sshll.u32 s0, $0xA;
	s2 =	sadd.s32 s3, s2  }
0x8d: {  	s2 =	sadd.s32 s2, s17  }
0x8e: {  	[smem:$0x3FC1] =	sst s2  }
0x8f: {  	_ = 	snop  }
0x90: {  	s2 =	sld [smem:$0x3FD0];
	(tm) =	ssettm $0x1  }
0x91: {  	s18 =	sld [smem:$0x3FFB];
	_ =	sdelay $0x3  }
0x92: {  	_ =	strace s18  }
0x93: {  	s3 =	sld [smem:$0x3FFC];
	_ =	sdelay $0x3  }
0x94: {  	_ =	strace s3  }
0x95: {  	s3 =	sld [smem:$0x3FFD];
	_ =	sdelay $0x3  }
0x96: {  	_ =	strace s3  }
0x97: {  	_ =	strace $0x8FFFFFFF  }
0x98: {  	s19 =	sld [smem:$0x3FDB];
	_ =	sdelay $0x1  }
0x99: {  	s4 =	simm.s32 $_scs_section_size  }
0x9a: {  	s5 =	simm.s32 $_size__tile_overlayer_lowered;
	s6 =	simm.s32 $_tile_overlayer_lowered  }
0x9b: {  	s22 =	simm.s32 $0x1BFF;
	s21 =	sshll.u32 s6, $0x1;
	s3 =	sadd.s32 s4, s19  }
0x9c: {  	s7 =	simm.s32 $0x0;
	s20 =	sshll.u32 s5, $0x1;
	s5 =	sadd.s32 s21, s3  }
0x9d: {  	[timem:s7], [sflag:s22] =	dma.local [hbm:s5], s20  }
0x9e: {  	_ =	swait.ge [sflag:s22], s20  }
0x9f: {  	s4 =	ssub.s32 $0x0, s20;
	[sflag:s22] =	ssyncset.done $0x0  }
0xa0: {  	[sflag:s22] =	ssyncadd.s32 s4;
	_ =	sdelay $0x1  }
0xa1: {  	s23 =	simm.s32 $0x1B8B  }
0xa2: {  	_ =	swait.ge [sflag:s23], $0x1  }
0xa3: {  	[sflag:s23] =	ssyncset.done $0x0  }
0xa4: {  	s25 =	simm.s32 $0x1B8E;
	s24 =	sld [smem:$0x3FFE];
	[sflag:s23] =	ssyncadd.s32 $0xFFFFFFFF  }
0xa5: {  	s26 =	simm.s32 $execute0_lowered;
	[smem:$0x3FD2] =	sst s25  }
0xa6: {  	s5 =	sshll.u32 s26, $0x1;
	_ =	strace $0x80000049;
	[dreg:$0x1] =	wrdreg $0xFFFFFFFF  }
0xa7: {  	s28 =	simm.s32 $_size_execute0_lowered;
	s3 =	sadd.s32 s3, s5;
	[dreg:$0x0] =	wrdreg $0x0  }
0xa8: {  	s5 =	sshll.u32 s28, $0x1;
	[dreg:$0x2] =	wrdreg s3  }
0xa9: {  	[dreg:$0x3] =	wrdreg s5  }
0xaa: {  	[dreg:$0x4] =	wrdreg $0xC0  }
0xab: {  	_ =	task [dreg:s7], $0x5FFFF  }
0xac: {  	[dreg:$0x1] =	wrdreg $0xFFFFFFFF  }
0xad: {  	[dreg:$0x0] =	wrdreg $0x60  }
0xae: {  	[dreg:$0x2] =	wrdreg s24  }
0xaf: {  	[dreg:$0x3] =	wrdreg s2  }
0xb0: {  	[dreg:$0x4] =	wrdreg $0xBC000  }
0xb1: {  	[dreg:$0x5] =	wrdreg $0x9  }
0xb2: {  	_ =	task.clear_ibuf [dreg:s7], $0x6FFFF;
	_ =	strace $0x90000049  }
0xb3: {  	s29 =	simm.s32 $0x9;
	_ =	strace $0x8000004B  }
0xb4: {  	_ =	swait.ge [sflag:s29], $0x1  }
0xb5: {  	[sflag:s29] =	ssyncadd.s32 $0xFFFFFFFF  }
0xb6: {  	_ =	strace $0x9000004B  }
0xb7: {  	_ =	sfence  }
0xb8: {  	s30 =	sld [smem:$0x0];
	_ =	sdelay $0x2  }
0xb9: {  	s31 =	sshll.u32 s1, $0xD;
	s1 =	sshrl.u32 s1, $0x2  }
0xba: {  	s3 =	sand.u32 $0x4000, s31;
	s1 =	sadd.s32 s1, s30  }
0xbb: {  	s0 =	sor.u32 s3, s0;
	s1 =	sshll.u32 s1, $0x11  }
0xbc: {  	s0 =	sor.u32 s1, s0  }
0xbd: {  	s0 =	sadd.s32 $0x8F2B, s0  }
0xbe: {  	[sflag:s0] =	ssyncadd.remote.s32 $0x1  }
0xbf: {  	_ =	sfence.sel $0xFFFF  }
0xc0: {  	[dreg:$0x0] =	wrdreg $0xFFFFFFFF;
	(pc) =	sbr.abs _section_cstart, $3  }
0xc1: {  	[dreg:$0x1] =	wrdreg $0xFFFFFFFF  }
0xc2: {  	_ =	task.clear_ibuf [dreg:s7], $0x2FFFF;
	_ =	strace $0x9FFFFFFF  }
0xc3: {  	(tm) =	ssettm $0x7FFFFFFF  }
tec
execute0_lowered:
.L_overlay_start_1:
0x0: {  	(tag) =	ssettag $0x1  }
0x1: {  	s0 =	rddreg [dreg:$0x0]  }
0x2: {  	s3 =	rddreg [dreg:$0x1]  }
0x3: {  	s1 =	rddreg [dreg:$0x2];
	s2 =	simm.s32 $0x0;
	s5 =	srdreg.scid  }
0x4: {  	s8 =	stileid.u32;
	s28 =	simm.s32 $0x40;
	s29 =	simm.s32 $0x5C00  }
0x5: {  	s30 =	simm.s32 $0x80;
	s31 =	simm.s32 $0x7C00;
	[smem:$0x7FF] =	sst s2  }
0x6: {  	s4 =	sadd.s32 $0x15600, s0;
	s10 =	sand.u32 $0x1, s5;
	s6 =	smul.u32 $0x50000, s8  }
0x7: {  	s11 =	sadd.s32 $0x1600, s0;
	s12 =	sadd.s32 $0xB600, s0;
	s13 =	smul.u32 $0x14000, s8  }
0x8: {  	s0 =	sadd.s32 $0xB5600, s0;
	s25 =	sshll.u32 s8, $0x1;
	_ =	strace $0x8000004A  }
0x9: {  	s5 =	ssub.s32 $0x2, s10;
	s9 =	sor.u32 s10, s25;
	s10 =	smul.u32 $0x140000, s10  }
0xa: {  	s7 =	sshrl.u32 s5, $0x1;
	s24 =	sshrl.u32 s6, $0x2;
	s15 =	sadd.s32 $0x4000, s13  }
0xb: {  	s16 =	sadd.s32 $0x8000, s13;
	s17 =	sadd.s32 $0xC000, s13;
	s18 =	smul.u32 $0x2800, s9  }
0xc: {  	s19 =	sadd.s32 $0x10000, s13;
	s20 =	smul.u32 $0x500, s9;
	s14 =	ssub.s32 s5, s7  }
0xd: {  	s5 =	sadd.s32 s24, s1;
	s6 =	sadd.s32 s15, s1;
	s7 =	sadd.s32 s16, s1  }
0xe: {  	s8 =	sadd.s32 s17, s1;
	s9 =	sadd.s32 s19, s1;
	s22 =	sadd.s32 s10, s15  }
0xf: {  	s24 =	sadd.s32 s10, s16;
	s25 =	sadd.s32 s10, s17;
	s15 =	simm.s32 $0x6  }
0x10: {  	s16 =	simm.s32 $0x3B00;
	s17 =	simm.s32 $0x3B80;
	s21 =	sadd.s32 s3, s20  }
0x11: {  	s18 =	sshrl.u32 s18, $0x3;
	s26 =	sadd.s32 s11, s20;
	[dreg:$0x4] =	wrdreg s21  }
0x12: {  	s20 =	sadd.s32 s12, s20;
	s23 =	sshrl.u32 s22, $0x3;
	[dreg:$0x5] =	wrdreg s26  }
0x13: {  	s22 =	simm.s32 $0x3C00;
	s18 =	sadd.s32 $0x280, s18;
	[dreg:$0x6] =	wrdreg s20  }
0x14: {  	s21 =	sadd.s32 s13, s10;
	s10 =	sadd.s32 s10, s19;
	s3 =	sadd.s32 s3, s18  }
0x15: {  	s13 =	simm.s32 $0x4;
	s11 =	sadd.s32 s11, s18;
	[dreg:$0x7] =	wrdreg s3  }
0x16: {  	s12 =	sadd.s32 s12, s18;
	s26 =	sshrl.u32 s10, $0x3;
	[dreg:$0x8] =	wrdreg s11  }
0x17: {  	s10 =	simm.s32 $0x1;
	s3 =	sshrl.u32 s21, $0x3;
	[dreg:$0x9] =	wrdreg s12  }
0x18: {  	s11 =	sshrl.u32 s25, $0x3;
	s20 =	sadd.s32 s0, s26;
	s21 =	smax.u32 s14, $0x1  }
0x19: {  	s12 =	simm.s32 $0x3;
	s14 =	simm.s32 $0x5;
	s3 =	sadd.s32 s0, s3  }
0x1a: {  	s19 =	sadd.s32 s0, s11;
	[dreg:$0xa] =	wrdreg s3;
	s3 =	sadd.s32 s0, s23  }
0x1b: {  	s11 =	simm.s32 $0x2;
	[dreg:$0xb] =	wrdreg s3;
	s3 =	sshrl.u32 s24, $0x3  }
0x1c: {  	s23 =	simm.s32 $0x7;
	s24 =	simm.s32 $0x8;
	s3 =	sadd.s32 s0, s3  }
0x1d: {  	v0 =	vimm.f32 $0.0e+00;
	s0 =	simm.s32 $0xC0;
	[dreg:$0xc] =	wrdreg s3;
	s3 =	simm.s32 $0x9C00  }
.LBB2_1:
0x1e: {  	s25 =	simm.s32 $0x0;
	s26 =	simm.s32 $0x200  }
.LBB2_2:
0x1f: {  	p0 =	sne.s32 s26, $0xFE00;
	[tilespmem:s25+$0x3C70] =	vst v0  }
0x20: {  	[tilespmem:s25+$0x3C00] =	vst v0  }
0x21: {  	[tilespmem:s25+$0x3C10] =	vst v0  }
.Ltmp0:
0x22: {  	[tilespmem:s25+$0x3C20] =	vst v0;
	(pc) =	sbr.rel @p0 .LBB2_2-.Ltmp0, $4  }
0x23: {  	[tilespmem:s25+$0x3C30] =	vst v0  }
0x24: {  	[tilespmem:s25+$0x3C40] =	vst v0  }
0x25: {  	[tilespmem:s25+$0x3C50] =	vst v0  }
0x26: {  	[tilespmem:s25+$0x3C60] =	vst v0;
	s25 =	sshra.s32 s26, $0x2;
	s26 =	sadd.s32 $0x200, s26  }
0x27: {  	[tilespmem:s25+$0x3C70] =	vst v0  }
0x28: {  	[tilespmem:s25+$0x3C00] =	vst v0  }
0x29: {  	[tilespmem:s25+$0x3C10] =	vst v0  }
0x2a: {  	[tilespmem:s25+$0x3C20] =	vst v0  }
0x2b: {  	[tilespmem:s25+$0x3C30] =	vst v0  }
0x2c: {  	[tilespmem:s25+$0x3C40] =	vst v0  }
0x2d: {  	[tilespmem:s25+$0x3C50] =	vst v0  }
0x2e: {  	[tilespmem:s25+$0x3C60] =	vst v0  }
0x2f: {  	[spmem:s5] =	stream.linear.scatter [tilespmem:s22], [sflag:$0x7], $0x4000, $0x38;
	[tilespmem:$0x1FC00] =	vst v63  }
0x30: {  	_ = 	snop  }
0x31: {  	[spmem:s6] =	stream.linear.scatter [tilespmem:s22], [sflag:$0x7], $0x4000, $0x38;
	[tilespmem:$0x1FC00] =	vst v63  }
0x32: {  	_ = 	snop  }
0x33: {  	[spmem:s7] =	stream.linear.scatter [tilespmem:s22], [sflag:$0x7], $0x4000, $0x38;
	[tilespmem:$0x1FC00] =	vst v63  }
0x34: {  	_ = 	snop  }
0x35: {  	[spmem:s8] =	stream.linear.scatter [tilespmem:s22], [sflag:$0x7], $0x4000, $0x38;
	[tilespmem:$0x1FC00] =	vst v63  }
0x36: {  	_ = 	snop  }
0x37: {  	[spmem:s9] =	stream.linear.scatter [tilespmem:s22], [sflag:$0x7], $0x4000, $0x38;
	[tilespmem:$0x1FC00] =	vst v63  }
0x38: {  	_ =	swait.ge [sflag:s23], $0x4000  }
0x39: {  	[sflag:s23] =	ssyncset.done $0x0  }
0x3a: {  	[sflag:s23] =	ssyncadd.s32 $0xFFFFC000  }
0x3b: {  	_ =	swait.ge [sflag:s23], $0x4000  }
0x3c: {  	[sflag:s23] =	ssyncset.done $0x0  }
0x3d: {  	[sflag:s23] =	ssyncadd.s32 $0xFFFFC000  }
0x3e: {  	_ =	swait.ge [sflag:s23], $0x4000  }
0x3f: {  	[sflag:s23] =	ssyncset.done $0x0  }
0x40: {  	[sflag:s23] =	ssyncadd.s32 $0xFFFFC000  }
0x41: {  	_ =	swait.ge [sflag:s23], $0x4000  }
0x42: {  	[sflag:s23] =	ssyncset.done $0x0  }
0x43: {  	[sflag:s23] =	ssyncadd.s32 $0xFFFFC000  }
0x44: {  	_ =	swait.ge [sflag:s23], $0x4000  }
0x45: {  	[sflag:s23] =	ssyncset.done $0x0  }
0x46: {  	[sflag:s23] =	ssyncadd.s32 $0xFFFFC000  }
0x47: {  	[bflag:$0x0] =	sbarrier.arrive $0xFFFF  }
0x48: {  	s25 =	simm.s32 $0x0;
	s18 =	rddreg [dreg:$0x4]  }
0x49: {  	[tilespmem:s25], [sflag:$0x8] =	stream.linear.gather [hbm4b:s18+s25], $0x1400, $0x38;
	[tilespmem:$0x1FC00] =	vst v63  }
0x4a: {  	_ =	swait.ge [sflag:s24], $0x1400  }
0x4b: {  	[sflag:s24] =	ssyncset.done $0x0  }
0x4c: {  	s26 =	simm.s32 $0x1400;
	s18 =	rddreg [dreg:$0x5];
	[sflag:s24] =	ssyncadd.s32 $0xFFFFEC00  }
0x4d: {  	[tilespmem:s26], [sflag:$0x8] =	stream.linear.gather [hbm4b:s18+s25], $0x1400, $0x38;
	[tilespmem:$0x1FC00] =	vst v63  }
0x4e: {  	_ =	swait.ge [sflag:s24], $0x1400  }
0x4f: {  	[sflag:s24] =	ssyncset.done $0x0  }
0x50: {  	s26 =	simm.s32 $0x2800;
	s18 =	rddreg [dreg:$0x6];
	[sflag:s24] =	ssyncadd.s32 $0xFFFFEC00  }
0x51: {  	[tilespmem:s26], [sflag:$0x8] =	stream.linear.gather [hbm4b:s18+s25], $0x1400, $0x38;
	[tilespmem:$0x1FC00] =	vst v63  }
0x52: {  	_ =	swait.ge [sflag:s24], $0x1400  }
0x53: {  	[sflag:s24] =	ssyncset.done $0x0  }
0x54: {  	s25 =	simm.s32 $0x0;
	[sflag:s24] =	ssyncadd.s32 $0xFFFFEC00  }
0x55: {  	v7 =	vld [tilespmem:s25+$0x1400]  }
0x56: {  	v12 =	vld [tilespmem:s25+$0x1410]  }
0x57: {  	v6 =	vld [tilespmem:s25+$0x1420]  }
0x58: {  	v5 =	vld [tilespmem:s25+$0x1430]  }
0x59: {  	v4 =	vld [tilespmem:s25+$0x1440]  }
0x5a: {  	v3 =	vld [tilespmem:s25+$0x1450]  }
0x5b: {  	v2 =	vld [tilespmem:s25+$0x1460]  }
0x5c: {  	v1 =	vld [tilespmem:s25+$0x1470]  }
0x5d: {  	v11 =	vld [tilespmem:s25+$0x0]  }
0x5e: {  	v10 =	vld [tilespmem:s25+$0x10]  }
0x5f: {  	v9 =	vld [tilespmem:s25+$0x20]  }
0x60: {  	v8 =	vld [tilespmem:s25+$0x30];
	v13 =	vmul.u32 $0x2800, v7  }
0x61: {  	s26 =	simm.s32 $0x200;
	v12 =	vmul.u32 $0x2800, v12;
	v7 =	vld [tilespmem:s25+$0x40]  }
.LBB2_4:
0x62: {  	p0 =	sne.s32 s26, $0x4E00;
	v11 =	vadd.s32 v11, v13;
	v6 =	vmul.u32 $0x2800, v6;
	v13 =	vld [tilespmem:s25+$0x50]  }
0x63: {  	v5 =	vmul.u32 $0x2800, v5;
	[tilespmem:s25+$0x0] =	vst v11;
	v10 =	vadd.s32 v10, v12;
	v11 =	vld [tilespmem:s25+$0x60]  }
0x64: {  	s18 =	sshra.s32 s26, $0x2;
	v4 =	vmul.u32 $0x2800, v4;
	[tilespmem:s25+$0x10] =	vst v10;
	v6 =	vadd.s32 v9, v6;
	v9 =	vld [tilespmem:s25+$0x70]  }
0x65: {  	v3 =	vmul.u32 $0x2800, v3;
	v12 =	vld [tilespmem:s18+$0x1400];
	[tilespmem:s25+$0x20] =	vst v6;
	v5 =	vadd.s32 v8, v5  }
0x66: {  	v2 =	vmul.u32 $0x2800, v2;
	v14 =	vld [tilespmem:s18+$0x1410];
	[tilespmem:s25+$0x30] =	vst v5;
	v4 =	vadd.s32 v7, v4  }
0x67: {  	v1 =	vmul.u32 $0x2800, v1;
	v6 =	vld [tilespmem:s18+$0x1420];
	[tilespmem:s25+$0x40] =	vst v4;
	v3 =	vadd.s32 v13, v3  }
0x68: {  	v5 =	vld [tilespmem:s18+$0x1430];
	[tilespmem:s25+$0x50] =	vst v3;
	v2 =	vadd.s32 v11, v2  }
0x69: {  	v4 =	vld [tilespmem:s18+$0x1440];
	[tilespmem:s25+$0x60] =	vst v2;
	v1 =	vadd.s32 v9, v1  }
0x6a: {  	v3 =	vld [tilespmem:s18+$0x1450];
	[tilespmem:s25+$0x70] =	vst v1;
	s25 =	smov.u32 s18  }
0x6b: {  	v2 =	vld [tilespmem:s25+$0x1460]  }
0x6c: {  	v1 =	vld [tilespmem:s25+$0x1470]  }
.Ltmp1:
0x6d: {  	v11 =	vld [tilespmem:s25+$0x0];
	(pc) =	sbr.rel @p0 .LBB2_4-.Ltmp1, $4  }
0x6e: {  	v10 =	vld [tilespmem:s25+$0x10]  }
0x6f: {  	v9 =	vld [tilespmem:s25+$0x20]  }
0x70: {  	v13 =	vmul.u32 $0x2800, v12;
	v8 =	vld [tilespmem:s25+$0x30]  }
0x71: {  	s26 =	sadd.s32 $0x200, s26;
	v12 =	vmul.u32 $0x2800, v14;
	v7 =	vld [tilespmem:s25+$0x40]  }
0x72: {  	v11 =	vadd.s32 v11, v13;
	v61 =	vld [tilespmem:s25+$0x50];
	v6 =	vmul.u32 $0x2800, v6  }
0x73: {  	v62 =	vld [tilespmem:s25+$0x60];
	v5 =	vmul.u32 $0x2800, v5;
	[tilespmem:s25+$0x0] =	vst v11;
	v10 =	vadd.s32 v10, v12  }
0x74: {  	v4 =	vmul.u32 $0x2800, v4;
	v63 =	vld [tilespmem:s25+$0x70];
	[tilespmem:s25+$0x10] =	vst v10;
	v6 =	vadd.s32 v9, v6  }
0x75: {  	v3 =	vmul.u32 $0x2800, v3;
	[tilespmem:s25+$0x20] =	vst v6;
	v5 =	vadd.s32 v8, v5  }
0x76: {  	v2 =	vmul.u32 $0x2800, v2;
	[tilespmem:s25+$0x30] =	vst v5;
	v4 =	vadd.s32 v7, v4  }
0x77: {  	v1 =	vmul.u32 $0x2800, v1;
	[tilespmem:s25+$0x40] =	vst v4;
	v3 =	vadd.s32 v61, v3  }
0x78: {  	v2 =	vadd.s32 v62, v2;
	[tilespmem:s25+$0x50] =	vst v3  }
0x79: {  	v1 =	vadd.s32 v63, v1;
	[tilespmem:s25+$0x60] =	vst v2  }
0x7a: {  	s18 =	simm.s32 $0x0;
	[tilespmem:s25+$0x70] =	vst v1  }
0x7b: {  	[tilespmem:s22], [sflag:$0x1] =	stream.indirect.gather [hbm4b:s4+s28], $0x80, s18, s28, $0xb8;
	[tilespmem:$0x1FC00] =	vst v63  }
0x7c: {  	_ = 	snop  }
0x7d: {  	[tilespmem:s29], [sflag:$0x2] =	stream.indirect.gather [hbm4b:s4+s28], $0x80, s28, s28, $0xb8;
	[tilespmem:$0x1FC00] =	vst v63  }
0x7e: {  	_ = 	snop  }
0x7f: {  	[tilespmem:s31], [sflag:$0x3] =	stream.indirect.gather [hbm4b:s4+s28], $0x80, s30, s28, $0xb8;
	[tilespmem:$0x1FC00] =	vst v63  }
0x80: {  	_ = 	snop  }
0x81: {  	[tilespmem:s3], [sflag:$0x4] =	stream.indirect.gather [hbm4b:s4+s28], $0x80, s0, s28, $0xb8;
	[tilespmem:$0x1FC00] =	vst v63  }
0x82: {  	_ =	swait.ge [sflag:s10], $0x2000  }
0x83: {  	[sflag:s10] =	ssyncset.done $0x0  }
0x84: {  	[sflag:s10] =	ssyncadd.s32 $0xFFFFE000  }
0x85: {  	_ =	swait.ge [sflag:s11], $0x2000  }
0x86: {  	[sflag:s11] =	ssyncset.done $0x0  }
0x87: {  	s26 =	simm.s32 $0x2800;
	[sflag:s11] =	ssyncadd.s32 $0xFFFFE000  }
0x88: {  	[spmem:s1] =	stream.indirect.scatter.add.f32 [tilespmem:s22], [sflag:$0x5], $0x80, s26, s30, $0xb8;
	[tilespmem:$0x1FC00] =	vst v63  }
0x89: {  	_ =	swait.ge [sflag:s12], $0x2000  }
0x8a: {  	[sflag:s12] =	ssyncset.done $0x0  }
0x8b: {  	[sflag:s12] =	ssyncadd.s32 $0xFFFFE000  }
0x8c: {  	_ =	swait.ge [sflag:s13], $0x2000  }
0x8d: {  	[sflag:s13] =	ssyncset.done $0x0  }
0x8e: {  	s25 =	simm.s32 $0x2880;
	[sflag:s13] =	ssyncadd.s32 $0xFFFFE000  }
0x8f: {  	[spmem:s1] =	stream.indirect.scatter.add.f32 [tilespmem:s31], [sflag:$0x6], $0x80, s25, s30, $0xb8;
	[tilespmem:$0x1FC00] =	vst v63  }
0x90: {  	_ =	swait.ge [sflag:s14], $0x4000  }
0x91: {  	[sflag:s14] =	ssyncset.done $0x0  }
0x92: {  	s26 =	simm.s32 $0x100;
	[sflag:s14] =	ssyncadd.s32 $0xFFFFC000  }
0x93: {  	[tilespmem:s22], [sflag:$0x1] =	stream.indirect.gather [hbm4b:s4+s28], $0x80, s26, s28, $0xb8;
	[tilespmem:$0x1FC00] =	vst v63  }
0x94: {  	s25 =	simm.s32 $0x140  }
0x95: {  	[tilespmem:s29], [sflag:$0x2] =	stream.indirect.gather [hbm4b:s4+s28], $0x80, s25, s28, $0xb8;
	[tilespmem:$0x1FC00] =	vst v63  }
0x96: {  	_ =	swait.ge [sflag:s15], $0x4000  }
0x97: {  	[sflag:s15] =	ssyncset.done $0x0  }
0x98: {  	s26 =	simm.s32 $0x180;
	[sflag:s15] =	ssyncadd.s32 $0xFFFFC000  }
0x99: {  	[tilespmem:s31], [sflag:$0x3] =	stream.indirect.gather [hbm4b:s4+s28], $0x80, s26, s28, $0xb8;
	[tilespmem:$0x1FC00] =	vst v63  }
0x9a: {  	s25 =	simm.s32 $0x400;
	s26 =	simm.s32 $0x1C0  }
.LBB2_6:
0x9b: {  	[tilespmem:s3], [sflag:$0x4] =	stream.indirect.gather [hbm4b:s4+s28], $0x80, s26, s28, $0xb8;
	[tilespmem:$0x1FC00] =	vst v63  }
0x9c: {  	s18 =	smov.u32 s25  }
0x9d: {  	p0 =	sne.s32 s25, $0x4800;
	s25 =	sadd.s32 $0x400, s25;
	_ =	swait.ge [sflag:s10], $0x2000  }
0x9e: {  	[sflag:s10] =	ssyncset.done $0x0  }
0x9f: {  	[sflag:s10] =	ssyncadd.s32 $0xFFFFE000  }
0xa0: {  	_ =	swait.ge [sflag:s11], $0x2000  }
0xa1: {  	s18 =	sshra.s32 s18, $0x2;
	[sflag:s11] =	ssyncset.done $0x0  }
0xa2: {  	s26 =	sadd.s32 $0x2800, s18;
	[sflag:s11] =	ssyncadd.s32 $0xFFFFE000  }
0xa3: {  	[spmem:s1] =	stream.indirect.scatter.add.f32 [tilespmem:s22], [sflag:$0x5], $0x80, s26, s30, $0xb8;
	[tilespmem:$0x1FC00] =	vst v63  }
0xa4: {  	_ =	swait.ge [sflag:s12], $0x2000  }
0xa5: {  	[sflag:s12] =	ssyncset.done $0x0  }
0xa6: {  	[sflag:s12] =	ssyncadd.s32 $0xFFFFE000  }
0xa7: {  	_ =	swait.ge [sflag:s13], $0x2000  }
0xa8: {  	[sflag:s13] =	ssyncset.done $0x0  }
0xa9: {  	s26 =	sadd.s32 $0x2880, s18;
	[sflag:s13] =	ssyncadd.s32 $0xFFFFE000  }
0xaa: {  	[spmem:s1] =	stream.indirect.scatter.add.f32 [tilespmem:s31], [sflag:$0x6], $0x80, s26, s30, $0xb8;
	[tilespmem:$0x1FC00] =	vst v63  }
0xab: {  	_ =	swait.ge [sflag:s14], $0x4000  }
0xac: {  	[sflag:s14] =	ssyncset.done $0x0  }
0xad: {  	s26 =	sadd.s32 $0x100, s18;
	[sflag:s14] =	ssyncadd.s32 $0xFFFFC000  }
0xae: {  	[tilespmem:s22], [sflag:$0x1] =	stream.indirect.gather [hbm4b:s4+s28], $0x80, s26, s28, $0xb8;
	[tilespmem:$0x1FC00] =	vst v63  }
0xaf: {  	s26 =	sadd.s32 $0x140, s18  }
0xb0: {  	[tilespmem:s29], [sflag:$0x2] =	stream.indirect.gather [hbm4b:s4+s28], $0x80, s26, s28, $0xb8;
	[tilespmem:$0x1FC00] =	vst v63  }
.Ltmp2:
0xb1: {  	_ =	swait.ge [sflag:s15], $0x4000;
	(pc) =	sbr.rel @p0 .LBB2_6-.Ltmp2, $4  }
0xb2: {  	[sflag:s15] =	ssyncset.done $0x0  }
0xb3: {  	s26 =	sadd.s32 $0x180, s18;
	[sflag:s15] =	ssyncadd.s32 $0xFFFFC000  }
0xb4: {  	[tilespmem:s31], [sflag:$0x3] =	stream.indirect.gather [hbm4b:s4+s28], $0x80, s26, s28, $0xb8;
	[tilespmem:$0x1FC00] =	vst v63  }
0xb5: {  	s26 =	sadd.s32 $0x1C0, s18  }
0xb6: {  	[tilespmem:s3], [sflag:$0x4] =	stream.indirect.gather [hbm4b:s4+s28], $0x80, s26, s28, $0xb8;
	[tilespmem:$0x1FC00] =	vst v63  }
0xb7: {  	_ =	swait.ge [sflag:s10], $0x2000  }
0xb8: {  	[sflag:s10] =	ssyncset.done $0x0  }
0xb9: {  	[sflag:s10] =	ssyncadd.s32 $0xFFFFE000  }
0xba: {  	_ =	swait.ge [sflag:s11], $0x2000  }
0xbb: {  	[sflag:s11] =	ssyncset.done $0x0  }
0xbc: {  	[sflag:s11] =	ssyncadd.s32 $0xFFFFE000  }
0xbd: {  	[spmem:s1] =	stream.indirect.scatter.add.f32 [tilespmem:s22], [sflag:$0x8], $0x80, s16, s30, $0xb8;
	[tilespmem:$0x1FC00] =	vst v63  }
0xbe: {  	_ =	swait.ge [sflag:s24], $0x4000  }
0xbf: {  	[sflag:s24] =	ssyncset.done $0x0  }
0xc0: {  	[sflag:s24] =	ssyncadd.s32 $0xFFFFC000  }
0xc1: {  	_ =	swait.ge [sflag:s12], $0x2000  }
0xc2: {  	[sflag:s12] =	ssyncset.done $0x0  }
0xc3: {  	[sflag:s12] =	ssyncadd.s32 $0xFFFFE000  }
0xc4: {  	_ =	swait.ge [sflag:s13], $0x2000  }
0xc5: {  	[sflag:s13] =	ssyncset.done $0x0  }
0xc6: {  	[sflag:s13] =	ssyncadd.s32 $0xFFFFE000  }
0xc7: {  	[spmem:s1] =	stream.indirect.scatter.add.f32 [tilespmem:s31], [sflag:$0x8], $0x80, s17, s30, $0xb8;
	[tilespmem:$0x1FC00] =	vst v63  }
0xc8: {  	_ =	swait.ge [sflag:s24], $0x4000  }
0xc9: {  	[sflag:s24] =	ssyncset.done $0x0  }
0xca: {  	s18 =	simm.s32 $0x0;
	s25 =	rddreg [dreg:$0x7];
	[sflag:s24] =	ssyncadd.s32 $0xFFFFC000  }
0xcb: {  	[tilespmem:s18], [sflag:$0x8] =	stream.linear.gather [hbm4b:s25+s18], $0x1400, $0x38;
	[tilespmem:$0x1FC00] =	vst v63  }
0xcc: {  	_ =	swait.ge [sflag:s24], $0x1400  }
0xcd: {  	[sflag:s24] =	ssyncset.done $0x0  }
0xce: {  	s26 =	simm.s32 $0x1400;
	s25 =	rddreg [dreg:$0x8];
	[sflag:s24] =	ssyncadd.s32 $0xFFFFEC00  }
0xcf: {  	[tilespmem:s26], [sflag:$0x8] =	stream.linear.gather [hbm4b:s25+s18], $0x1400, $0x38;
	[tilespmem:$0x1FC00] =	vst v63  }
0xd0: {  	_ =	swait.ge [sflag:s24], $0x1400  }
0xd1: {  	[sflag:s24] =	ssyncset.done $0x0  }
0xd2: {  	s26 =	simm.s32 $0x2800;
	s25 =	rddreg [dreg:$0x9];
	[sflag:s24] =	ssyncadd.s32 $0xFFFFEC00  }
0xd3: {  	[tilespmem:s26], [sflag:$0x8] =	stream.linear.gather [hbm4b:s25+s18], $0x1400, $0x38;
	[tilespmem:$0x1FC00] =	vst v63  }
0xd4: {  	_ =	swait.ge [sflag:s24], $0x1400  }
0xd5: {  	[sflag:s24] =	ssyncset.done $0x0  }
0xd6: {  	s25 =	simm.s32 $0x0;
	[sflag:s24] =	ssyncadd.s32 $0xFFFFEC00  }
0xd7: {  	v7 =	vld [tilespmem:s25+$0x1400]  }
0xd8: {  	v12 =	vld [tilespmem:s25+$0x1410]  }
0xd9: {  	v6 =	vld [tilespmem:s25+$0x1420]  }
0xda: {  	v5 =	vld [tilespmem:s25+$0x1430]  }
0xdb: {  	v4 =	vld [tilespmem:s25+$0x1440]  }
0xdc: {  	v3 =	vld [tilespmem:s25+$0x1450]  }
0xdd: {  	v2 =	vld [tilespmem:s25+$0x1460]  }
0xde: {  	v1 =	vld [tilespmem:s25+$0x1470]  }
0xdf: {  	v11 =	vld [tilespmem:s25+$0x0]  }
0xe0: {  	v10 =	vld [tilespmem:s25+$0x10]  }
0xe1: {  	v9 =	vld [tilespmem:s25+$0x20]  }
0xe2: {  	v8 =	vld [tilespmem:s25+$0x30];
	v13 =	vmul.u32 $0x2800, v7  }
0xe3: {  	s26 =	simm.s32 $0x200;
	v12 =	vmul.u32 $0x2800, v12;
	v7 =	vld [tilespmem:s25+$0x40]  }
.LBB2_8:
0xe4: {  	p0 =	sne.s32 s26, $0x4E00;
	v11 =	vadd.s32 v11, v13;
	v6 =	vmul.u32 $0x2800, v6;
	v13 =	vld [tilespmem:s25+$0x50]  }
0xe5: {  	v5 =	vmul.u32 $0x2800, v5;
	[tilespmem:s25+$0x0] =	vst v11;
	v10 =	vadd.s32 v10, v12;
	v11 =	vld [tilespmem:s25+$0x60]  }
0xe6: {  	s18 =	sshra.s32 s26, $0x2;
	v4 =	vmul.u32 $0x2800, v4;
	[tilespmem:s25+$0x10] =	vst v10;
	v6 =	vadd.s32 v9, v6;
	v9 =	vld [tilespmem:s25+$0x70]  }
0xe7: {  	v3 =	vmul.u32 $0x2800, v3;
	v12 =	vld [tilespmem:s18+$0x1400];
	[tilespmem:s25+$0x20] =	vst v6;
	v5 =	vadd.s32 v8, v5  }
0xe8: {  	v2 =	vmul.u32 $0x2800, v2;
	v14 =	vld [tilespmem:s18+$0x1410];
	[tilespmem:s25+$0x30] =	vst v5;
	v4 =	vadd.s32 v7, v4  }
0xe9: {  	v1 =	vmul.u32 $0x2800, v1;
	v6 =	vld [tilespmem:s18+$0x1420];
	[tilespmem:s25+$0x40] =	vst v4;
	v3 =	vadd.s32 v13, v3  }
0xea: {  	v5 =	vld [tilespmem:s18+$0x1430];
	[tilespmem:s25+$0x50] =	vst v3;
	v2 =	vadd.s32 v11, v2  }
0xeb: {  	v4 =	vld [tilespmem:s18+$0x1440];
	[tilespmem:s25+$0x60] =	vst v2;
	v1 =	vadd.s32 v9, v1  }
0xec: {  	v3 =	vld [tilespmem:s18+$0x1450];
	[tilespmem:s25+$0x70] =	vst v1;
	s25 =	smov.u32 s18  }
0xed: {  	v2 =	vld [tilespmem:s25+$0x1460]  }
0xee: {  	v1 =	vld [tilespmem:s25+$0x1470]  }
.Ltmp3:
0xef: {  	v11 =	vld [tilespmem:s25+$0x0];
	(pc) =	sbr.rel @p0 .LBB2_8-.Ltmp3, $4  }
0xf0: {  	v10 =	vld [tilespmem:s25+$0x10]  }
0xf1: {  	v9 =	vld [tilespmem:s25+$0x20]  }
0xf2: {  	v13 =	vmul.u32 $0x2800, v12;
	v8 =	vld [tilespmem:s25+$0x30]  }
0xf3: {  	s26 =	sadd.s32 $0x200, s26;
	v12 =	vmul.u32 $0x2800, v14;
	v7 =	vld [tilespmem:s25+$0x40]  }
0xf4: {  	v11 =	vadd.s32 v11, v13;
	v61 =	vld [tilespmem:s25+$0x50];
	v6 =	vmul.u32 $0x2800, v6  }
0xf5: {  	v62 =	vld [tilespmem:s25+$0x60];
	v5 =	vmul.u32 $0x2800, v5;
	[tilespmem:s25+$0x0] =	vst v11;
	v10 =	vadd.s32 v10, v12  }
0xf6: {  	v4 =	vmul.u32 $0x2800, v4;
	v63 =	vld [tilespmem:s25+$0x70];
	[tilespmem:s25+$0x10] =	vst v10;
	v6 =	vadd.s32 v9, v6  }
0xf7: {  	v3 =	vmul.u32 $0x2800, v3;
	[tilespmem:s25+$0x20] =	vst v6;
	v5 =	vadd.s32 v8, v5  }
0xf8: {  	v2 =	vmul.u32 $0x2800, v2;
	[tilespmem:s25+$0x30] =	vst v5;
	v4 =	vadd.s32 v7, v4  }
0xf9: {  	v1 =	vmul.u32 $0x2800, v1;
	[tilespmem:s25+$0x40] =	vst v4;
	v3 =	vadd.s32 v61, v3  }
0xfa: {  	v2 =	vadd.s32 v62, v2;
	[tilespmem:s25+$0x50] =	vst v3  }
0xfb: {  	v1 =	vadd.s32 v63, v1;
	[tilespmem:s25+$0x60] =	vst v2  }
0xfc: {  	s18 =	simm.s32 $0x0;
	[tilespmem:s25+$0x70] =	vst v1  }
0xfd: {  	[tilespmem:s22], [sflag:$0x1] =	stream.indirect.gather [hbm4b:s4+s28], $0x80, s18, s28, $0xb8;
	[tilespmem:$0x1FC00] =	vst v63  }
0xfe: {  	_ = 	snop  }
0xff: {  	[tilespmem:s29], [sflag:$0x2] =	stream.indirect.gather [hbm4b:s4+s28], $0x80, s28, s28, $0xb8;
	[tilespmem:$0x1FC00] =	vst v63  }
0x100: {  	_ = 	snop  }
0x101: {  	[tilespmem:s31], [sflag:$0x3] =	stream.indirect.gather [hbm4b:s4+s28], $0x80, s30, s28, $0xb8;
	[tilespmem:$0x1FC00] =	vst v63  }
0x102: {  	_ = 	snop  }
0x103: {  	[tilespmem:s3], [sflag:$0x4] =	stream.indirect.gather [hbm4b:s4+s28], $0x80, s0, s28, $0xb8;
	[tilespmem:$0x1FC00] =	vst v63  }
0x104: {  	_ =	swait.ge [sflag:s10], $0x2000  }
0x105: {  	[sflag:s10] =	ssyncset.done $0x0  }
0x106: {  	[sflag:s10] =	ssyncadd.s32 $0xFFFFE000  }
0x107: {  	_ =	swait.ge [sflag:s11], $0x2000  }
0x108: {  	[sflag:s11] =	ssyncset.done $0x0  }
0x109: {  	s26 =	simm.s32 $0x2800;
	[sflag:s11] =	ssyncadd.s32 $0xFFFFE000  }
0x10a: {  	[spmem:s1] =	stream.indirect.scatter.add.f32 [tilespmem:s22], [sflag:$0x5], $0x80, s26, s30, $0xb8;
	[tilespmem:$0x1FC00] =	vst v63  }
0x10b: {  	_ =	swait.ge [sflag:s12], $0x2000  }
0x10c: {  	[sflag:s12] =	ssyncset.done $0x0  }
0x10d: {  	[sflag:s12] =	ssyncadd.s32 $0xFFFFE000  }
0x10e: {  	_ =	swait.ge [sflag:s13], $0x2000  }
0x10f: {  	[sflag:s13] =	ssyncset.done $0x0  }
0x110: {  	s25 =	simm.s32 $0x2880;
	[sflag:s13] =	ssyncadd.s32 $0xFFFFE000  }
0x111: {  	[spmem:s1] =	stream.indirect.scatter.add.f32 [tilespmem:s31], [sflag:$0x6], $0x80, s25, s30, $0xb8;
	[tilespmem:$0x1FC00] =	vst v63  }
0x112: {  	_ =	swait.ge [sflag:s14], $0x4000  }
0x113: {  	[sflag:s14] =	ssyncset.done $0x0  }
0x114: {  	s26 =	simm.s32 $0x100;
	[sflag:s14] =	ssyncadd.s32 $0xFFFFC000  }
0x115: {  	[tilespmem:s22], [sflag:$0x1] =	stream.indirect.gather [hbm4b:s4+s28], $0x80, s26, s28, $0xb8;
	[tilespmem:$0x1FC00] =	vst v63  }
0x116: {  	s25 =	simm.s32 $0x140  }
0x117: {  	[tilespmem:s29], [sflag:$0x2] =	stream.indirect.gather [hbm4b:s4+s28], $0x80, s25, s28, $0xb8;
	[tilespmem:$0x1FC00] =	vst v63  }
0x118: {  	_ =	swait.ge [sflag:s15], $0x4000  }
0x119: {  	[sflag:s15] =	ssyncset.done $0x0  }
0x11a: {  	s26 =	simm.s32 $0x180;
	[sflag:s15] =	ssyncadd.s32 $0xFFFFC000  }
0x11b: {  	[tilespmem:s31], [sflag:$0x3] =	stream.indirect.gather [hbm4b:s4+s28], $0x80, s26, s28, $0xb8;
	[tilespmem:$0x1FC00] =	vst v63  }
0x11c: {  	s25 =	simm.s32 $0x400;
	s26 =	simm.s32 $0x1C0  }
.LBB2_10:
0x11d: {  	[tilespmem:s3], [sflag:$0x4] =	stream.indirect.gather [hbm4b:s4+s28], $0x80, s26, s28, $0xb8;
	[tilespmem:$0x1FC00] =	vst v63  }
0x11e: {  	s18 =	smov.u32 s25  }
0x11f: {  	p0 =	sne.s32 s25, $0x4800;
	s25 =	sadd.s32 $0x400, s25;
	_ =	swait.ge [sflag:s10], $0x2000  }
0x120: {  	[sflag:s10] =	ssyncset.done $0x0  }
0x121: {  	[sflag:s10] =	ssyncadd.s32 $0xFFFFE000  }
0x122: {  	_ =	swait.ge [sflag:s11], $0x2000  }
0x123: {  	s18 =	sshra.s32 s18, $0x2;
	[sflag:s11] =	ssyncset.done $0x0  }
0x124: {  	s26 =	sadd.s32 $0x2800, s18;
	[sflag:s11] =	ssyncadd.s32 $0xFFFFE000  }
0x125: {  	[spmem:s1] =	stream.indirect.scatter.add.f32 [tilespmem:s22], [sflag:$0x5], $0x80, s26, s30, $0xb8;
	[tilespmem:$0x1FC00] =	vst v63  }
0x126: {  	_ =	swait.ge [sflag:s12], $0x2000  }
0x127: {  	[sflag:s12] =	ssyncset.done $0x0  }
0x128: {  	[sflag:s12] =	ssyncadd.s32 $0xFFFFE000  }
0x129: {  	_ =	swait.ge [sflag:s13], $0x2000  }
0x12a: {  	[sflag:s13] =	ssyncset.done $0x0  }
0x12b: {  	s26 =	sadd.s32 $0x2880, s18;
	[sflag:s13] =	ssyncadd.s32 $0xFFFFE000  }
0x12c: {  	[spmem:s1] =	stream.indirect.scatter.add.f32 [tilespmem:s31], [sflag:$0x6], $0x80, s26, s30, $0xb8;
	[tilespmem:$0x1FC00] =	vst v63  }
0x12d: {  	_ =	swait.ge [sflag:s14], $0x4000  }
0x12e: {  	[sflag:s14] =	ssyncset.done $0x0  }
0x12f: {  	s26 =	sadd.s32 $0x100, s18;
	[sflag:s14] =	ssyncadd.s32 $0xFFFFC000  }
0x130: {  	[tilespmem:s22], [sflag:$0x1] =	stream.indirect.gather [hbm4b:s4+s28], $0x80, s26, s28, $0xb8;
	[tilespmem:$0x1FC00] =	vst v63  }
0x131: {  	s26 =	sadd.s32 $0x140, s18  }
0x132: {  	[tilespmem:s29], [sflag:$0x2] =	stream.indirect.gather [hbm4b:s4+s28], $0x80, s26, s28, $0xb8;
	[tilespmem:$0x1FC00] =	vst v63  }
.Ltmp4:
0x133: {  	_ =	swait.ge [sflag:s15], $0x4000;
	(pc) =	sbr.rel @p0 .LBB2_10-.Ltmp4, $4  }
0x134: {  	[sflag:s15] =	ssyncset.done $0x0  }
0x135: {  	s26 =	sadd.s32 $0x180, s18;
	[sflag:s15] =	ssyncadd.s32 $0xFFFFC000  }
0x136: {  	[tilespmem:s31], [sflag:$0x3] =	stream.indirect.gather [hbm4b:s4+s28], $0x80, s26, s28, $0xb8;
	[tilespmem:$0x1FC00] =	vst v63  }
0x137: {  	s26 =	sadd.s32 $0x1C0, s18  }
0x138: {  	[tilespmem:s3], [sflag:$0x4] =	stream.indirect.gather [hbm4b:s4+s28], $0x80, s26, s28, $0xb8;
	[tilespmem:$0x1FC00] =	vst v63  }
0x139: {  	_ =	swait.ge [sflag:s10], $0x2000  }
0x13a: {  	[sflag:s10] =	ssyncset.done $0x0  }
0x13b: {  	[sflag:s10] =	ssyncadd.s32 $0xFFFFE000  }
0x13c: {  	_ =	swait.ge [sflag:s11], $0x2000  }
0x13d: {  	[sflag:s11] =	ssyncset.done $0x0  }
0x13e: {  	[sflag:s11] =	ssyncadd.s32 $0xFFFFE000  }
0x13f: {  	[spmem:s1] =	stream.indirect.scatter.add.f32 [tilespmem:s22], [sflag:$0x8], $0x80, s16, s30, $0xb8;
	[tilespmem:$0x1FC00] =	vst v63  }
0x140: {  	_ =	swait.ge [sflag:s24], $0x4000  }
0x141: {  	[sflag:s24] =	ssyncset.done $0x0  }
0x142: {  	[sflag:s24] =	ssyncadd.s32 $0xFFFFC000  }
0x143: {  	_ =	swait.ge [sflag:s12], $0x2000  }
0x144: {  	[sflag:s12] =	ssyncset.done $0x0  }
0x145: {  	[sflag:s12] =	ssyncadd.s32 $0xFFFFE000  }
0x146: {  	_ =	swait.ge [sflag:s13], $0x2000  }
0x147: {  	[sflag:s13] =	ssyncset.done $0x0  }
0x148: {  	[sflag:s13] =	ssyncadd.s32 $0xFFFFE000  }
0x149: {  	[spmem:s1] =	stream.indirect.scatter.add.f32 [tilespmem:s31], [sflag:$0x8], $0x80, s17, s30, $0xb8;
	[tilespmem:$0x1FC00] =	vst v63  }
0x14a: {  	_ =	swait.ge [sflag:s24], $0x4000  }
0x14b: {  	[sflag:s24] =	ssyncset.done $0x0  }
0x14c: {  	s18 =	stileid.u32;
	[sflag:s24] =	ssyncadd.s32 $0xFFFFC000  }
0x14d: {  	s18 =	sshll.u32 s18, $0x6;
	[bflag:$0x0] =	sbarrier.arrive $0xFFFF  }
0x14e: {  	s25 =	sshrl.u32 s5, $0x3;
	s18 =	sor.u32 $0x1C07, s18;
	s26 =	rddreg [dreg:$0xa]  }
0x14f: {  	[hbm:s26], [sflag:s18] =	dma.local [spmem:s25], $0x800  }
0x150: {  	s25 =	sshrl.u32 s6, $0x3;
	s26 =	rddreg [dreg:$0xb]  }
0x151: {  	[hbm:s26], [sflag:s18] =	dma.local [spmem:s25], $0x800  }
0x152: {  	s25 =	sshrl.u32 s7, $0x3;
	s26 =	rddreg [dreg:$0xc]  }
0x153: {  	[hbm:s26], [sflag:s18] =	dma.local [spmem:s25], $0x800  }
0x154: {  	s26 =	sshrl.u32 s8, $0x3  }
0x155: {  	[hbm:s19], [sflag:s18] =	dma.local [spmem:s26], $0x800  }
0x156: {  	s26 =	sshrl.u32 s9, $0x3  }
0x157: {  	[hbm:s20], [sflag:s18] =	dma.local [spmem:s26], $0x800  }
0x158: {  	_ =	swait.ge [sflag:s23], $0x800  }
0x159: {  	[sflag:s23] =	ssyncset.done $0x0  }
0x15a: {  	[sflag:s23] =	ssyncadd.s32 $0xFFFFF800  }
0x15b: {  	_ =	swait.ge [sflag:s23], $0x800  }
0x15c: {  	[sflag:s23] =	ssyncset.done $0x0  }
0x15d: {  	[sflag:s23] =	ssyncadd.s32 $0xFFFFF800  }
0x15e: {  	_ =	swait.ge [sflag:s23], $0x800  }
0x15f: {  	[sflag:s23] =	ssyncset.done $0x0  }
0x160: {  	s2 =	sadd.s32 $0x1, s2;
	[sflag:s23] =	ssyncadd.s32 $0xFFFFF800  }
0x161: {  	p0 =	sne.s32 s2, s21;
	_ =	swait.ge [sflag:s23], $0x800  }
.Ltmp5:
0x162: {  	[sflag:s23] =	ssyncset.done $0x0;
	(pc) =	sbr.rel @p0 .LBB2_1-.Ltmp5, $4  }
0x163: {  	[sflag:s23] =	ssyncadd.s32 $0xFFFFF800  }
0x164: {  	_ =	swait.ge [sflag:s23], $0x800  }
0x165: {  	[sflag:s23] =	ssyncset.done $0x0  }
0x166: {  	[sflag:s23] =	ssyncadd.s32 $0xFFFFF800  }
0x167: {  	_ =	sfence.sel $0x180000  }
0x168: {  	[bflag:$0x0] =	sbarrier.arrive $0xFFFF  }
0x169: {  	_ =	strace $0x9000004A  }
0x16a: {  	s0 =	stileid.u32;
	[bflag:$0x2] =	sbarrier.arrive $0xFFFF  }
0x16b: {  	p0 =	sne.s32 s0, $0x0;
	s0 =	rddreg [dreg:$0x3]  }
0x16c: {  	s0 =	sadd.s32 @!p0 $0x100000, s0  }
0x16d: {  	[sflag:s0] =	ssyncadd.tile.s32 @!p0 $0x1;
	_ =	shalt  }
.Lfunc_end2:
_tile_overlayer_lowered:
.L_overlay_start_2:
0x16e: {  	(tag) =	ssettag $0x2  }
0x16f: {  	s0 =	rddreg [dreg:$0x0];
	s2 =	stileid.u32  }
0x170: {  	s1 =	rddreg [dreg:$0x1];
	p0 =	sne.s32 s2, $0x0  }
0x171: {  	s3 =	rddreg [dreg:$0x2];
	[bflag:$0x3] =	sbarrier.arrive $0xFFFF;
	s2 =	simm.s32 @!p0 $0x1C08  }
0x172: {  	[timem:s3], [sflag:s2] =	dma.local @!p0 [hbm:s0], s1  }
0x173: {  	s0 =	simm.s32 @!p0 $0x8  }
0x174: {  	_ =	swait.ge @!p0 [sflag:s0], s1  }
0x175: {  	s1 =	ssub.s32 @!p0 $0x0, s1;
	[sflag:s0] =	ssyncset.done @!p0 $0x0  }
0x176: {  	[sflag:s0] =	ssyncadd.s32 @!p0 s1  }
0x177: {  	[bflag:$0x3] =	sbarrier.arrive $0xFFFF  }
0x178: {  	_ =	shalt  }

// kernel: kernel.7.cloned.1.call-start
scs
__scs_entry_jumppad:
0x0: {  	(pc) =	sbr.rel $0x88, $3  }
0x1: {  	(tag) =	ssettag $0x0;
	lr =	simm.s32 $0x1  }
0x2: {  	[smem:$0x3F9A] =	sst lr;
	_ =	strace $0xD0000000  }
0x3: {  	_ = 	snop  }
0x4: {  	_ = 	snop  }
0x5: {  	_ = 	snop  }
0x6: {  	_ = 	snop  }
0x7: {  	_ = 	snop  }
__scs_overlays_trampoline_lowered:
0x8: {  	[smem:$0x3FA9] =	sst s0  }
0x9: {  	[smem:$0x3FAA] =	sst s1  }
0xa: {  	[smem:$0x3FAB] =	sst s2  }
0xb: {  	[smem:$0x3FAC] =	sst s3  }
0xc: {  	[smem:$0x3FAD] =	sst s4  }
0xd: {  	[smem:$0x3FAE] =	sst s5  }
0xe: {  	[smem:$0x3FAF] =	sst s6  }
0xf: {  	[smem:$0x3FB0] =	sst s7  }
0x10: {  	[smem:$0x3FB1] =	sst s8  }
0x11: {  	[smem:$0x3FB2] =	sst s9;
	s0 =	simm.s32 @!p0 $0x0  }
0x12: {  	s1 =	sld [smem:$0x3F98];
	s0 =	simm.s32 @p0 $0x1  }
0x13: {  	[smem:$0x3FB3] =	sst s0;
	s0 =	simm.s32 @!p1 $0x0  }
0x14: {  	s2 =	sld [smem:$0x3F97];
	s0 =	simm.s32 @p1 $0x1  }
0x15: {  	[smem:$0x3FB4] =	sst s0;
	s0 =	simm.s32 @!p2 $0x0  }
0x16: {  	s3 =	sld [smem:$0x3FDB];
	s0 =	simm.s32 @p2 $0x1  }
0x17: {  	s4 =	simm.s32 $0x1BF5;
	[smem:$0x3FB6] =	sst s0  }
0x18: {  	s0 =	sld [smem:$0x3F99];
	_ =	swait.ge [sflag:s4], $0x0  }
0x19: {  	s7 =	sld [smem:$0x3F9A]  }
0x1a: {  	s8 =	sadd.s32 $0xFFFFE003, lr  }
0x1b: {  	s9 =	sadd.s32 $0xFFFFFEF7, lr;
	s5 =	simm.s32 $0xFFFFFFFF;
	p2 =	slt.u32 s8, $0xFFFFF086  }
0x1c: {  	p1 =	slt.u32 s9, $0xF7A;
	s5 =	simm.s32 @!p2 $0x0  }
0x1d: {  	s5 =	simm.s32 @p1 $0x1;
	p0 =	seq.s32 s7, s2  }
0x1e: {  	s7 =	smul.u32 @!p0 $0xF7A, s2;
	p2 =	seq.s32 @!p0 s5, $0x0  }
0x1f: {  	s9 =	smul.u32 $0xF7A, s1;
	s8 =	simm.s32 @!p0 $0x1BF5;
	p2 =	por !p2, p0  }
0x20: {  	[sflag:s8] =	ssyncset.s32 @!p0 $0xFFFFF086;
	s6 =	sadd.s32 @!p0 s3, s7;
	s7 =	simm.s32 @!p0 $0x108  }
0x21: {  	s3 =	sadd.s32 s3, s9;
	s6 =	sadd.s32 @!p0 $0x88, s6;
	s7 =	simm.s32 @p2 $0x1082  }
0x22: {  	[simem:s7], [sflag:s8] =	dma.local @!p0 [hbm:s6], $0xF7A  }
0x23: {  	s9 =	sor.u32 $0xD0000000, s2;
	s6 =	simm.s32 $0x108;
	_ =	swait.ge @!p0 [sflag:s8], $0x0  }
0x24: {  	s3 =	sadd.s32 $0x88, s3;
	s6 =	simm.s32 @!p1 $0x1082;
	[sflag:s4] =	ssyncset.s32 $0xFFFFF086  }
0x25: {  	[simem:s6], [sflag:s4] =	dma.local [hbm:s3], $0xF7A  }
0x26: {  	[smem:$0x3F9A] =	sst s1;
	(tag) =	ssettag s2;
	_ =	strace s9  }
0x27: {  	s1 =	sld [smem:$0x3FAA]  }
0x28: {  	s2 =	sld [smem:$0x3FAB]  }
0x29: {  	s4 =	sld [smem:$0x3FAD]  }
0x2a: {  	p0 =	seq.s32 s5, $0x0;
	s5 =	sld [smem:$0x3FAE]  }
0x2b: {  	s6 =	sld [smem:$0x3FAF]  }
0x2c: {  	s7 =	sld [smem:$0x3FB0]  }
0x2d: {  	s3 =	simm.s32 $0x108;
	s8 =	sld [smem:$0x3FB1]  }
0x2e: {  	s3 =	simm.s32 @!p0 $0x1082;
	s9 =	sld [smem:$0x3FB2]  }
0x2f: {  	lr =	sadd.s32 s0, s3;
	s0 =	sld [smem:$0x3FA9]  }
0x30: {  	s3 =	sld [smem:$0x3FAC]  }
0x31: {  	[smem:$0x3FB5] =	sst s10  }
0x32: {  	s10 =	sld [smem:$0x3FB3];
	_ =	sdelay $0x3  }
0x33: {  	p0 =	seq.s32 s10, $0x1;
	s10 =	sld [smem:$0x3FB5];
	_ =	sdelay $0x3  }
0x34: {  	[smem:$0x3FB5] =	sst s10  }
0x35: {  	s10 =	sld [smem:$0x3FB4];
	_ =	sdelay $0x3  }
0x36: {  	p1 =	seq.s32 s10, $0x1;
	s10 =	sld [smem:$0x3FB5];
	_ =	sdelay $0x3  }
0x37: {  	[smem:$0x3FB5] =	sst s10  }
0x38: {  	s10 =	sld [smem:$0x3FB6]  }
0x39: {  	_ = 	snop;
	(pc) =	sbr.ind lr, $3  }
0x3a: {  	_ = 	snop  }
0x3b: {  	_ = 	snop  }
0x3c: {  	p2 =	seq.s32 s10, $0x1;
	s10 =	sld [smem:$0x3FB5]  }
0x3d: {  	_ =	shalt  }
0x3e: {  	_ =	shalt  }
0x3f: {  	_ =	shalt  }
0x40: {  	_ =	shalt  }
0x41: {  	_ =	shalt  }
0x42: {  	_ =	shalt  }
0x43: {  	_ =	shalt  }
0x44: {  	_ =	shalt  }
0x45: {  	_ =	shalt  }
0x46: {  	_ =	shalt  }
0x47: {  	_ =	shalt  }
0x48: {  	_ =	shalt  }
0x49: {  	_ =	shalt  }
0x4a: {  	_ =	shalt  }
0x4b: {  	_ =	shalt  }
0x4c: {  	_ =	shalt  }
0x4d: {  	_ =	shalt  }
0x4e: {  	_ =	shalt  }
0x4f: {  	_ =	shalt  }
0x50: {  	_ =	shalt  }
0x51: {  	_ =	shalt  }
0x52: {  	_ =	shalt  }
0x53: {  	_ =	shalt  }
0x54: {  	_ =	shalt  }
0x55: {  	_ =	shalt  }
0x56: {  	_ =	shalt  }
0x57: {  	_ =	shalt  }
0x58: {  	_ =	shalt  }
0x59: {  	_ =	shalt  }
0x5a: {  	_ =	shalt  }
0x5b: {  	_ =	shalt  }
0x5c: {  	_ =	shalt  }
0x5d: {  	_ =	shalt  }
0x5e: {  	_ =	shalt  }
0x5f: {  	_ =	shalt  }
0x60: {  	_ =	shalt  }
0x61: {  	_ =	shalt  }
0x62: {  	_ =	shalt  }
0x63: {  	_ =	shalt  }
0x64: {  	_ =	shalt  }
0x65: {  	_ =	shalt  }
0x66: {  	_ =	shalt  }
0x67: {  	_ =	shalt  }
0x68: {  	_ =	shalt  }
0x69: {  	_ =	shalt  }
0x6a: {  	_ =	shalt  }
0x6b: {  	_ =	shalt  }
0x6c: {  	_ =	shalt  }
0x6d: {  	_ =	shalt  }
0x6e: {  	_ =	shalt  }
0x6f: {  	_ =	shalt  }
0x70: {  	_ =	shalt  }
0x71: {  	_ =	shalt  }
0x72: {  	_ =	shalt  }
0x73: {  	_ =	shalt  }
0x74: {  	_ =	shalt  }
0x75: {  	_ =	shalt  }
0x76: {  	_ =	shalt  }
0x77: {  	_ =	shalt  }
0x78: {  	_ =	shalt  }
0x79: {  	_ =	shalt  }
0x7a: {  	_ =	shalt  }
0x7b: {  	_ =	shalt  }
0x7c: {  	_ =	shalt  }
0x7d: {  	_ =	shalt  }
0x7e: {  	_ =	shalt  }
0x7f: {  	_ =	shalt  }
0x80: {  	_ =	shalt  }
0x81: {  	_ =	shalt  }
0x82: {  	_ =	shalt  }
0x83: {  	_ =	shalt  }
0x84: {  	_ =	shalt  }
0x85: {  	_ =	shalt  }
0x86: {  	_ =	shalt  }
0x87: {  	_ =	shalt  }
.Lfunc_end0:
.L_simem_size_0:
called_computation_lowered:
.L_overlay_start_0:
0x88: {  	s2 =	sld [smem:$0x3FD9]  }
0x89: {  	s3 =	sld [smem:$0x3FFE];
	_ =	sdelay $0x1  }
0x8a: {  	s1 =	srdreg.scid  }
0x8b: {  	s0 =	sand.u32 $0x1, s1  }
0x8c: {  	s17 =	sshll.u32 s0, $0xA;
	s2 =	sadd.s32 s3, s2  }
0x8d: {  	s2 =	sadd.s32 s2, s17  }
0x8e: {  	[smem:$0x3FC1] =	sst s2  }
0x8f: {  	_ = 	snop  }
0x90: {  	s2 =	sld [smem:$0x3FD0];
	(tm) =	ssettm $0x1  }
0x91: {  	s18 =	sld [smem:$0x3FFB];
	_ =	sdelay $0x3  }
0x92: {  	_ =	strace s18  }
0x93: {  	s3 =	sld [smem:$0x3FFC];
	_ =	sdelay $0x3  }
0x94: {  	_ =	strace s3  }
0x95: {  	s3 =	sld [smem:$0x3FFD];
	_ =	sdelay $0x3  }
0x96: {  	_ =	strace s3  }
0x97: {  	_ =	strace $0x8FFFFFFF  }
0x98: {  	s19 =	sld [smem:$0x3FDB];
	_ =	sdelay $0x1  }
0x99: {  	s4 =	simm.s32 $_scs_section_size  }
0x9a: {  	s5 =	simm.s32 $_size__tile_overlayer_lowered;
	s6 =	simm.s32 $_tile_overlayer_lowered  }
0x9b: {  	s22 =	simm.s32 $0x1BFF;
	s21 =	sshll.u32 s6, $0x1;
	s3 =	sadd.s32 s4, s19  }
0x9c: {  	s7 =	simm.s32 $0x0;
	s20 =	sshll.u32 s5, $0x1;
	s5 =	sadd.s32 s21, s3  }
0x9d: {  	[timem:s7], [sflag:s22] =	dma.local [hbm:s5], s20  }
0x9e: {  	_ =	swait.ge [sflag:s22], s20  }
0x9f: {  	s4 =	ssub.s32 $0x0, s20;
	[sflag:s22] =	ssyncset.done $0x0  }
0xa0: {  	[sflag:s22] =	ssyncadd.s32 s4;
	_ =	sdelay $0x1  }
0xa1: {  	s23 =	simm.s32 $0x1B8B  }
0xa2: {  	_ =	swait.ge [sflag:s23], $0x1  }
0xa3: {  	[sflag:s23] =	ssyncset.done $0x0  }
0xa4: {  	s25 =	simm.s32 $0x1B8E;
	s24 =	sld [smem:$0x3FFE];
	[sflag:s23] =	ssyncadd.s32 $0xFFFFFFFF  }
0xa5: {  	s26 =	simm.s32 $execute0_lowered;
	[smem:$0x3FD2] =	sst s25  }
0xa6: {  	s5 =	sshll.u32 s26, $0x1;
	_ =	strace $0x80000046;
	[dreg:$0x1] =	wrdreg $0xFFFFFFFF  }
0xa7: {  	s28 =	simm.s32 $_size_execute0_lowered;
	s3 =	sadd.s32 s3, s5;
	[dreg:$0x0] =	wrdreg $0x0  }
0xa8: {  	s5 =	sshll.u32 s28, $0x1;
	[dreg:$0x2] =	wrdreg s3  }
0xa9: {  	[dreg:$0x3] =	wrdreg s5  }
0xaa: {  	[dreg:$0x4] =	wrdreg $0xC0  }
0xab: {  	_ =	task [dreg:s7], $0x5FFFF  }
0xac: {  	[dreg:$0x1] =	wrdreg $0xFFFFFFFF  }
0xad: {  	[dreg:$0x0] =	wrdreg $0x60  }
0xae: {  	[dreg:$0x2] =	wrdreg s24  }
0xaf: {  	[dreg:$0x3] =	wrdreg s2  }
0xb0: {  	[dreg:$0x4] =	wrdreg $0xBC000  }
0xb1: {  	[dreg:$0x5] =	wrdreg $0x9  }
0xb2: {  	_ =	task.clear_ibuf [dreg:s7], $0x6FFFF;
	_ =	strace $0x90000046  }
0xb3: {  	s29 =	simm.s32 $0x9;
	_ =	strace $0x80000048  }
0xb4: {  	_ =	swait.ge [sflag:s29], $0x1  }
0xb5: {  	[sflag:s29] =	ssyncadd.s32 $0xFFFFFFFF  }
0xb6: {  	_ =	strace $0x90000048  }
0xb7: {  	_ =	sfence  }
0xb8: {  	s30 =	sld [smem:$0x0];
	_ =	sdelay $0x2  }
0xb9: {  	s31 =	sshll.u32 s1, $0xD;
	s1 =	sshrl.u32 s1, $0x2  }
0xba: {  	s3 =	sand.u32 $0x4000, s31;
	s1 =	sadd.s32 s1, s30  }
0xbb: {  	s0 =	sor.u32 s3, s0;
	s1 =	sshll.u32 s1, $0x11  }
0xbc: {  	s0 =	sor.u32 s1, s0  }
0xbd: {  	s0 =	sadd.s32 $0x8F2B, s0  }
0xbe: {  	[sflag:s0] =	ssyncadd.remote.s32 $0x1  }
0xbf: {  	_ =	sfence.sel $0xFFFF  }
0xc0: {  	[dreg:$0x0] =	wrdreg $0xFFFFFFFF;
	(pc) =	sbr.abs _section_cstart, $3  }
0xc1: {  	[dreg:$0x1] =	wrdreg $0xFFFFFFFF  }
0xc2: {  	_ =	task.clear_ibuf [dreg:s7], $0x2FFFF;
	_ =	strace $0x9FFFFFFF  }
0xc3: {  	(tm) =	ssettm $0x7FFFFFFF  }
tec
execute0_lowered:
.L_overlay_start_1:
0x0: {  	(tag) =	ssettag $0x1  }
0x1: {  	s0 =	rddreg [dreg:$0x0]  }
0x2: {  	s3 =	rddreg [dreg:$0x1]  }
0x3: {  	s1 =	rddreg [dreg:$0x2];
	s2 =	simm.s32 $0x0;
	s5 =	srdreg.scid  }
0x4: {  	s8 =	stileid.u32;
	s28 =	simm.s32 $0x40;
	s29 =	simm.s32 $0x5C00  }
0x5: {  	s30 =	simm.s32 $0x80;
	s31 =	simm.s32 $0x7C00;
	[smem:$0x7FF] =	sst s2  }
0x6: {  	s4 =	sadd.s32 $0x15600, s0;
	s10 =	sand.u32 $0x1, s5;
	s6 =	smul.u32 $0x50000, s8  }
0x7: {  	s11 =	sadd.s32 $0x1600, s0;
	s12 =	sadd.s32 $0xB600, s0;
	s13 =	smul.u32 $0x14000, s8  }
0x8: {  	s0 =	sadd.s32 $0xB1A00, s0;
	s25 =	sshll.u32 s8, $0x1;
	_ =	strace $0x80000047  }
0x9: {  	s5 =	ssub.s32 $0x2, s10;
	s9 =	sor.u32 s10, s25;
	s10 =	smul.u32 $0x140000, s10  }
0xa: {  	s7 =	sshrl.u32 s5, $0x1;
	s24 =	sshrl.u32 s6, $0x2;
	s15 =	sadd.s32 $0x4000, s13  }
0xb: {  	s16 =	sadd.s32 $0x8000, s13;
	s17 =	sadd.s32 $0xC000, s13;
	s18 =	smul.u32 $0x2800, s9  }
0xc: {  	s19 =	sadd.s32 $0x10000, s13;
	s20 =	smul.u32 $0x500, s9;
	s14 =	ssub.s32 s5, s7  }
0xd: {  	s5 =	sadd.s32 s24, s1;
	s6 =	sadd.s32 s15, s1;
	s7 =	sadd.s32 s16, s1  }
0xe: {  	s8 =	sadd.s32 s17, s1;
	s9 =	sadd.s32 s19, s1;
	s22 =	sadd.s32 s10, s15  }
0xf: {  	s24 =	sadd.s32 s10, s16;
	s25 =	sadd.s32 s10, s17;
	s15 =	simm.s32 $0x6  }
0x10: {  	s16 =	simm.s32 $0x3B00;
	s17 =	simm.s32 $0x3B80;
	s21 =	sadd.s32 s3, s20  }
0x11: {  	s18 =	sshrl.u32 s18, $0x3;
	s26 =	sadd.s32 s11, s20;
	[dreg:$0x4] =	wrdreg s21  }
0x12: {  	s20 =	sadd.s32 s12, s20;
	s23 =	sshrl.u32 s22, $0x3;
	[dreg:$0x5] =	wrdreg s26  }
0x13: {  	s22 =	simm.s32 $0x3C00;
	s18 =	sadd.s32 $0x280, s18;
	[dreg:$0x6] =	wrdreg s20  }
0x14: {  	s21 =	sadd.s32 s13, s10;
	s10 =	sadd.s32 s10, s19;
	s3 =	sadd.s32 s3, s18  }
0x15: {  	s13 =	simm.s32 $0x4;
	s11 =	sadd.s32 s11, s18;
	[dreg:$0x7] =	wrdreg s3  }
0x16: {  	s12 =	sadd.s32 s12, s18;
	s26 =	sshrl.u32 s10, $0x3;
	[dreg:$0x8] =	wrdreg s11  }
0x17: {  	s10 =	simm.s32 $0x1;
	s3 =	sshrl.u32 s21, $0x3;
	[dreg:$0x9] =	wrdreg s12  }
0x18: {  	s11 =	sshrl.u32 s25, $0x3;
	s20 =	sadd.s32 s0, s26;
	s21 =	smax.u32 s14, $0x1  }
0x19: {  	s12 =	simm.s32 $0x3;
	s14 =	simm.s32 $0x5;
	s3 =	sadd.s32 s0, s3  }
0x1a: {  	s19 =	sadd.s32 s0, s11;
	[dreg:$0xa] =	wrdreg s3;
	s3 =	sadd.s32 s0, s23  }
0x1b: {  	s11 =	simm.s32 $0x2;
	[dreg:$0xb] =	wrdreg s3;
	s3 =	sshrl.u32 s24, $0x3  }
0x1c: {  	s23 =	simm.s32 $0x7;
	s24 =	simm.s32 $0x8;
	s3 =	sadd.s32 s0, s3  }
0x1d: {  	v0 =	vimm.f32 $0.0e+00;
	s0 =	simm.s32 $0xC0;
	[dreg:$0xc] =	wrdreg s3;
	s3 =	simm.s32 $0x9C00  }
.LBB2_1:
0x1e: {  	s25 =	simm.s32 $0x0;
	s26 =	simm.s32 $0x200  }
.LBB2_2:
0x1f: {  	p0 =	sne.s32 s26, $0xFE00;
	[tilespmem:s25+$0x3C70] =	vst v0  }
0x20: {  	[tilespmem:s25+$0x3C00] =	vst v0  }
0x21: {  	[tilespmem:s25+$0x3C10] =	vst v0  }
.Ltmp0:
0x22: {  	[tilespmem:s25+$0x3C20] =	vst v0;
	(pc) =	sbr.rel @p0 .LBB2_2-.Ltmp0, $4  }
0x23: {  	[tilespmem:s25+$0x3C30] =	vst v0  }
0x24: {  	[tilespmem:s25+$0x3C40] =	vst v0  }
0x25: {  	[tilespmem:s25+$0x3C50] =	vst v0  }
0x26: {  	[tilespmem:s25+$0x3C60] =	vst v0;
	s25 =	sshra.s32 s26, $0x2;
	s26 =	sadd.s32 $0x200, s26  }
0x27: {  	[tilespmem:s25+$0x3C70] =	vst v0  }
0x28: {  	[tilespmem:s25+$0x3C00] =	vst v0  }
0x29: {  	[tilespmem:s25+$0x3C10] =	vst v0  }
0x2a: {  	[tilespmem:s25+$0x3C20] =	vst v0  }
0x2b: {  	[tilespmem:s25+$0x3C30] =	vst v0  }
0x2c: {  	[tilespmem:s25+$0x3C40] =	vst v0  }
0x2d: {  	[tilespmem:s25+$0x3C50] =	vst v0  }
0x2e: {  	[tilespmem:s25+$0x3C60] =	vst v0  }
0x2f: {  	[spmem:s5] =	stream.linear.scatter [tilespmem:s22], [sflag:$0x7], $0x4000, $0x38;
	[tilespmem:$0x1FC00] =	vst v63  }
0x30: {  	_ = 	snop  }
0x31: {  	[spmem:s6] =	stream.linear.scatter [tilespmem:s22], [sflag:$0x7], $0x4000, $0x38;
	[tilespmem:$0x1FC00] =	vst v63  }
0x32: {  	_ = 	snop  }
0x33: {  	[spmem:s7] =	stream.linear.scatter [tilespmem:s22], [sflag:$0x7], $0x4000, $0x38;
	[tilespmem:$0x1FC00] =	vst v63  }
0x34: {  	_ = 	snop  }
0x35: {  	[spmem:s8] =	stream.linear.scatter [tilespmem:s22], [sflag:$0x7], $0x4000, $0x38;
	[tilespmem:$0x1FC00] =	vst v63  }
0x36: {  	_ = 	snop  }
0x37: {  	[spmem:s9] =	stream.linear.scatter [tilespmem:s22], [sflag:$0x7], $0x4000, $0x38;
	[tilespmem:$0x1FC00] =	vst v63  }
0x38: {  	_ =	swait.ge [sflag:s23], $0x4000  }
0x39: {  	[sflag:s23] =	ssyncset.done $0x0  }
0x3a: {  	[sflag:s23] =	ssyncadd.s32 $0xFFFFC000  }
0x3b: {  	_ =	swait.ge [sflag:s23], $0x4000  }
0x3c: {  	[sflag:s23] =	ssyncset.done $0x0  }
0x3d: {  	[sflag:s23] =	ssyncadd.s32 $0xFFFFC000  }
0x3e: {  	_ =	swait.ge [sflag:s23], $0x4000  }
0x3f: {  	[sflag:s23] =	ssyncset.done $0x0  }
0x40: {  	[sflag:s23] =	ssyncadd.s32 $0xFFFFC000  }
0x41: {  	_ =	swait.ge [sflag:s23], $0x4000  }
0x42: {  	[sflag:s23] =	ssyncset.done $0x0  }
0x43: {  	[sflag:s23] =	ssyncadd.s32 $0xFFFFC000  }
0x44: {  	_ =	swait.ge [sflag:s23], $0x4000  }
0x45: {  	[sflag:s23] =	ssyncset.done $0x0  }
0x46: {  	[sflag:s23] =	ssyncadd.s32 $0xFFFFC000  }
0x47: {  	[bflag:$0x0] =	sbarrier.arrive $0xFFFF  }
0x48: {  	s25 =	simm.s32 $0x0;
	s18 =	rddreg [dreg:$0x4]  }
0x49: {  	[tilespmem:s25], [sflag:$0x8] =	stream.linear.gather [hbm4b:s18+s25], $0x1400, $0x38;
	[tilespmem:$0x1FC00] =	vst v63  }
0x4a: {  	_ =	swait.ge [sflag:s24], $0x1400  }
0x4b: {  	[sflag:s24] =	ssyncset.done $0x0  }
0x4c: {  	s26 =	simm.s32 $0x1400;
	s18 =	rddreg [dreg:$0x5];
	[sflag:s24] =	ssyncadd.s32 $0xFFFFEC00  }
0x4d: {  	[tilespmem:s26], [sflag:$0x8] =	stream.linear.gather [hbm4b:s18+s25], $0x1400, $0x38;
	[tilespmem:$0x1FC00] =	vst v63  }
0x4e: {  	_ =	swait.ge [sflag:s24], $0x1400  }
0x4f: {  	[sflag:s24] =	ssyncset.done $0x0  }
0x50: {  	s26 =	simm.s32 $0x2800;
	s18 =	rddreg [dreg:$0x6];
	[sflag:s24] =	ssyncadd.s32 $0xFFFFEC00  }
0x51: {  	[tilespmem:s26], [sflag:$0x8] =	stream.linear.gather [hbm4b:s18+s25], $0x1400, $0x38;
	[tilespmem:$0x1FC00] =	vst v63  }
0x52: {  	_ =	swait.ge [sflag:s24], $0x1400  }
0x53: {  	[sflag:s24] =	ssyncset.done $0x0  }
0x54: {  	s25 =	simm.s32 $0x0;
	[sflag:s24] =	ssyncadd.s32 $0xFFFFEC00  }
0x55: {  	v7 =	vld [tilespmem:s25+$0x1400]  }
0x56: {  	v12 =	vld [tilespmem:s25+$0x1410]  }
0x57: {  	v6 =	vld [tilespmem:s25+$0x1420]  }
0x58: {  	v5 =	vld [tilespmem:s25+$0x1430]  }
0x59: {  	v4 =	vld [tilespmem:s25+$0x1440]  }
0x5a: {  	v3 =	vld [tilespmem:s25+$0x1450]  }
0x5b: {  	v2 =	vld [tilespmem:s25+$0x1460]  }
0x5c: {  	v1 =	vld [tilespmem:s25+$0x1470]  }
0x5d: {  	v11 =	vld [tilespmem:s25+$0x0]  }
0x5e: {  	v10 =	vld [tilespmem:s25+$0x10]  }
0x5f: {  	v9 =	vld [tilespmem:s25+$0x20]  }
0x60: {  	v8 =	vld [tilespmem:s25+$0x30];
	v13 =	vmul.u32 $0x2710, v7  }
0x61: {  	s26 =	simm.s32 $0x200;
	v12 =	vmul.u32 $0x2710, v12;
	v7 =	vld [tilespmem:s25+$0x40]  }
.LBB2_4:
0x62: {  	p0 =	sne.s32 s26, $0x4E00;
	v11 =	vadd.s32 v11, v13;
	v6 =	vmul.u32 $0x2710, v6;
	v13 =	vld [tilespmem:s25+$0x50]  }
0x63: {  	v5 =	vmul.u32 $0x2710, v5;
	[tilespmem:s25+$0x0] =	vst v11;
	v10 =	vadd.s32 v10, v12;
	v11 =	vld [tilespmem:s25+$0x60]  }
0x64: {  	s18 =	sshra.s32 s26, $0x2;
	v4 =	vmul.u32 $0x2710, v4;
	[tilespmem:s25+$0x10] =	vst v10;
	v6 =	vadd.s32 v9, v6;
	v9 =	vld [tilespmem:s25+$0x70]  }
0x65: {  	v3 =	vmul.u32 $0x2710, v3;
	v12 =	vld [tilespmem:s18+$0x1400];
	[tilespmem:s25+$0x20] =	vst v6;
	v5 =	vadd.s32 v8, v5  }
0x66: {  	v2 =	vmul.u32 $0x2710, v2;
	v14 =	vld [tilespmem:s18+$0x1410];
	[tilespmem:s25+$0x30] =	vst v5;
	v4 =	vadd.s32 v7, v4  }
0x67: {  	v1 =	vmul.u32 $0x2710, v1;
	v6 =	vld [tilespmem:s18+$0x1420];
	[tilespmem:s25+$0x40] =	vst v4;
	v3 =	vadd.s32 v13, v3  }
0x68: {  	v5 =	vld [tilespmem:s18+$0x1430];
	[tilespmem:s25+$0x50] =	vst v3;
	v2 =	vadd.s32 v11, v2  }
0x69: {  	v4 =	vld [tilespmem:s18+$0x1440];
	[tilespmem:s25+$0x60] =	vst v2;
	v1 =	vadd.s32 v9, v1  }
0x6a: {  	v3 =	vld [tilespmem:s18+$0x1450];
	[tilespmem:s25+$0x70] =	vst v1;
	s25 =	smov.u32 s18  }
0x6b: {  	v2 =	vld [tilespmem:s25+$0x1460]  }
0x6c: {  	v1 =	vld [tilespmem:s25+$0x1470]  }
.Ltmp1:
0x6d: {  	v11 =	vld [tilespmem:s25+$0x0];
	(pc) =	sbr.rel @p0 .LBB2_4-.Ltmp1, $4  }
0x6e: {  	v10 =	vld [tilespmem:s25+$0x10]  }
0x6f: {  	v9 =	vld [tilespmem:s25+$0x20]  }
0x70: {  	v13 =	vmul.u32 $0x2710, v12;
	v8 =	vld [tilespmem:s25+$0x30]  }
0x71: {  	s26 =	sadd.s32 $0x200, s26;
	v12 =	vmul.u32 $0x2710, v14;
	v7 =	vld [tilespmem:s25+$0x40]  }
0x72: {  	v11 =	vadd.s32 v11, v13;
	v61 =	vld [tilespmem:s25+$0x50];
	v6 =	vmul.u32 $0x2710, v6  }
0x73: {  	v62 =	vld [tilespmem:s25+$0x60];
	v5 =	vmul.u32 $0x2710, v5;
	[tilespmem:s25+$0x0] =	vst v11;
	v10 =	vadd.s32 v10, v12  }
0x74: {  	v4 =	vmul.u32 $0x2710, v4;
	v63 =	vld [tilespmem:s25+$0x70];
	[tilespmem:s25+$0x10] =	vst v10;
	v6 =	vadd.s32 v9, v6  }
0x75: {  	v3 =	vmul.u32 $0x2710, v3;
	[tilespmem:s25+$0x20] =	vst v6;
	v5 =	vadd.s32 v8, v5  }
0x76: {  	v2 =	vmul.u32 $0x2710, v2;
	[tilespmem:s25+$0x30] =	vst v5;
	v4 =	vadd.s32 v7, v4  }
0x77: {  	v1 =	vmul.u32 $0x2710, v1;
	[tilespmem:s25+$0x40] =	vst v4;
	v3 =	vadd.s32 v61, v3  }
0x78: {  	v2 =	vadd.s32 v62, v2;
	[tilespmem:s25+$0x50] =	vst v3  }
0x79: {  	v1 =	vadd.s32 v63, v1;
	[tilespmem:s25+$0x60] =	vst v2  }
0x7a: {  	s18 =	simm.s32 $0x0;
	[tilespmem:s25+$0x70] =	vst v1  }
0x7b: {  	[tilespmem:s22], [sflag:$0x1] =	stream.indirect.gather [hbm4b:s4+s28], $0x80, s18, s28, $0xb8;
	[tilespmem:$0x1FC00] =	vst v63  }
0x7c: {  	_ = 	snop  }
0x7d: {  	[tilespmem:s29], [sflag:$0x2] =	stream.indirect.gather [hbm4b:s4+s28], $0x80, s28, s28, $0xb8;
	[tilespmem:$0x1FC00] =	vst v63  }
0x7e: {  	_ = 	snop  }
0x7f: {  	[tilespmem:s31], [sflag:$0x3] =	stream.indirect.gather [hbm4b:s4+s28], $0x80, s30, s28, $0xb8;
	[tilespmem:$0x1FC00] =	vst v63  }
0x80: {  	_ = 	snop  }
0x81: {  	[tilespmem:s3], [sflag:$0x4] =	stream.indirect.gather [hbm4b:s4+s28], $0x80, s0, s28, $0xb8;
	[tilespmem:$0x1FC00] =	vst v63  }
0x82: {  	_ =	swait.ge [sflag:s10], $0x2000  }
0x83: {  	[sflag:s10] =	ssyncset.done $0x0  }
0x84: {  	[sflag:s10] =	ssyncadd.s32 $0xFFFFE000  }
0x85: {  	_ =	swait.ge [sflag:s11], $0x2000  }
0x86: {  	[sflag:s11] =	ssyncset.done $0x0  }
0x87: {  	s26 =	simm.s32 $0x2800;
	[sflag:s11] =	ssyncadd.s32 $0xFFFFE000  }
0x88: {  	[spmem:s1] =	stream.indirect.scatter.add.f32 [tilespmem:s22], [sflag:$0x5], $0x80, s26, s30, $0xb8;
	[tilespmem:$0x1FC00] =	vst v63  }
0x89: {  	_ =	swait.ge [sflag:s12], $0x2000  }
0x8a: {  	[sflag:s12] =	ssyncset.done $0x0  }
0x8b: {  	[sflag:s12] =	ssyncadd.s32 $0xFFFFE000  }
0x8c: {  	_ =	swait.ge [sflag:s13], $0x2000  }
0x8d: {  	[sflag:s13] =	ssyncset.done $0x0  }
0x8e: {  	s25 =	simm.s32 $0x2880;
	[sflag:s13] =	ssyncadd.s32 $0xFFFFE000  }
0x8f: {  	[spmem:s1] =	stream.indirect.scatter.add.f32 [tilespmem:s31], [sflag:$0x6], $0x80, s25, s30, $0xb8;
	[tilespmem:$0x1FC00] =	vst v63  }
0x90: {  	_ =	swait.ge [sflag:s14], $0x4000  }
0x91: {  	[sflag:s14] =	ssyncset.done $0x0  }
0x92: {  	s26 =	simm.s32 $0x100;
	[sflag:s14] =	ssyncadd.s32 $0xFFFFC000  }
0x93: {  	[tilespmem:s22], [sflag:$0x1] =	stream.indirect.gather [hbm4b:s4+s28], $0x80, s26, s28, $0xb8;
	[tilespmem:$0x1FC00] =	vst v63  }
0x94: {  	s25 =	simm.s32 $0x140  }
0x95: {  	[tilespmem:s29], [sflag:$0x2] =	stream.indirect.gather [hbm4b:s4+s28], $0x80, s25, s28, $0xb8;
	[tilespmem:$0x1FC00] =	vst v63  }
0x96: {  	_ =	swait.ge [sflag:s15], $0x4000  }
0x97: {  	[sflag:s15] =	ssyncset.done $0x0  }
0x98: {  	s26 =	simm.s32 $0x180;
	[sflag:s15] =	ssyncadd.s32 $0xFFFFC000  }
0x99: {  	[tilespmem:s31], [sflag:$0x3] =	stream.indirect.gather [hbm4b:s4+s28], $0x80, s26, s28, $0xb8;
	[tilespmem:$0x1FC00] =	vst v63  }
0x9a: {  	s25 =	simm.s32 $0x400;
	s26 =	simm.s32 $0x1C0  }
.LBB2_6:
0x9b: {  	[tilespmem:s3], [sflag:$0x4] =	stream.indirect.gather [hbm4b:s4+s28], $0x80, s26, s28, $0xb8;
	[tilespmem:$0x1FC00] =	vst v63  }
0x9c: {  	s18 =	smov.u32 s25  }
0x9d: {  	p0 =	sne.s32 s25, $0x4800;
	s25 =	sadd.s32 $0x400, s25;
	_ =	swait.ge [sflag:s10], $0x2000  }
0x9e: {  	[sflag:s10] =	ssyncset.done $0x0  }
0x9f: {  	[sflag:s10] =	ssyncadd.s32 $0xFFFFE000  }
0xa0: {  	_ =	swait.ge [sflag:s11], $0x2000  }
0xa1: {  	s18 =	sshra.s32 s18, $0x2;
	[sflag:s11] =	ssyncset.done $0x0  }
0xa2: {  	s26 =	sadd.s32 $0x2800, s18;
	[sflag:s11] =	ssyncadd.s32 $0xFFFFE000  }
0xa3: {  	[spmem:s1] =	stream.indirect.scatter.add.f32 [tilespmem:s22], [sflag:$0x5], $0x80, s26, s30, $0xb8;
	[tilespmem:$0x1FC00] =	vst v63  }
0xa4: {  	_ =	swait.ge [sflag:s12], $0x2000  }
0xa5: {  	[sflag:s12] =	ssyncset.done $0x0  }
0xa6: {  	[sflag:s12] =	ssyncadd.s32 $0xFFFFE000  }
0xa7: {  	_ =	swait.ge [sflag:s13], $0x2000  }
0xa8: {  	[sflag:s13] =	ssyncset.done $0x0  }
0xa9: {  	s26 =	sadd.s32 $0x2880, s18;
	[sflag:s13] =	ssyncadd.s32 $0xFFFFE000  }
0xaa: {  	[spmem:s1] =	stream.indirect.scatter.add.f32 [tilespmem:s31], [sflag:$0x6], $0x80, s26, s30, $0xb8;
	[tilespmem:$0x1FC00] =	vst v63  }
0xab: {  	_ =	swait.ge [sflag:s14], $0x4000  }
0xac: {  	[sflag:s14] =	ssyncset.done $0x0  }
0xad: {  	s26 =	sadd.s32 $0x100, s18;
	[sflag:s14] =	ssyncadd.s32 $0xFFFFC000  }
0xae: {  	[tilespmem:s22], [sflag:$0x1] =	stream.indirect.gather [hbm4b:s4+s28], $0x80, s26, s28, $0xb8;
	[tilespmem:$0x1FC00] =	vst v63  }
0xaf: {  	s26 =	sadd.s32 $0x140, s18  }
0xb0: {  	[tilespmem:s29], [sflag:$0x2] =	stream.indirect.gather [hbm4b:s4+s28], $0x80, s26, s28, $0xb8;
	[tilespmem:$0x1FC00] =	vst v63  }
.Ltmp2:
0xb1: {  	_ =	swait.ge [sflag:s15], $0x4000;
	(pc) =	sbr.rel @p0 .LBB2_6-.Ltmp2, $4  }
0xb2: {  	[sflag:s15] =	ssyncset.done $0x0  }
0xb3: {  	s26 =	sadd.s32 $0x180, s18;
	[sflag:s15] =	ssyncadd.s32 $0xFFFFC000  }
0xb4: {  	[tilespmem:s31], [sflag:$0x3] =	stream.indirect.gather [hbm4b:s4+s28], $0x80, s26, s28, $0xb8;
	[tilespmem:$0x1FC00] =	vst v63  }
0xb5: {  	s26 =	sadd.s32 $0x1C0, s18  }
0xb6: {  	[tilespmem:s3], [sflag:$0x4] =	stream.indirect.gather [hbm4b:s4+s28], $0x80, s26, s28, $0xb8;
	[tilespmem:$0x1FC00] =	vst v63  }
0xb7: {  	_ =	swait.ge [sflag:s10], $0x2000  }
0xb8: {  	[sflag:s10] =	ssyncset.done $0x0  }
0xb9: {  	[sflag:s10] =	ssyncadd.s32 $0xFFFFE000  }
0xba: {  	_ =	swait.ge [sflag:s11], $0x2000  }
0xbb: {  	[sflag:s11] =	ssyncset.done $0x0  }
0xbc: {  	[sflag:s11] =	ssyncadd.s32 $0xFFFFE000  }
0xbd: {  	[spmem:s1] =	stream.indirect.scatter.add.f32 [tilespmem:s22], [sflag:$0x8], $0x80, s16, s30, $0xb8;
	[tilespmem:$0x1FC00] =	vst v63  }
0xbe: {  	_ =	swait.ge [sflag:s24], $0x4000  }
0xbf: {  	[sflag:s24] =	ssyncset.done $0x0  }
0xc0: {  	[sflag:s24] =	ssyncadd.s32 $0xFFFFC000  }
0xc1: {  	_ =	swait.ge [sflag:s12], $0x2000  }
0xc2: {  	[sflag:s12] =	ssyncset.done $0x0  }
0xc3: {  	[sflag:s12] =	ssyncadd.s32 $0xFFFFE000  }
0xc4: {  	_ =	swait.ge [sflag:s13], $0x2000  }
0xc5: {  	[sflag:s13] =	ssyncset.done $0x0  }
0xc6: {  	[sflag:s13] =	ssyncadd.s32 $0xFFFFE000  }
0xc7: {  	[spmem:s1] =	stream.indirect.scatter.add.f32 [tilespmem:s31], [sflag:$0x8], $0x80, s17, s30, $0xb8;
	[tilespmem:$0x1FC00] =	vst v63  }
0xc8: {  	_ =	swait.ge [sflag:s24], $0x4000  }
0xc9: {  	[sflag:s24] =	ssyncset.done $0x0  }
0xca: {  	s18 =	simm.s32 $0x0;
	s25 =	rddreg [dreg:$0x7];
	[sflag:s24] =	ssyncadd.s32 $0xFFFFC000  }
0xcb: {  	[tilespmem:s18], [sflag:$0x8] =	stream.linear.gather [hbm4b:s25+s18], $0x1400, $0x38;
	[tilespmem:$0x1FC00] =	vst v63  }
0xcc: {  	_ =	swait.ge [sflag:s24], $0x1400  }
0xcd: {  	[sflag:s24] =	ssyncset.done $0x0  }
0xce: {  	s26 =	simm.s32 $0x1400;
	s25 =	rddreg [dreg:$0x8];
	[sflag:s24] =	ssyncadd.s32 $0xFFFFEC00  }
0xcf: {  	[tilespmem:s26], [sflag:$0x8] =	stream.linear.gather [hbm4b:s25+s18], $0x1400, $0x38;
	[tilespmem:$0x1FC00] =	vst v63  }
0xd0: {  	_ =	swait.ge [sflag:s24], $0x1400  }
0xd1: {  	[sflag:s24] =	ssyncset.done $0x0  }
0xd2: {  	s26 =	simm.s32 $0x2800;
	s25 =	rddreg [dreg:$0x9];
	[sflag:s24] =	ssyncadd.s32 $0xFFFFEC00  }
0xd3: {  	[tilespmem:s26], [sflag:$0x8] =	stream.linear.gather [hbm4b:s25+s18], $0x1400, $0x38;
	[tilespmem:$0x1FC00] =	vst v63  }
0xd4: {  	_ =	swait.ge [sflag:s24], $0x1400  }
0xd5: {  	[sflag:s24] =	ssyncset.done $0x0  }
0xd6: {  	s25 =	simm.s32 $0x0;
	[sflag:s24] =	ssyncadd.s32 $0xFFFFEC00  }
0xd7: {  	v7 =	vld [tilespmem:s25+$0x1400]  }
0xd8: {  	v12 =	vld [tilespmem:s25+$0x1410]  }
0xd9: {  	v6 =	vld [tilespmem:s25+$0x1420]  }
0xda: {  	v5 =	vld [tilespmem:s25+$0x1430]  }
0xdb: {  	v4 =	vld [tilespmem:s25+$0x1440]  }
0xdc: {  	v3 =	vld [tilespmem:s25+$0x1450]  }
0xdd: {  	v2 =	vld [tilespmem:s25+$0x1460]  }
0xde: {  	v1 =	vld [tilespmem:s25+$0x1470]  }
0xdf: {  	v11 =	vld [tilespmem:s25+$0x0]  }
0xe0: {  	v10 =	vld [tilespmem:s25+$0x10]  }
0xe1: {  	v9 =	vld [tilespmem:s25+$0x20]  }
0xe2: {  	v8 =	vld [tilespmem:s25+$0x30];
	v13 =	vmul.u32 $0x2710, v7  }
0xe3: {  	s26 =	simm.s32 $0x200;
	v12 =	vmul.u32 $0x2710, v12;
	v7 =	vld [tilespmem:s25+$0x40]  }
.LBB2_8:
0xe4: {  	p0 =	sne.s32 s26, $0x4E00;
	v11 =	vadd.s32 v11, v13;
	v6 =	vmul.u32 $0x2710, v6;
	v13 =	vld [tilespmem:s25+$0x50]  }
0xe5: {  	v5 =	vmul.u32 $0x2710, v5;
	[tilespmem:s25+$0x0] =	vst v11;
	v10 =	vadd.s32 v10, v12;
	v11 =	vld [tilespmem:s25+$0x60]  }
0xe6: {  	s18 =	sshra.s32 s26, $0x2;
	v4 =	vmul.u32 $0x2710, v4;
	[tilespmem:s25+$0x10] =	vst v10;
	v6 =	vadd.s32 v9, v6;
	v9 =	vld [tilespmem:s25+$0x70]  }
0xe7: {  	v3 =	vmul.u32 $0x2710, v3;
	v12 =	vld [tilespmem:s18+$0x1400];
	[tilespmem:s25+$0x20] =	vst v6;
	v5 =	vadd.s32 v8, v5  }
0xe8: {  	v2 =	vmul.u32 $0x2710, v2;
	v14 =	vld [tilespmem:s18+$0x1410];
	[tilespmem:s25+$0x30] =	vst v5;
	v4 =	vadd.s32 v7, v4  }
0xe9: {  	v1 =	vmul.u32 $0x2710, v1;
	v6 =	vld [tilespmem:s18+$0x1420];
	[tilespmem:s25+$0x40] =	vst v4;
	v3 =	vadd.s32 v13, v3  }
0xea: {  	v5 =	vld [tilespmem:s18+$0x1430];
	[tilespmem:s25+$0x50] =	vst v3;
	v2 =	vadd.s32 v11, v2  }
0xeb: {  	v4 =	vld [tilespmem:s18+$0x1440];
	[tilespmem:s25+$0x60] =	vst v2;
	v1 =	vadd.s32 v9, v1  }
0xec: {  	v3 =	vld [tilespmem:s18+$0x1450];
	[tilespmem:s25+$0x70] =	vst v1;
	s25 =	smov.u32 s18  }
0xed: {  	v2 =	vld [tilespmem:s25+$0x1460]  }
0xee: {  	v1 =	vld [tilespmem:s25+$0x1470]  }
.Ltmp3:
0xef: {  	v11 =	vld [tilespmem:s25+$0x0];
	(pc) =	sbr.rel @p0 .LBB2_8-.Ltmp3, $4  }
0xf0: {  	v10 =	vld [tilespmem:s25+$0x10]  }
0xf1: {  	v9 =	vld [tilespmem:s25+$0x20]  }
0xf2: {  	v13 =	vmul.u32 $0x2710, v12;
	v8 =	vld [tilespmem:s25+$0x30]  }
0xf3: {  	s26 =	sadd.s32 $0x200, s26;
	v12 =	vmul.u32 $0x2710, v14;
	v7 =	vld [tilespmem:s25+$0x40]  }
0xf4: {  	v11 =	vadd.s32 v11, v13;
	v61 =	vld [tilespmem:s25+$0x50];
	v6 =	vmul.u32 $0x2710, v6  }
0xf5: {  	v62 =	vld [tilespmem:s25+$0x60];
	v5 =	vmul.u32 $0x2710, v5;
	[tilespmem:s25+$0x0] =	vst v11;
	v10 =	vadd.s32 v10, v12  }
0xf6: {  	v4 =	vmul.u32 $0x2710, v4;
	v63 =	vld [tilespmem:s25+$0x70];
	[tilespmem:s25+$0x10] =	vst v10;
	v6 =	vadd.s32 v9, v6  }
0xf7: {  	v3 =	vmul.u32 $0x2710, v3;
	[tilespmem:s25+$0x20] =	vst v6;
	v5 =	vadd.s32 v8, v5  }
0xf8: {  	v2 =	vmul.u32 $0x2710, v2;
	[tilespmem:s25+$0x30] =	vst v5;
	v4 =	vadd.s32 v7, v4  }
0xf9: {  	v1 =	vmul.u32 $0x2710, v1;
	[tilespmem:s25+$0x40] =	vst v4;
	v3 =	vadd.s32 v61, v3  }
0xfa: {  	v2 =	vadd.s32 v62, v2;
	[tilespmem:s25+$0x50] =	vst v3  }
0xfb: {  	v1 =	vadd.s32 v63, v1;
	[tilespmem:s25+$0x60] =	vst v2  }
0xfc: {  	s18 =	simm.s32 $0x0;
	[tilespmem:s25+$0x70] =	vst v1  }
0xfd: {  	[tilespmem:s22], [sflag:$0x1] =	stream.indirect.gather [hbm4b:s4+s28], $0x80, s18, s28, $0xb8;
	[tilespmem:$0x1FC00] =	vst v63  }
0xfe: {  	_ = 	snop  }
0xff: {  	[tilespmem:s29], [sflag:$0x2] =	stream.indirect.gather [hbm4b:s4+s28], $0x80, s28, s28, $0xb8;
	[tilespmem:$0x1FC00] =	vst v63  }
0x100: {  	_ = 	snop  }
0x101: {  	[tilespmem:s31], [sflag:$0x3] =	stream.indirect.gather [hbm4b:s4+s28], $0x80, s30, s28, $0xb8;
	[tilespmem:$0x1FC00] =	vst v63  }
0x102: {  	_ = 	snop  }
0x103: {  	[tilespmem:s3], [sflag:$0x4] =	stream.indirect.gather [hbm4b:s4+s28], $0x80, s0, s28, $0xb8;
	[tilespmem:$0x1FC00] =	vst v63  }
0x104: {  	_ =	swait.ge [sflag:s10], $0x2000  }
0x105: {  	[sflag:s10] =	ssyncset.done $0x0  }
0x106: {  	[sflag:s10] =	ssyncadd.s32 $0xFFFFE000  }
0x107: {  	_ =	swait.ge [sflag:s11], $0x2000  }
0x108: {  	[sflag:s11] =	ssyncset.done $0x0  }
0x109: {  	s26 =	simm.s32 $0x2800;
	[sflag:s11] =	ssyncadd.s32 $0xFFFFE000  }
0x10a: {  	[spmem:s1] =	stream.indirect.scatter.add.f32 [tilespmem:s22], [sflag:$0x5], $0x80, s26, s30, $0xb8;
	[tilespmem:$0x1FC00] =	vst v63  }
0x10b: {  	_ =	swait.ge [sflag:s12], $0x2000  }
0x10c: {  	[sflag:s12] =	ssyncset.done $0x0  }
0x10d: {  	[sflag:s12] =	ssyncadd.s32 $0xFFFFE000  }
0x10e: {  	_ =	swait.ge [sflag:s13], $0x2000  }
0x10f: {  	[sflag:s13] =	ssyncset.done $0x0  }
0x110: {  	s25 =	simm.s32 $0x2880;
	[sflag:s13] =	ssyncadd.s32 $0xFFFFE000  }
0x111: {  	[spmem:s1] =	stream.indirect.scatter.add.f32 [tilespmem:s31], [sflag:$0x6], $0x80, s25, s30, $0xb8;
	[tilespmem:$0x1FC00] =	vst v63  }
0x112: {  	_ =	swait.ge [sflag:s14], $0x4000  }
0x113: {  	[sflag:s14] =	ssyncset.done $0x0  }
0x114: {  	s26 =	simm.s32 $0x100;
	[sflag:s14] =	ssyncadd.s32 $0xFFFFC000  }
0x115: {  	[tilespmem:s22], [sflag:$0x1] =	stream.indirect.gather [hbm4b:s4+s28], $0x80, s26, s28, $0xb8;
	[tilespmem:$0x1FC00] =	vst v63  }
0x116: {  	s25 =	simm.s32 $0x140  }
0x117: {  	[tilespmem:s29], [sflag:$0x2] =	stream.indirect.gather [hbm4b:s4+s28], $0x80, s25, s28, $0xb8;
	[tilespmem:$0x1FC00] =	vst v63  }
0x118: {  	_ =	swait.ge [sflag:s15], $0x4000  }
0x119: {  	[sflag:s15] =	ssyncset.done $0x0  }
0x11a: {  	s26 =	simm.s32 $0x180;
	[sflag:s15] =	ssyncadd.s32 $0xFFFFC000  }
0x11b: {  	[tilespmem:s31], [sflag:$0x3] =	stream.indirect.gather [hbm4b:s4+s28], $0x80, s26, s28, $0xb8;
	[tilespmem:$0x1FC00] =	vst v63  }
0x11c: {  	s25 =	simm.s32 $0x400;
	s26 =	simm.s32 $0x1C0  }
.LBB2_10:
0x11d: {  	[tilespmem:s3], [sflag:$0x4] =	stream.indirect.gather [hbm4b:s4+s28], $0x80, s26, s28, $0xb8;
	[tilespmem:$0x1FC00] =	vst v63  }
0x11e: {  	s18 =	smov.u32 s25  }
0x11f: {  	p0 =	sne.s32 s25, $0x4800;
	s25 =	sadd.s32 $0x400, s25;
	_ =	swait.ge [sflag:s10], $0x2000  }
0x120: {  	[sflag:s10] =	ssyncset.done $0x0  }
0x121: {  	[sflag:s10] =	ssyncadd.s32 $0xFFFFE000  }
0x122: {  	_ =	swait.ge [sflag:s11], $0x2000  }
0x123: {  	s18 =	sshra.s32 s18, $0x2;
	[sflag:s11] =	ssyncset.done $0x0  }
0x124: {  	s26 =	sadd.s32 $0x2800, s18;
	[sflag:s11] =	ssyncadd.s32 $0xFFFFE000  }
0x125: {  	[spmem:s1] =	stream.indirect.scatter.add.f32 [tilespmem:s22], [sflag:$0x5], $0x80, s26, s30, $0xb8;
	[tilespmem:$0x1FC00] =	vst v63  }
0x126: {  	_ =	swait.ge [sflag:s12], $0x2000  }
0x127: {  	[sflag:s12] =	ssyncset.done $0x0  }
0x128: {  	[sflag:s12] =	ssyncadd.s32 $0xFFFFE000  }
0x129: {  	_ =	swait.ge [sflag:s13], $0x2000  }
0x12a: {  	[sflag:s13] =	ssyncset.done $0x0  }
0x12b: {  	s26 =	sadd.s32 $0x2880, s18;
	[sflag:s13] =	ssyncadd.s32 $0xFFFFE000  }
0x12c: {  	[spmem:s1] =	stream.indirect.scatter.add.f32 [tilespmem:s31], [sflag:$0x6], $0x80, s26, s30, $0xb8;
	[tilespmem:$0x1FC00] =	vst v63  }
0x12d: {  	_ =	swait.ge [sflag:s14], $0x4000  }
0x12e: {  	[sflag:s14] =	ssyncset.done $0x0  }
0x12f: {  	s26 =	sadd.s32 $0x100, s18;
	[sflag:s14] =	ssyncadd.s32 $0xFFFFC000  }
0x130: {  	[tilespmem:s22], [sflag:$0x1] =	stream.indirect.gather [hbm4b:s4+s28], $0x80, s26, s28, $0xb8;
	[tilespmem:$0x1FC00] =	vst v63  }
0x131: {  	s26 =	sadd.s32 $0x140, s18  }
0x132: {  	[tilespmem:s29], [sflag:$0x2] =	stream.indirect.gather [hbm4b:s4+s28], $0x80, s26, s28, $0xb8;
	[tilespmem:$0x1FC00] =	vst v63  }
.Ltmp4:
0x133: {  	_ =	swait.ge [sflag:s15], $0x4000;
	(pc) =	sbr.rel @p0 .LBB2_10-.Ltmp4, $4  }
0x134: {  	[sflag:s15] =	ssyncset.done $0x0  }
0x135: {  	s26 =	sadd.s32 $0x180, s18;
	[sflag:s15] =	ssyncadd.s32 $0xFFFFC000  }
0x136: {  	[tilespmem:s31], [sflag:$0x3] =	stream.indirect.gather [hbm4b:s4+s28], $0x80, s26, s28, $0xb8;
	[tilespmem:$0x1FC00] =	vst v63  }
0x137: {  	s26 =	sadd.s32 $0x1C0, s18  }
0x138: {  	[tilespmem:s3], [sflag:$0x4] =	stream.indirect.gather [hbm4b:s4+s28], $0x80, s26, s28, $0xb8;
	[tilespmem:$0x1FC00] =	vst v63  }
0x139: {  	_ =	swait.ge [sflag:s10], $0x2000  }
0x13a: {  	[sflag:s10] =	ssyncset.done $0x0  }
0x13b: {  	[sflag:s10] =	ssyncadd.s32 $0xFFFFE000  }
0x13c: {  	_ =	swait.ge [sflag:s11], $0x2000  }
0x13d: {  	[sflag:s11] =	ssyncset.done $0x0  }
0x13e: {  	[sflag:s11] =	ssyncadd.s32 $0xFFFFE000  }
0x13f: {  	[spmem:s1] =	stream.indirect.scatter.add.f32 [tilespmem:s22], [sflag:$0x8], $0x80, s16, s30, $0xb8;
	[tilespmem:$0x1FC00] =	vst v63  }
0x140: {  	_ =	swait.ge [sflag:s24], $0x4000  }
0x141: {  	[sflag:s24] =	ssyncset.done $0x0  }
0x142: {  	[sflag:s24] =	ssyncadd.s32 $0xFFFFC000  }
0x143: {  	_ =	swait.ge [sflag:s12], $0x2000  }
0x144: {  	[sflag:s12] =	ssyncset.done $0x0  }
0x145: {  	[sflag:s12] =	ssyncadd.s32 $0xFFFFE000  }
0x146: {  	_ =	swait.ge [sflag:s13], $0x2000  }
0x147: {  	[sflag:s13] =	ssyncset.done $0x0  }
0x148: {  	[sflag:s13] =	ssyncadd.s32 $0xFFFFE000  }
0x149: {  	[spmem:s1] =	stream.indirect.scatter.add.f32 [tilespmem:s31], [sflag:$0x8], $0x80, s17, s30, $0xb8;
	[tilespmem:$0x1FC00] =	vst v63  }
0x14a: {  	_ =	swait.ge [sflag:s24], $0x4000  }
0x14b: {  	[sflag:s24] =	ssyncset.done $0x0  }
0x14c: {  	s18 =	stileid.u32;
	[sflag:s24] =	ssyncadd.s32 $0xFFFFC000  }
0x14d: {  	s18 =	sshll.u32 s18, $0x6;
	[bflag:$0x0] =	sbarrier.arrive $0xFFFF  }
0x14e: {  	s25 =	sshrl.u32 s5, $0x3;
	s18 =	sor.u32 $0x1C07, s18;
	s26 =	rddreg [dreg:$0xa]  }
0x14f: {  	[hbm:s26], [sflag:s18] =	dma.local [spmem:s25], $0x800  }
0x150: {  	s25 =	sshrl.u32 s6, $0x3;
	s26 =	rddreg [dreg:$0xb]  }
0x151: {  	[hbm:s26], [sflag:s18] =	dma.local [spmem:s25], $0x800  }
0x152: {  	s25 =	sshrl.u32 s7, $0x3;
	s26 =	rddreg [dreg:$0xc]  }
0x153: {  	[hbm:s26], [sflag:s18] =	dma.local [spmem:s25], $0x800  }
0x154: {  	s26 =	sshrl.u32 s8, $0x3  }
0x155: {  	[hbm:s19], [sflag:s18] =	dma.local [spmem:s26], $0x800  }
0x156: {  	s26 =	sshrl.u32 s9, $0x3  }
0x157: {  	[hbm:s20], [sflag:s18] =	dma.local [spmem:s26], $0x800  }
0x158: {  	_ =	swait.ge [sflag:s23], $0x800  }
0x159: {  	[sflag:s23] =	ssyncset.done $0x0  }
0x15a: {  	[sflag:s23] =	ssyncadd.s32 $0xFFFFF800  }
0x15b: {  	_ =	swait.ge [sflag:s23], $0x800  }
0x15c: {  	[sflag:s23] =	ssyncset.done $0x0  }
0x15d: {  	[sflag:s23] =	ssyncadd.s32 $0xFFFFF800  }
0x15e: {  	_ =	swait.ge [sflag:s23], $0x800  }
0x15f: {  	[sflag:s23] =	ssyncset.done $0x0  }
0x160: {  	s2 =	sadd.s32 $0x1, s2;
	[sflag:s23] =	ssyncadd.s32 $0xFFFFF800  }
0x161: {  	p0 =	sne.s32 s2, s21;
	_ =	swait.ge [sflag:s23], $0x800  }
.Ltmp5:
0x162: {  	[sflag:s23] =	ssyncset.done $0x0;
	(pc) =	sbr.rel @p0 .LBB2_1-.Ltmp5, $4  }
0x163: {  	[sflag:s23] =	ssyncadd.s32 $0xFFFFF800  }
0x164: {  	_ =	swait.ge [sflag:s23], $0x800  }
0x165: {  	[sflag:s23] =	ssyncset.done $0x0  }
0x166: {  	[sflag:s23] =	ssyncadd.s32 $0xFFFFF800  }
0x167: {  	_ =	sfence.sel $0x180000  }
0x168: {  	[bflag:$0x0] =	sbarrier.arrive $0xFFFF  }
0x169: {  	_ =	strace $0x90000047  }
0x16a: {  	s0 =	stileid.u32;
	[bflag:$0x2] =	sbarrier.arrive $0xFFFF  }
0x16b: {  	p0 =	sne.s32 s0, $0x0;
	s0 =	rddreg [dreg:$0x3]  }
0x16c: {  	s0 =	sadd.s32 @!p0 $0x100000, s0  }
0x16d: {  	[sflag:s0] =	ssyncadd.tile.s32 @!p0 $0x1;
	_ =	shalt  }
.Lfunc_end2:
_tile_overlayer_lowered:
.L_overlay_start_2:
0x16e: {  	(tag) =	ssettag $0x2  }
0x16f: {  	s0 =	rddreg [dreg:$0x0];
	s2 =	stileid.u32  }
0x170: {  	s1 =	rddreg [dreg:$0x1];
	p0 =	sne.s32 s2, $0x0  }
0x171: {  	s3 =	rddreg [dreg:$0x2];
	[bflag:$0x3] =	sbarrier.arrive $0xFFFF;
	s2 =	simm.s32 @!p0 $0x1C08  }
0x172: {  	[timem:s3], [sflag:s2] =	dma.local @!p0 [hbm:s0], s1  }
0x173: {  	s0 =	simm.s32 @!p0 $0x8  }
0x174: {  	_ =	swait.ge @!p0 [sflag:s0], s1  }
0x175: {  	s1 =	ssub.s32 @!p0 $0x0, s1;
	[sflag:s0] =	ssyncset.done @!p0 $0x0  }
0x176: {  	[sflag:s0] =	ssyncadd.s32 @!p0 s1  }
0x177: {  	[bflag:$0x3] =	sbarrier.arrive $0xFFFF  }
0x178: {  	_ =	shalt  }

</sc_bundles>
